<compile_context>
chip_gen: v7x
topology: tpu7x:2x2x1
jax: 0.10.2.dev20260603
libtpu: 0.0.44.dev20260713+nightly
codegen_flags: <defaults>
</compile_context>

<pallas_src>
import functools

import jax
import jax.numpy as jnp
from jax import lax
from jax.experimental import pallas as pl
from jax.experimental.pallas import tpu as pltpu
from jax.experimental.pallas import tpu_sc as plsc

N = 10000
NP = 10240
E = 320000
EP = 327680
C1 = 80
C2 = 160
B = 16
NB1 = C1 // B
NB2 = C2 // B
NC = 2
NS = 16
RPW = NP // NS

_mesh = plsc.VectorSubcoreMesh(core_axis_name="c", subcore_axis_name="s")



@functools.partial(
    pl.kernel,
    out_type=jax.ShapeDtypeStruct((NC, NP, 16), jnp.float32),
    mesh=_mesh,
    scratch_types=[
        pltpu.VMEM((C1, 128), jnp.int32),
        pltpu.VMEM((128, 16), jnp.float32),
        pltpu.VMEM((128, 16), jnp.float32),
        pltpu.VMEM_SHARED((NP, 16), jnp.float32),
    ],
)
def _sc_deg(dst_hbm, out_hbm, didx, ones_rows, zbuf, acc):
    c = lax.axis_index("c")
    s = lax.axis_index("s")
    wid = c * NS + s
    pltpu.sync_copy(dst_hbm.at[wid], didx)
    zero = jnp.zeros((16,), jnp.float32)
    ones = jnp.ones((16,), jnp.float32)

    def init(i, carry):
        zbuf[i, :] = zero
        ones_rows[i, :] = ones
        return carry

    lax.fori_loop(0, 128, init, 0)
    base = s * RPW

    def za(k, carry):
        pltpu.sync_copy(zbuf, acc.at[pl.ds(base + k * 128, 128)])
        return carry

    lax.fori_loop(0, RPW // 128, za, 0)
    plsc.subcore_barrier()

    def body(j, carry):
        pltpu.sync_copy(ones_rows, acc.at[didx.at[j]], add=True)
        return carry

    lax.fori_loop(0, C1, body, 0)
    plsc.subcore_barrier()
    pltpu.sync_copy(acc.at[pl.ds(base, RPW)], out_hbm.at[c, pl.ds(base, RPW)])


def _zero_acc(rows, acc, s):
    zero = jnp.zeros((16,), jnp.float32)

    def zb(i, carry):
        rows[i // 8, pl.ds((i % 8) * 16, 16)] = zero
        return carry

    lax.fori_loop(0, 1024, zb, 0)
    base = s * RPW

    def za(k, carry):
        pltpu.sync_copy(rows, acc.at[pl.ds(base + k * 128, 128)])
        return carry

    lax.fori_loop(0, RPW // 128, za, 0)


def _spmm_loop(n_blocks, in_hbm, src_hbm, dst_hbm, w, sidx, didx, rows0, rows1,
               acc, sem0, sem1):
    bufs = (rows0, rows1)
    sems = (sem0, sem1)

    def blk(bi, carry):
        pltpu.sync_copy(src_hbm.at[w, bi], sidx)
        pltpu.sync_copy(dst_hbm.at[w, bi], didx)
        cps = [None, None]
        cps[0] = pltpu.async_copy(in_hbm.at[sidx.at[0]], bufs[0], sems[0])
        for j in range(B):
            cps[j % 2].wait()
            if j + 1 < B:
                nb = (j + 1) % 2
                cps[nb] = pltpu.async_copy(in_hbm.at[sidx.at[j + 1]], bufs[nb], sems[nb])
            pltpu.sync_copy(bufs[j % 2], acc.at[didx.at[j]], add=True)
        return carry

    lax.fori_loop(0, n_blocks, blk, 0)


@functools.partial(
    pl.kernel,
    out_type=jax.ShapeDtypeStruct((NC, NP, 128), jnp.float32),
    mesh=_mesh,
    scratch_types=[
        pltpu.VMEM((B, 128), jnp.int32),
        pltpu.VMEM((B, 128), jnp.int32),
        pltpu.VMEM((128, 128), jnp.float32),
        pltpu.VMEM((128, 128), jnp.float32),
        pltpu.VMEM_SHARED((NP, 128), jnp.float32),
        pltpu.SemaphoreType.DMA,
        pltpu.SemaphoreType.DMA,
    ],
)
def _sc_spmm1(xs_hbm, src_hbm, dst_hbm, out_hbm, sidx, didx, rows0, rows1, acc,
              sem0, sem1):
    c = lax.axis_index("c")
    s = lax.axis_index("s")
    wid = c * NS + s
    _zero_acc(rows0, acc, s)
    plsc.subcore_barrier()
    _spmm_loop(NB1, xs_hbm, src_hbm, dst_hbm, wid, sidx, didx, rows0, rows1, acc,
               sem0, sem1)
    plsc.subcore_barrier()
    base = s * RPW
    pltpu.sync_copy(acc.at[pl.ds(base, RPW)], out_hbm.at[c, pl.ds(base, RPW)])


@functools.partial(
    pl.kernel,
    out_type=jax.ShapeDtypeStruct((NC, NP, 128), jnp.float32),
    mesh=_mesh,
    scratch_types=[
        pltpu.VMEM((B, 128), jnp.int32),
        pltpu.VMEM((B, 128), jnp.int32),
        pltpu.VMEM((128, 128), jnp.float32),
        pltpu.VMEM((128, 128), jnp.float32),
        pltpu.VMEM_SHARED((NP, 128), jnp.float32),
        pltpu.SemaphoreType.DMA,
        pltpu.SemaphoreType.DMA,
    ],
)
def _sc_spmm2(ysA_hbm, ysB_hbm, src_hbm, dst_hbm, out_hbm, sidx, didx, rows0, rows1,
              acc, sem0, sem1):
    c = lax.axis_index("c")
    s = lax.axis_index("s")
    _zero_acc(rows0, acc, s)
    plsc.subcore_barrier()

    @pl.when(c == 0)
    def _():
        _spmm_loop(NB2, ysA_hbm, src_hbm, dst_hbm, s, sidx, didx, rows0, rows1, acc,
                   sem0, sem1)

    @pl.when(c == 1)
    def _():
        _spmm_loop(NB2, ysB_hbm, src_hbm, dst_hbm, s, sidx, didx, rows0, rows1, acc,
                   sem0, sem1)

    plsc.subcore_barrier()
    base = s * RPW
    pltpu.sync_copy(acc.at[pl.ds(base, RPW)], out_hbm.at[c, pl.ds(base, RPW)])



_BR = 1024
_G = NP // _BR


def _tc_scale(x_pad, degp):
    def body(x_ref, degp_ref, xs_ref, dinv_ref):
        deg = 1.0 + degp_ref[0, :, 0] + degp_ref[1, :, 0]
        dinv = lax.rsqrt(deg)[:, None]
        xs_ref[...] = x_ref[...] * dinv
        dinv_ref[...] = dinv

    return pl.pallas_call(
        body,
        grid=(_G,),
        in_specs=[
            pl.BlockSpec((_BR, 128), lambda i: (i, 0)),
            pl.BlockSpec((NC, _BR, 16), lambda i: (0, i, 0)),
        ],
        out_specs=[
            pl.BlockSpec((_BR, 128), lambda i: (i, 0)),
            pl.BlockSpec((_BR, 1), lambda i: (i, 0)),
        ],
        out_shape=[
            jax.ShapeDtypeStruct((NP, 128), jnp.float32),
            jax.ShapeDtypeStruct((NP, 1), jnp.float32),
        ],
    )(x_pad, degp)


def _layer_norm_rows(h, g, b):
    mu = jnp.mean(h, axis=-1, keepdims=True)
    var = jnp.mean((h - mu) ** 2, axis=-1, keepdims=True)
    return (h - mu) * lax.rsqrt(var + 1e-5) * g + b


def _tc_layer1(acc1, xs, dinv, W1, b1, ln_g, ln_b):
    def body(acc_ref, xs_ref, dinv_ref, w_ref, b1_ref, g_ref, b_ref,
             ysA_ref, ysB_ref):
        dinv = dinv_ref[...]
        agg = (acc_ref[0] + acc_ref[1] + xs_ref[...]) * dinv
        h = jnp.dot(agg, w_ref[...], preferred_element_type=jnp.float32) + b1_ref[...]
        h = _layer_norm_rows(h, g_ref[...], b_ref[...])
        h = jnp.maximum(h, 0.0)
        ys = h * dinv
        ysA_ref[...] = ys[:, :128]
        ysB_ref[...] = ys[:, 128:]

    return pl.pallas_call(
        body,
        grid=(_G,),
        in_specs=[
            pl.BlockSpec((NC, _BR, 128), lambda i: (0, i, 0)),
            pl.BlockSpec((_BR, 128), lambda i: (i, 0)),
            pl.BlockSpec((_BR, 1), lambda i: (i, 0)),
            pl.BlockSpec((128, 256), lambda i: (0, 0)),
            pl.BlockSpec((1, 256), lambda i: (0, 0)),
            pl.BlockSpec((1, 256), lambda i: (0, 0)),
            pl.BlockSpec((1, 256), lambda i: (0, 0)),
        ],
        out_specs=[
            pl.BlockSpec((_BR, 128), lambda i: (i, 0)),
            pl.BlockSpec((_BR, 128), lambda i: (i, 0)),
        ],
        out_shape=[
            jax.ShapeDtypeStruct((NP, 128), jnp.float32),
            jax.ShapeDtypeStruct((NP, 128), jnp.float32),
        ],
    )(acc1, xs, dinv, W1, b1, ln_g, ln_b)


def _tc_layer2(acc2, ysA, ysB, dinv, W2, b2, ln_g, ln_b, Wf, bf):
    def body(acc_ref, ysA_ref, ysB_ref, dinv_ref, w2_ref, b2_ref, g_ref, b_ref,
             wf_ref, bf_ref, out_ref):
        ys = jnp.concatenate([ysA_ref[...], ysB_ref[...]], axis=1)
        agg_s = jnp.concatenate([acc_ref[0], acc_ref[1]], axis=1)
        agg = (agg_s + ys) * dinv_ref[...]
        h = jnp.dot(agg, w2_ref[...], preferred_element_type=jnp.float32) + b2_ref[...]
        h = _layer_norm_rows(h, g_ref[...], b_ref[...])
        out_ref[...] = (
            jnp.dot(h, wf_ref[...], preferred_element_type=jnp.float32) + bf_ref[...]
        )

    return pl.pallas_call(
        body,
        grid=(_G,),
        in_specs=[
            pl.BlockSpec((NC, _BR, 128), lambda i: (0, i, 0)),
            pl.BlockSpec((_BR, 128), lambda i: (i, 0)),
            pl.BlockSpec((_BR, 128), lambda i: (i, 0)),
            pl.BlockSpec((_BR, 1), lambda i: (i, 0)),
            pl.BlockSpec((256, 256), lambda i: (0, 0)),
            pl.BlockSpec((1, 256), lambda i: (0, 0)),
            pl.BlockSpec((1, 256), lambda i: (0, 0)),
            pl.BlockSpec((1, 256), lambda i: (0, 0)),
            pl.BlockSpec((256, 128), lambda i: (0, 0)),
            pl.BlockSpec((1, 128), lambda i: (0, 0)),
        ],
        out_specs=pl.BlockSpec((_BR, 128), lambda i: (i, 0)),
        out_shape=jax.ShapeDtypeStruct((NP, 128), jnp.float32),
    )(acc2, ysA, ysB, dinv, W2, b2, ln_g, ln_b, Wf, bf)



def kernel(x, edge_index, W1, b1, W2, b2, ln_g, ln_b, Wf, bf):
    src = edge_index[0]
    dst = edge_index[1]
    pad = N + (jnp.arange(EP - E, dtype=jnp.int32) % (NP - N))
    srcp = jnp.concatenate([src, pad])
    dstp = jnp.concatenate([dst, pad])
    srcA = srcp.reshape(32, NB1, B, 128)
    dstA = dstp.reshape(32, NB1, B, 128)
    srcB = srcp.reshape(16, NB2, B, 128)
    dstB = dstp.reshape(16, NB2, B, 128)
    x_pad = jnp.pad(x, ((0, NP - N), (0, 0)))

    degp = _sc_deg(dstp.reshape(32, C1, 128))
    xs, dinv = _tc_scale(x_pad, degp)
    b1r = b1.reshape(1, -1)
    gr = ln_g.reshape(1, -1)
    br = ln_b.reshape(1, -1)
    acc1 = _sc_spmm1(xs, srcA, dstA)
    ysA, ysB = _tc_layer1(acc1, xs, dinv, W1, b1r, gr, br)
    acc2 = _sc_spmm2(ysA, ysB, srcB, dstB)
    outp = _tc_layer2(acc2, ysA, ysB, dinv, W2, b2.reshape(1, -1), gr, br,
                      Wf, bf.reshape(1, -1))
    return outp[:N]

# --- scband reference (transcript-rebuilt; emitter-appended) ---
"""Pipeline reference for scband-gcnmodel-15994458211447 (READ-ONLY COPY).

The authoritative reference and input builder live on the scoring server;
editing this copy changes nothing except your own understanding.
"""

import jax, jax.numpy as jnp
import numpy as np

N = 10000
E = 320000
D_IN = 128
D_H = 256
D_OUT = 128


def setup_inputs(seed: int = 0):
    key = jax.random.key(seed)
    ks = jax.random.split(key, 12)
    x = jax.random.normal(ks[0], (N, D_IN), dtype=jnp.float32)
    edge_index = jax.random.randint(ks[1], (2, E), 0, N, dtype=jnp.int32)
    W1 = jax.random.normal(ks[2], (D_IN, D_H), dtype=jnp.float32) * (1.0 / np.sqrt(D_IN))
    b1 = jnp.zeros((D_H,), dtype=jnp.float32)
    W2 = jax.random.normal(ks[3], (D_H, D_H), dtype=jnp.float32) * (1.0 / np.sqrt(D_H))
    b2 = jnp.zeros((D_H,), dtype=jnp.float32)
    ln_g = jnp.ones((D_H,), dtype=jnp.float32)
    ln_b = jnp.zeros((D_H,), dtype=jnp.float32)
    Wf = jax.random.normal(ks[4], (D_H, D_OUT), dtype=jnp.float32) * (1.0 / np.sqrt(D_H))
    bf = jnp.zeros((D_OUT,), dtype=jnp.float32)
    return {"x": x, "edge_index": edge_index, "W1": W1, "b1": b1, "W2": W2, "b2": b2, "ln_g": ln_g, "ln_b": ln_b, "Wf": Wf, "bf": bf}


def _gcn_conv(x, src, dst, W, b):
    # PyG-style GCNConv: linear transform, symmetric normalization with self-loops, scatter-add aggregation
    h = x @ W
    n = x.shape[0]
    deg = jnp.zeros((n,), dtype=jnp.float32).at[dst].add(1.0)
    dinv = jnp.where(deg > 0, jax.lax.rsqrt(deg), 0.0)
    norm = dinv[src] * dinv[dst]
    msg = h[src] * norm[:, None]
    out = jnp.zeros_like(h).at[dst].add(msg)
    return out + b


def _layer_norm(h, g, b):
    mu = jnp.mean(h, axis=-1, keepdims=True)
    var = jnp.var(h, axis=-1, keepdims=True)
    return (h - mu) * jax.lax.rsqrt(var + 1e-5) * g + b


def reference(x, edge_index, W1, b1, W2, b2, ln_g, ln_b, Wf, bf):
    n = x.shape[0]
    loops = jnp.arange(n, dtype=edge_index.dtype)
    src = jnp.concatenate([edge_index[0], loops])
    dst = jnp.concatenate([edge_index[1], loops])
    h = x.astype(jnp.float32)
    # conv1 -> LN -> relu (dropout is identity in eval)
    h = _gcn_conv(h, src, dst, W1, b1)
    h = _layer_norm(h, ln_g, ln_b)
    h = jax.nn.relu(h)
    # conv_list[0] (num_layers=2 -> one extra conv); k=0 is the last, so no relu/dropout after
    h = _gcn_conv(h, src, dst, W2, b2)
    h = _layer_norm(h, ln_g, ln_b)
    return h @ Wf + bf

if __name__ == "__main__":
    import jax
    _d = setup_inputs()
    print(jax.jit(kernel)(*tuple(_d.values())))

</pallas_src>

<mosaic_0001>
#map = affine_map<(d0, d1) -> (0, 0)>
#map1 = affine_map<(d0, d1) -> (0, 0, 0, 0)>
#map2 = affine_map<(d0, d1) -> (0, 0, 0)>
module attributes {stable_mosaic.version = 14 : i64} {
  func.func @_sc_spmm2(%arg0: i32, %arg1: i32, %arg2: memref<10240x128xf32, #tpu.memory_space<hbm>>, %arg3: memref<10240x128xf32, #tpu.memory_space<hbm>>, %arg4: memref<16x10x16x128xi32, #tpu.memory_space<hbm>>, %arg5: memref<16x10x16x128xi32, #tpu.memory_space<hbm>>, %arg6: memref<2x10240x128xf32, #tpu.memory_space<hbm>>, %arg7: memref<16x128xi32, #tpu.memory_space<vmem>>, %arg8: memref<16x128xi32, #tpu.memory_space<vmem>>, %arg9: memref<128x128xf32, #tpu.memory_space<vmem>>, %arg10: memref<128x128xf32, #tpu.memory_space<vmem>>, %arg11: memref<10240x128xf32, #tpu.memory_space<vmem_shared>>, %arg12: memref<!tpu.dma_semaphore, #tpu.memory_space<semaphore_mem>>, %arg13: memref<!tpu.dma_semaphore, #tpu.memory_space<semaphore_mem>>) attributes {dimension_semantics = [#tpu.dimension_semantics<core_parallel>, #tpu.dimension_semantics<subcore_parallel>], iteration_bounds = array<i64: 2, 16>, scalar_prefetch = 0 : i64, scratch_operands = 7 : i64, tpu.core_type = #tpu.core_type<sc_vector_subcore>, window_params = [{transform_indices = #map}, {transform_indices = #map}, {transform_indices = #map1}, {transform_indices = #map1}, {transform_indices = #map2}]} {
    %broadcast_in_dim3A = arith.constant 0.000000e+00 : f32
    %broadcast_in_dim3A_0 = vector.broadcast %broadcast_in_dim3A : f32 to vector<16xf32>
    %scan3A = arith.constant 0 : i32
    %scan3A_1 = arith.constant 0 : i32
    %scan3A_2 = arith.constant 1024 : i32
    %scan3A_3 = arith.addi %scan3A_1, %scan3A_2 : i32
    %scan3A_4 = arith.constant 1 : i32
    scf.for %scan3A_23 = %scan3A_1 to %scan3A_3 step %scan3A_4  : i32 {
      %jit3A = arith.constant 8 : i32
      %div3A = arith.divsi %scan3A_23, %jit3A : i32
      %sign3A = arith.constant 0 : i32
      %sign3A_24 = arith.cmpi sgt, %scan3A_23, %sign3A : i32
      %sign3A_25 = arith.extui %sign3A_24 : i1 to i32
      %sign3A_26 = arith.constant 0 : i32
      %sign3A_27 = arith.cmpi slt, %scan3A_23, %sign3A_26 : i32
      %sign3A_28 = arith.extui %sign3A_27 : i1 to i32
      %sign3A_29 = arith.subi %sign3A_25, %sign3A_28 : i32
      %sign3A_30 = arith.constant 0 : i32
      %sign3A_31 = arith.cmpi sgt, %jit3A, %sign3A_30 : i32
      %sign3A_32 = arith.extui %sign3A_31 : i1 to i32
      %sign3A_33 = arith.constant 0 : i32
      %sign3A_34 = arith.cmpi slt, %jit3A, %sign3A_33 : i32
      %sign3A_35 = arith.extui %sign3A_34 : i1 to i32
      %sign3A_36 = arith.subi %sign3A_32, %sign3A_35 : i32
      %ne3A = arith.cmpi ne, %sign3A_29, %sign3A_36 : i32
      %rem3A = arith.remsi %scan3A_23, %jit3A : i32
      %ne3A_37 = arith.constant 0 : i32
      %ne3A_38 = arith.cmpi ne, %rem3A, %ne3A_37 : i32
      %and3A = arith.andi %ne3A, %ne3A_38 : i1
      %sub3A = arith.constant 1 : i32
      %sub3A_39 = arith.subi %div3A, %sub3A : i32
      %select_n3A = arith.select %and3A, %sub3A_39, %div3A : i32
      %jit3A_40 = arith.constant 8 : i32
      %eq3A_41 = arith.constant 0 : i32
      %eq3A_42 = arith.cmpi eq, %jit3A_40, %eq3A_41 : i32
      %jit3A_43 = arith.constant 1 : i32
      %select_n3A_44 = arith.select %eq3A_42, %jit3A_43, %jit3A_40 : i32
      %rem3A_45 = arith.remsi %scan3A_23, %select_n3A_44 : i32
      %ne3A_46 = arith.constant 0 : i32
      %ne3A_47 = arith.cmpi ne, %rem3A_45, %ne3A_46 : i32
      %lt3A = arith.constant 0 : i32
      %lt3A_48 = arith.cmpi slt, %rem3A_45, %lt3A : i32
      %lt3A_49 = arith.constant 0 : i32
      %lt3A_50 = arith.cmpi slt, %select_n3A_44, %lt3A_49 : i32
      %ne3A_51 = arith.xori %lt3A_48, %lt3A_50 : i1
      %and3A_52 = arith.andi %ne3A_51, %ne3A_47 : i1
      %add3A = arith.addi %rem3A_45, %select_n3A_44 : i32
      %select_n3A_53 = arith.select %and3A_52, %add3A, %rem3A_45 : i32
      %mul3A_54 = arith.constant 16 : i32
      %mul3A_55 = arith.muli %select_n3A_53, %mul3A_54 : i32
      %swap3A = arith.index_cast %select_n3A : i32 to index
      %swap3A_56 = arith.index_cast %mul3A_55 : i32 to index
      %swap3A_57 = tpu.vector_load %arg9[%swap3A, %swap3A_56] {strides = array<i32>} : memref<128x128xf32, #tpu.memory_space<vmem>>, vector<1x16xf32>,
      %swap3A_58 = vector.shape_cast %swap3A_57 : vector<1x16xf32> to vector<16xf32>
      %swap3A_59 = vector.shape_cast %broadcast_in_dim3A_0 : vector<16xf32> to vector<1x16xf32>
      tpu.vector_store %arg9[%swap3A, %swap3A_56], %swap3A_59 {strides = array<i32>} : memref<128x128xf32, #tpu.memory_space<vmem>>, vector<1x16xf32>,
    }
    %scan3A_5 = arith.constant 1024 : i32
    %mul3A = arith.constant 640 : i32
    %mul3A_6 = arith.muli %arg1, %mul3A : i32
    %scan3A_7 = arith.constant 0 : i32
    %scan3A_8 = arith.constant 0 : i32
    %scan3A_9 = arith.constant 5 : i32
    %scan3A_10 = arith.addi %scan3A_8, %scan3A_9 : i32
    %scan3A_11 = arith.constant 1 : i32
    scf.for %scan3A_23 = %scan3A_8 to %scan3A_10 step %scan3A_11  : i32 {
      %mul3A_24 = arith.constant 128 : i32
      %mul3A_25 = arith.muli %scan3A_23, %mul3A_24 : i32
      %add3A = arith.addi %mul3A_6, %mul3A_25 : i32
      "tpu.region"() ({
        %run_scoped3A = tpu.sem_alloc : memref<!tpu.dma_semaphore, #tpu.memory_space<semaphore_mem>>
        %dma_start3A = arith.constant 0 : i32
        %dma_start3A_26 = tpu.memref_slice %arg11[%add3A, %dma_start3A] : memref<10240x128xf32, #tpu.memory_space<vmem_shared>> -> memref<128x128xf32, #tpu.memory_space<vmem_shared>>
        %dma_start3A_27 = arith.constant 0 : i32
        %dma_start3A_28 = tpu.memref_slice %arg11[%add3A, %dma_start3A_27] : memref<10240x128xf32, #tpu.memory_space<vmem_shared>> -> memref<128x128xf32, #tpu.memory_space<vmem_shared>>
        tpu.enqueue_dma source(%arg9 : memref<128x128xf32, #tpu.memory_space<vmem>>) target(%dma_start3A_28 : memref<128x128xf32, #tpu.memory_space<vmem_shared>>) target_semaphore(%run_scoped3A : memref<!tpu.dma_semaphore, #tpu.memory_space<semaphore_mem>>)
        %dma_wait3A = arith.constant 0 : i32
        %dma_wait3A_29 = tpu.memref_slice %arg11[%add3A, %dma_wait3A] : memref<10240x128xf32, #tpu.memory_space<vmem_shared>> -> memref<128x128xf32, #tpu.memory_space<vmem_shared>>
        %dma_wait3A_30 = arith.constant 0 : i32
        %dma_wait3A_31 = tpu.memref_slice %arg11[%add3A, %dma_wait3A_30] : memref<10240x128xf32, #tpu.memory_space<vmem_shared>> -> memref<128x128xf32, #tpu.memory_space<vmem_shared>>
        tpu.wait_dma2 semaphore(%run_scoped3A : memref<!tpu.dma_semaphore, #tpu.memory_space<semaphore_mem>>) src(%arg9 : memref<128x128xf32, #tpu.memory_space<vmem>>) dst(%dma_wait3A_31 : memref<128x128xf32, #tpu.memory_space<vmem_shared>>)
        tpu.yield
      }) : () -> ()
    }
    %scan3A_12 = arith.constant 5 : i32
    %barrier3A = arith.constant 0 : index
    tpu.barrier barrier_id(%barrier3A)
    %eq3A = arith.constant 0 : i32
    %eq3A_13 = arith.cmpi eq, %arg0, %eq3A : i32
    %convert_element_type3A = arith.extui %eq3A_13 : i1 to i32
    %cond3A = arith.constant 0 : i32
    %cond3A_14 = arith.cmpi ne, %convert_element_type3A, %cond3A : i32
    scf.if %cond3A_14 {
      %scan3A_23 = arith.constant 0 : i32
      %scan3A_24 = arith.constant 0 : i32
      %scan3A_25 = arith.constant 10 : i32
      %scan3A_26 = arith.addi %scan3A_24, %scan3A_25 : i32
      %scan3A_27 = arith.constant 1 : i32
      scf.for %scan3A_29 = %scan3A_24 to %scan3A_26 step %scan3A_27  : i32 {
        "tpu.region"() ({
          %run_scoped3A_267 = tpu.sem_alloc : memref<!tpu.dma_semaphore, #tpu.memory_space<semaphore_mem>>
          %dma_start3A_268 = arith.constant 0 : i32
          %dma_start3A_269 = arith.constant 0 : i32
          %dma_start3A_270 = tpu.memref_slice %arg4[%arg1, %scan3A_29, %dma_start3A_268, %dma_start3A_269] : memref<16x10x16x128xi32, #tpu.memory_space<hbm>> -> memref<1x1x16x128xi32, #tpu.memory_space<hbm>>
          %dma_start3A_271 = tpu.memref_squeeze %dma_start3A_270 : memref<1x1x16x128xi32, #tpu.memory_space<hbm>> -> memref<16x128xi32, #tpu.memory_space<hbm>>
          %dma_start3A_272 = arith.constant 0 : i32
          %dma_start3A_273 = arith.constant 0 : i32
          %dma_start3A_274 = tpu.memref_slice %arg4[%arg1, %scan3A_29, %dma_start3A_272, %dma_start3A_273] : memref<16x10x16x128xi32, #tpu.memory_space<hbm>> -> memref<1x1x16x128xi32, #tpu.memory_space<hbm>>
          %dma_start3A_275 = tpu.memref_squeeze %dma_start3A_274 : memref<1x1x16x128xi32, #tpu.memory_space<hbm>> -> memref<16x128xi32, #tpu.memory_space<hbm>>
          tpu.enqueue_dma source(%dma_start3A_275 : memref<16x128xi32, #tpu.memory_space<hbm>>) target(%arg7 : memref<16x128xi32, #tpu.memory_space<vmem>>) target_semaphore(%run_scoped3A_267 : memref<!tpu.dma_semaphore, #tpu.memory_space<semaphore_mem>>)
          %dma_wait3A_276 = arith.constant 0 : i32
          %dma_wait3A_277 = arith.constant 0 : i32
          %dma_wait3A_278 = tpu.memref_slice %arg4[%arg1, %scan3A_29, %dma_wait3A_276, %dma_wait3A_277] : memref<16x10x16x128xi32, #tpu.memory_space<hbm>> -> memref<1x1x16x128xi32, #tpu.memory_space<hbm>>
          %dma_wait3A_279 = tpu.memref_squeeze %dma_wait3A_278 : memref<1x1x16x128xi32, #tpu.memory_space<hbm>> -> memref<16x128xi32, #tpu.memory_space<hbm>>
          %dma_wait3A_280 = arith.constant 0 : i32
          %dma_wait3A_281 = arith.constant 0 : i32
          %dma_wait3A_282 = tpu.memref_slice %arg4[%arg1, %scan3A_29, %dma_wait3A_280, %dma_wait3A_281] : memref<16x10x16x128xi32, #tpu.memory_space<hbm>> -> memref<1x1x16x128xi32, #tpu.memory_space<hbm>>
          %dma_wait3A_283 = tpu.memref_squeeze %dma_wait3A_282 : memref<1x1x16x128xi32, #tpu.memory_space<hbm>> -> memref<16x128xi32, #tpu.memory_space<hbm>>
          tpu.wait_dma2 semaphore(%run_scoped3A_267 : memref<!tpu.dma_semaphore, #tpu.memory_space<semaphore_mem>>) src(%dma_wait3A_283 : memref<16x128xi32, #tpu.memory_space<hbm>>) dst(%arg7 : memref<16x128xi32, #tpu.memory_space<vmem>>)
          tpu.yield
        }) : () -> ()
        "tpu.region"() ({
          %run_scoped3A_267 = tpu.sem_alloc : memref<!tpu.dma_semaphore, #tpu.memory_space<semaphore_mem>>
          %dma_start3A_268 = arith.constant 0 : i32
          %dma_start3A_269 = arith.constant 0 : i32
          %dma_start3A_270 = tpu.memref_slice %arg5[%arg1, %scan3A_29, %dma_start3A_268, %dma_start3A_269] : memref<16x10x16x128xi32, #tpu.memory_space<hbm>> -> memref<1x1x16x128xi32, #tpu.memory_space<hbm>>
          %dma_start3A_271 = tpu.memref_squeeze %dma_start3A_270 : memref<1x1x16x128xi32, #tpu.memory_space<hbm>> -> memref<16x128xi32, #tpu.memory_space<hbm>>
          %dma_start3A_272 = arith.constant 0 : i32
          %dma_start3A_273 = arith.constant 0 : i32
          %dma_start3A_274 = tpu.memref_slice %arg5[%arg1, %scan3A_29, %dma_start3A_272, %dma_start3A_273] : memref<16x10x16x128xi32, #tpu.memory_space<hbm>> -> memref<1x1x16x128xi32, #tpu.memory_space<hbm>>
          %dma_start3A_275 = tpu.memref_squeeze %dma_start3A_274 : memref<1x1x16x128xi32, #tpu.memory_space<hbm>> -> memref<16x128xi32, #tpu.memory_space<hbm>>
          tpu.enqueue_dma source(%dma_start3A_275 : memref<16x128xi32, #tpu.memory_space<hbm>>) target(%arg8 : memref<16x128xi32, #tpu.memory_space<vmem>>) target_semaphore(%run_scoped3A_267 : memref<!tpu.dma_semaphore, #tpu.memory_space<semaphore_mem>>)
          %dma_wait3A_276 = arith.constant 0 : i32
          %dma_wait3A_277 = arith.constant 0 : i32
          %dma_wait3A_278 = tpu.memref_slice %arg5[%arg1, %scan3A_29, %dma_wait3A_276, %dma_wait3A_277] : memref<16x10x16x128xi32, #tpu.memory_space<hbm>> -> memref<1x1x16x128xi32, #tpu.memory_space<hbm>>
          %dma_wait3A_279 = tpu.memref_squeeze %dma_wait3A_278 : memref<1x1x16x128xi32, #tpu.memory_space<hbm>> -> memref<16x128xi32, #tpu.memory_space<hbm>>
          %dma_wait3A_280 = arith.constant 0 : i32
          %dma_wait3A_281 = arith.constant 0 : i32
          %dma_wait3A_282 = tpu.memref_slice %arg5[%arg1, %scan3A_29, %dma_wait3A_280, %dma_wait3A_281] : memref<16x10x16x128xi32, #tpu.memory_space<hbm>> -> memref<1x1x16x128xi32, #tpu.memory_space<hbm>>
          %dma_wait3A_283 = tpu.memref_squeeze %dma_wait3A_282 : memref<1x1x16x128xi32, #tpu.memory_space<hbm>> -> memref<16x128xi32, #tpu.memory_space<hbm>>
          tpu.wait_dma2 semaphore(%run_scoped3A_267 : memref<!tpu.dma_semaphore, #tpu.memory_space<semaphore_mem>>) src(%dma_wait3A_283 : memref<16x128xi32, #tpu.memory_space<hbm>>) dst(%arg8 : memref<16x128xi32, #tpu.memory_space<vmem>>)
          tpu.yield
        }) : () -> ()
        %dma_start3A = arith.constant 0 : i32
        %dma_start3A_30 = arith.constant 0 : i32
        %dma_start3A_31 = tpu.memref_slice %arg7[%dma_start3A, %dma_start3A_30] : memref<16x128xi32, #tpu.memory_space<vmem>> -> memref<1x128xi32, #tpu.memory_space<vmem>>
        %dma_start3A_32 = tpu.memref_squeeze %dma_start3A_31 : memref<1x128xi32, #tpu.memory_space<vmem>> -> memref<128xi32, #tpu.memory_space<vmem>>
        %dma_start3A_33 = arith.constant 0 : i32
        %dma_start3A_34 = arith.constant 0 : i32
        %dma_start3A_35 = tpu.memref_slice %arg2[%dma_start3A_33, %dma_start3A_34] : memref<10240x128xf32, #tpu.memory_space<hbm>> -> memref<10240x128xf32, #tpu.memory_space<hbm>>
        tpu.enqueue_indirect_dma source(%dma_start3A_35 : memref<10240x128xf32, #tpu.memory_space<hbm>>) target(%arg9 : memref<128x128xf32, #tpu.memory_space<vmem>>) offsets(%dma_start3A_32 : memref<128xi32, #tpu.memory_space<vmem>>) semaphore(%arg12 : memref<!tpu.dma_semaphore, #tpu.memory_space<semaphore_mem>>)
        %dma_wait3A = arith.constant 0 : i32
        %dma_wait3A_36 = arith.constant 0 : i32
        %dma_wait3A_37 = tpu.memref_slice %arg7[%dma_wait3A, %dma_wait3A_36] : memref<16x128xi32, #tpu.memory_space<vmem>> -> memref<1x128xi32, #tpu.memory_space<vmem>>
        %dma_wait3A_38 = tpu.memref_squeeze %dma_wait3A_37 : memref<1x128xi32, #tpu.memory_space<vmem>> -> memref<128xi32, #tpu.memory_space<vmem>>
        %dma_wait3A_39 = arith.constant 0 : i32
        %dma_wait3A_40 = arith.constant 0 : i32
        %dma_wait3A_41 = tpu.memref_slice %arg2[%dma_wait3A_39, %dma_wait3A_40] : memref<10240x128xf32, #tpu.memory_space<hbm>> -> memref<10240x128xf32, #tpu.memory_space<hbm>>
        tpu.wait_indirect_dma semaphore(%arg12 : memref<!tpu.dma_semaphore, #tpu.memory_space<semaphore_mem>>) src(%dma_wait3A_41 : memref<10240x128xf32, #tpu.memory_space<hbm>>) dst(%arg9 : memref<128x128xf32, #tpu.memory_space<vmem>>)
        %dma_start3A_42 = arith.constant 1 : i32
        %dma_start3A_43 = arith.constant 0 : i32
        %dma_start3A_44 = tpu.memref_slice %arg7[%dma_start3A_42, %dma_start3A_43] : memref<16x128xi32, #tpu.memory_space<vmem>> -> memref<1x128xi32, #tpu.memory_space<vmem>>
        %dma_start3A_45 = tpu.memref_squeeze %dma_start3A_44 : memref<1x128xi32, #tpu.memory_space<vmem>> -> memref<128xi32, #tpu.memory_space<vmem>>
        %dma_start3A_46 = arith.constant 0 : i32
        %dma_start3A_47 = arith.constant 0 : i32
        %dma_start3A_48 = tpu.memref_slice %arg2[%dma_start3A_46, %dma_start3A_47] : memref<10240x128xf32, #tpu.memory_space<hbm>> -> memref<10240x128xf32, #tpu.memory_space<hbm>>
        tpu.enqueue_indirect_dma source(%dma_start3A_48 : memref<10240x128xf32, #tpu.memory_space<hbm>>) target(%arg10 : memref<128x128xf32, #tpu.memory_space<vmem>>) offsets(%dma_start3A_45 : memref<128xi32, #tpu.memory_space<vmem>>) semaphore(%arg13 : memref<!tpu.dma_semaphore, #tpu.memory_space<semaphore_mem>>)
        %run_scoped3A = arith.constant 0 : i32
        "tpu.region"() ({
          %run_scoped3A_267 = tpu.sem_alloc : memref<!tpu.dma_semaphore, #tpu.memory_space<semaphore_mem>>
          %dma_start3A_268 = arith.constant 0 : i32
          %dma_start3A_269 = tpu.memref_slice %arg8[%run_scoped3A, %dma_start3A_268] : memref<16x128xi32, #tpu.memory_space<vmem>> -> memref<1x128xi32, #tpu.memory_space<vmem>>
          %dma_start3A_270 = tpu.memref_squeeze %dma_start3A_269 : memref<1x128xi32, #tpu.memory_space<vmem>> -> memref<128xi32, #tpu.memory_space<vmem>>
          %dma_start3A_271 = arith.constant 0 : i32
          %dma_start3A_272 = arith.constant 0 : i32
          %dma_start3A_273 = tpu.memref_slice %arg11[%dma_start3A_271, %dma_start3A_272] : memref<10240x128xf32, #tpu.memory_space<vmem_shared>> -> memref<10240x128xf32, #tpu.memory_space<vmem_shared>>
          tpu.enqueue_indirect_dma source(%arg9 : memref<128x128xf32, #tpu.memory_space<vmem>>) target(%dma_start3A_273 : memref<10240x128xf32, #tpu.memory_space<vmem_shared>>) offsets(%dma_start3A_270 : memref<128xi32, #tpu.memory_space<vmem>>) semaphore(%run_scoped3A_267 : memref<!tpu.dma_semaphore, #tpu.memory_space<semaphore_mem>>) {add = true}
          %dma_wait3A_274 = arith.constant 0 : i32
          %dma_wait3A_275 = tpu.memref_slice %arg8[%run_scoped3A, %dma_wait3A_274] : memref<16x128xi32, #tpu.memory_space<vmem>> -> memref<1x128xi32, #tpu.memory_space<vmem>>
          %dma_wait3A_276 = tpu.memref_squeeze %dma_wait3A_275 : memref<1x128xi32, #tpu.memory_space<vmem>> -> memref<128xi32, #tpu.memory_space<vmem>>
          %dma_wait3A_277 = arith.constant 0 : i32
          %dma_wait3A_278 = arith.constant 0 : i32
          %dma_wait3A_279 = tpu.memref_slice %arg11[%dma_wait3A_277, %dma_wait3A_278] : memref<10240x128xf32, #tpu.memory_space<vmem_shared>> -> memref<10240x128xf32, #tpu.memory_space<vmem_shared>>
          tpu.wait_indirect_dma semaphore(%run_scoped3A_267 : memref<!tpu.dma_semaphore, #tpu.memory_space<semaphore_mem>>) src(%arg9 : memref<128x128xf32, #tpu.memory_space<vmem>>) dst(%dma_wait3A_279 : memref<10240x128xf32, #tpu.memory_space<vmem_shared>>)
          tpu.yield
        }) : () -> ()
        %dma_wait3A_49 = arith.constant 1 : i32
        %dma_wait3A_50 = arith.constant 0 : i32
        %dma_wait3A_51 = tpu.memref_slice %arg7[%dma_wait3A_49, %dma_wait3A_50] : memref<16x128xi32, #tpu.memory_space<vmem>> -> memref<1x128xi32, #tpu.memory_space<vmem>>
        %dma_wait3A_52 = tpu.memref_squeeze %dma_wait3A_51 : memref<1x128xi32, #tpu.memory_space<vmem>> -> memref<128xi32, #tpu.memory_space<vmem>>
        %dma_wait3A_53 = arith.constant 0 : i32
        %dma_wait3A_54 = arith.constant 0 : i32
        %dma_wait3A_55 = tpu.memref_slice %arg2[%dma_wait3A_53, %dma_wait3A_54] : memref<10240x128xf32, #tpu.memory_space<hbm>> -> memref<10240x128xf32, #tpu.memory_space<hbm>>
        tpu.wait_indirect_dma semaphore(%arg13 : memref<!tpu.dma_semaphore, #tpu.memory_space<semaphore_mem>>) src(%dma_wait3A_55 : memref<10240x128xf32, #tpu.memory_space<hbm>>) dst(%arg10 : memref<128x128xf32, #tpu.memory_space<vmem>>)
        %dma_start3A_56 = arith.constant 2 : i32
        %dma_start3A_57 = arith.constant 0 : i32
        %dma_start3A_58 = tpu.memref_slice %arg7[%dma_start3A_56, %dma_start3A_57] : memref<16x128xi32, #tpu.memory_space<vmem>> -> memref<1x128xi32, #tpu.memory_space<vmem>>
        %dma_start3A_59 = tpu.memref_squeeze %dma_start3A_58 : memref<1x128xi32, #tpu.memory_space<vmem>> -> memref<128xi32, #tpu.memory_space<vmem>>
        %dma_start3A_60 = arith.constant 0 : i32
        %dma_start3A_61 = arith.constant 0 : i32
        %dma_start3A_62 = tpu.memref_slice %arg2[%dma_start3A_60, %dma_start3A_61] : memref<10240x128xf32, #tpu.memory_space<hbm>> -> memref<10240x128xf32, #tpu.memory_space<hbm>>
        tpu.enqueue_indirect_dma source(%dma_start3A_62 : memref<10240x128xf32, #tpu.memory_space<hbm>>) target(%arg9 : memref<128x128xf32, #tpu.memory_space<vmem>>) offsets(%dma_start3A_59 : memref<128xi32, #tpu.memory_space<vmem>>) semaphore(%arg12 : memref<!tpu.dma_semaphore, #tpu.memory_space<semaphore_mem>>)
        %run_scoped3A_63 = arith.constant 1 : i32
        "tpu.region"() ({
          %run_scoped3A_267 = tpu.sem_alloc : memref<!tpu.dma_semaphore, #tpu.memory_space<semaphore_mem>>
          %dma_start3A_268 = arith.constant 0 : i32
          %dma_start3A_269 = tpu.memref_slice %arg8[%run_scoped3A_63, %dma_start3A_268] : memref<16x128xi32, #tpu.memory_space<vmem>> -> memref<1x128xi32, #tpu.memory_space<vmem>>
          %dma_start3A_270 = tpu.memref_squeeze %dma_start3A_269 : memref<1x128xi32, #tpu.memory_space<vmem>> -> memref<128xi32, #tpu.memory_space<vmem>>
          %dma_start3A_271 = arith.constant 0 : i32
          %dma_start3A_272 = arith.constant 0 : i32
          %dma_start3A_273 = tpu.memref_slice %arg11[%dma_start3A_271, %dma_start3A_272] : memref<10240x128xf32, #tpu.memory_space<vmem_shared>> -> memref<10240x128xf32, #tpu.memory_space<vmem_shared>>
          tpu.enqueue_indirect_dma source(%arg10 : memref<128x128xf32, #tpu.memory_space<vmem>>) target(%dma_start3A_273 : memref<10240x128xf32, #tpu.memory_space<vmem_shared>>) offsets(%dma_start3A_270 : memref<128xi32, #tpu.memory_space<vmem>>) semaphore(%run_scoped3A_267 : memref<!tpu.dma_semaphore, #tpu.memory_space<semaphore_mem>>) {add = true}
          %dma_wait3A_274 = arith.constant 0 : i32
          %dma_wait3A_275 = tpu.memref_slice %arg8[%run_scoped3A_63, %dma_wait3A_274] : memref<16x128xi32, #tpu.memory_space<vmem>> -> memref<1x128xi32, #tpu.memory_space<vmem>>
          %dma_wait3A_276 = tpu.memref_squeeze %dma_wait3A_275 : memref<1x128xi32, #tpu.memory_space<vmem>> -> memref<128xi32, #tpu.memory_space<vmem>>
          %dma_wait3A_277 = arith.constant 0 : i32
          %dma_wait3A_278 = arith.constant 0 : i32
          %dma_wait3A_279 = tpu.memref_slice %arg11[%dma_wait3A_277, %dma_wait3A_278] : memref<10240x128xf32, #tpu.memory_space<vmem_shared>> -> memref<10240x128xf32, #tpu.memory_space<vmem_shared>>
          tpu.wait_indirect_dma semaphore(%run_scoped3A_267 : memref<!tpu.dma_semaphore, #tpu.memory_space<semaphore_mem>>) src(%arg10 : memref<128x128xf32, #tpu.memory_space<vmem>>) dst(%dma_wait3A_279 : memref<10240x128xf32, #tpu.memory_space<vmem_shared>>)
          tpu.yield
        }) : () -> ()
        %dma_wait3A_64 = arith.constant 2 : i32
        %dma_wait3A_65 = arith.constant 0 : i32
        %dma_wait3A_66 = tpu.memref_slice %arg7[%dma_wait3A_64, %dma_wait3A_65] : memref<16x128xi32, #tpu.memory_space<vmem>> -> memref<1x128xi32, #tpu.memory_space<vmem>>
        %dma_wait3A_67 = tpu.memref_squeeze %dma_wait3A_66 : memref<1x128xi32, #tpu.memory_space<vmem>> -> memref<128xi32, #tpu.memory_space<vmem>>
        %dma_wait3A_68 = arith.constant 0 : i32
        %dma_wait3A_69 = arith.constant 0 : i32
        %dma_wait3A_70 = tpu.memref_slice %arg2[%dma_wait3A_68, %dma_wait3A_69] : memref<10240x128xf32, #tpu.memory_space<hbm>> -> memref<10240x128xf32, #tpu.memory_space<hbm>>
        tpu.wait_indirect_dma semaphore(%arg12 : memref<!tpu.dma_semaphore, #tpu.memory_space<semaphore_mem>>) src(%dma_wait3A_70 : memref<10240x128xf32, #tpu.memory_space<hbm>>) dst(%arg9 : memref<128x128xf32, #tpu.memory_space<vmem>>)
        %dma_start3A_71 = arith.constant 3 : i32
        %dma_start3A_72 = arith.constant 0 : i32
        %dma_start3A_73 = tpu.memref_slice %arg7[%dma_start3A_71, %dma_start3A_72] : memref<16x128xi32, #tpu.memory_space<vmem>> -> memref<1x128xi32, #tpu.memory_space<vmem>>
        %dma_start3A_74 = tpu.memref_squeeze %dma_start3A_73 : memref<1x128xi32, #tpu.memory_space<vmem>> -> memref<128xi32, #tpu.memory_space<vmem>>
        %dma_start3A_75 = arith.constant 0 : i32
        %dma_start3A_76 = arith.constant 0 : i32
        %dma_start3A_77 = tpu.memref_slice %arg2[%dma_start3A_75, %dma_start3A_76] : memref<10240x128xf32, #tpu.memory_space<hbm>> -> memref<10240x128xf32, #tpu.memory_space<hbm>>
        tpu.enqueue_indirect_dma source(%dma_start3A_77 : memref<10240x128xf32, #tpu.memory_space<hbm>>) target(%arg10 : memref<128x128xf32, #tpu.memory_space<vmem>>) offsets(%dma_start3A_74 : memref<128xi32, #tpu.memory_space<vmem>>) semaphore(%arg13 : memref<!tpu.dma_semaphore, #tpu.memory_space<semaphore_mem>>)
        %run_scoped3A_78 = arith.constant 2 : i32
        "tpu.region"() ({
          %run_scoped3A_267 = tpu.sem_alloc : memref<!tpu.dma_semaphore, #tpu.memory_space<semaphore_mem>>
          %dma_start3A_268 = arith.constant 0 : i32
          %dma_start3A_269 = tpu.memref_slice %arg8[%run_scoped3A_78, %dma_start3A_268] : memref<16x128xi32, #tpu.memory_space<vmem>> -> memref<1x128xi32, #tpu.memory_space<vmem>>
          %dma_start3A_270 = tpu.memref_squeeze %dma_start3A_269 : memref<1x128xi32, #tpu.memory_space<vmem>> -> memref<128xi32, #tpu.memory_space<vmem>>
          %dma_start3A_271 = arith.constant 0 : i32
          %dma_start3A_272 = arith.constant 0 : i32
          %dma_start3A_273 = tpu.memref_slice %arg11[%dma_start3A_271, %dma_start3A_272] : memref<10240x128xf32, #tpu.memory_space<vmem_shared>> -> memref<10240x128xf32, #tpu.memory_space<vmem_shared>>
          tpu.enqueue_indirect_dma source(%arg9 : memref<128x128xf32, #tpu.memory_space<vmem>>) target(%dma_start3A_273 : memref<10240x128xf32, #tpu.memory_space<vmem_shared>>) offsets(%dma_start3A_270 : memref<128xi32, #tpu.memory_space<vmem>>) semaphore(%run_scoped3A_267 : memref<!tpu.dma_semaphore, #tpu.memory_space<semaphore_mem>>) {add = true}
          %dma_wait3A_274 = arith.constant 0 : i32
          %dma_wait3A_275 = tpu.memref_slice %arg8[%run_scoped3A_78, %dma_wait3A_274] : memref<16x128xi32, #tpu.memory_space<vmem>> -> memref<1x128xi32, #tpu.memory_space<vmem>>
          %dma_wait3A_276 = tpu.memref_squeeze %dma_wait3A_275 : memref<1x128xi32, #tpu.memory_space<vmem>> -> memref<128xi32, #tpu.memory_space<vmem>>
          %dma_wait3A_277 = arith.constant 0 : i32
          %dma_wait3A_278 = arith.constant 0 : i32
          %dma_wait3A_279 = tpu.memref_slice %arg11[%dma_wait3A_277, %dma_wait3A_278] : memref<10240x128xf32, #tpu.memory_space<vmem_shared>> -> memref<10240x128xf32, #tpu.memory_space<vmem_shared>>
          tpu.wait_indirect_dma semaphore(%run_scoped3A_267 : memref<!tpu.dma_semaphore, #tpu.memory_space<semaphore_mem>>) src(%arg9 : memref<128x128xf32, #tpu.memory_space<vmem>>) dst(%dma_wait3A_279 : memref<10240x128xf32, #tpu.memory_space<vmem_shared>>)
          tpu.yield
        }) : () -> ()
        %dma_wait3A_79 = arith.constant 3 : i32
        %dma_wait3A_80 = arith.constant 0 : i32
        %dma_wait3A_81 = tpu.memref_slice %arg7[%dma_wait3A_79, %dma_wait3A_80] : memref<16x128xi32, #tpu.memory_space<vmem>> -> memref<1x128xi32, #tpu.memory_space<vmem>>
        %dma_wait3A_82 = tpu.memref_squeeze %dma_wait3A_81 : memref<1x128xi32, #tpu.memory_space<vmem>> -> memref<128xi32, #tpu.memory_space<vmem>>
        %dma_wait3A_83 = arith.constant 0 : i32
        %dma_wait3A_84 = arith.constant 0 : i32
        %dma_wait3A_85 = tpu.memref_slice %arg2[%dma_wait3A_83, %dma_wait3A_84] : memref<10240x128xf32, #tpu.memory_space<hbm>> -> memref<10240x128xf32, #tpu.memory_space<hbm>>
        tpu.wait_indirect_dma semaphore(%arg13 : memref<!tpu.dma_semaphore, #tpu.memory_space<semaphore_mem>>) src(%dma_wait3A_85 : memref<10240x128xf32, #tpu.memory_space<hbm>>) dst(%arg10 : memref<128x128xf32, #tpu.memory_space<vmem>>)
        %dma_start3A_86 = arith.constant 4 : i32
        %dma_start3A_87 = arith.constant 0 : i32
        %dma_start3A_88 = tpu.memref_slice %arg7[%dma_start3A_86, %dma_start3A_87] : memref<16x128xi32, #tpu.memory_space<vmem>> -> memref<1x128xi32, #tpu.memory_space<vmem>>
        %dma_start3A_89 = tpu.memref_squeeze %dma_start3A_88 : memref<1x128xi32, #tpu.memory_space<vmem>> -> memref<128xi32, #tpu.memory_space<vmem>>
        %dma_start3A_90 = arith.constant 0 : i32
        %dma_start3A_91 = arith.constant 0 : i32
        %dma_start3A_92 = tpu.memref_slice %arg2[%dma_start3A_90, %dma_start3A_91] : memref<10240x128xf32, #tpu.memory_space<hbm>> -> memref<10240x128xf32, #tpu.memory_space<hbm>>
        tpu.enqueue_indirect_dma source(%dma_start3A_92 : memref<10240x128xf32, #tpu.memory_space<hbm>>) target(%arg9 : memref<128x128xf32, #tpu.memory_space<vmem>>) offsets(%dma_start3A_89 : memref<128xi32, #tpu.memory_space<vmem>>) semaphore(%arg12 : memref<!tpu.dma_semaphore, #tpu.memory_space<semaphore_mem>>)
        %run_scoped3A_93 = arith.constant 3 : i32
        "tpu.region"() ({
          %run_scoped3A_267 = tpu.sem_alloc : memref<!tpu.dma_semaphore, #tpu.memory_space<semaphore_mem>>
          %dma_start3A_268 = arith.constant 0 : i32
          %dma_start3A_269 = tpu.memref_slice %arg8[%run_scoped3A_93, %dma_start3A_268] : memref<16x128xi32, #tpu.memory_space<vmem>> -> memref<1x128xi32, #tpu.memory_space<vmem>>
          %dma_start3A_270 = tpu.memref_squeeze %dma_start3A_269 : memref<1x128xi32, #tpu.memory_space<vmem>> -> memref<128xi32, #tpu.memory_space<vmem>>
          %dma_start3A_271 = arith.constant 0 : i32
          %dma_start3A_272 = arith.constant 0 : i32
          %dma_start3A_273 = tpu.memref_slice %arg11[%dma_start3A_271, %dma_start3A_272] : memref<10240x128xf32, #tpu.memory_space<vmem_shared>> -> memref<10240x128xf32, #tpu.memory_space<vmem_shared>>
          tpu.enqueue_indirect_dma source(%arg10 : memref<128x128xf32, #tpu.memory_space<vmem>>) target(%dma_start3A_273 : memref<10240x128xf32, #tpu.memory_space<vmem_shared>>) offsets(%dma_start3A_270 : memref<128xi32, #tpu.memory_space<vmem>>) semaphore(%run_scoped3A_267 : memref<!tpu.dma_semaphore, #tpu.memory_space<semaphore_mem>>) {add = true}
          %dma_wait3A_274 = arith.constant 0 : i32
          %dma_wait3A_275 = tpu.memref_slice %arg8[%run_scoped3A_93, %dma_wait3A_274] : memref<16x128xi32, #tpu.memory_space<vmem>> -> memref<1x128xi32, #tpu.memory_space<vmem>>
          %dma_wait3A_276 = tpu.memref_squeeze %dma_wait3A_275 : memref<1x128xi32, #tpu.memory_space<vmem>> -> memref<128xi32, #tpu.memory_space<vmem>>
          %dma_wait3A_277 = arith.constant 0 : i32
          %dma_wait3A_278 = arith.constant 0 : i32
          %dma_wait3A_279 = tpu.memref_slice %arg11[%dma_wait3A_277, %dma_wait3A_278] : memref<10240x128xf32, #tpu.memory_space<vmem_shared>> -> memref<10240x128xf32, #tpu.memory_space<vmem_shared>>
          tpu.wait_indirect_dma semaphore(%run_scoped3A_267 : memref<!tpu.dma_semaphore, #tpu.memory_space<semaphore_mem>>) src(%arg10 : memref<128x128xf32, #tpu.memory_space<vmem>>) dst(%dma_wait3A_279 : memref<10240x128xf32, #tpu.memory_space<vmem_shared>>)
          tpu.yield
        }) : () -> ()
        %dma_wait3A_94 = arith.constant 4 : i32
        %dma_wait3A_95 = arith.constant 0 : i32
        %dma_wait3A_96 = tpu.memref_slice %arg7[%dma_wait3A_94, %dma_wait3A_95] : memref<16x128xi32, #tpu.memory_space<vmem>> -> memref<1x128xi32, #tpu.memory_space<vmem>>
        %dma_wait3A_97 = tpu.memref_squeeze %dma_wait3A_96 : memref<1x128xi32, #tpu.memory_space<vmem>> -> memref<128xi32, #tpu.memory_space<vmem>>
        %dma_wait3A_98 = arith.constant 0 : i32
        %dma_wait3A_99 = arith.constant 0 : i32
        %dma_wait3A_100 = tpu.memref_slice %arg2[%dma_wait3A_98, %dma_wait3A_99] : memref<10240x128xf32, #tpu.memory_space<hbm>> -> memref<10240x128xf32, #tpu.memory_space<hbm>>
        tpu.wait_indirect_dma semaphore(%arg12 : memref<!tpu.dma_semaphore, #tpu.memory_space<semaphore_mem>>) src(%dma_wait3A_100 : memref<10240x128xf32, #tpu.memory_space<hbm>>) dst(%arg9 : memref<128x128xf32, #tpu.memory_space<vmem>>)
        %dma_start3A_101 = arith.constant 5 : i32
        %dma_start3A_102 = arith.constant 0 : i32
        %dma_start3A_103 = tpu.memref_slice %arg7[%dma_start3A_101, %dma_start3A_102] : memref<16x128xi32, #tpu.memory_space<vmem>> -> memref<1x128xi32, #tpu.memory_space<vmem>>
        %dma_start3A_104 = tpu.memref_squeeze %dma_start3A_103 : memref<1x128xi32, #tpu.memory_space<vmem>> -> memref<128xi32, #tpu.memory_space<vmem>>
        %dma_start3A_105 = arith.constant 0 : i32
        %dma_start3A_106 = arith.constant 0 : i32
        %dma_start3A_107 = tpu.memref_slice %arg2[%dma_start3A_105, %dma_start3A_106] : memref<10240x128xf32, #tpu.memory_space<hbm>> -> memref<10240x128xf32, #tpu.memory_space<hbm>>
        tpu.enqueue_indirect_dma source(%dma_start3A_107 : memref<10240x128xf32, #tpu.memory_space<hbm>>) target(%arg10 : memref<128x128xf32, #tpu.memory_space<vmem>>) offsets(%dma_start3A_104 : memref<128xi32, #tpu.memory_space<vmem>>) semaphore(%arg13 : memref<!tpu.dma_semaphore, #tpu.memory_space<semaphore_mem>>)
        %run_scoped3A_108 = arith.constant 4 : i32
        "tpu.region"() ({
          %run_scoped3A_267 = tpu.sem_alloc : memref<!tpu.dma_semaphore, #tpu.memory_space<semaphore_mem>>
          %dma_start3A_268 = arith.constant 0 : i32
          %dma_start3A_269 = tpu.memref_slice %arg8[%run_scoped3A_108, %dma_start3A_268] : memref<16x128xi32, #tpu.memory_space<vmem>> -> memref<1x128xi32, #tpu.memory_space<vmem>>
          %dma_start3A_270 = tpu.memref_squeeze %dma_start3A_269 : memref<1x128xi32, #tpu.memory_space<vmem>> -> memref<128xi32, #tpu.memory_space<vmem>>
          %dma_start3A_271 = arith.constant 0 : i32
          %dma_start3A_272 = arith.constant 0 : i32
          %dma_start3A_273 = tpu.memref_slice %arg11[%dma_start3A_271, %dma_start3A_272] : memref<10240x128xf32, #tpu.memory_space<vmem_shared>> -> memref<10240x128xf32, #tpu.memory_space<vmem_shared>>
          tpu.enqueue_indirect_dma source(%arg9 : memref<128x128xf32, #tpu.memory_space<vmem>>) target(%dma_start3A_273 : memref<10240x128xf32, #tpu.memory_space<vmem_shared>>) offsets(%dma_start3A_270 : memref<128xi32, #tpu.memory_space<vmem>>) semaphore(%run_scoped3A_267 : memref<!tpu.dma_semaphore, #tpu.memory_space<semaphore_mem>>) {add = true}
          %dma_wait3A_274 = arith.constant 0 : i32
          %dma_wait3A_275 = tpu.memref_slice %arg8[%run_scoped3A_108, %dma_wait3A_274] : memref<16x128xi32, #tpu.memory_space<vmem>> -> memref<1x128xi32, #tpu.memory_space<vmem>>
          %dma_wait3A_276 = tpu.memref_squeeze %dma_wait3A_275 : memref<1x128xi32, #tpu.memory_space<vmem>> -> memref<128xi32, #tpu.memory_space<vmem>>
          %dma_wait3A_277 = arith.constant 0 : i32
          %dma_wait3A_278 = arith.constant 0 : i32
          %dma_wait3A_279 = tpu.memref_slice %arg11[%dma_wait3A_277, %dma_wait3A_278] : memref<10240x128xf32, #tpu.memory_space<vmem_shared>> -> memref<10240x128xf32, #tpu.memory_space<vmem_shared>>
          tpu.wait_indirect_dma semaphore(%run_scoped3A_267 : memref<!tpu.dma_semaphore, #tpu.memory_space<semaphore_mem>>) src(%arg9 : memref<128x128xf32, #tpu.memory_space<vmem>>) dst(%dma_wait3A_279 : memref<10240x128xf32, #tpu.memory_space<vmem_shared>>)
          tpu.yield
        }) : () -> ()
        %dma_wait3A_109 = arith.constant 5 : i32
        %dma_wait3A_110 = arith.constant 0 : i32
        %dma_wait3A_111 = tpu.memref_slice %arg7[%dma_wait3A_109, %dma_wait3A_110] : memref<16x128xi32, #tpu.memory_space<vmem>> -> memref<1x128xi32, #tpu.memory_space<vmem>>
        %dma_wait3A_112 = tpu.memref_squeeze %dma_wait3A_111 : memref<1x128xi32, #tpu.memory_space<vmem>> -> memref<128xi32, #tpu.memory_space<vmem>>
        %dma_wait3A_113 = arith.constant 0 : i32
        %dma_wait3A_114 = arith.constant 0 : i32
        %dma_wait3A_115 = tpu.memref_slice %arg2[%dma_wait3A_113, %dma_wait3A_114] : memref<10240x128xf32, #tpu.memory_space<hbm>> -> memref<10240x128xf32, #tpu.memory_space<hbm>>
        tpu.wait_indirect_dma semaphore(%arg13 : memref<!tpu.dma_semaphore, #tpu.memory_space<semaphore_mem>>) src(%dma_wait3A_115 : memref<10240x128xf32, #tpu.memory_space<hbm>>) dst(%arg10 : memref<128x128xf32, #tpu.memory_space<vmem>>)
        %dma_start3A_116 = arith.constant 6 : i32
        %dma_start3A_117 = arith.constant 0 : i32
        %dma_start3A_118 = tpu.memref_slice %arg7[%dma_start3A_116, %dma_start3A_117] : memref<16x128xi32, #tpu.memory_space<vmem>> -> memref<1x128xi32, #tpu.memory_space<vmem>>
        %dma_start3A_119 = tpu.memref_squeeze %dma_start3A_118 : memref<1x128xi32, #tpu.memory_space<vmem>> -> memref<128xi32, #tpu.memory_space<vmem>>
        %dma_start3A_120 = arith.constant 0 : i32
        %dma_start3A_121 = arith.constant 0 : i32
        %dma_start3A_122 = tpu.memref_slice %arg2[%dma_start3A_120, %dma_start3A_121] : memref<10240x128xf32, #tpu.memory_space<hbm>> -> memref<10240x128xf32, #tpu.memory_space<hbm>>
        tpu.enqueue_indirect_dma source(%dma_start3A_122 : memref<10240x128xf32, #tpu.memory_space<hbm>>) target(%arg9 : memref<128x128xf32, #tpu.memory_space<vmem>>) offsets(%dma_start3A_119 : memref<128xi32, #tpu.memory_space<vmem>>) semaphore(%arg12 : memref<!tpu.dma_semaphore, #tpu.memory_space<semaphore_mem>>)
        %run_scoped3A_123 = arith.constant 5 : i32
        "tpu.region"() ({
          %run_scoped3A_267 = tpu.sem_alloc : memref<!tpu.dma_semaphore, #tpu.memory_space<semaphore_mem>>
          %dma_start3A_268 = arith.constant 0 : i32
          %dma_start3A_269 = tpu.memref_slice %arg8[%run_scoped3A_123, %dma_start3A_268] : memref<16x128xi32, #tpu.memory_space<vmem>> -> memref<1x128xi32, #tpu.memory_space<vmem>>
          %dma_start3A_270 = tpu.memref_squeeze %dma_start3A_269 : memref<1x128xi32, #tpu.memory_space<vmem>> -> memref<128xi32, #tpu.memory_space<vmem>>
          %dma_start3A_271 = arith.constant 0 : i32
          %dma_start3A_272 = arith.constant 0 : i32
          %dma_start3A_273 = tpu.memref_slice %arg11[%dma_start3A_271, %dma_start3A_272] : memref<10240x128xf32, #tpu.memory_space<vmem_shared>> -> memref<10240x128xf32, #tpu.memory_space<vmem_shared>>
          tpu.enqueue_indirect_dma source(%arg10 : memref<128x128xf32, #tpu.memory_space<vmem>>) target(%dma_start3A_273 : memref<10240x128xf32, #tpu.memory_space<vmem_shared>>) offsets(%dma_start3A_270 : memref<128xi32, #tpu.memory_space<vmem>>) semaphore(%run_scoped3A_267 : memref<!tpu.dma_semaphore, #tpu.memory_space<semaphore_mem>>) {add = true}
          %dma_wait3A_274 = arith.constant 0 : i32
          %dma_wait3A_275 = tpu.memref_slice %arg8[%run_scoped3A_123, %dma_wait3A_274] : memref<16x128xi32, #tpu.memory_space<vmem>> -> memref<1x128xi32, #tpu.memory_space<vmem>>
          %dma_wait3A_276 = tpu.memref_squeeze %dma_wait3A_275 : memref<1x128xi32, #tpu.memory_space<vmem>> -> memref<128xi32, #tpu.memory_space<vmem>>
          %dma_wait3A_277 = arith.constant 0 : i32
          %dma_wait3A_278 = arith.constant 0 : i32
          %dma_wait3A_279 = tpu.memref_slice %arg11[%dma_wait3A_277, %dma_wait3A_278] : memref<10240x128xf32, #tpu.memory_space<vmem_shared>> -> memref<10240x128xf32, #tpu.memory_space<vmem_shared>>
          tpu.wait_indirect_dma semaphore(%run_scoped3A_267 : memref<!tpu.dma_semaphore, #tpu.memory_space<semaphore_mem>>) src(%arg10 : memref<128x128xf32, #tpu.memory_space<vmem>>) dst(%dma_wait3A_279 : memref<10240x128xf32, #tpu.memory_space<vmem_shared>>)
          tpu.yield
        }) : () -> ()
        %dma_wait3A_124 = arith.constant 6 : i32
        %dma_wait3A_125 = arith.constant 0 : i32
        %dma_wait3A_126 = tpu.memref_slice %arg7[%dma_wait3A_124, %dma_wait3A_125] : memref<16x128xi32, #tpu.memory_space<vmem>> -> memref<1x128xi32, #tpu.memory_space<vmem>>
        %dma_wait3A_127 = tpu.memref_squeeze %dma_wait3A_126 : memref<1x128xi32, #tpu.memory_space<vmem>> -> memref<128xi32, #tpu.memory_space<vmem>>
        %dma_wait3A_128 = arith.constant 0 : i32
        %dma_wait3A_129 = arith.constant 0 : i32
        %dma_wait3A_130 = tpu.memref_slice %arg2[%dma_wait3A_128, %dma_wait3A_129] : memref<10240x128xf32, #tpu.memory_space<hbm>> -> memref<10240x128xf32, #tpu.memory_space<hbm>>
        tpu.wait_indirect_dma semaphore(%arg12 : memref<!tpu.dma_semaphore, #tpu.memory_space<semaphore_mem>>) src(%dma_wait3A_130 : memref<10240x128xf32, #tpu.memory_space<hbm>>) dst(%arg9 : memref<128x128xf32, #tpu.memory_space<vmem>>)
        %dma_start3A_131 = arith.constant 7 : i32
        %dma_start3A_132 = arith.constant 0 : i32
        %dma_start3A_133 = tpu.memref_slice %arg7[%dma_start3A_131, %dma_start3A_132] : memref<16x128xi32, #tpu.memory_space<vmem>> -> memref<1x128xi32, #tpu.memory_space<vmem>>
        %dma_start3A_134 = tpu.memref_squeeze %dma_start3A_133 : memref<1x128xi32, #tpu.memory_space<vmem>> -> memref<128xi32, #tpu.memory_space<vmem>>
        %dma_start3A_135 = arith.constant 0 : i32
        %dma_start3A_136 = arith.constant 0 : i32
        %dma_start3A_137 = tpu.memref_slice %arg2[%dma_start3A_135, %dma_start3A_136] : memref<10240x128xf32, #tpu.memory_space<hbm>> -> memref<10240x128xf32, #tpu.memory_space<hbm>>
        tpu.enqueue_indirect_dma source(%dma_start3A_137 : memref<10240x128xf32, #tpu.memory_space<hbm>>) target(%arg10 : memref<128x128xf32, #tpu.memory_space<vmem>>) offsets(%dma_start3A_134 : memref<128xi32, #tpu.memory_space<vmem>>) semaphore(%arg13 : memref<!tpu.dma_semaphore, #tpu.memory_space<semaphore_mem>>)
        %run_scoped3A_138 = arith.constant 6 : i32
        "tpu.region"() ({
          %run_scoped3A_267 = tpu.sem_alloc : memref<!tpu.dma_semaphore, #tpu.memory_space<semaphore_mem>>
          %dma_start3A_268 = arith.constant 0 : i32
          %dma_start3A_269 = tpu.memref_slice %arg8[%run_scoped3A_138, %dma_start3A_268] : memref<16x128xi32, #tpu.memory_space<vmem>> -> memref<1x128xi32, #tpu.memory_space<vmem>>
          %dma_start3A_270 = tpu.memref_squeeze %dma_start3A_269 : memref<1x128xi32, #tpu.memory_space<vmem>> -> memref<128xi32, #tpu.memory_space<vmem>>
          %dma_start3A_271 = arith.constant 0 : i32
          %dma_start3A_272 = arith.constant 0 : i32
          %dma_start3A_273 = tpu.memref_slice %arg11[%dma_start3A_271, %dma_start3A_272] : memref<10240x128xf32, #tpu.memory_space<vmem_shared>> -> memref<10240x128xf32, #tpu.memory_space<vmem_shared>>
          tpu.enqueue_indirect_dma source(%arg9 : memref<128x128xf32, #tpu.memory_space<vmem>>) target(%dma_start3A_273 : memref<10240x128xf32, #tpu.memory_space<vmem_shared>>) offsets(%dma_start3A_270 : memref<128xi32, #tpu.memory_space<vmem>>) semaphore(%run_scoped3A_267 : memref<!tpu.dma_semaphore, #tpu.memory_space<semaphore_mem>>) {add = true}
          %dma_wait3A_274 = arith.constant 0 : i32
          %dma_wait3A_275 = tpu.memref_slice %arg8[%run_scoped3A_138, %dma_wait3A_274] : memref<16x128xi32, #tpu.memory_space<vmem>> -> memref<1x128xi32, #tpu.memory_space<vmem>>
          %dma_wait3A_276 = tpu.memref_squeeze %dma_wait3A_275 : memref<1x128xi32, #tpu.memory_space<vmem>> -> memref<128xi32, #tpu.memory_space<vmem>>
          %dma_wait3A_277 = arith.constant 0 : i32
          %dma_wait3A_278 = arith.constant 0 : i32
          %dma_wait3A_279 = tpu.memref_slice %arg11[%dma_wait3A_277, %dma_wait3A_278] : memref<10240x128xf32, #tpu.memory_space<vmem_shared>> -> memref<10240x128xf32, #tpu.memory_space<vmem_shared>>
          tpu.wait_indirect_dma semaphore(%run_scoped3A_267 : memref<!tpu.dma_semaphore, #tpu.memory_space<semaphore_mem>>) src(%arg9 : memref<128x128xf32, #tpu.memory_space<vmem>>) dst(%dma_wait3A_279 : memref<10240x128xf32, #tpu.memory_space<vmem_shared>>)
          tpu.yield
        }) : () -> ()
        %dma_wait3A_139 = arith.constant 7 : i32
        %dma_wait3A_140 = arith.constant 0 : i32
        %dma_wait3A_141 = tpu.memref_slice %arg7[%dma_wait3A_139, %dma_wait3A_140] : memref<16x128xi32, #tpu.memory_space<vmem>> -> memref<1x128xi32, #tpu.memory_space<vmem>>
        %dma_wait3A_142 = tpu.memref_squeeze %dma_wait3A_141 : memref<1x128xi32, #tpu.memory_space<vmem>> -> memref<128xi32, #tpu.memory_space<vmem>>
        %dma_wait3A_143 = arith.constant 0 : i32
        %dma_wait3A_144 = arith.constant 0 : i32
        %dma_wait3A_145 = tpu.memref_slice %arg2[%dma_wait3A_143, %dma_wait3A_144] : memref<10240x128xf32, #tpu.memory_space<hbm>> -> memref<10240x128xf32, #tpu.memory_space<hbm>>
        tpu.wait_indirect_dma semaphore(%arg13 : memref<!tpu.dma_semaphore, #tpu.memory_space<semaphore_mem>>) src(%dma_wait3A_145 : memref<10240x128xf32, #tpu.memory_space<hbm>>) dst(%arg10 : memref<128x128xf32, #tpu.memory_space<vmem>>)
        %dma_start3A_146 = arith.constant 8 : i32
        %dma_start3A_147 = arith.constant 0 : i32
        %dma_start3A_148 = tpu.memref_slice %arg7[%dma_start3A_146, %dma_start3A_147] : memref<16x128xi32, #tpu.memory_space<vmem>> -> memref<1x128xi32, #tpu.memory_space<vmem>>
        %dma_start3A_149 = tpu.memref_squeeze %dma_start3A_148 : memref<1x128xi32, #tpu.memory_space<vmem>> -> memref<128xi32, #tpu.memory_space<vmem>>
        %dma_start3A_150 = arith.constant 0 : i32
        %dma_start3A_151 = arith.constant 0 : i32
        %dma_start3A_152 = tpu.memref_slice %arg2[%dma_start3A_150, %dma_start3A_151] : memref<10240x128xf32, #tpu.memory_space<hbm>> -> memref<10240x128xf32, #tpu.memory_space<hbm>>
        tpu.enqueue_indirect_dma source(%dma_start3A_152 : memref<10240x128xf32, #tpu.memory_space<hbm>>) target(%arg9 : memref<128x128xf32, #tpu.memory_space<vmem>>) offsets(%dma_start3A_149 : memref<128xi32, #tpu.memory_space<vmem>>) semaphore(%arg12 : memref<!tpu.dma_semaphore, #tpu.memory_space<semaphore_mem>>)
        %run_scoped3A_153 = arith.constant 7 : i32
        "tpu.region"() ({
          %run_scoped3A_267 = tpu.sem_alloc : memref<!tpu.dma_semaphore, #tpu.memory_space<semaphore_mem>>
          %dma_start3A_268 = arith.constant 0 : i32
          %dma_start3A_269 = tpu.memref_slice %arg8[%run_scoped3A_153, %dma_start3A_268] : memref<16x128xi32, #tpu.memory_space<vmem>> -> memref<1x128xi32, #tpu.memory_space<vmem>>
          %dma_start3A_270 = tpu.memref_squeeze %dma_start3A_269 : memref<1x128xi32, #tpu.memory_space<vmem>> -> memref<128xi32, #tpu.memory_space<vmem>>
          %dma_start3A_271 = arith.constant 0 : i32
          %dma_start3A_272 = arith.constant 0 : i32
          %dma_start3A_273 = tpu.memref_slice %arg11[%dma_start3A_271, %dma_start3A_272] : memref<10240x128xf32, #tpu.memory_space<vmem_shared>> -> memref<10240x128xf32, #tpu.memory_space<vmem_shared>>
          tpu.enqueue_indirect_dma source(%arg10 : memref<128x128xf32, #tpu.memory_space<vmem>>) target(%dma_start3A_273 : memref<10240x128xf32, #tpu.memory_space<vmem_shared>>) offsets(%dma_start3A_270 : memref<128xi32, #tpu.memory_space<vmem>>) semaphore(%run_scoped3A_267 : memref<!tpu.dma_semaphore, #tpu.memory_space<semaphore_mem>>) {add = true}
          %dma_wait3A_274 = arith.constant 0 : i32
          %dma_wait3A_275 = tpu.memref_slice %arg8[%run_scoped3A_153, %dma_wait3A_274] : memref<16x128xi32, #tpu.memory_space<vmem>> -> memref<1x128xi32, #tpu.memory_space<vmem>>
          %dma_wait3A_276 = tpu.memref_squeeze %dma_wait3A_275 : memref<1x128xi32, #tpu.memory_space<vmem>> -> memref<128xi32, #tpu.memory_space<vmem>>
          %dma_wait3A_277 = arith.constant 0 : i32
          %dma_wait3A_278 = arith.constant 0 : i32
          %dma_wait3A_279 = tpu.memref_slice %arg11[%dma_wait3A_277, %dma_wait3A_278] : memref<10240x128xf32, #tpu.memory_space<vmem_shared>> -> memref<10240x128xf32, #tpu.memory_space<vmem_shared>>
          tpu.wait_indirect_dma semaphore(%run_scoped3A_267 : memref<!tpu.dma_semaphore, #tpu.memory_space<semaphore_mem>>) src(%arg10 : memref<128x128xf32, #tpu.memory_space<vmem>>) dst(%dma_wait3A_279 : memref<10240x128xf32, #tpu.memory_space<vmem_shared>>)
          tpu.yield
        }) : () -> ()
        %dma_wait3A_154 = arith.constant 8 : i32
        %dma_wait3A_155 = arith.constant 0 : i32
        %dma_wait3A_156 = tpu.memref_slice %arg7[%dma_wait3A_154, %dma_wait3A_155] : memref<16x128xi32, #tpu.memory_space<vmem>> -> memref<1x128xi32, #tpu.memory_space<vmem>>
        %dma_wait3A_157 = tpu.memref_squeeze %dma_wait3A_156 : memref<1x128xi32, #tpu.memory_space<vmem>> -> memref<128xi32, #tpu.memory_space<vmem>>
        %dma_wait3A_158 = arith.constant 0 : i32
        %dma_wait3A_159 = arith.constant 0 : i32
        %dma_wait3A_160 = tpu.memref_slice %arg2[%dma_wait3A_158, %dma_wait3A_159] : memref<10240x128xf32, #tpu.memory_space<hbm>> -> memref<10240x128xf32, #tpu.memory_space<hbm>>
        tpu.wait_indirect_dma semaphore(%arg12 : memref<!tpu.dma_semaphore, #tpu.memory_space<semaphore_mem>>) src(%dma_wait3A_160 : memref<10240x128xf32, #tpu.memory_space<hbm>>) dst(%arg9 : memref<128x128xf32, #tpu.memory_space<vmem>>)
        %dma_start3A_161 = arith.constant 9 : i32
        %dma_start3A_162 = arith.constant 0 : i32
        %dma_start3A_163 = tpu.memref_slice %arg7[%dma_start3A_161, %dma_start3A_162] : memref<16x128xi32, #tpu.memory_space<vmem>> -> memref<1x128xi32, #tpu.memory_space<vmem>>
        %dma_start3A_164 = tpu.memref_squeeze %dma_start3A_163 : memref<1x128xi32, #tpu.memory_space<vmem>> -> memref<128xi32, #tpu.memory_space<vmem>>
        %dma_start3A_165 = arith.constant 0 : i32
        %dma_start3A_166 = arith.constant 0 : i32
        %dma_start3A_167 = tpu.memref_slice %arg2[%dma_start3A_165, %dma_start3A_166] : memref<10240x128xf32, #tpu.memory_space<hbm>> -> memref<10240x128xf32, #tpu.memory_space<hbm>>
        tpu.enqueue_indirect_dma source(%dma_start3A_167 : memref<10240x128xf32, #tpu.memory_space<hbm>>) target(%arg10 : memref<128x128xf32, #tpu.memory_space<vmem>>) offsets(%dma_start3A_164 : memref<128xi32, #tpu.memory_space<vmem>>) semaphore(%arg13 : memref<!tpu.dma_semaphore, #tpu.memory_space<semaphore_mem>>)
        %run_scoped3A_168 = arith.constant 8 : i32
        "tpu.region"() ({
          %run_scoped3A_267 = tpu.sem_alloc : memref<!tpu.dma_semaphore, #tpu.memory_space<semaphore_mem>>
          %dma_start3A_268 = arith.constant 0 : i32
          %dma_start3A_269 = tpu.memref_slice %arg8[%run_scoped3A_168, %dma_start3A_268] : memref<16x128xi32, #tpu.memory_space<vmem>> -> memref<1x128xi32, #tpu.memory_space<vmem>>
          %dma_start3A_270 = tpu.memref_squeeze %dma_start3A_269 : memref<1x128xi32, #tpu.memory_space<vmem>> -> memref<128xi32, #tpu.memory_space<vmem>>
          %dma_start3A_271 = arith.constant 0 : i32
          %dma_start3A_272 = arith.constant 0 : i32
          %dma_start3A_273 = tpu.memref_slice %arg11[%dma_start3A_271, %dma_start3A_272] : memref<10240x128xf32, #tpu.memory_space<vmem_shared>> -> memref<10240x128xf32, #tpu.memory_space<vmem_shared>>
          tpu.enqueue_indirect_dma source(%arg9 : memref<128x128xf32, #tpu.memory_space<vmem>>) target(%dma_start3A_273 : memref<10240x128xf32, #tpu.memory_space<vmem_shared>>) offsets(%dma_start3A_270 : memref<128xi32, #tpu.memory_space<vmem>>) semaphore(%run_scoped3A_267 : memref<!tpu.dma_semaphore, #tpu.memory_space<semaphore_mem>>) {add = true}
          %dma_wait3A_274 = arith.constant 0 : i32
          %dma_wait3A_275 = tpu.memref_slice %arg8[%run_scoped3A_168, %dma_wait3A_274] : memref<16x128xi32, #tpu.memory_space<vmem>> -> memref<1x128xi32, #tpu.memory_space<vmem>>
          %dma_wait3A_276 = tpu.memref_squeeze %dma_wait3A_275 : memref<1x128xi32, #tpu.memory_space<vmem>> -> memref<128xi32, #tpu.memory_space<vmem>>
          %dma_wait3A_277 = arith.constant 0 : i32
          %dma_wait3A_278 = arith.constant 0 : i32
          %dma_wait3A_279 = tpu.memref_slice %arg11[%dma_wait3A_277, %dma_wait3A_278] : memref<10240x128xf32, #tpu.memory_space<vmem_shared>> -> memref<10240x128xf32, #tpu.memory_space<vmem_shared>>
          tpu.wait_indirect_dma semaphore(%run_scoped3A_267 : memref<!tpu.dma_semaphore, #tpu.memory_space<semaphore_mem>>) src(%arg9 : memref<128x128xf32, #tpu.memory_space<vmem>>) dst(%dma_wait3A_279 : memref<10240x128xf32, #tpu.memory_space<vmem_shared>>)
          tpu.yield
        }) : () -> ()
        %dma_wait3A_169 = arith.constant 9 : i32
        %dma_wait3A_170 = arith.constant 0 : i32
        %dma_wait3A_171 = tpu.memref_slice %arg7[%dma_wait3A_169, %dma_wait3A_170] : memref<16x128xi32, #tpu.memory_space<vmem>> -> memref<1x128xi32, #tpu.memory_space<vmem>>
        %dma_wait3A_172 = tpu.memref_squeeze %dma_wait3A_171 : memref<1x128xi32, #tpu.memory_space<vmem>> -> memref<128xi32, #tpu.memory_space<vmem>>
        %dma_wait3A_173 = arith.constant 0 : i32
        %dma_wait3A_174 = arith.constant 0 : i32
        %dma_wait3A_175 = tpu.memref_slice %arg2[%dma_wait3A_173, %dma_wait3A_174] : memref<10240x128xf32, #tpu.memory_space<hbm>> -> memref<10240x128xf32, #tpu.memory_space<hbm>>
        tpu.wait_indirect_dma semaphore(%arg13 : memref<!tpu.dma_semaphore, #tpu.memory_space<semaphore_mem>>) src(%dma_wait3A_175 : memref<10240x128xf32, #tpu.memory_space<hbm>>) dst(%arg10 : memref<128x128xf32, #tpu.memory_space<vmem>>)
        %dma_start3A_176 = arith.constant 10 : i32
        %dma_start3A_177 = arith.constant 0 : i32
        %dma_start3A_178 = tpu.memref_slice %arg7[%dma_start3A_176, %dma_start3A_177] : memref<16x128xi32, #tpu.memory_space<vmem>> -> memref<1x128xi32, #tpu.memory_space<vmem>>
        %dma_start3A_179 = tpu.memref_squeeze %dma_start3A_178 : memref<1x128xi32, #tpu.memory_space<vmem>> -> memref<128xi32, #tpu.memory_space<vmem>>
        %dma_start3A_180 = arith.constant 0 : i32
        %dma_start3A_181 = arith.constant 0 : i32
        %dma_start3A_182 = tpu.memref_slice %arg2[%dma_start3A_180, %dma_start3A_181] : memref<10240x128xf32, #tpu.memory_space<hbm>> -> memref<10240x128xf32, #tpu.memory_space<hbm>>
        tpu.enqueue_indirect_dma source(%dma_start3A_182 : memref<10240x128xf32, #tpu.memory_space<hbm>>) target(%arg9 : memref<128x128xf32, #tpu.memory_space<vmem>>) offsets(%dma_start3A_179 : memref<128xi32, #tpu.memory_space<vmem>>) semaphore(%arg12 : memref<!tpu.dma_semaphore, #tpu.memory_space<semaphore_mem>>)
        %run_scoped3A_183 = arith.constant 9 : i32
        "tpu.region"() ({
          %run_scoped3A_267 = tpu.sem_alloc : memref<!tpu.dma_semaphore, #tpu.memory_space<semaphore_mem>>
          %dma_start3A_268 = arith.constant 0 : i32
          %dma_start3A_269 = tpu.memref_slice %arg8[%run_scoped3A_183, %dma_start3A_268] : memref<16x128xi32, #tpu.memory_space<vmem>> -> memref<1x128xi32, #tpu.memory_space<vmem>>
          %dma_start3A_270 = tpu.memref_squeeze %dma_start3A_269 : memref<1x128xi32, #tpu.memory_space<vmem>> -> memref<128xi32, #tpu.memory_space<vmem>>
          %dma_start3A_271 = arith.constant 0 : i32
          %dma_start3A_272 = arith.constant 0 : i32
          %dma_start3A_273 = tpu.memref_slice %arg11[%dma_start3A_271, %dma_start3A_272] : memref<10240x128xf32, #tpu.memory_space<vmem_shared>> -> memref<10240x128xf32, #tpu.memory_space<vmem_shared>>
          tpu.enqueue_indirect_dma source(%arg10 : memref<128x128xf32, #tpu.memory_space<vmem>>) target(%dma_start3A_273 : memref<10240x128xf32, #tpu.memory_space<vmem_shared>>) offsets(%dma_start3A_270 : memref<128xi32, #tpu.memory_space<vmem>>) semaphore(%run_scoped3A_267 : memref<!tpu.dma_semaphore, #tpu.memory_space<semaphore_mem>>) {add = true}
          %dma_wait3A_274 = arith.constant 0 : i32
          %dma_wait3A_275 = tpu.memref_slice %arg8[%run_scoped3A_183, %dma_wait3A_274] : memref<16x128xi32, #tpu.memory_space<vmem>> -> memref<1x128xi32, #tpu.memory_space<vmem>>
          %dma_wait3A_276 = tpu.memref_squeeze %dma_wait3A_275 : memref<1x128xi32, #tpu.memory_space<vmem>> -> memref<128xi32, #tpu.memory_space<vmem>>
          %dma_wait3A_277 = arith.constant 0 : i32
          %dma_wait3A_278 = arith.constant 0 : i32
          %dma_wait3A_279 = tpu.memref_slice %arg11[%dma_wait3A_277, %dma_wait3A_278] : memref<10240x128xf32, #tpu.memory_space<vmem_shared>> -> memref<10240x128xf32, #tpu.memory_space<vmem_shared>>
          tpu.wait_indirect_dma semaphore(%run_scoped3A_267 : memref<!tpu.dma_semaphore, #tpu.memory_space<semaphore_mem>>) src(%arg10 : memref<128x128xf32, #tpu.memory_space<vmem>>) dst(%dma_wait3A_279 : memref<10240x128xf32, #tpu.memory_space<vmem_shared>>)
          tpu.yield
        }) : () -> ()
        %dma_wait3A_184 = arith.constant 10 : i32
        %dma_wait3A_185 = arith.constant 0 : i32
        %dma_wait3A_186 = tpu.memref_slice %arg7[%dma_wait3A_184, %dma_wait3A_185] : memref<16x128xi32, #tpu.memory_space<vmem>> -> memref<1x128xi32, #tpu.memory_space<vmem>>
        %dma_wait3A_187 = tpu.memref_squeeze %dma_wait3A_186 : memref<1x128xi32, #tpu.memory_space<vmem>> -> memref<128xi32, #tpu.memory_space<vmem>>
        %dma_wait3A_188 = arith.constant 0 : i32
        %dma_wait3A_189 = arith.constant 0 : i32
        %dma_wait3A_190 = tpu.memref_slice %arg2[%dma_wait3A_188, %dma_wait3A_189] : memref<10240x128xf32, #tpu.memory_space<hbm>> -> memref<10240x128xf32, #tpu.memory_space<hbm>>
        tpu.wait_indirect_dma semaphore(%arg12 : memref<!tpu.dma_semaphore, #tpu.memory_space<semaphore_mem>>) src(%dma_wait3A_190 : memref<10240x128xf32, #tpu.memory_space<hbm>>) dst(%arg9 : memref<128x128xf32, #tpu.memory_space<vmem>>)
        %dma_start3A_191 = arith.constant 11 : i32
        %dma_start3A_192 = arith.constant 0 : i32
        %dma_start3A_193 = tpu.memref_slice %arg7[%dma_start3A_191, %dma_start3A_192] : memref<16x128xi32, #tpu.memory_space<vmem>> -> memref<1x128xi32, #tpu.memory_space<vmem>>
        %dma_start3A_194 = tpu.memref_squeeze %dma_start3A_193 : memref<1x128xi32, #tpu.memory_space<vmem>> -> memref<128xi32, #tpu.memory_space<vmem>>
        %dma_start3A_195 = arith.constant 0 : i32
        %dma_start3A_196 = arith.constant 0 : i32
        %dma_start3A_197 = tpu.memref_slice %arg2[%dma_start3A_195, %dma_start3A_196] : memref<10240x128xf32, #tpu.memory_space<hbm>> -> memref<10240x128xf32, #tpu.memory_space<hbm>>
        tpu.enqueue_indirect_dma source(%dma_start3A_197 : memref<10240x128xf32, #tpu.memory_space<hbm>>) target(%arg10 : memref<128x128xf32, #tpu.memory_space<vmem>>) offsets(%dma_start3A_194 : memref<128xi32, #tpu.memory_space<vmem>>) semaphore(%arg13 : memref<!tpu.dma_semaphore, #tpu.memory_space<semaphore_mem>>)
        %run_scoped3A_198 = arith.constant 10 : i32
        "tpu.region"() ({
          %run_scoped3A_267 = tpu.sem_alloc : memref<!tpu.dma_semaphore, #tpu.memory_space<semaphore_mem>>
          %dma_start3A_268 = arith.constant 0 : i32
          %dma_start3A_269 = tpu.memref_slice %arg8[%run_scoped3A_198, %dma_start3A_268] : memref<16x128xi32, #tpu.memory_space<vmem>> -> memref<1x128xi32, #tpu.memory_space<vmem>>
          %dma_start3A_270 = tpu.memref_squeeze %dma_start3A_269 : memref<1x128xi32, #tpu.memory_space<vmem>> -> memref<128xi32, #tpu.memory_space<vmem>>
          %dma_start3A_271 = arith.constant 0 : i32
          %dma_start3A_272 = arith.constant 0 : i32
          %dma_start3A_273 = tpu.memref_slice %arg11[%dma_start3A_271, %dma_start3A_272] : memref<10240x128xf32, #tpu.memory_space<vmem_shared>> -> memref<10240x128xf32, #tpu.memory_space<vmem_shared>>
          tpu.enqueue_indirect_dma source(%arg9 : memref<128x128xf32, #tpu.memory_space<vmem>>) target(%dma_start3A_273 : memref<10240x128xf32, #tpu.memory_space<vmem_shared>>) offsets(%dma_start3A_270 : memref<128xi32, #tpu.memory_space<vmem>>) semaphore(%run_scoped3A_267 : memref<!tpu.dma_semaphore, #tpu.memory_space<semaphore_mem>>) {add = true}
          %dma_wait3A_274 = arith.constant 0 : i32
          %dma_wait3A_275 = tpu.memref_slice %arg8[%run_scoped3A_198, %dma_wait3A_274] : memref<16x128xi32, #tpu.memory_space<vmem>> -> memref<1x128xi32, #tpu.memory_space<vmem>>
          %dma_wait3A_276 = tpu.memref_squeeze %dma_wait3A_275 : memref<1x128xi32, #tpu.memory_space<vmem>> -> memref<128xi32, #tpu.memory_space<vmem>>
          %dma_wait3A_277 = arith.constant 0 : i32
          %dma_wait3A_278 = arith.constant 0 : i32
          %dma_wait3A_279 = tpu.memref_slice %arg11[%dma_wait3A_277, %dma_wait3A_278] : memref<10240x128xf32, #tpu.memory_space<vmem_shared>> -> memref<10240x128xf32, #tpu.memory_space<vmem_shared>>
          tpu.wait_indirect_dma semaphore(%run_scoped3A_267 : memref<!tpu.dma_semaphore, #tpu.memory_space<semaphore_mem>>) src(%arg9 : memref<128x128xf32, #tpu.memory_space<vmem>>) dst(%dma_wait3A_279 : memref<10240x128xf32, #tpu.memory_space<vmem_shared>>)
          tpu.yield
        }) : () -> ()
        %dma_wait3A_199 = arith.constant 11 : i32
        %dma_wait3A_200 = arith.constant 0 : i32
        %dma_wait3A_201 = tpu.memref_slice %arg7[%dma_wait3A_199, %dma_wait3A_200] : memref<16x128xi32, #tpu.memory_space<vmem>> -> memref<1x128xi32, #tpu.memory_space<vmem>>
        %dma_wait3A_202 = tpu.memref_squeeze %dma_wait3A_201 : memref<1x128xi32, #tpu.memory_space<vmem>> -> memref<128xi32, #tpu.memory_space<vmem>>
        %dma_wait3A_203 = arith.constant 0 : i32
        %dma_wait3A_204 = arith.constant 0 : i32
        %dma_wait3A_205 = tpu.memref_slice %arg2[%dma_wait3A_203, %dma_wait3A_204] : memref<10240x128xf32, #tpu.memory_space<hbm>> -> memref<10240x128xf32, #tpu.memory_space<hbm>>
        tpu.wait_indirect_dma semaphore(%arg13 : memref<!tpu.dma_semaphore, #tpu.memory_space<semaphore_mem>>) src(%dma_wait3A_205 : memref<10240x128xf32, #tpu.memory_space<hbm>>) dst(%arg10 : memref<128x128xf32, #tpu.memory_space<vmem>>)
        %dma_start3A_206 = arith.constant 12 : i32
        %dma_start3A_207 = arith.constant 0 : i32
        %dma_start3A_208 = tpu.memref_slice %arg7[%dma_start3A_206, %dma_start3A_207] : memref<16x128xi32, #tpu.memory_space<vmem>> -> memref<1x128xi32, #tpu.memory_space<vmem>>
        %dma_start3A_209 = tpu.memref_squeeze %dma_start3A_208 : memref<1x128xi32, #tpu.memory_space<vmem>> -> memref<128xi32, #tpu.memory_space<vmem>>
        %dma_start3A_210 = arith.constant 0 : i32
        %dma_start3A_211 = arith.constant 0 : i32
        %dma_start3A_212 = tpu.memref_slice %arg2[%dma_start3A_210, %dma_start3A_211] : memref<10240x128xf32, #tpu.memory_space<hbm>> -> memref<10240x128xf32, #tpu.memory_space<hbm>>
        tpu.enqueue_indirect_dma source(%dma_start3A_212 : memref<10240x128xf32, #tpu.memory_space<hbm>>) target(%arg9 : memref<128x128xf32, #tpu.memory_space<vmem>>) offsets(%dma_start3A_209 : memref<128xi32, #tpu.memory_space<vmem>>) semaphore(%arg12 : memref<!tpu.dma_semaphore, #tpu.memory_space<semaphore_mem>>)
        %run_scoped3A_213 = arith.constant 11 : i32
        "tpu.region"() ({
          %run_scoped3A_267 = tpu.sem_alloc : memref<!tpu.dma_semaphore, #tpu.memory_space<semaphore_mem>>
          %dma_start3A_268 = arith.constant 0 : i32
          %dma_start3A_269 = tpu.memref_slice %arg8[%run_scoped3A_213, %dma_start3A_268] : memref<16x128xi32, #tpu.memory_space<vmem>> -> memref<1x128xi32, #tpu.memory_space<vmem>>
          %dma_start3A_270 = tpu.memref_squeeze %dma_start3A_269 : memref<1x128xi32, #tpu.memory_space<vmem>> -> memref<128xi32, #tpu.memory_space<vmem>>
          %dma_start3A_271 = arith.constant 0 : i32
          %dma_start3A_272 = arith.constant 0 : i32
          %dma_start3A_273 = tpu.memref_slice %arg11[%dma_start3A_271, %dma_start3A_272] : memref<10240x128xf32, #tpu.memory_space<vmem_shared>> -> memref<10240x128xf32, #tpu.memory_space<vmem_shared>>
          tpu.enqueue_indirect_dma source(%arg10 : memref<128x128xf32, #tpu.memory_space<vmem>>) target(%dma_start3A_273 : memref<10240x128xf32, #tpu.memory_space<vmem_shared>>) offsets(%dma_start3A_270 : memref<128xi32, #tpu.memory_space<vmem>>) semaphore(%run_scoped3A_267 : memref<!tpu.dma_semaphore, #tpu.memory_space<semaphore_mem>>) {add = true}
          %dma_wait3A_274 = arith.constant 0 : i32
          %dma_wait3A_275 = tpu.memref_slice %arg8[%run_scoped3A_213, %dma_wait3A_274] : memref<16x128xi32, #tpu.memory_space<vmem>> -> memref<1x128xi32, #tpu.memory_space<vmem>>
          %dma_wait3A_276 = tpu.memref_squeeze %dma_wait3A_275 : memref<1x128xi32, #tpu.memory_space<vmem>> -> memref<128xi32, #tpu.memory_space<vmem>>
          %dma_wait3A_277 = arith.constant 0 : i32
          %dma_wait3A_278 = arith.constant 0 : i32
          %dma_wait3A_279 = tpu.memref_slice %arg11[%dma_wait3A_277, %dma_wait3A_278] : memref<10240x128xf32, #tpu.memory_space<vmem_shared>> -> memref<10240x128xf32, #tpu.memory_space<vmem_shared>>
          tpu.wait_indirect_dma semaphore(%run_scoped3A_267 : memref<!tpu.dma_semaphore, #tpu.memory_space<semaphore_mem>>) src(%arg10 : memref<128x128xf32, #tpu.memory_space<vmem>>) dst(%dma_wait3A_279 : memref<10240x128xf32, #tpu.memory_space<vmem_shared>>)
          tpu.yield
        }) : () -> ()
        %dma_wait3A_214 = arith.constant 12 : i32
        %dma_wait3A_215 = arith.constant 0 : i32
        %dma_wait3A_216 = tpu.memref_slice %arg7[%dma_wait3A_214, %dma_wait3A_215] : memref<16x128xi32, #tpu.memory_space<vmem>> -> memref<1x128xi32, #tpu.memory_space<vmem>>
        %dma_wait3A_217 = tpu.memref_squeeze %dma_wait3A_216 : memref<1x128xi32, #tpu.memory_space<vmem>> -> memref<128xi32, #tpu.memory_space<vmem>>
        %dma_wait3A_218 = arith.constant 0 : i32
        %dma_wait3A_219 = arith.constant 0 : i32
        %dma_wait3A_220 = tpu.memref_slice %arg2[%dma_wait3A_218, %dma_wait3A_219] : memref<10240x128xf32, #tpu.memory_space<hbm>> -> memref<10240x128xf32, #tpu.memory_space<hbm>>
        tpu.wait_indirect_dma semaphore(%arg12 : memref<!tpu.dma_semaphore, #tpu.memory_space<semaphore_mem>>) src(%dma_wait3A_220 : memref<10240x128xf32, #tpu.memory_space<hbm>>) dst(%arg9 : memref<128x128xf32, #tpu.memory_space<vmem>>)
        %dma_start3A_221 = arith.constant 13 : i32
        %dma_start3A_222 = arith.constant 0 : i32
        %dma_start3A_223 = tpu.memref_slice %arg7[%dma_start3A_221, %dma_start3A_222] : memref<16x128xi32, #tpu.memory_space<vmem>> -> memref<1x128xi32, #tpu.memory_space<vmem>>
        %dma_start3A_224 = tpu.memref_squeeze %dma_start3A_223 : memref<1x128xi32, #tpu.memory_space<vmem>> -> memref<128xi32, #tpu.memory_space<vmem>>
        %dma_start3A_225 = arith.constant 0 : i32
        %dma_start3A_226 = arith.constant 0 : i32
        %dma_start3A_227 = tpu.memref_slice %arg2[%dma_start3A_225, %dma_start3A_226] : memref<10240x128xf32, #tpu.memory_space<hbm>> -> memref<10240x128xf32, #tpu.memory_space<hbm>>
        tpu.enqueue_indirect_dma source(%dma_start3A_227 : memref<10240x128xf32, #tpu.memory_space<hbm>>) target(%arg10 : memref<128x128xf32, #tpu.memory_space<vmem>>) offsets(%dma_start3A_224 : memref<128xi32, #tpu.memory_space<vmem>>) semaphore(%arg13 : memref<!tpu.dma_semaphore, #tpu.memory_space<semaphore_mem>>)
        %run_scoped3A_228 = arith.constant 12 : i32
        "tpu.region"() ({
          %run_scoped3A_267 = tpu.sem_alloc : memref<!tpu.dma_semaphore, #tpu.memory_space<semaphore_mem>>
          %dma_start3A_268 = arith.constant 0 : i32
          %dma_start3A_269 = tpu.memref_slice %arg8[%run_scoped3A_228, %dma_start3A_268] : memref<16x128xi32, #tpu.memory_space<vmem>> -> memref<1x128xi32, #tpu.memory_space<vmem>>
          %dma_start3A_270 = tpu.memref_squeeze %dma_start3A_269 : memref<1x128xi32, #tpu.memory_space<vmem>> -> memref<128xi32, #tpu.memory_space<vmem>>
          %dma_start3A_271 = arith.constant 0 : i32
          %dma_start3A_272 = arith.constant 0 : i32
          %dma_start3A_273 = tpu.memref_slice %arg11[%dma_start3A_271, %dma_start3A_272] : memref<10240x128xf32, #tpu.memory_space<vmem_shared>> -> memref<10240x128xf32, #tpu.memory_space<vmem_shared>>
          tpu.enqueue_indirect_dma source(%arg9 : memref<128x128xf32, #tpu.memory_space<vmem>>) target(%dma_start3A_273 : memref<10240x128xf32, #tpu.memory_space<vmem_shared>>) offsets(%dma_start3A_270 : memref<128xi32, #tpu.memory_space<vmem>>) semaphore(%run_scoped3A_267 : memref<!tpu.dma_semaphore, #tpu.memory_space<semaphore_mem>>) {add = true}
          %dma_wait3A_274 = arith.constant 0 : i32
          %dma_wait3A_275 = tpu.memref_slice %arg8[%run_scoped3A_228, %dma_wait3A_274] : memref<16x128xi32, #tpu.memory_space<vmem>> -> memref<1x128xi32, #tpu.memory_space<vmem>>
          %dma_wait3A_276 = tpu.memref_squeeze %dma_wait3A_275 : memref<1x128xi32, #tpu.memory_space<vmem>> -> memref<128xi32, #tpu.memory_space<vmem>>
          %dma_wait3A_277 = arith.constant 0 : i32
          %dma_wait3A_278 = arith.constant 0 : i32
          %dma_wait3A_279 = tpu.memref_slice %arg11[%dma_wait3A_277, %dma_wait3A_278] : memref<10240x128xf32, #tpu.memory_space<vmem_shared>> -> memref<10240x128xf32, #tpu.memory_space<vmem_shared>>
          tpu.wait_indirect_dma semaphore(%run_scoped3A_267 : memref<!tpu.dma_semaphore, #tpu.memory_space<semaphore_mem>>) src(%arg9 : memref<128x128xf32, #tpu.memory_space<vmem>>) dst(%dma_wait3A_279 : memref<10240x128xf32, #tpu.memory_space<vmem_shared>>)
          tpu.yield
        }) : () -> ()
        %dma_wait3A_229 = arith.constant 13 : i32
        %dma_wait3A_230 = arith.constant 0 : i32
        %dma_wait3A_231 = tpu.memref_slice %arg7[%dma_wait3A_229, %dma_wait3A_230] : memref<16x128xi32, #tpu.memory_space<vmem>> -> memref<1x128xi32, #tpu.memory_space<vmem>>
        %dma_wait3A_232 = tpu.memref_squeeze %dma_wait3A_231 : memref<1x128xi32, #tpu.memory_space<vmem>> -> memref<128xi32, #tpu.memory_space<vmem>>
        %dma_wait3A_233 = arith.constant 0 : i32
        %dma_wait3A_234 = arith.constant 0 : i32
        %dma_wait3A_235 = tpu.memref_slice %arg2[%dma_wait3A_233, %dma_wait3A_234] : memref<10240x128xf32, #tpu.memory_space<hbm>> -> memref<10240x128xf32, #tpu.memory_space<hbm>>
        tpu.wait_indirect_dma semaphore(%arg13 : memref<!tpu.dma_semaphore, #tpu.memory_space<semaphore_mem>>) src(%dma_wait3A_235 : memref<10240x128xf32, #tpu.memory_space<hbm>>) dst(%arg10 : memref<128x128xf32, #tpu.memory_space<vmem>>)
        %dma_start3A_236 = arith.constant 14 : i32
        %dma_start3A_237 = arith.constant 0 : i32
        %dma_start3A_238 = tpu.memref_slice %arg7[%dma_start3A_236, %dma_start3A_237] : memref<16x128xi32, #tpu.memory_space<vmem>> -> memref<1x128xi32, #tpu.memory_space<vmem>>
        %dma_start3A_239 = tpu.memref_squeeze %dma_start3A_238 : memref<1x128xi32, #tpu.memory_space<vmem>> -> memref<128xi32, #tpu.memory_space<vmem>>
        %dma_start3A_240 = arith.constant 0 : i32
        %dma_start3A_241 = arith.constant 0 : i32
        %dma_start3A_242 = tpu.memref_slice %arg2[%dma_start3A_240, %dma_start3A_241] : memref<10240x128xf32, #tpu.memory_space<hbm>> -> memref<10240x128xf32, #tpu.memory_space<hbm>>
        tpu.enqueue_indirect_dma source(%dma_start3A_242 : memref<10240x128xf32, #tpu.memory_space<hbm>>) target(%arg9 : memref<128x128xf32, #tpu.memory_space<vmem>>) offsets(%dma_start3A_239 : memref<128xi32, #tpu.memory_space<vmem>>) semaphore(%arg12 : memref<!tpu.dma_semaphore, #tpu.memory_space<semaphore_mem>>)
        %run_scoped3A_243 = arith.constant 13 : i32
        "tpu.region"() ({
          %run_scoped3A_267 = tpu.sem_alloc : memref<!tpu.dma_semaphore, #tpu.memory_space<semaphore_mem>>
          %dma_start3A_268 = arith.constant 0 : i32
          %dma_start3A_269 = tpu.memref_slice %arg8[%run_scoped3A_243, %dma_start3A_268] : memref<16x128xi32, #tpu.memory_space<vmem>> -> memref<1x128xi32, #tpu.memory_space<vmem>>
          %dma_start3A_270 = tpu.memref_squeeze %dma_start3A_269 : memref<1x128xi32, #tpu.memory_space<vmem>> -> memref<128xi32, #tpu.memory_space<vmem>>
          %dma_start3A_271 = arith.constant 0 : i32
          %dma_start3A_272 = arith.constant 0 : i32
          %dma_start3A_273 = tpu.memref_slice %arg11[%dma_start3A_271, %dma_start3A_272] : memref<10240x128xf32, #tpu.memory_space<vmem_shared>> -> memref<10240x128xf32, #tpu.memory_space<vmem_shared>>
          tpu.enqueue_indirect_dma source(%arg10 : memref<128x128xf32, #tpu.memory_space<vmem>>) target(%dma_start3A_273 : memref<10240x128xf32, #tpu.memory_space<vmem_shared>>) offsets(%dma_start3A_270 : memref<128xi32, #tpu.memory_space<vmem>>) semaphore(%run_scoped3A_267 : memref<!tpu.dma_semaphore, #tpu.memory_space<semaphore_mem>>) {add = true}
          %dma_wait3A_274 = arith.constant 0 : i32
          %dma_wait3A_275 = tpu.memref_slice %arg8[%run_scoped3A_243, %dma_wait3A_274] : memref<16x128xi32, #tpu.memory_space<vmem>> -> memref<1x128xi32, #tpu.memory_space<vmem>>
          %dma_wait3A_276 = tpu.memref_squeeze %dma_wait3A_275 : memref<1x128xi32, #tpu.memory_space<vmem>> -> memref<128xi32, #tpu.memory_space<vmem>>
          %dma_wait3A_277 = arith.constant 0 : i32
          %dma_wait3A_278 = arith.constant 0 : i32
          %dma_wait3A_279 = tpu.memref_slice %arg11[%dma_wait3A_277, %dma_wait3A_278] : memref<10240x128xf32, #tpu.memory_space<vmem_shared>> -> memref<10240x128xf32, #tpu.memory_space<vmem_shared>>
          tpu.wait_indirect_dma semaphore(%run_scoped3A_267 : memref<!tpu.dma_semaphore, #tpu.memory_space<semaphore_mem>>) src(%arg10 : memref<128x128xf32, #tpu.memory_space<vmem>>) dst(%dma_wait3A_279 : memref<10240x128xf32, #tpu.memory_space<vmem_shared>>)
          tpu.yield
        }) : () -> ()
        %dma_wait3A_244 = arith.constant 14 : i32
        %dma_wait3A_245 = arith.constant 0 : i32
        %dma_wait3A_246 = tpu.memref_slice %arg7[%dma_wait3A_244, %dma_wait3A_245] : memref<16x128xi32, #tpu.memory_space<vmem>> -> memref<1x128xi32, #tpu.memory_space<vmem>>
        %dma_wait3A_247 = tpu.memref_squeeze %dma_wait3A_246 : memref<1x128xi32, #tpu.memory_space<vmem>> -> memref<128xi32, #tpu.memory_space<vmem>>
        %dma_wait3A_248 = arith.constant 0 : i32
        %dma_wait3A_249 = arith.constant 0 : i32
        %dma_wait3A_250 = tpu.memref_slice %arg2[%dma_wait3A_248, %dma_wait3A_249] : memref<10240x128xf32, #tpu.memory_space<hbm>> -> memref<10240x128xf32, #tpu.memory_space<hbm>>
        tpu.wait_indirect_dma semaphore(%arg12 : memref<!tpu.dma_semaphore, #tpu.memory_space<semaphore_mem>>) src(%dma_wait3A_250 : memref<10240x128xf32, #tpu.memory_space<hbm>>) dst(%arg9 : memref<128x128xf32, #tpu.memory_space<vmem>>)
        %dma_start3A_251 = arith.constant 15 : i32
        %dma_start3A_252 = arith.constant 0 : i32
        %dma_start3A_253 = tpu.memref_slice %arg7[%dma_start3A_251, %dma_start3A_252] : memref<16x128xi32, #tpu.memory_space<vmem>> -> memref<1x128xi32, #tpu.memory_space<vmem>>
        %dma_start3A_254 = tpu.memref_squeeze %dma_start3A_253 : memref<1x128xi32, #tpu.memory_space<vmem>> -> memref<128xi32, #tpu.memory_space<vmem>>
        %dma_start3A_255 = arith.constant 0 : i32
        %dma_start3A_256 = arith.constant 0 : i32
        %dma_start3A_257 = tpu.memref_slice %arg2[%dma_start3A_255, %dma_start3A_256] : memref<10240x128xf32, #tpu.memory_space<hbm>> -> memref<10240x128xf32, #tpu.memory_space<hbm>>
        tpu.enqueue_indirect_dma source(%dma_start3A_257 : memref<10240x128xf32, #tpu.memory_space<hbm>>) target(%arg10 : memref<128x128xf32, #tpu.memory_space<vmem>>) offsets(%dma_start3A_254 : memref<128xi32, #tpu.memory_space<vmem>>) semaphore(%arg13 : memref<!tpu.dma_semaphore, #tpu.memory_space<semaphore_mem>>)
        %run_scoped3A_258 = arith.constant 14 : i32
        "tpu.region"() ({
          %run_scoped3A_267 = tpu.sem_alloc : memref<!tpu.dma_semaphore, #tpu.memory_space<semaphore_mem>>
          %dma_start3A_268 = arith.constant 0 : i32
          %dma_start3A_269 = tpu.memref_slice %arg8[%run_scoped3A_258, %dma_start3A_268] : memref<16x128xi32, #tpu.memory_space<vmem>> -> memref<1x128xi32, #tpu.memory_space<vmem>>
          %dma_start3A_270 = tpu.memref_squeeze %dma_start3A_269 : memref<1x128xi32, #tpu.memory_space<vmem>> -> memref<128xi32, #tpu.memory_space<vmem>>
          %dma_start3A_271 = arith.constant 0 : i32
          %dma_start3A_272 = arith.constant 0 : i32
          %dma_start3A_273 = tpu.memref_slice %arg11[%dma_start3A_271, %dma_start3A_272] : memref<10240x128xf32, #tpu.memory_space<vmem_shared>> -> memref<10240x128xf32, #tpu.memory_space<vmem_shared>>
          tpu.enqueue_indirect_dma source(%arg9 : memref<128x128xf32, #tpu.memory_space<vmem>>) target(%dma_start3A_273 : memref<10240x128xf32, #tpu.memory_space<vmem_shared>>) offsets(%dma_start3A_270 : memref<128xi32, #tpu.memory_space<vmem>>) semaphore(%run_scoped3A_267 : memref<!tpu.dma_semaphore, #tpu.memory_space<semaphore_mem>>) {add = true}
          %dma_wait3A_274 = arith.constant 0 : i32
          %dma_wait3A_275 = tpu.memref_slice %arg8[%run_scoped3A_258, %dma_wait3A_274] : memref<16x128xi32, #tpu.memory_space<vmem>> -> memref<1x128xi32, #tpu.memory_space<vmem>>
          %dma_wait3A_276 = tpu.memref_squeeze %dma_wait3A_275 : memref<1x128xi32, #tpu.memory_space<vmem>> -> memref<128xi32, #tpu.memory_space<vmem>>
          %dma_wait3A_277 = arith.constant 0 : i32
          %dma_wait3A_278 = arith.constant 0 : i32
          %dma_wait3A_279 = tpu.memref_slice %arg11[%dma_wait3A_277, %dma_wait3A_278] : memref<10240x128xf32, #tpu.memory_space<vmem_shared>> -> memref<10240x128xf32, #tpu.memory_space<vmem_shared>>
          tpu.wait_indirect_dma semaphore(%run_scoped3A_267 : memref<!tpu.dma_semaphore, #tpu.memory_space<semaphore_mem>>) src(%arg9 : memref<128x128xf32, #tpu.memory_space<vmem>>) dst(%dma_wait3A_279 : memref<10240x128xf32, #tpu.memory_space<vmem_shared>>)
          tpu.yield
        }) : () -> ()
        %dma_wait3A_259 = arith.constant 15 : i32
        %dma_wait3A_260 = arith.constant 0 : i32
        %dma_wait3A_261 = tpu.memref_slice %arg7[%dma_wait3A_259, %dma_wait3A_260] : memref<16x128xi32, #tpu.memory_space<vmem>> -> memref<1x128xi32, #tpu.memory_space<vmem>>
        %dma_wait3A_262 = tpu.memref_squeeze %dma_wait3A_261 : memref<1x128xi32, #tpu.memory_space<vmem>> -> memref<128xi32, #tpu.memory_space<vmem>>
        %dma_wait3A_263 = arith.constant 0 : i32
        %dma_wait3A_264 = arith.constant 0 : i32
        %dma_wait3A_265 = tpu.memref_slice %arg2[%dma_wait3A_263, %dma_wait3A_264] : memref<10240x128xf32, #tpu.memory_space<hbm>> -> memref<10240x128xf32, #tpu.memory_space<hbm>>
        tpu.wait_indirect_dma semaphore(%arg13 : memref<!tpu.dma_semaphore, #tpu.memory_space<semaphore_mem>>) src(%dma_wait3A_265 : memref<10240x128xf32, #tpu.memory_space<hbm>>) dst(%arg10 : memref<128x128xf32, #tpu.memory_space<vmem>>)
        %run_scoped3A_266 = arith.constant 15 : i32
        "tpu.region"() ({
          %run_scoped3A_267 = tpu.sem_alloc : memref<!tpu.dma_semaphore, #tpu.memory_space<semaphore_mem>>
          %dma_start3A_268 = arith.constant 0 : i32
          %dma_start3A_269 = tpu.memref_slice %arg8[%run_scoped3A_266, %dma_start3A_268] : memref<16x128xi32, #tpu.memory_space<vmem>> -> memref<1x128xi32, #tpu.memory_space<vmem>>
          %dma_start3A_270 = tpu.memref_squeeze %dma_start3A_269 : memref<1x128xi32, #tpu.memory_space<vmem>> -> memref<128xi32, #tpu.memory_space<vmem>>
          %dma_start3A_271 = arith.constant 0 : i32
          %dma_start3A_272 = arith.constant 0 : i32
          %dma_start3A_273 = tpu.memref_slice %arg11[%dma_start3A_271, %dma_start3A_272] : memref<10240x128xf32, #tpu.memory_space<vmem_shared>> -> memref<10240x128xf32, #tpu.memory_space<vmem_shared>>
          tpu.enqueue_indirect_dma source(%arg10 : memref<128x128xf32, #tpu.memory_space<vmem>>) target(%dma_start3A_273 : memref<10240x128xf32, #tpu.memory_space<vmem_shared>>) offsets(%dma_start3A_270 : memref<128xi32, #tpu.memory_space<vmem>>) semaphore(%run_scoped3A_267 : memref<!tpu.dma_semaphore, #tpu.memory_space<semaphore_mem>>) {add = true}
          %dma_wait3A_274 = arith.constant 0 : i32
          %dma_wait3A_275 = tpu.memref_slice %arg8[%run_scoped3A_266, %dma_wait3A_274] : memref<16x128xi32, #tpu.memory_space<vmem>> -> memref<1x128xi32, #tpu.memory_space<vmem>>
          %dma_wait3A_276 = tpu.memref_squeeze %dma_wait3A_275 : memref<1x128xi32, #tpu.memory_space<vmem>> -> memref<128xi32, #tpu.memory_space<vmem>>
          %dma_wait3A_277 = arith.constant 0 : i32
          %dma_wait3A_278 = arith.constant 0 : i32
          %dma_wait3A_279 = tpu.memref_slice %arg11[%dma_wait3A_277, %dma_wait3A_278] : memref<10240x128xf32, #tpu.memory_space<vmem_shared>> -> memref<10240x128xf32, #tpu.memory_space<vmem_shared>>
          tpu.wait_indirect_dma semaphore(%run_scoped3A_267 : memref<!tpu.dma_semaphore, #tpu.memory_space<semaphore_mem>>) src(%arg10 : memref<128x128xf32, #tpu.memory_space<vmem>>) dst(%dma_wait3A_279 : memref<10240x128xf32, #tpu.memory_space<vmem_shared>>)
          tpu.yield
        }) : () -> ()
      }
      %scan3A_28 = arith.constant 10 : i32
    } else {
    }
    %eq3A_15 = arith.constant 1 : i32
    %eq3A_16 = arith.cmpi eq, %arg0, %eq3A_15 : i32
    %convert_element_type3A_17 = arith.extui %eq3A_16 : i1 to i32
    %cond3A_18 = arith.constant 0 : i32
    %cond3A_19 = arith.cmpi ne, %convert_element_type3A_17, %cond3A_18 : i32
    scf.if %cond3A_19 {
      %scan3A_23 = arith.constant 0 : i32
      %scan3A_24 = arith.constant 0 : i32
      %scan3A_25 = arith.constant 10 : i32
      %scan3A_26 = arith.addi %scan3A_24, %scan3A_25 : i32
      %scan3A_27 = arith.constant 1 : i32
      scf.for %scan3A_29 = %scan3A_24 to %scan3A_26 step %scan3A_27  : i32 {
        "tpu.region"() ({
          %run_scoped3A_267 = tpu.sem_alloc : memref<!tpu.dma_semaphore, #tpu.memory_space<semaphore_mem>>
          %dma_start3A_268 = arith.constant 0 : i32
          %dma_start3A_269 = arith.constant 0 : i32
          %dma_start3A_270 = tpu.memref_slice %arg4[%arg1, %scan3A_29, %dma_start3A_268, %dma_start3A_269] : memref<16x10x16x128xi32, #tpu.memory_space<hbm>> -> memref<1x1x16x128xi32, #tpu.memory_space<hbm>>
          %dma_start3A_271 = tpu.memref_squeeze %dma_start3A_270 : memref<1x1x16x128xi32, #tpu.memory_space<hbm>> -> memref<16x128xi32, #tpu.memory_space<hbm>>
          %dma_start3A_272 = arith.constant 0 : i32
          %dma_start3A_273 = arith.constant 0 : i32
          %dma_start3A_274 = tpu.memref_slice %arg4[%arg1, %scan3A_29, %dma_start3A_272, %dma_start3A_273] : memref<16x10x16x128xi32, #tpu.memory_space<hbm>> -> memref<1x1x16x128xi32, #tpu.memory_space<hbm>>
          %dma_start3A_275 = tpu.memref_squeeze %dma_start3A_274 : memref<1x1x16x128xi32, #tpu.memory_space<hbm>> -> memref<16x128xi32, #tpu.memory_space<hbm>>
          tpu.enqueue_dma source(%dma_start3A_275 : memref<16x128xi32, #tpu.memory_space<hbm>>) target(%arg7 : memref<16x128xi32, #tpu.memory_space<vmem>>) target_semaphore(%run_scoped3A_267 : memref<!tpu.dma_semaphore, #tpu.memory_space<semaphore_mem>>)
          %dma_wait3A_276 = arith.constant 0 : i32
          %dma_wait3A_277 = arith.constant 0 : i32
          %dma_wait3A_278 = tpu.memref_slice %arg4[%arg1, %scan3A_29, %dma_wait3A_276, %dma_wait3A_277] : memref<16x10x16x128xi32, #tpu.memory_space<hbm>> -> memref<1x1x16x128xi32, #tpu.memory_space<hbm>>
          %dma_wait3A_279 = tpu.memref_squeeze %dma_wait3A_278 : memref<1x1x16x128xi32, #tpu.memory_space<hbm>> -> memref<16x128xi32, #tpu.memory_space<hbm>>
          %dma_wait3A_280 = arith.constant 0 : i32
          %dma_wait3A_281 = arith.constant 0 : i32
          %dma_wait3A_282 = tpu.memref_slice %arg4[%arg1, %scan3A_29, %dma_wait3A_280, %dma_wait3A_281] : memref<16x10x16x128xi32, #tpu.memory_space<hbm>> -> memref<1x1x16x128xi32, #tpu.memory_space<hbm>>
          %dma_wait3A_283 = tpu.memref_squeeze %dma_wait3A_282 : memref<1x1x16x128xi32, #tpu.memory_space<hbm>> -> memref<16x128xi32, #tpu.memory_space<hbm>>
          tpu.wait_dma2 semaphore(%run_scoped3A_267 : memref<!tpu.dma_semaphore, #tpu.memory_space<semaphore_mem>>) src(%dma_wait3A_283 : memref<16x128xi32, #tpu.memory_space<hbm>>) dst(%arg7 : memref<16x128xi32, #tpu.memory_space<vmem>>)
          tpu.yield
        }) : () -> ()
        "tpu.region"() ({
          %run_scoped3A_267 = tpu.sem_alloc : memref<!tpu.dma_semaphore, #tpu.memory_space<semaphore_mem>>
          %dma_start3A_268 = arith.constant 0 : i32
          %dma_start3A_269 = arith.constant 0 : i32
          %dma_start3A_270 = tpu.memref_slice %arg5[%arg1, %scan3A_29, %dma_start3A_268, %dma_start3A_269] : memref<16x10x16x128xi32, #tpu.memory_space<hbm>> -> memref<1x1x16x128xi32, #tpu.memory_space<hbm>>
          %dma_start3A_271 = tpu.memref_squeeze %dma_start3A_270 : memref<1x1x16x128xi32, #tpu.memory_space<hbm>> -> memref<16x128xi32, #tpu.memory_space<hbm>>
          %dma_start3A_272 = arith.constant 0 : i32
          %dma_start3A_273 = arith.constant 0 : i32
          %dma_start3A_274 = tpu.memref_slice %arg5[%arg1, %scan3A_29, %dma_start3A_272, %dma_start3A_273] : memref<16x10x16x128xi32, #tpu.memory_space<hbm>> -> memref<1x1x16x128xi32, #tpu.memory_space<hbm>>
          %dma_start3A_275 = tpu.memref_squeeze %dma_start3A_274 : memref<1x1x16x128xi32, #tpu.memory_space<hbm>> -> memref<16x128xi32, #tpu.memory_space<hbm>>
          tpu.enqueue_dma source(%dma_start3A_275 : memref<16x128xi32, #tpu.memory_space<hbm>>) target(%arg8 : memref<16x128xi32, #tpu.memory_space<vmem>>) target_semaphore(%run_scoped3A_267 : memref<!tpu.dma_semaphore, #tpu.memory_space<semaphore_mem>>)
          %dma_wait3A_276 = arith.constant 0 : i32
          %dma_wait3A_277 = arith.constant 0 : i32
          %dma_wait3A_278 = tpu.memref_slice %arg5[%arg1, %scan3A_29, %dma_wait3A_276, %dma_wait3A_277] : memref<16x10x16x128xi32, #tpu.memory_space<hbm>> -> memref<1x1x16x128xi32, #tpu.memory_space<hbm>>
          %dma_wait3A_279 = tpu.memref_squeeze %dma_wait3A_278 : memref<1x1x16x128xi32, #tpu.memory_space<hbm>> -> memref<16x128xi32, #tpu.memory_space<hbm>>
          %dma_wait3A_280 = arith.constant 0 : i32
          %dma_wait3A_281 = arith.constant 0 : i32
          %dma_wait3A_282 = tpu.memref_slice %arg5[%arg1, %scan3A_29, %dma_wait3A_280, %dma_wait3A_281] : memref<16x10x16x128xi32, #tpu.memory_space<hbm>> -> memref<1x1x16x128xi32, #tpu.memory_space<hbm>>
          %dma_wait3A_283 = tpu.memref_squeeze %dma_wait3A_282 : memref<1x1x16x128xi32, #tpu.memory_space<hbm>> -> memref<16x128xi32, #tpu.memory_space<hbm>>
          tpu.wait_dma2 semaphore(%run_scoped3A_267 : memref<!tpu.dma_semaphore, #tpu.memory_space<semaphore_mem>>) src(%dma_wait3A_283 : memref<16x128xi32, #tpu.memory_space<hbm>>) dst(%arg8 : memref<16x128xi32, #tpu.memory_space<vmem>>)
          tpu.yield
        }) : () -> ()
        %dma_start3A = arith.constant 0 : i32
        %dma_start3A_30 = arith.constant 0 : i32
        %dma_start3A_31 = tpu.memref_slice %arg7[%dma_start3A, %dma_start3A_30] : memref<16x128xi32, #tpu.memory_space<vmem>> -> memref<1x128xi32, #tpu.memory_space<vmem>>
        %dma_start3A_32 = tpu.memref_squeeze %dma_start3A_31 : memref<1x128xi32, #tpu.memory_space<vmem>> -> memref<128xi32, #tpu.memory_space<vmem>>
        %dma_start3A_33 = arith.constant 0 : i32
        %dma_start3A_34 = arith.constant 0 : i32
        %dma_start3A_35 = tpu.memref_slice %arg3[%dma_start3A_33, %dma_start3A_34] : memref<10240x128xf32, #tpu.memory_space<hbm>> -> memref<10240x128xf32, #tpu.memory_space<hbm>>
        tpu.enqueue_indirect_dma source(%dma_start3A_35 : memref<10240x128xf32, #tpu.memory_space<hbm>>) target(%arg9 : memref<128x128xf32, #tpu.memory_space<vmem>>) offsets(%dma_start3A_32 : memref<128xi32, #tpu.memory_space<vmem>>) semaphore(%arg12 : memref<!tpu.dma_semaphore, #tpu.memory_space<semaphore_mem>>)
        %dma_wait3A = arith.constant 0 : i32
        %dma_wait3A_36 = arith.constant 0 : i32
        %dma_wait3A_37 = tpu.memref_slice %arg7[%dma_wait3A, %dma_wait3A_36] : memref<16x128xi32, #tpu.memory_space<vmem>> -> memref<1x128xi32, #tpu.memory_space<vmem>>
        %dma_wait3A_38 = tpu.memref_squeeze %dma_wait3A_37 : memref<1x128xi32, #tpu.memory_space<vmem>> -> memref<128xi32, #tpu.memory_space<vmem>>
        %dma_wait3A_39 = arith.constant 0 : i32
        %dma_wait3A_40 = arith.constant 0 : i32
        %dma_wait3A_41 = tpu.memref_slice %arg3[%dma_wait3A_39, %dma_wait3A_40] : memref<10240x128xf32, #tpu.memory_space<hbm>> -> memref<10240x128xf32, #tpu.memory_space<hbm>>
        tpu.wait_indirect_dma semaphore(%arg12 : memref<!tpu.dma_semaphore, #tpu.memory_space<semaphore_mem>>) src(%dma_wait3A_41 : memref<10240x128xf32, #tpu.memory_space<hbm>>) dst(%arg9 : memref<128x128xf32, #tpu.memory_space<vmem>>)
        %dma_start3A_42 = arith.constant 1 : i32
        %dma_start3A_43 = arith.constant 0 : i32
        %dma_start3A_44 = tpu.memref_slice %arg7[%dma_start3A_42, %dma_start3A_43] : memref<16x128xi32, #tpu.memory_space<vmem>> -> memref<1x128xi32, #tpu.memory_space<vmem>>
        %dma_start3A_45 = tpu.memref_squeeze %dma_start3A_44 : memref<1x128xi32, #tpu.memory_space<vmem>> -> memref<128xi32, #tpu.memory_space<vmem>>
        %dma_start3A_46 = arith.constant 0 : i32
        %dma_start3A_47 = arith.constant 0 : i32
        %dma_start3A_48 = tpu.memref_slice %arg3[%dma_start3A_46, %dma_start3A_47] : memref<10240x128xf32, #tpu.memory_space<hbm>> -> memref<10240x128xf32, #tpu.memory_space<hbm>>
        tpu.enqueue_indirect_dma source(%dma_start3A_48 : memref<10240x128xf32, #tpu.memory_space<hbm>>) target(%arg10 : memref<128x128xf32, #tpu.memory_space<vmem>>) offsets(%dma_start3A_45 : memref<128xi32, #tpu.memory_space<vmem>>) semaphore(%arg13 : memref<!tpu.dma_semaphore, #tpu.memory_space<semaphore_mem>>)
        %run_scoped3A = arith.constant 0 : i32
        "tpu.region"() ({
          %run_scoped3A_267 = tpu.sem_alloc : memref<!tpu.dma_semaphore, #tpu.memory_space<semaphore_mem>>
          %dma_start3A_268 = arith.constant 0 : i32
          %dma_start3A_269 = tpu.memref_slice %arg8[%run_scoped3A, %dma_start3A_268] : memref<16x128xi32, #tpu.memory_space<vmem>> -> memref<1x128xi32, #tpu.memory_space<vmem>>
          %dma_start3A_270 = tpu.memref_squeeze %dma_start3A_269 : memref<1x128xi32, #tpu.memory_space<vmem>> -> memref<128xi32, #tpu.memory_space<vmem>>
          %dma_start3A_271 = arith.constant 0 : i32
          %dma_start3A_272 = arith.constant 0 : i32
          %dma_start3A_273 = tpu.memref_slice %arg11[%dma_start3A_271, %dma_start3A_272] : memref<10240x128xf32, #tpu.memory_space<vmem_shared>> -> memref<10240x128xf32, #tpu.memory_space<vmem_shared>>
          tpu.enqueue_indirect_dma source(%arg9 : memref<128x128xf32, #tpu.memory_space<vmem>>) target(%dma_start3A_273 : memref<10240x128xf32, #tpu.memory_space<vmem_shared>>) offsets(%dma_start3A_270 : memref<128xi32, #tpu.memory_space<vmem>>) semaphore(%run_scoped3A_267 : memref<!tpu.dma_semaphore, #tpu.memory_space<semaphore_mem>>) {add = true}
          %dma_wait3A_274 = arith.constant 0 : i32
          %dma_wait3A_275 = tpu.memref_slice %arg8[%run_scoped3A, %dma_wait3A_274] : memref<16x128xi32, #tpu.memory_space<vmem>> -> memref<1x128xi32, #tpu.memory_space<vmem>>
          %dma_wait3A_276 = tpu.memref_squeeze %dma_wait3A_275 : memref<1x128xi32, #tpu.memory_space<vmem>> -> memref<128xi32, #tpu.memory_space<vmem>>
          %dma_wait3A_277 = arith.constant 0 : i32
          %dma_wait3A_278 = arith.constant 0 : i32
          %dma_wait3A_279 = tpu.memref_slice %arg11[%dma_wait3A_277, %dma_wait3A_278] : memref<10240x128xf32, #tpu.memory_space<vmem_shared>> -> memref<10240x128xf32, #tpu.memory_space<vmem_shared>>
          tpu.wait_indirect_dma semaphore(%run_scoped3A_267 : memref<!tpu.dma_semaphore, #tpu.memory_space<semaphore_mem>>) src(%arg9 : memref<128x128xf32, #tpu.memory_space<vmem>>) dst(%dma_wait3A_279 : memref<10240x128xf32, #tpu.memory_space<vmem_shared>>)
          tpu.yield
        }) : () -> ()
        %dma_wait3A_49 = arith.constant 1 : i32
        %dma_wait3A_50 = arith.constant 0 : i32
        %dma_wait3A_51 = tpu.memref_slice %arg7[%dma_wait3A_49, %dma_wait3A_50] : memref<16x128xi32, #tpu.memory_space<vmem>> -> memref<1x128xi32, #tpu.memory_space<vmem>>
        %dma_wait3A_52 = tpu.memref_squeeze %dma_wait3A_51 : memref<1x128xi32, #tpu.memory_space<vmem>> -> memref<128xi32, #tpu.memory_space<vmem>>
        %dma_wait3A_53 = arith.constant 0 : i32
        %dma_wait3A_54 = arith.constant 0 : i32
        %dma_wait3A_55 = tpu.memref_slice %arg3[%dma_wait3A_53, %dma_wait3A_54] : memref<10240x128xf32, #tpu.memory_space<hbm>> -> memref<10240x128xf32, #tpu.memory_space<hbm>>
        tpu.wait_indirect_dma semaphore(%arg13 : memref<!tpu.dma_semaphore, #tpu.memory_space<semaphore_mem>>) src(%dma_wait3A_55 : memref<10240x128xf32, #tpu.memory_space<hbm>>) dst(%arg10 : memref<128x128xf32, #tpu.memory_space<vmem>>)
        %dma_start3A_56 = arith.constant 2 : i32
        %dma_start3A_57 = arith.constant 0 : i32
        %dma_start3A_58 = tpu.memref_slice %arg7[%dma_start3A_56, %dma_start3A_57] : memref<16x128xi32, #tpu.memory_space<vmem>> -> memref<1x128xi32, #tpu.memory_space<vmem>>
        %dma_start3A_59 = tpu.memref_squeeze %dma_start3A_58 : memref<1x128xi32, #tpu.memory_space<vmem>> -> memref<128xi32, #tpu.memory_space<vmem>>
        %dma_start3A_60 = arith.constant 0 : i32
        %dma_start3A_61 = arith.constant 0 : i32
        %dma_start3A_62 = tpu.memref_slice %arg3[%dma_start3A_60, %dma_start3A_61] : memref<10240x128xf32, #tpu.memory_space<hbm>> -> memref<10240x128xf32, #tpu.memory_space<hbm>>
        tpu.enqueue_indirect_dma source(%dma_start3A_62 : memref<10240x128xf32, #tpu.memory_space<hbm>>) target(%arg9 : memref<128x128xf32, #tpu.memory_space<vmem>>) offsets(%dma_start3A_59 : memref<128xi32, #tpu.memory_space<vmem>>) semaphore(%arg12 : memref<!tpu.dma_semaphore, #tpu.memory_space<semaphore_mem>>)
        %run_scoped3A_63 = arith.constant 1 : i32
        "tpu.region"() ({
          %run_scoped3A_267 = tpu.sem_alloc : memref<!tpu.dma_semaphore, #tpu.memory_space<semaphore_mem>>
          %dma_start3A_268 = arith.constant 0 : i32
          %dma_start3A_269 = tpu.memref_slice %arg8[%run_scoped3A_63, %dma_start3A_268] : memref<16x128xi32, #tpu.memory_space<vmem>> -> memref<1x128xi32, #tpu.memory_space<vmem>>
          %dma_start3A_270 = tpu.memref_squeeze %dma_start3A_269 : memref<1x128xi32, #tpu.memory_space<vmem>> -> memref<128xi32, #tpu.memory_space<vmem>>
          %dma_start3A_271 = arith.constant 0 : i32
          %dma_start3A_272 = arith.constant 0 : i32
          %dma_start3A_273 = tpu.memref_slice %arg11[%dma_start3A_271, %dma_start3A_272] : memref<10240x128xf32, #tpu.memory_space<vmem_shared>> -> memref<10240x128xf32, #tpu.memory_space<vmem_shared>>
          tpu.enqueue_indirect_dma source(%arg10 : memref<128x128xf32, #tpu.memory_space<vmem>>) target(%dma_start3A_273 : memref<10240x128xf32, #tpu.memory_space<vmem_shared>>) offsets(%dma_start3A_270 : memref<128xi32, #tpu.memory_space<vmem>>) semaphore(%run_scoped3A_267 : memref<!tpu.dma_semaphore, #tpu.memory_space<semaphore_mem>>) {add = true}
          %dma_wait3A_274 = arith.constant 0 : i32
          %dma_wait3A_275 = tpu.memref_slice %arg8[%run_scoped3A_63, %dma_wait3A_274] : memref<16x128xi32, #tpu.memory_space<vmem>> -> memref<1x128xi32, #tpu.memory_space<vmem>>
          %dma_wait3A_276 = tpu.memref_squeeze %dma_wait3A_275 : memref<1x128xi32, #tpu.memory_space<vmem>> -> memref<128xi32, #tpu.memory_space<vmem>>
          %dma_wait3A_277 = arith.constant 0 : i32
          %dma_wait3A_278 = arith.constant 0 : i32
          %dma_wait3A_279 = tpu.memref_slice %arg11[%dma_wait3A_277, %dma_wait3A_278] : memref<10240x128xf32, #tpu.memory_space<vmem_shared>> -> memref<10240x128xf32, #tpu.memory_space<vmem_shared>>
          tpu.wait_indirect_dma semaphore(%run_scoped3A_267 : memref<!tpu.dma_semaphore, #tpu.memory_space<semaphore_mem>>) src(%arg10 : memref<128x128xf32, #tpu.memory_space<vmem>>) dst(%dma_wait3A_279 : memref<10240x128xf32, #tpu.memory_space<vmem_shared>>)
          tpu.yield
        }) : () -> ()
        %dma_wait3A_64 = arith.constant 2 : i32
        %dma_wait3A_65 = arith.constant 0 : i32
        %dma_wait3A_66 = tpu.memref_slice %arg7[%dma_wait3A_64, %dma_wait3A_65] : memref<16x128xi32, #tpu.memory_space<vmem>> -> memref<1x128xi32, #tpu.memory_space<vmem>>
        %dma_wait3A_67 = tpu.memref_squeeze %dma_wait3A_66 : memref<1x128xi32, #tpu.memory_space<vmem>> -> memref<128xi32, #tpu.memory_space<vmem>>
        %dma_wait3A_68 = arith.constant 0 : i32
        %dma_wait3A_69 = arith.constant 0 : i32
        %dma_wait3A_70 = tpu.memref_slice %arg3[%dma_wait3A_68, %dma_wait3A_69] : memref<10240x128xf32, #tpu.memory_space<hbm>> -> memref<10240x128xf32, #tpu.memory_space<hbm>>
        tpu.wait_indirect_dma semaphore(%arg12 : memref<!tpu.dma_semaphore, #tpu.memory_space<semaphore_mem>>) src(%dma_wait3A_70 : memref<10240x128xf32, #tpu.memory_space<hbm>>) dst(%arg9 : memref<128x128xf32, #tpu.memory_space<vmem>>)
        %dma_start3A_71 = arith.constant 3 : i32
        %dma_start3A_72 = arith.constant 0 : i32
        %dma_start3A_73 = tpu.memref_slice %arg7[%dma_start3A_71, %dma_start3A_72] : memref<16x128xi32, #tpu.memory_space<vmem>> -> memref<1x128xi32, #tpu.memory_space<vmem>>
        %dma_start3A_74 = tpu.memref_squeeze %dma_start3A_73 : memref<1x128xi32, #tpu.memory_space<vmem>> -> memref<128xi32, #tpu.memory_space<vmem>>
        %dma_start3A_75 = arith.constant 0 : i32
        %dma_start3A_76 = arith.constant 0 : i32
        %dma_start3A_77 = tpu.memref_slice %arg3[%dma_start3A_75, %dma_start3A_76] : memref<10240x128xf32, #tpu.memory_space<hbm>> -> memref<10240x128xf32, #tpu.memory_space<hbm>>
        tpu.enqueue_indirect_dma source(%dma_start3A_77 : memref<10240x128xf32, #tpu.memory_space<hbm>>) target(%arg10 : memref<128x128xf32, #tpu.memory_space<vmem>>) offsets(%dma_start3A_74 : memref<128xi32, #tpu.memory_space<vmem>>) semaphore(%arg13 : memref<!tpu.dma_semaphore, #tpu.memory_space<semaphore_mem>>)
        %run_scoped3A_78 = arith.constant 2 : i32
        "tpu.region"() ({
          %run_scoped3A_267 = tpu.sem_alloc : memref<!tpu.dma_semaphore, #tpu.memory_space<semaphore_mem>>
          %dma_start3A_268 = arith.constant 0 : i32
          %dma_start3A_269 = tpu.memref_slice %arg8[%run_scoped3A_78, %dma_start3A_268] : memref<16x128xi32, #tpu.memory_space<vmem>> -> memref<1x128xi32, #tpu.memory_space<vmem>>
          %dma_start3A_270 = tpu.memref_squeeze %dma_start3A_269 : memref<1x128xi32, #tpu.memory_space<vmem>> -> memref<128xi32, #tpu.memory_space<vmem>>
          %dma_start3A_271 = arith.constant 0 : i32
          %dma_start3A_272 = arith.constant 0 : i32
          %dma_start3A_273 = tpu.memref_slice %arg11[%dma_start3A_271, %dma_start3A_272] : memref<10240x128xf32, #tpu.memory_space<vmem_shared>> -> memref<10240x128xf32, #tpu.memory_space<vmem_shared>>
          tpu.enqueue_indirect_dma source(%arg9 : memref<128x128xf32, #tpu.memory_space<vmem>>) target(%dma_start3A_273 : memref<10240x128xf32, #tpu.memory_space<vmem_shared>>) offsets(%dma_start3A_270 : memref<128xi32, #tpu.memory_space<vmem>>) semaphore(%run_scoped3A_267 : memref<!tpu.dma_semaphore, #tpu.memory_space<semaphore_mem>>) {add = true}
          %dma_wait3A_274 = arith.constant 0 : i32
          %dma_wait3A_275 = tpu.memref_slice %arg8[%run_scoped3A_78, %dma_wait3A_274] : memref<16x128xi32, #tpu.memory_space<vmem>> -> memref<1x128xi32, #tpu.memory_space<vmem>>
          %dma_wait3A_276 = tpu.memref_squeeze %dma_wait3A_275 : memref<1x128xi32, #tpu.memory_space<vmem>> -> memref<128xi32, #tpu.memory_space<vmem>>
          %dma_wait3A_277 = arith.constant 0 : i32
          %dma_wait3A_278 = arith.constant 0 : i32
          %dma_wait3A_279 = tpu.memref_slice %arg11[%dma_wait3A_277, %dma_wait3A_278] : memref<10240x128xf32, #tpu.memory_space<vmem_shared>> -> memref<10240x128xf32, #tpu.memory_space<vmem_shared>>
          tpu.wait_indirect_dma semaphore(%run_scoped3A_267 : memref<!tpu.dma_semaphore, #tpu.memory_space<semaphore_mem>>) src(%arg9 : memref<128x128xf32, #tpu.memory_space<vmem>>) dst(%dma_wait3A_279 : memref<10240x128xf32, #tpu.memory_space<vmem_shared>>)
          tpu.yield
        }) : () -> ()
        %dma_wait3A_79 = arith.constant 3 : i32
        %dma_wait3A_80 = arith.constant 0 : i32
        %dma_wait3A_81 = tpu.memref_slice %arg7[%dma_wait3A_79, %dma_wait3A_80] : memref<16x128xi32, #tpu.memory_space<vmem>> -> memref<1x128xi32, #tpu.memory_space<vmem>>
        %dma_wait3A_82 = tpu.memref_squeeze %dma_wait3A_81 : memref<1x128xi32, #tpu.memory_space<vmem>> -> memref<128xi32, #tpu.memory_space<vmem>>
        %dma_wait3A_83 = arith.constant 0 : i32
        %dma_wait3A_84 = arith.constant 0 : i32
        %dma_wait3A_85 = tpu.memref_slice %arg3[%dma_wait3A_83, %dma_wait3A_84] : memref<10240x128xf32, #tpu.memory_space<hbm>> -> memref<10240x128xf32, #tpu.memory_space<hbm>>
        tpu.wait_indirect_dma semaphore(%arg13 : memref<!tpu.dma_semaphore, #tpu.memory_space<semaphore_mem>>) src(%dma_wait3A_85 : memref<10240x128xf32, #tpu.memory_space<hbm>>) dst(%arg10 : memref<128x128xf32, #tpu.memory_space<vmem>>)
        %dma_start3A_86 = arith.constant 4 : i32
        %dma_start3A_87 = arith.constant 0 : i32
        %dma_start3A_88 = tpu.memref_slice %arg7[%dma_start3A_86, %dma_start3A_87] : memref<16x128xi32, #tpu.memory_space<vmem>> -> memref<1x128xi32, #tpu.memory_space<vmem>>
        %dma_start3A_89 = tpu.memref_squeeze %dma_start3A_88 : memref<1x128xi32, #tpu.memory_space<vmem>> -> memref<128xi32, #tpu.memory_space<vmem>>
        %dma_start3A_90 = arith.constant 0 : i32
        %dma_start3A_91 = arith.constant 0 : i32
        %dma_start3A_92 = tpu.memref_slice %arg3[%dma_start3A_90, %dma_start3A_91] : memref<10240x128xf32, #tpu.memory_space<hbm>> -> memref<10240x128xf32, #tpu.memory_space<hbm>>
        tpu.enqueue_indirect_dma source(%dma_start3A_92 : memref<10240x128xf32, #tpu.memory_space<hbm>>) target(%arg9 : memref<128x128xf32, #tpu.memory_space<vmem>>) offsets(%dma_start3A_89 : memref<128xi32, #tpu.memory_space<vmem>>) semaphore(%arg12 : memref<!tpu.dma_semaphore, #tpu.memory_space<semaphore_mem>>)
        %run_scoped3A_93 = arith.constant 3 : i32
        "tpu.region"() ({
          %run_scoped3A_267 = tpu.sem_alloc : memref<!tpu.dma_semaphore, #tpu.memory_space<semaphore_mem>>
          %dma_start3A_268 = arith.constant 0 : i32
          %dma_start3A_269 = tpu.memref_slice %arg8[%run_scoped3A_93, %dma_start3A_268] : memref<16x128xi32, #tpu.memory_space<vmem>> -> memref<1x128xi32, #tpu.memory_space<vmem>>
          %dma_start3A_270 = tpu.memref_squeeze %dma_start3A_269 : memref<1x128xi32, #tpu.memory_space<vmem>> -> memref<128xi32, #tpu.memory_space<vmem>>
          %dma_start3A_271 = arith.constant 0 : i32
          %dma_start3A_272 = arith.constant 0 : i32
          %dma_start3A_273 = tpu.memref_slice %arg11[%dma_start3A_271, %dma_start3A_272] : memref<10240x128xf32, #tpu.memory_space<vmem_shared>> -> memref<10240x128xf32, #tpu.memory_space<vmem_shared>>
          tpu.enqueue_indirect_dma source(%arg10 : memref<128x128xf32, #tpu.memory_space<vmem>>) target(%dma_start3A_273 : memref<10240x128xf32, #tpu.memory_space<vmem_shared>>) offsets(%dma_start3A_270 : memref<128xi32, #tpu.memory_space<vmem>>) semaphore(%run_scoped3A_267 : memref<!tpu.dma_semaphore, #tpu.memory_space<semaphore_mem>>) {add = true}
          %dma_wait3A_274 = arith.constant 0 : i32
          %dma_wait3A_275 = tpu.memref_slice %arg8[%run_scoped3A_93, %dma_wait3A_274] : memref<16x128xi32, #tpu.memory_space<vmem>> -> memref<1x128xi32, #tpu.memory_space<vmem>>
          %dma_wait3A_276 = tpu.memref_squeeze %dma_wait3A_275 : memref<1x128xi32, #tpu.memory_space<vmem>> -> memref<128xi32, #tpu.memory_space<vmem>>
          %dma_wait3A_277 = arith.constant 0 : i32
          %dma_wait3A_278 = arith.constant 0 : i32
          %dma_wait3A_279 = tpu.memref_slice %arg11[%dma_wait3A_277, %dma_wait3A_278] : memref<10240x128xf32, #tpu.memory_space<vmem_shared>> -> memref<10240x128xf32, #tpu.memory_space<vmem_shared>>
          tpu.wait_indirect_dma semaphore(%run_scoped3A_267 : memref<!tpu.dma_semaphore, #tpu.memory_space<semaphore_mem>>) src(%arg10 : memref<128x128xf32, #tpu.memory_space<vmem>>) dst(%dma_wait3A_279 : memref<10240x128xf32, #tpu.memory_space<vmem_shared>>)
          tpu.yield
        }) : () -> ()
        %dma_wait3A_94 = arith.constant 4 : i32
        %dma_wait3A_95 = arith.constant 0 : i32
        %dma_wait3A_96 = tpu.memref_slice %arg7[%dma_wait3A_94, %dma_wait3A_95] : memref<16x128xi32, #tpu.memory_space<vmem>> -> memref<1x128xi32, #tpu.memory_space<vmem>>
        %dma_wait3A_97 = tpu.memref_squeeze %dma_wait3A_96 : memref<1x128xi32, #tpu.memory_space<vmem>> -> memref<128xi32, #tpu.memory_space<vmem>>
        %dma_wait3A_98 = arith.constant 0 : i32
        %dma_wait3A_99 = arith.constant 0 : i32
        %dma_wait3A_100 = tpu.memref_slice %arg3[%dma_wait3A_98, %dma_wait3A_99] : memref<10240x128xf32, #tpu.memory_space<hbm>> -> memref<10240x128xf32, #tpu.memory_space<hbm>>
        tpu.wait_indirect_dma semaphore(%arg12 : memref<!tpu.dma_semaphore, #tpu.memory_space<semaphore_mem>>) src(%dma_wait3A_100 : memref<10240x128xf32, #tpu.memory_space<hbm>>) dst(%arg9 : memref<128x128xf32, #tpu.memory_space<vmem>>)
        %dma_start3A_101 = arith.constant 5 : i32
        %dma_start3A_102 = arith.constant 0 : i32
        %dma_start3A_103 = tpu.memref_slice %arg7[%dma_start3A_101, %dma_start3A_102] : memref<16x128xi32, #tpu.memory_space<vmem>> -> memref<1x128xi32, #tpu.memory_space<vmem>>
        %dma_start3A_104 = tpu.memref_squeeze %dma_start3A_103 : memref<1x128xi32, #tpu.memory_space<vmem>> -> memref<128xi32, #tpu.memory_space<vmem>>
        %dma_start3A_105 = arith.constant 0 : i32
        %dma_start3A_106 = arith.constant 0 : i32
        %dma_start3A_107 = tpu.memref_slice %arg3[%dma_start3A_105, %dma_start3A_106] : memref<10240x128xf32, #tpu.memory_space<hbm>> -> memref<10240x128xf32, #tpu.memory_space<hbm>>
        tpu.enqueue_indirect_dma source(%dma_start3A_107 : memref<10240x128xf32, #tpu.memory_space<hbm>>) target(%arg10 : memref<128x128xf32, #tpu.memory_space<vmem>>) offsets(%dma_start3A_104 : memref<128xi32, #tpu.memory_space<vmem>>) semaphore(%arg13 : memref<!tpu.dma_semaphore, #tpu.memory_space<semaphore_mem>>)
        %run_scoped3A_108 = arith.constant 4 : i32
        "tpu.region"() ({
          %run_scoped3A_267 = tpu.sem_alloc : memref<!tpu.dma_semaphore, #tpu.memory_space<semaphore_mem>>
          %dma_start3A_268 = arith.constant 0 : i32
          %dma_start3A_269 = tpu.memref_slice %arg8[%run_scoped3A_108, %dma_start3A_268] : memref<16x128xi32, #tpu.memory_space<vmem>> -> memref<1x128xi32, #tpu.memory_space<vmem>>
          %dma_start3A_270 = tpu.memref_squeeze %dma_start3A_269 : memref<1x128xi32, #tpu.memory_space<vmem>> -> memref<128xi32, #tpu.memory_space<vmem>>
          %dma_start3A_271 = arith.constant 0 : i32
          %dma_start3A_272 = arith.constant 0 : i32
          %dma_start3A_273 = tpu.memref_slice %arg11[%dma_start3A_271, %dma_start3A_272] : memref<10240x128xf32, #tpu.memory_space<vmem_shared>> -> memref<10240x128xf32, #tpu.memory_space<vmem_shared>>
          tpu.enqueue_indirect_dma source(%arg9 : memref<128x128xf32, #tpu.memory_space<vmem>>) target(%dma_start3A_273 : memref<10240x128xf32, #tpu.memory_space<vmem_shared>>) offsets(%dma_start3A_270 : memref<128xi32, #tpu.memory_space<vmem>>) semaphore(%run_scoped3A_267 : memref<!tpu.dma_semaphore, #tpu.memory_space<semaphore_mem>>) {add = true}
          %dma_wait3A_274 = arith.constant 0 : i32
          %dma_wait3A_275 = tpu.memref_slice %arg8[%run_scoped3A_108, %dma_wait3A_274] : memref<16x128xi32, #tpu.memory_space<vmem>> -> memref<1x128xi32, #tpu.memory_space<vmem>>
          %dma_wait3A_276 = tpu.memref_squeeze %dma_wait3A_275 : memref<1x128xi32, #tpu.memory_space<vmem>> -> memref<128xi32, #tpu.memory_space<vmem>>
          %dma_wait3A_277 = arith.constant 0 : i32
          %dma_wait3A_278 = arith.constant 0 : i32
          %dma_wait3A_279 = tpu.memref_slice %arg11[%dma_wait3A_277, %dma_wait3A_278] : memref<10240x128xf32, #tpu.memory_space<vmem_shared>> -> memref<10240x128xf32, #tpu.memory_space<vmem_shared>>
          tpu.wait_indirect_dma semaphore(%run_scoped3A_267 : memref<!tpu.dma_semaphore, #tpu.memory_space<semaphore_mem>>) src(%arg9 : memref<128x128xf32, #tpu.memory_space<vmem>>) dst(%dma_wait3A_279 : memref<10240x128xf32, #tpu.memory_space<vmem_shared>>)
          tpu.yield
        }) : () -> ()
        %dma_wait3A_109 = arith.constant 5 : i32
        %dma_wait3A_110 = arith.constant 0 : i32
        %dma_wait3A_111 = tpu.memref_slice %arg7[%dma_wait3A_109, %dma_wait3A_110] : memref<16x128xi32, #tpu.memory_space<vmem>> -> memref<1x128xi32, #tpu.memory_space<vmem>>
        %dma_wait3A_112 = tpu.memref_squeeze %dma_wait3A_111 : memref<1x128xi32, #tpu.memory_space<vmem>> -> memref<128xi32, #tpu.memory_space<vmem>>
        %dma_wait3A_113 = arith.constant 0 : i32
        %dma_wait3A_114 = arith.constant 0 : i32
        %dma_wait3A_115 = tpu.memref_slice %arg3[%dma_wait3A_113, %dma_wait3A_114] : memref<10240x128xf32, #tpu.memory_space<hbm>> -> memref<10240x128xf32, #tpu.memory_space<hbm>>
        tpu.wait_indirect_dma semaphore(%arg13 : memref<!tpu.dma_semaphore, #tpu.memory_space<semaphore_mem>>) src(%dma_wait3A_115 : memref<10240x128xf32, #tpu.memory_space<hbm>>) dst(%arg10 : memref<128x128xf32, #tpu.memory_space<vmem>>)
        %dma_start3A_116 = arith.constant 6 : i32
        %dma_start3A_117 = arith.constant 0 : i32
        %dma_start3A_118 = tpu.memref_slice %arg7[%dma_start3A_116, %dma_start3A_117] : memref<16x128xi32, #tpu.memory_space<vmem>> -> memref<1x128xi32, #tpu.memory_space<vmem>>
        %dma_start3A_119 = tpu.memref_squeeze %dma_start3A_118 : memref<1x128xi32, #tpu.memory_space<vmem>> -> memref<128xi32, #tpu.memory_space<vmem>>
        %dma_start3A_120 = arith.constant 0 : i32
        %dma_start3A_121 = arith.constant 0 : i32
        %dma_start3A_122 = tpu.memref_slice %arg3[%dma_start3A_120, %dma_start3A_121] : memref<10240x128xf32, #tpu.memory_space<hbm>> -> memref<10240x128xf32, #tpu.memory_space<hbm>>
        tpu.enqueue_indirect_dma source(%dma_start3A_122 : memref<10240x128xf32, #tpu.memory_space<hbm>>) target(%arg9 : memref<128x128xf32, #tpu.memory_space<vmem>>) offsets(%dma_start3A_119 : memref<128xi32, #tpu.memory_space<vmem>>) semaphore(%arg12 : memref<!tpu.dma_semaphore, #tpu.memory_space<semaphore_mem>>)
        %run_scoped3A_123 = arith.constant 5 : i32
        "tpu.region"() ({
          %run_scoped3A_267 = tpu.sem_alloc : memref<!tpu.dma_semaphore, #tpu.memory_space<semaphore_mem>>
          %dma_start3A_268 = arith.constant 0 : i32
          %dma_start3A_269 = tpu.memref_slice %arg8[%run_scoped3A_123, %dma_start3A_268] : memref<16x128xi32, #tpu.memory_space<vmem>> -> memref<1x128xi32, #tpu.memory_space<vmem>>
          %dma_start3A_270 = tpu.memref_squeeze %dma_start3A_269 : memref<1x128xi32, #tpu.memory_space<vmem>> -> memref<128xi32, #tpu.memory_space<vmem>>
          %dma_start3A_271 = arith.constant 0 : i32
          %dma_start3A_272 = arith.constant 0 : i32
          %dma_start3A_273 = tpu.memref_slice %arg11[%dma_start3A_271, %dma_start3A_272] : memref<10240x128xf32, #tpu.memory_space<vmem_shared>> -> memref<10240x128xf32, #tpu.memory_space<vmem_shared>>
          tpu.enqueue_indirect_dma source(%arg10 : memref<128x128xf32, #tpu.memory_space<vmem>>) target(%dma_start3A_273 : memref<10240x128xf32, #tpu.memory_space<vmem_shared>>) offsets(%dma_start3A_270 : memref<128xi32, #tpu.memory_space<vmem>>) semaphore(%run_scoped3A_267 : memref<!tpu.dma_semaphore, #tpu.memory_space<semaphore_mem>>) {add = true}
          %dma_wait3A_274 = arith.constant 0 : i32
          %dma_wait3A_275 = tpu.memref_slice %arg8[%run_scoped3A_123, %dma_wait3A_274] : memref<16x128xi32, #tpu.memory_space<vmem>> -> memref<1x128xi32, #tpu.memory_space<vmem>>
          %dma_wait3A_276 = tpu.memref_squeeze %dma_wait3A_275 : memref<1x128xi32, #tpu.memory_space<vmem>> -> memref<128xi32, #tpu.memory_space<vmem>>
          %dma_wait3A_277 = arith.constant 0 : i32
          %dma_wait3A_278 = arith.constant 0 : i32
          %dma_wait3A_279 = tpu.memref_slice %arg11[%dma_wait3A_277, %dma_wait3A_278] : memref<10240x128xf32, #tpu.memory_space<vmem_shared>> -> memref<10240x128xf32, #tpu.memory_space<vmem_shared>>
          tpu.wait_indirect_dma semaphore(%run_scoped3A_267 : memref<!tpu.dma_semaphore, #tpu.memory_space<semaphore_mem>>) src(%arg10 : memref<128x128xf32, #tpu.memory_space<vmem>>) dst(%dma_wait3A_279 : memref<10240x128xf32, #tpu.memory_space<vmem_shared>>)
          tpu.yield
        }) : () -> ()
        %dma_wait3A_124 = arith.constant 6 : i32
        %dma_wait3A_125 = arith.constant 0 : i32
        %dma_wait3A_126 = tpu.memref_slice %arg7[%dma_wait3A_124, %dma_wait3A_125] : memref<16x128xi32, #tpu.memory_space<vmem>> -> memref<1x128xi32, #tpu.memory_space<vmem>>
        %dma_wait3A_127 = tpu.memref_squeeze %dma_wait3A_126 : memref<1x128xi32, #tpu.memory_space<vmem>> -> memref<128xi32, #tpu.memory_space<vmem>>
        %dma_wait3A_128 = arith.constant 0 : i32
        %dma_wait3A_129 = arith.constant 0 : i32
        %dma_wait3A_130 = tpu.memref_slice %arg3[%dma_wait3A_128, %dma_wait3A_129] : memref<10240x128xf32, #tpu.memory_space<hbm>> -> memref<10240x128xf32, #tpu.memory_space<hbm>>
        tpu.wait_indirect_dma semaphore(%arg12 : memref<!tpu.dma_semaphore, #tpu.memory_space<semaphore_mem>>) src(%dma_wait3A_130 : memref<10240x128xf32, #tpu.memory_space<hbm>>) dst(%arg9 : memref<128x128xf32, #tpu.memory_space<vmem>>)
        %dma_start3A_131 = arith.constant 7 : i32
        %dma_start3A_132 = arith.constant 0 : i32
        %dma_start3A_133 = tpu.memref_slice %arg7[%dma_start3A_131, %dma_start3A_132] : memref<16x128xi32, #tpu.memory_space<vmem>> -> memref<1x128xi32, #tpu.memory_space<vmem>>
        %dma_start3A_134 = tpu.memref_squeeze %dma_start3A_133 : memref<1x128xi32, #tpu.memory_space<vmem>> -> memref<128xi32, #tpu.memory_space<vmem>>
        %dma_start3A_135 = arith.constant 0 : i32
        %dma_start3A_136 = arith.constant 0 : i32
        %dma_start3A_137 = tpu.memref_slice %arg3[%dma_start3A_135, %dma_start3A_136] : memref<10240x128xf32, #tpu.memory_space<hbm>> -> memref<10240x128xf32, #tpu.memory_space<hbm>>
        tpu.enqueue_indirect_dma source(%dma_start3A_137 : memref<10240x128xf32, #tpu.memory_space<hbm>>) target(%arg10 : memref<128x128xf32, #tpu.memory_space<vmem>>) offsets(%dma_start3A_134 : memref<128xi32, #tpu.memory_space<vmem>>) semaphore(%arg13 : memref<!tpu.dma_semaphore, #tpu.memory_space<semaphore_mem>>)
        %run_scoped3A_138 = arith.constant 6 : i32
        "tpu.region"() ({
          %run_scoped3A_267 = tpu.sem_alloc : memref<!tpu.dma_semaphore, #tpu.memory_space<semaphore_mem>>
          %dma_start3A_268 = arith.constant 0 : i32
          %dma_start3A_269 = tpu.memref_slice %arg8[%run_scoped3A_138, %dma_start3A_268] : memref<16x128xi32, #tpu.memory_space<vmem>> -> memref<1x128xi32, #tpu.memory_space<vmem>>
          %dma_start3A_270 = tpu.memref_squeeze %dma_start3A_269 : memref<1x128xi32, #tpu.memory_space<vmem>> -> memref<128xi32, #tpu.memory_space<vmem>>
          %dma_start3A_271 = arith.constant 0 : i32
          %dma_start3A_272 = arith.constant 0 : i32
          %dma_start3A_273 = tpu.memref_slice %arg11[%dma_start3A_271, %dma_start3A_272] : memref<10240x128xf32, #tpu.memory_space<vmem_shared>> -> memref<10240x128xf32, #tpu.memory_space<vmem_shared>>
          tpu.enqueue_indirect_dma source(%arg9 : memref<128x128xf32, #tpu.memory_space<vmem>>) target(%dma_start3A_273 : memref<10240x128xf32, #tpu.memory_space<vmem_shared>>) offsets(%dma_start3A_270 : memref<128xi32, #tpu.memory_space<vmem>>) semaphore(%run_scoped3A_267 : memref<!tpu.dma_semaphore, #tpu.memory_space<semaphore_mem>>) {add = true}
          %dma_wait3A_274 = arith.constant 0 : i32
          %dma_wait3A_275 = tpu.memref_slice %arg8[%run_scoped3A_138, %dma_wait3A_274] : memref<16x128xi32, #tpu.memory_space<vmem>> -> memref<1x128xi32, #tpu.memory_space<vmem>>
          %dma_wait3A_276 = tpu.memref_squeeze %dma_wait3A_275 : memref<1x128xi32, #tpu.memory_space<vmem>> -> memref<128xi32, #tpu.memory_space<vmem>>
          %dma_wait3A_277 = arith.constant 0 : i32
          %dma_wait3A_278 = arith.constant 0 : i32
          %dma_wait3A_279 = tpu.memref_slice %arg11[%dma_wait3A_277, %dma_wait3A_278] : memref<10240x128xf32, #tpu.memory_space<vmem_shared>> -> memref<10240x128xf32, #tpu.memory_space<vmem_shared>>
          tpu.wait_indirect_dma semaphore(%run_scoped3A_267 : memref<!tpu.dma_semaphore, #tpu.memory_space<semaphore_mem>>) src(%arg9 : memref<128x128xf32, #tpu.memory_space<vmem>>) dst(%dma_wait3A_279 : memref<10240x128xf32, #tpu.memory_space<vmem_shared>>)
          tpu.yield
        }) : () -> ()
        %dma_wait3A_139 = arith.constant 7 : i32
        %dma_wait3A_140 = arith.constant 0 : i32
        %dma_wait3A_141 = tpu.memref_slice %arg7[%dma_wait3A_139, %dma_wait3A_140] : memref<16x128xi32, #tpu.memory_space<vmem>> -> memref<1x128xi32, #tpu.memory_space<vmem>>
        %dma_wait3A_142 = tpu.memref_squeeze %dma_wait3A_141 : memref<1x128xi32, #tpu.memory_space<vmem>> -> memref<128xi32, #tpu.memory_space<vmem>>
        %dma_wait3A_143 = arith.constant 0 : i32
        %dma_wait3A_144 = arith.constant 0 : i32
        %dma_wait3A_145 = tpu.memref_slice %arg3[%dma_wait3A_143, %dma_wait3A_144] : memref<10240x128xf32, #tpu.memory_space<hbm>> -> memref<10240x128xf32, #tpu.memory_space<hbm>>
        tpu.wait_indirect_dma semaphore(%arg13 : memref<!tpu.dma_semaphore, #tpu.memory_space<semaphore_mem>>) src(%dma_wait3A_145 : memref<10240x128xf32, #tpu.memory_space<hbm>>) dst(%arg10 : memref<128x128xf32, #tpu.memory_space<vmem>>)
        %dma_start3A_146 = arith.constant 8 : i32
        %dma_start3A_147 = arith.constant 0 : i32
        %dma_start3A_148 = tpu.memref_slice %arg7[%dma_start3A_146, %dma_start3A_147] : memref<16x128xi32, #tpu.memory_space<vmem>> -> memref<1x128xi32, #tpu.memory_space<vmem>>
        %dma_start3A_149 = tpu.memref_squeeze %dma_start3A_148 : memref<1x128xi32, #tpu.memory_space<vmem>> -> memref<128xi32, #tpu.memory_space<vmem>>
        %dma_start3A_150 = arith.constant 0 : i32
        %dma_start3A_151 = arith.constant 0 : i32
        %dma_start3A_152 = tpu.memref_slice %arg3[%dma_start3A_150, %dma_start3A_151] : memref<10240x128xf32, #tpu.memory_space<hbm>> -> memref<10240x128xf32, #tpu.memory_space<hbm>>
        tpu.enqueue_indirect_dma source(%dma_start3A_152 : memref<10240x128xf32, #tpu.memory_space<hbm>>) target(%arg9 : memref<128x128xf32, #tpu.memory_space<vmem>>) offsets(%dma_start3A_149 : memref<128xi32, #tpu.memory_space<vmem>>) semaphore(%arg12 : memref<!tpu.dma_semaphore, #tpu.memory_space<semaphore_mem>>)
        %run_scoped3A_153 = arith.constant 7 : i32
        "tpu.region"() ({
          %run_scoped3A_267 = tpu.sem_alloc : memref<!tpu.dma_semaphore, #tpu.memory_space<semaphore_mem>>
          %dma_start3A_268 = arith.constant 0 : i32
          %dma_start3A_269 = tpu.memref_slice %arg8[%run_scoped3A_153, %dma_start3A_268] : memref<16x128xi32, #tpu.memory_space<vmem>> -> memref<1x128xi32, #tpu.memory_space<vmem>>
          %dma_start3A_270 = tpu.memref_squeeze %dma_start3A_269 : memref<1x128xi32, #tpu.memory_space<vmem>> -> memref<128xi32, #tpu.memory_space<vmem>>
          %dma_start3A_271 = arith.constant 0 : i32
          %dma_start3A_272 = arith.constant 0 : i32
          %dma_start3A_273 = tpu.memref_slice %arg11[%dma_start3A_271, %dma_start3A_272] : memref<10240x128xf32, #tpu.memory_space<vmem_shared>> -> memref<10240x128xf32, #tpu.memory_space<vmem_shared>>
          tpu.enqueue_indirect_dma source(%arg10 : memref<128x128xf32, #tpu.memory_space<vmem>>) target(%dma_start3A_273 : memref<10240x128xf32, #tpu.memory_space<vmem_shared>>) offsets(%dma_start3A_270 : memref<128xi32, #tpu.memory_space<vmem>>) semaphore(%run_scoped3A_267 : memref<!tpu.dma_semaphore, #tpu.memory_space<semaphore_mem>>) {add = true}
          %dma_wait3A_274 = arith.constant 0 : i32
          %dma_wait3A_275 = tpu.memref_slice %arg8[%run_scoped3A_153, %dma_wait3A_274] : memref<16x128xi32, #tpu.memory_space<vmem>> -> memref<1x128xi32, #tpu.memory_space<vmem>>
          %dma_wait3A_276 = tpu.memref_squeeze %dma_wait3A_275 : memref<1x128xi32, #tpu.memory_space<vmem>> -> memref<128xi32, #tpu.memory_space<vmem>>
          %dma_wait3A_277 = arith.constant 0 : i32
          %dma_wait3A_278 = arith.constant 0 : i32
          %dma_wait3A_279 = tpu.memref_slice %arg11[%dma_wait3A_277, %dma_wait3A_278] : memref<10240x128xf32, #tpu.memory_space<vmem_shared>> -> memref<10240x128xf32, #tpu.memory_space<vmem_shared>>
          tpu.wait_indirect_dma semaphore(%run_scoped3A_267 : memref<!tpu.dma_semaphore, #tpu.memory_space<semaphore_mem>>) src(%arg10 : memref<128x128xf32, #tpu.memory_space<vmem>>) dst(%dma_wait3A_279 : memref<10240x128xf32, #tpu.memory_space<vmem_shared>>)
          tpu.yield
        }) : () -> ()
        %dma_wait3A_154 = arith.constant 8 : i32
        %dma_wait3A_155 = arith.constant 0 : i32
        %dma_wait3A_156 = tpu.memref_slice %arg7[%dma_wait3A_154, %dma_wait3A_155] : memref<16x128xi32, #tpu.memory_space<vmem>> -> memref<1x128xi32, #tpu.memory_space<vmem>>
        %dma_wait3A_157 = tpu.memref_squeeze %dma_wait3A_156 : memref<1x128xi32, #tpu.memory_space<vmem>> -> memref<128xi32, #tpu.memory_space<vmem>>
        %dma_wait3A_158 = arith.constant 0 : i32
        %dma_wait3A_159 = arith.constant 0 : i32
        %dma_wait3A_160 = tpu.memref_slice %arg3[%dma_wait3A_158, %dma_wait3A_159] : memref<10240x128xf32, #tpu.memory_space<hbm>> -> memref<10240x128xf32, #tpu.memory_space<hbm>>
        tpu.wait_indirect_dma semaphore(%arg12 : memref<!tpu.dma_semaphore, #tpu.memory_space<semaphore_mem>>) src(%dma_wait3A_160 : memref<10240x128xf32, #tpu.memory_space<hbm>>) dst(%arg9 : memref<128x128xf32, #tpu.memory_space<vmem>>)
        %dma_start3A_161 = arith.constant 9 : i32
        %dma_start3A_162 = arith.constant 0 : i32
        %dma_start3A_163 = tpu.memref_slice %arg7[%dma_start3A_161, %dma_start3A_162] : memref<16x128xi32, #tpu.memory_space<vmem>> -> memref<1x128xi32, #tpu.memory_space<vmem>>
        %dma_start3A_164 = tpu.memref_squeeze %dma_start3A_163 : memref<1x128xi32, #tpu.memory_space<vmem>> -> memref<128xi32, #tpu.memory_space<vmem>>
        %dma_start3A_165 = arith.constant 0 : i32
        %dma_start3A_166 = arith.constant 0 : i32
        %dma_start3A_167 = tpu.memref_slice %arg3[%dma_start3A_165, %dma_start3A_166] : memref<10240x128xf32, #tpu.memory_space<hbm>> -> memref<10240x128xf32, #tpu.memory_space<hbm>>
        tpu.enqueue_indirect_dma source(%dma_start3A_167 : memref<10240x128xf32, #tpu.memory_space<hbm>>) target(%arg10 : memref<128x128xf32, #tpu.memory_space<vmem>>) offsets(%dma_start3A_164 : memref<128xi32, #tpu.memory_space<vmem>>) semaphore(%arg13 : memref<!tpu.dma_semaphore, #tpu.memory_space<semaphore_mem>>)
        %run_scoped3A_168 = arith.constant 8 : i32
        "tpu.region"() ({
          %run_scoped3A_267 = tpu.sem_alloc : memref<!tpu.dma_semaphore, #tpu.memory_space<semaphore_mem>>
          %dma_start3A_268 = arith.constant 0 : i32
          %dma_start3A_269 = tpu.memref_slice %arg8[%run_scoped3A_168, %dma_start3A_268] : memref<16x128xi32, #tpu.memory_space<vmem>> -> memref<1x128xi32, #tpu.memory_space<vmem>>
          %dma_start3A_270 = tpu.memref_squeeze %dma_start3A_269 : memref<1x128xi32, #tpu.memory_space<vmem>> -> memref<128xi32, #tpu.memory_space<vmem>>
          %dma_start3A_271 = arith.constant 0 : i32
          %dma_start3A_272 = arith.constant 0 : i32
          %dma_start3A_273 = tpu.memref_slice %arg11[%dma_start3A_271, %dma_start3A_272] : memref<10240x128xf32, #tpu.memory_space<vmem_shared>> -> memref<10240x128xf32, #tpu.memory_space<vmem_shared>>
          tpu.enqueue_indirect_dma source(%arg9 : memref<128x128xf32, #tpu.memory_space<vmem>>) target(%dma_start3A_273 : memref<10240x128xf32, #tpu.memory_space<vmem_shared>>) offsets(%dma_start3A_270 : memref<128xi32, #tpu.memory_space<vmem>>) semaphore(%run_scoped3A_267 : memref<!tpu.dma_semaphore, #tpu.memory_space<semaphore_mem>>) {add = true}
          %dma_wait3A_274 = arith.constant 0 : i32
          %dma_wait3A_275 = tpu.memref_slice %arg8[%run_scoped3A_168, %dma_wait3A_274] : memref<16x128xi32, #tpu.memory_space<vmem>> -> memref<1x128xi32, #tpu.memory_space<vmem>>
          %dma_wait3A_276 = tpu.memref_squeeze %dma_wait3A_275 : memref<1x128xi32, #tpu.memory_space<vmem>> -> memref<128xi32, #tpu.memory_space<vmem>>
          %dma_wait3A_277 = arith.constant 0 : i32
          %dma_wait3A_278 = arith.constant 0 : i32
          %dma_wait3A_279 = tpu.memref_slice %arg11[%dma_wait3A_277, %dma_wait3A_278] : memref<10240x128xf32, #tpu.memory_space<vmem_shared>> -> memref<10240x128xf32, #tpu.memory_space<vmem_shared>>
          tpu.wait_indirect_dma semaphore(%run_scoped3A_267 : memref<!tpu.dma_semaphore, #tpu.memory_space<semaphore_mem>>) src(%arg9 : memref<128x128xf32, #tpu.memory_space<vmem>>) dst(%dma_wait3A_279 : memref<10240x128xf32, #tpu.memory_space<vmem_shared>>)
          tpu.yield
        }) : () -> ()
        %dma_wait3A_169 = arith.constant 9 : i32
        %dma_wait3A_170 = arith.constant 0 : i32
        %dma_wait3A_171 = tpu.memref_slice %arg7[%dma_wait3A_169, %dma_wait3A_170] : memref<16x128xi32, #tpu.memory_space<vmem>> -> memref<1x128xi32, #tpu.memory_space<vmem>>
        %dma_wait3A_172 = tpu.memref_squeeze %dma_wait3A_171 : memref<1x128xi32, #tpu.memory_space<vmem>> -> memref<128xi32, #tpu.memory_space<vmem>>
        %dma_wait3A_173 = arith.constant 0 : i32
        %dma_wait3A_174 = arith.constant 0 : i32
        %dma_wait3A_175 = tpu.memref_slice %arg3[%dma_wait3A_173, %dma_wait3A_174] : memref<10240x128xf32, #tpu.memory_space<hbm>> -> memref<10240x128xf32, #tpu.memory_space<hbm>>
        tpu.wait_indirect_dma semaphore(%arg13 : memref<!tpu.dma_semaphore, #tpu.memory_space<semaphore_mem>>) src(%dma_wait3A_175 : memref<10240x128xf32, #tpu.memory_space<hbm>>) dst(%arg10 : memref<128x128xf32, #tpu.memory_space<vmem>>)
        %dma_start3A_176 = arith.constant 10 : i32
        %dma_start3A_177 = arith.constant 0 : i32
        %dma_start3A_178 = tpu.memref_slice %arg7[%dma_start3A_176, %dma_start3A_177] : memref<16x128xi32, #tpu.memory_space<vmem>> -> memref<1x128xi32, #tpu.memory_space<vmem>>
        %dma_start3A_179 = tpu.memref_squeeze %dma_start3A_178 : memref<1x128xi32, #tpu.memory_space<vmem>> -> memref<128xi32, #tpu.memory_space<vmem>>
        %dma_start3A_180 = arith.constant 0 : i32
        %dma_start3A_181 = arith.constant 0 : i32
        %dma_start3A_182 = tpu.memref_slice %arg3[%dma_start3A_180, %dma_start3A_181] : memref<10240x128xf32, #tpu.memory_space<hbm>> -> memref<10240x128xf32, #tpu.memory_space<hbm>>
        tpu.enqueue_indirect_dma source(%dma_start3A_182 : memref<10240x128xf32, #tpu.memory_space<hbm>>) target(%arg9 : memref<128x128xf32, #tpu.memory_space<vmem>>) offsets(%dma_start3A_179 : memref<128xi32, #tpu.memory_space<vmem>>) semaphore(%arg12 : memref<!tpu.dma_semaphore, #tpu.memory_space<semaphore_mem>>)
        %run_scoped3A_183 = arith.constant 9 : i32
        "tpu.region"() ({
          %run_scoped3A_267 = tpu.sem_alloc : memref<!tpu.dma_semaphore, #tpu.memory_space<semaphore_mem>>
          %dma_start3A_268 = arith.constant 0 : i32
          %dma_start3A_269 = tpu.memref_slice %arg8[%run_scoped3A_183, %dma_start3A_268] : memref<16x128xi32, #tpu.memory_space<vmem>> -> memref<1x128xi32, #tpu.memory_space<vmem>>
          %dma_start3A_270 = tpu.memref_squeeze %dma_start3A_269 : memref<1x128xi32, #tpu.memory_space<vmem>> -> memref<128xi32, #tpu.memory_space<vmem>>
          %dma_start3A_271 = arith.constant 0 : i32
          %dma_start3A_272 = arith.constant 0 : i32
          %dma_start3A_273 = tpu.memref_slice %arg11[%dma_start3A_271, %dma_start3A_272] : memref<10240x128xf32, #tpu.memory_space<vmem_shared>> -> memref<10240x128xf32, #tpu.memory_space<vmem_shared>>
          tpu.enqueue_indirect_dma source(%arg10 : memref<128x128xf32, #tpu.memory_space<vmem>>) target(%dma_start3A_273 : memref<10240x128xf32, #tpu.memory_space<vmem_shared>>) offsets(%dma_start3A_270 : memref<128xi32, #tpu.memory_space<vmem>>) semaphore(%run_scoped3A_267 : memref<!tpu.dma_semaphore, #tpu.memory_space<semaphore_mem>>) {add = true}
          %dma_wait3A_274 = arith.constant 0 : i32
          %dma_wait3A_275 = tpu.memref_slice %arg8[%run_scoped3A_183, %dma_wait3A_274] : memref<16x128xi32, #tpu.memory_space<vmem>> -> memref<1x128xi32, #tpu.memory_space<vmem>>
          %dma_wait3A_276 = tpu.memref_squeeze %dma_wait3A_275 : memref<1x128xi32, #tpu.memory_space<vmem>> -> memref<128xi32, #tpu.memory_space<vmem>>
          %dma_wait3A_277 = arith.constant 0 : i32
          %dma_wait3A_278 = arith.constant 0 : i32
          %dma_wait3A_279 = tpu.memref_slice %arg11[%dma_wait3A_277, %dma_wait3A_278] : memref<10240x128xf32, #tpu.memory_space<vmem_shared>> -> memref<10240x128xf32, #tpu.memory_space<vmem_shared>>
          tpu.wait_indirect_dma semaphore(%run_scoped3A_267 : memref<!tpu.dma_semaphore, #tpu.memory_space<semaphore_mem>>) src(%arg10 : memref<128x128xf32, #tpu.memory_space<vmem>>) dst(%dma_wait3A_279 : memref<10240x128xf32, #tpu.memory_space<vmem_shared>>)
          tpu.yield
        }) : () -> ()
        %dma_wait3A_184 = arith.constant 10 : i32
        %dma_wait3A_185 = arith.constant 0 : i32
        %dma_wait3A_186 = tpu.memref_slice %arg7[%dma_wait3A_184, %dma_wait3A_185] : memref<16x128xi32, #tpu.memory_space<vmem>> -> memref<1x128xi32, #tpu.memory_space<vmem>>
        %dma_wait3A_187 = tpu.memref_squeeze %dma_wait3A_186 : memref<1x128xi32, #tpu.memory_space<vmem>> -> memref<128xi32, #tpu.memory_space<vmem>>
        %dma_wait3A_188 = arith.constant 0 : i32
        %dma_wait3A_189 = arith.constant 0 : i32
        %dma_wait3A_190 = tpu.memref_slice %arg3[%dma_wait3A_188, %dma_wait3A_189] : memref<10240x128xf32, #tpu.memory_space<hbm>> -> memref<10240x128xf32, #tpu.memory_space<hbm>>
        tpu.wait_indirect_dma semaphore(%arg12 : memref<!tpu.dma_semaphore, #tpu.memory_space<semaphore_mem>>) src(%dma_wait3A_190 : memref<10240x128xf32, #tpu.memory_space<hbm>>) dst(%arg9 : memref<128x128xf32, #tpu.memory_space<vmem>>)
        %dma_start3A_191 = arith.constant 11 : i32
        %dma_start3A_192 = arith.constant 0 : i32
        %dma_start3A_193 = tpu.memref_slice %arg7[%dma_start3A_191, %dma_start3A_192] : memref<16x128xi32, #tpu.memory_space<vmem>> -> memref<1x128xi32, #tpu.memory_space<vmem>>
        %dma_start3A_194 = tpu.memref_squeeze %dma_start3A_193 : memref<1x128xi32, #tpu.memory_space<vmem>> -> memref<128xi32, #tpu.memory_space<vmem>>
        %dma_start3A_195 = arith.constant 0 : i32
        %dma_start3A_196 = arith.constant 0 : i32
        %dma_start3A_197 = tpu.memref_slice %arg3[%dma_start3A_195, %dma_start3A_196] : memref<10240x128xf32, #tpu.memory_space<hbm>> -> memref<10240x128xf32, #tpu.memory_space<hbm>>
        tpu.enqueue_indirect_dma source(%dma_start3A_197 : memref<10240x128xf32, #tpu.memory_space<hbm>>) target(%arg10 : memref<128x128xf32, #tpu.memory_space<vmem>>) offsets(%dma_start3A_194 : memref<128xi32, #tpu.memory_space<vmem>>) semaphore(%arg13 : memref<!tpu.dma_semaphore, #tpu.memory_space<semaphore_mem>>)
        %run_scoped3A_198 = arith.constant 10 : i32
        "tpu.region"() ({
          %run_scoped3A_267 = tpu.sem_alloc : memref<!tpu.dma_semaphore, #tpu.memory_space<semaphore_mem>>
          %dma_start3A_268 = arith.constant 0 : i32
          %dma_start3A_269 = tpu.memref_slice %arg8[%run_scoped3A_198, %dma_start3A_268] : memref<16x128xi32, #tpu.memory_space<vmem>> -> memref<1x128xi32, #tpu.memory_space<vmem>>
          %dma_start3A_270 = tpu.memref_squeeze %dma_start3A_269 : memref<1x128xi32, #tpu.memory_space<vmem>> -> memref<128xi32, #tpu.memory_space<vmem>>
          %dma_start3A_271 = arith.constant 0 : i32
          %dma_start3A_272 = arith.constant 0 : i32
          %dma_start3A_273 = tpu.memref_slice %arg11[%dma_start3A_271, %dma_start3A_272] : memref<10240x128xf32, #tpu.memory_space<vmem_shared>> -> memref<10240x128xf32, #tpu.memory_space<vmem_shared>>
          tpu.enqueue_indirect_dma source(%arg9 : memref<128x128xf32, #tpu.memory_space<vmem>>) target(%dma_start3A_273 : memref<10240x128xf32, #tpu.memory_space<vmem_shared>>) offsets(%dma_start3A_270 : memref<128xi32, #tpu.memory_space<vmem>>) semaphore(%run_scoped3A_267 : memref<!tpu.dma_semaphore, #tpu.memory_space<semaphore_mem>>) {add = true}
          %dma_wait3A_274 = arith.constant 0 : i32
          %dma_wait3A_275 = tpu.memref_slice %arg8[%run_scoped3A_198, %dma_wait3A_274] : memref<16x128xi32, #tpu.memory_space<vmem>> -> memref<1x128xi32, #tpu.memory_space<vmem>>
          %dma_wait3A_276 = tpu.memref_squeeze %dma_wait3A_275 : memref<1x128xi32, #tpu.memory_space<vmem>> -> memref<128xi32, #tpu.memory_space<vmem>>
          %dma_wait3A_277 = arith.constant 0 : i32
          %dma_wait3A_278 = arith.constant 0 : i32
          %dma_wait3A_279 = tpu.memref_slice %arg11[%dma_wait3A_277, %dma_wait3A_278] : memref<10240x128xf32, #tpu.memory_space<vmem_shared>> -> memref<10240x128xf32, #tpu.memory_space<vmem_shared>>
          tpu.wait_indirect_dma semaphore(%run_scoped3A_267 : memref<!tpu.dma_semaphore, #tpu.memory_space<semaphore_mem>>) src(%arg9 : memref<128x128xf32, #tpu.memory_space<vmem>>) dst(%dma_wait3A_279 : memref<10240x128xf32, #tpu.memory_space<vmem_shared>>)
          tpu.yield
        }) : () -> ()
        %dma_wait3A_199 = arith.constant 11 : i32
        %dma_wait3A_200 = arith.constant 0 : i32
        %dma_wait3A_201 = tpu.memref_slice %arg7[%dma_wait3A_199, %dma_wait3A_200] : memref<16x128xi32, #tpu.memory_space<vmem>> -> memref<1x128xi32, #tpu.memory_space<vmem>>
        %dma_wait3A_202 = tpu.memref_squeeze %dma_wait3A_201 : memref<1x128xi32, #tpu.memory_space<vmem>> -> memref<128xi32, #tpu.memory_space<vmem>>
        %dma_wait3A_203 = arith.constant 0 : i32
        %dma_wait3A_204 = arith.constant 0 : i32
        %dma_wait3A_205 = tpu.memref_slice %arg3[%dma_wait3A_203, %dma_wait3A_204] : memref<10240x128xf32, #tpu.memory_space<hbm>> -> memref<10240x128xf32, #tpu.memory_space<hbm>>
        tpu.wait_indirect_dma semaphore(%arg13 : memref<!tpu.dma_semaphore, #tpu.memory_space<semaphore_mem>>) src(%dma_wait3A_205 : memref<10240x128xf32, #tpu.memory_space<hbm>>) dst(%arg10 : memref<128x128xf32, #tpu.memory_space<vmem>>)
        %dma_start3A_206 = arith.constant 12 : i32
        %dma_start3A_207 = arith.constant 0 : i32
        %dma_start3A_208 = tpu.memref_slice %arg7[%dma_start3A_206, %dma_start3A_207] : memref<16x128xi32, #tpu.memory_space<vmem>> -> memref<1x128xi32, #tpu.memory_space<vmem>>
        %dma_start3A_209 = tpu.memref_squeeze %dma_start3A_208 : memref<1x128xi32, #tpu.memory_space<vmem>> -> memref<128xi32, #tpu.memory_space<vmem>>
        %dma_start3A_210 = arith.constant 0 : i32
        %dma_start3A_211 = arith.constant 0 : i32
        %dma_start3A_212 = tpu.memref_slice %arg3[%dma_start3A_210, %dma_start3A_211] : memref<10240x128xf32, #tpu.memory_space<hbm>> -> memref<10240x128xf32, #tpu.memory_space<hbm>>
        tpu.enqueue_indirect_dma source(%dma_start3A_212 : memref<10240x128xf32, #tpu.memory_space<hbm>>) target(%arg9 : memref<128x128xf32, #tpu.memory_space<vmem>>) offsets(%dma_start3A_209 : memref<128xi32, #tpu.memory_space<vmem>>) semaphore(%arg12 : memref<!tpu.dma_semaphore, #tpu.memory_space<semaphore_mem>>)
        %run_scoped3A_213 = arith.constant 11 : i32
        "tpu.region"() ({
          %run_scoped3A_267 = tpu.sem_alloc : memref<!tpu.dma_semaphore, #tpu.memory_space<semaphore_mem>>
          %dma_start3A_268 = arith.constant 0 : i32
          %dma_start3A_269 = tpu.memref_slice %arg8[%run_scoped3A_213, %dma_start3A_268] : memref<16x128xi32, #tpu.memory_space<vmem>> -> memref<1x128xi32, #tpu.memory_space<vmem>>
          %dma_start3A_270 = tpu.memref_squeeze %dma_start3A_269 : memref<1x128xi32, #tpu.memory_space<vmem>> -> memref<128xi32, #tpu.memory_space<vmem>>
          %dma_start3A_271 = arith.constant 0 : i32
          %dma_start3A_272 = arith.constant 0 : i32
          %dma_start3A_273 = tpu.memref_slice %arg11[%dma_start3A_271, %dma_start3A_272] : memref<10240x128xf32, #tpu.memory_space<vmem_shared>> -> memref<10240x128xf32, #tpu.memory_space<vmem_shared>>
          tpu.enqueue_indirect_dma source(%arg10 : memref<128x128xf32, #tpu.memory_space<vmem>>) target(%dma_start3A_273 : memref<10240x128xf32, #tpu.memory_space<vmem_shared>>) offsets(%dma_start3A_270 : memref<128xi32, #tpu.memory_space<vmem>>) semaphore(%run_scoped3A_267 : memref<!tpu.dma_semaphore, #tpu.memory_space<semaphore_mem>>) {add = true}
          %dma_wait3A_274 = arith.constant 0 : i32
          %dma_wait3A_275 = tpu.memref_slice %arg8[%run_scoped3A_213, %dma_wait3A_274] : memref<16x128xi32, #tpu.memory_space<vmem>> -> memref<1x128xi32, #tpu.memory_space<vmem>>
          %dma_wait3A_276 = tpu.memref_squeeze %dma_wait3A_275 : memref<1x128xi32, #tpu.memory_space<vmem>> -> memref<128xi32, #tpu.memory_space<vmem>>
          %dma_wait3A_277 = arith.constant 0 : i32
          %dma_wait3A_278 = arith.constant 0 : i32
          %dma_wait3A_279 = tpu.memref_slice %arg11[%dma_wait3A_277, %dma_wait3A_278] : memref<10240x128xf32, #tpu.memory_space<vmem_shared>> -> memref<10240x128xf32, #tpu.memory_space<vmem_shared>>
          tpu.wait_indirect_dma semaphore(%run_scoped3A_267 : memref<!tpu.dma_semaphore, #tpu.memory_space<semaphore_mem>>) src(%arg10 : memref<128x128xf32, #tpu.memory_space<vmem>>) dst(%dma_wait3A_279 : memref<10240x128xf32, #tpu.memory_space<vmem_shared>>)
          tpu.yield
        }) : () -> ()
        %dma_wait3A_214 = arith.constant 12 : i32
        %dma_wait3A_215 = arith.constant 0 : i32
        %dma_wait3A_216 = tpu.memref_slice %arg7[%dma_wait3A_214, %dma_wait3A_215] : memref<16x128xi32, #tpu.memory_space<vmem>> -> memref<1x128xi32, #tpu.memory_space<vmem>>
        %dma_wait3A_217 = tpu.memref_squeeze %dma_wait3A_216 : memref<1x128xi32, #tpu.memory_space<vmem>> -> memref<128xi32, #tpu.memory_space<vmem>>
        %dma_wait3A_218 = arith.constant 0 : i32
        %dma_wait3A_219 = arith.constant 0 : i32
        %dma_wait3A_220 = tpu.memref_slice %arg3[%dma_wait3A_218, %dma_wait3A_219] : memref<10240x128xf32, #tpu.memory_space<hbm>> -> memref<10240x128xf32, #tpu.memory_space<hbm>>
        tpu.wait_indirect_dma semaphore(%arg12 : memref<!tpu.dma_semaphore, #tpu.memory_space<semaphore_mem>>) src(%dma_wait3A_220 : memref<10240x128xf32, #tpu.memory_space<hbm>>) dst(%arg9 : memref<128x128xf32, #tpu.memory_space<vmem>>)
        %dma_start3A_221 = arith.constant 13 : i32
        %dma_start3A_222 = arith.constant 0 : i32
        %dma_start3A_223 = tpu.memref_slice %arg7[%dma_start3A_221, %dma_start3A_222] : memref<16x128xi32, #tpu.memory_space<vmem>> -> memref<1x128xi32, #tpu.memory_space<vmem>>
        %dma_start3A_224 = tpu.memref_squeeze %dma_start3A_223 : memref<1x128xi32, #tpu.memory_space<vmem>> -> memref<128xi32, #tpu.memory_space<vmem>>
        %dma_start3A_225 = arith.constant 0 : i32
        %dma_start3A_226 = arith.constant 0 : i32
        %dma_start3A_227 = tpu.memref_slice %arg3[%dma_start3A_225, %dma_start3A_226] : memref<10240x128xf32, #tpu.memory_space<hbm>> -> memref<10240x128xf32, #tpu.memory_space<hbm>>
        tpu.enqueue_indirect_dma source(%dma_start3A_227 : memref<10240x128xf32, #tpu.memory_space<hbm>>) target(%arg10 : memref<128x128xf32, #tpu.memory_space<vmem>>) offsets(%dma_start3A_224 : memref<128xi32, #tpu.memory_space<vmem>>) semaphore(%arg13 : memref<!tpu.dma_semaphore, #tpu.memory_space<semaphore_mem>>)
        %run_scoped3A_228 = arith.constant 12 : i32
        "tpu.region"() ({
          %run_scoped3A_267 = tpu.sem_alloc : memref<!tpu.dma_semaphore, #tpu.memory_space<semaphore_mem>>
          %dma_start3A_268 = arith.constant 0 : i32
          %dma_start3A_269 = tpu.memref_slice %arg8[%run_scoped3A_228, %dma_start3A_268] : memref<16x128xi32, #tpu.memory_space<vmem>> -> memref<1x128xi32, #tpu.memory_space<vmem>>
          %dma_start3A_270 = tpu.memref_squeeze %dma_start3A_269 : memref<1x128xi32, #tpu.memory_space<vmem>> -> memref<128xi32, #tpu.memory_space<vmem>>
          %dma_start3A_271 = arith.constant 0 : i32
          %dma_start3A_272 = arith.constant 0 : i32
          %dma_start3A_273 = tpu.memref_slice %arg11[%dma_start3A_271, %dma_start3A_272] : memref<10240x128xf32, #tpu.memory_space<vmem_shared>> -> memref<10240x128xf32, #tpu.memory_space<vmem_shared>>
          tpu.enqueue_indirect_dma source(%arg9 : memref<128x128xf32, #tpu.memory_space<vmem>>) target(%dma_start3A_273 : memref<10240x128xf32, #tpu.memory_space<vmem_shared>>) offsets(%dma_start3A_270 : memref<128xi32, #tpu.memory_space<vmem>>) semaphore(%run_scoped3A_267 : memref<!tpu.dma_semaphore, #tpu.memory_space<semaphore_mem>>) {add = true}
          %dma_wait3A_274 = arith.constant 0 : i32
          %dma_wait3A_275 = tpu.memref_slice %arg8[%run_scoped3A_228, %dma_wait3A_274] : memref<16x128xi32, #tpu.memory_space<vmem>> -> memref<1x128xi32, #tpu.memory_space<vmem>>
          %dma_wait3A_276 = tpu.memref_squeeze %dma_wait3A_275 : memref<1x128xi32, #tpu.memory_space<vmem>> -> memref<128xi32, #tpu.memory_space<vmem>>
          %dma_wait3A_277 = arith.constant 0 : i32
          %dma_wait3A_278 = arith.constant 0 : i32
          %dma_wait3A_279 = tpu.memref_slice %arg11[%dma_wait3A_277, %dma_wait3A_278] : memref<10240x128xf32, #tpu.memory_space<vmem_shared>> -> memref<10240x128xf32, #tpu.memory_space<vmem_shared>>
          tpu.wait_indirect_dma semaphore(%run_scoped3A_267 : memref<!tpu.dma_semaphore, #tpu.memory_space<semaphore_mem>>) src(%arg9 : memref<128x128xf32, #tpu.memory_space<vmem>>) dst(%dma_wait3A_279 : memref<10240x128xf32, #tpu.memory_space<vmem_shared>>)
          tpu.yield
        }) : () -> ()
        %dma_wait3A_229 = arith.constant 13 : i32
        %dma_wait3A_230 = arith.constant 0 : i32
        %dma_wait3A_231 = tpu.memref_slice %arg7[%dma_wait3A_229, %dma_wait3A_230] : memref<16x128xi32, #tpu.memory_space<vmem>> -> memref<1x128xi32, #tpu.memory_space<vmem>>
        %dma_wait3A_232 = tpu.memref_squeeze %dma_wait3A_231 : memref<1x128xi32, #tpu.memory_space<vmem>> -> memref<128xi32, #tpu.memory_space<vmem>>
        %dma_wait3A_233 = arith.constant 0 : i32
        %dma_wait3A_234 = arith.constant 0 : i32
        %dma_wait3A_235 = tpu.memref_slice %arg3[%dma_wait3A_233, %dma_wait3A_234] : memref<10240x128xf32, #tpu.memory_space<hbm>> -> memref<10240x128xf32, #tpu.memory_space<hbm>>
        tpu.wait_indirect_dma semaphore(%arg13 : memref<!tpu.dma_semaphore, #tpu.memory_space<semaphore_mem>>) src(%dma_wait3A_235 : memref<10240x128xf32, #tpu.memory_space<hbm>>) dst(%arg10 : memref<128x128xf32, #tpu.memory_space<vmem>>)
        %dma_start3A_236 = arith.constant 14 : i32
        %dma_start3A_237 = arith.constant 0 : i32
        %dma_start3A_238 = tpu.memref_slice %arg7[%dma_start3A_236, %dma_start3A_237] : memref<16x128xi32, #tpu.memory_space<vmem>> -> memref<1x128xi32, #tpu.memory_space<vmem>>
        %dma_start3A_239 = tpu.memref_squeeze %dma_start3A_238 : memref<1x128xi32, #tpu.memory_space<vmem>> -> memref<128xi32, #tpu.memory_space<vmem>>
        %dma_start3A_240 = arith.constant 0 : i32
        %dma_start3A_241 = arith.constant 0 : i32
        %dma_start3A_242 = tpu.memref_slice %arg3[%dma_start3A_240, %dma_start3A_241] : memref<10240x128xf32, #tpu.memory_space<hbm>> -> memref<10240x128xf32, #tpu.memory_space<hbm>>
        tpu.enqueue_indirect_dma source(%dma_start3A_242 : memref<10240x128xf32, #tpu.memory_space<hbm>>) target(%arg9 : memref<128x128xf32, #tpu.memory_space<vmem>>) offsets(%dma_start3A_239 : memref<128xi32, #tpu.memory_space<vmem>>) semaphore(%arg12 : memref<!tpu.dma_semaphore, #tpu.memory_space<semaphore_mem>>)
        %run_scoped3A_243 = arith.constant 13 : i32
        "tpu.region"() ({
          %run_scoped3A_267 = tpu.sem_alloc : memref<!tpu.dma_semaphore, #tpu.memory_space<semaphore_mem>>
          %dma_start3A_268 = arith.constant 0 : i32
          %dma_start3A_269 = tpu.memref_slice %arg8[%run_scoped3A_243, %dma_start3A_268] : memref<16x128xi32, #tpu.memory_space<vmem>> -> memref<1x128xi32, #tpu.memory_space<vmem>>
          %dma_start3A_270 = tpu.memref_squeeze %dma_start3A_269 : memref<1x128xi32, #tpu.memory_space<vmem>> -> memref<128xi32, #tpu.memory_space<vmem>>
          %dma_start3A_271 = arith.constant 0 : i32
          %dma_start3A_272 = arith.constant 0 : i32
          %dma_start3A_273 = tpu.memref_slice %arg11[%dma_start3A_271, %dma_start3A_272] : memref<10240x128xf32, #tpu.memory_space<vmem_shared>> -> memref<10240x128xf32, #tpu.memory_space<vmem_shared>>
          tpu.enqueue_indirect_dma source(%arg10 : memref<128x128xf32, #tpu.memory_space<vmem>>) target(%dma_start3A_273 : memref<10240x128xf32, #tpu.memory_space<vmem_shared>>) offsets(%dma_start3A_270 : memref<128xi32, #tpu.memory_space<vmem>>) semaphore(%run_scoped3A_267 : memref<!tpu.dma_semaphore, #tpu.memory_space<semaphore_mem>>) {add = true}
          %dma_wait3A_274 = arith.constant 0 : i32
          %dma_wait3A_275 = tpu.memref_slice %arg8[%run_scoped3A_243, %dma_wait3A_274] : memref<16x128xi32, #tpu.memory_space<vmem>> -> memref<1x128xi32, #tpu.memory_space<vmem>>
          %dma_wait3A_276 = tpu.memref_squeeze %dma_wait3A_275 : memref<1x128xi32, #tpu.memory_space<vmem>> -> memref<128xi32, #tpu.memory_space<vmem>>
          %dma_wait3A_277 = arith.constant 0 : i32
          %dma_wait3A_278 = arith.constant 0 : i32
          %dma_wait3A_279 = tpu.memref_slice %arg11[%dma_wait3A_277, %dma_wait3A_278] : memref<10240x128xf32, #tpu.memory_space<vmem_shared>> -> memref<10240x128xf32, #tpu.memory_space<vmem_shared>>
          tpu.wait_indirect_dma semaphore(%run_scoped3A_267 : memref<!tpu.dma_semaphore, #tpu.memory_space<semaphore_mem>>) src(%arg10 : memref<128x128xf32, #tpu.memory_space<vmem>>) dst(%dma_wait3A_279 : memref<10240x128xf32, #tpu.memory_space<vmem_shared>>)
          tpu.yield
        }) : () -> ()
        %dma_wait3A_244 = arith.constant 14 : i32
        %dma_wait3A_245 = arith.constant 0 : i32
        %dma_wait3A_246 = tpu.memref_slice %arg7[%dma_wait3A_244, %dma_wait3A_245] : memref<16x128xi32, #tpu.memory_space<vmem>> -> memref<1x128xi32, #tpu.memory_space<vmem>>
        %dma_wait3A_247 = tpu.memref_squeeze %dma_wait3A_246 : memref<1x128xi32, #tpu.memory_space<vmem>> -> memref<128xi32, #tpu.memory_space<vmem>>
        %dma_wait3A_248 = arith.constant 0 : i32
        %dma_wait3A_249 = arith.constant 0 : i32
        %dma_wait3A_250 = tpu.memref_slice %arg3[%dma_wait3A_248, %dma_wait3A_249] : memref<10240x128xf32, #tpu.memory_space<hbm>> -> memref<10240x128xf32, #tpu.memory_space<hbm>>
        tpu.wait_indirect_dma semaphore(%arg12 : memref<!tpu.dma_semaphore, #tpu.memory_space<semaphore_mem>>) src(%dma_wait3A_250 : memref<10240x128xf32, #tpu.memory_space<hbm>>) dst(%arg9 : memref<128x128xf32, #tpu.memory_space<vmem>>)
        %dma_start3A_251 = arith.constant 15 : i32
        %dma_start3A_252 = arith.constant 0 : i32
        %dma_start3A_253 = tpu.memref_slice %arg7[%dma_start3A_251, %dma_start3A_252] : memref<16x128xi32, #tpu.memory_space<vmem>> -> memref<1x128xi32, #tpu.memory_space<vmem>>
        %dma_start3A_254 = tpu.memref_squeeze %dma_start3A_253 : memref<1x128xi32, #tpu.memory_space<vmem>> -> memref<128xi32, #tpu.memory_space<vmem>>
        %dma_start3A_255 = arith.constant 0 : i32
        %dma_start3A_256 = arith.constant 0 : i32
        %dma_start3A_257 = tpu.memref_slice %arg3[%dma_start3A_255, %dma_start3A_256] : memref<10240x128xf32, #tpu.memory_space<hbm>> -> memref<10240x128xf32, #tpu.memory_space<hbm>>
        tpu.enqueue_indirect_dma source(%dma_start3A_257 : memref<10240x128xf32, #tpu.memory_space<hbm>>) target(%arg10 : memref<128x128xf32, #tpu.memory_space<vmem>>) offsets(%dma_start3A_254 : memref<128xi32, #tpu.memory_space<vmem>>) semaphore(%arg13 : memref<!tpu.dma_semaphore, #tpu.memory_space<semaphore_mem>>)
        %run_scoped3A_258 = arith.constant 14 : i32
        "tpu.region"() ({
          %run_scoped3A_267 = tpu.sem_alloc : memref<!tpu.dma_semaphore, #tpu.memory_space<semaphore_mem>>
          %dma_start3A_268 = arith.constant 0 : i32
          %dma_start3A_269 = tpu.memref_slice %arg8[%run_scoped3A_258, %dma_start3A_268] : memref<16x128xi32, #tpu.memory_space<vmem>> -> memref<1x128xi32, #tpu.memory_space<vmem>>
          %dma_start3A_270 = tpu.memref_squeeze %dma_start3A_269 : memref<1x128xi32, #tpu.memory_space<vmem>> -> memref<128xi32, #tpu.memory_space<vmem>>
          %dma_start3A_271 = arith.constant 0 : i32
          %dma_start3A_272 = arith.constant 0 : i32
          %dma_start3A_273 = tpu.memref_slice %arg11[%dma_start3A_271, %dma_start3A_272] : memref<10240x128xf32, #tpu.memory_space<vmem_shared>> -> memref<10240x128xf32, #tpu.memory_space<vmem_shared>>
          tpu.enqueue_indirect_dma source(%arg9 : memref<128x128xf32, #tpu.memory_space<vmem>>) target(%dma_start3A_273 : memref<10240x128xf32, #tpu.memory_space<vmem_shared>>) offsets(%dma_start3A_270 : memref<128xi32, #tpu.memory_space<vmem>>) semaphore(%run_scoped3A_267 : memref<!tpu.dma_semaphore, #tpu.memory_space<semaphore_mem>>) {add = true}
          %dma_wait3A_274 = arith.constant 0 : i32
          %dma_wait3A_275 = tpu.memref_slice %arg8[%run_scoped3A_258, %dma_wait3A_274] : memref<16x128xi32, #tpu.memory_space<vmem>> -> memref<1x128xi32, #tpu.memory_space<vmem>>
          %dma_wait3A_276 = tpu.memref_squeeze %dma_wait3A_275 : memref<1x128xi32, #tpu.memory_space<vmem>> -> memref<128xi32, #tpu.memory_space<vmem>>
          %dma_wait3A_277 = arith.constant 0 : i32
          %dma_wait3A_278 = arith.constant 0 : i32
          %dma_wait3A_279 = tpu.memref_slice %arg11[%dma_wait3A_277, %dma_wait3A_278] : memref<10240x128xf32, #tpu.memory_space<vmem_shared>> -> memref<10240x128xf32, #tpu.memory_space<vmem_shared>>
          tpu.wait_indirect_dma semaphore(%run_scoped3A_267 : memref<!tpu.dma_semaphore, #tpu.memory_space<semaphore_mem>>) src(%arg9 : memref<128x128xf32, #tpu.memory_space<vmem>>) dst(%dma_wait3A_279 : memref<10240x128xf32, #tpu.memory_space<vmem_shared>>)
          tpu.yield
        }) : () -> ()
        %dma_wait3A_259 = arith.constant 15 : i32
        %dma_wait3A_260 = arith.constant 0 : i32
        %dma_wait3A_261 = tpu.memref_slice %arg7[%dma_wait3A_259, %dma_wait3A_260] : memref<16x128xi32, #tpu.memory_space<vmem>> -> memref<1x128xi32, #tpu.memory_space<vmem>>
        %dma_wait3A_262 = tpu.memref_squeeze %dma_wait3A_261 : memref<1x128xi32, #tpu.memory_space<vmem>> -> memref<128xi32, #tpu.memory_space<vmem>>
        %dma_wait3A_263 = arith.constant 0 : i32
        %dma_wait3A_264 = arith.constant 0 : i32
        %dma_wait3A_265 = tpu.memref_slice %arg3[%dma_wait3A_263, %dma_wait3A_264] : memref<10240x128xf32, #tpu.memory_space<hbm>> -> memref<10240x128xf32, #tpu.memory_space<hbm>>
        tpu.wait_indirect_dma semaphore(%arg13 : memref<!tpu.dma_semaphore, #tpu.memory_space<semaphore_mem>>) src(%dma_wait3A_265 : memref<10240x128xf32, #tpu.memory_space<hbm>>) dst(%arg10 : memref<128x128xf32, #tpu.memory_space<vmem>>)
        %run_scoped3A_266 = arith.constant 15 : i32
        "tpu.region"() ({
          %run_scoped3A_267 = tpu.sem_alloc : memref<!tpu.dma_semaphore, #tpu.memory_space<semaphore_mem>>
          %dma_start3A_268 = arith.constant 0 : i32
          %dma_start3A_269 = tpu.memref_slice %arg8[%run_scoped3A_266, %dma_start3A_268] : memref<16x128xi32, #tpu.memory_space<vmem>> -> memref<1x128xi32, #tpu.memory_space<vmem>>
          %dma_start3A_270 = tpu.memref_squeeze %dma_start3A_269 : memref<1x128xi32, #tpu.memory_space<vmem>> -> memref<128xi32, #tpu.memory_space<vmem>>
          %dma_start3A_271 = arith.constant 0 : i32
          %dma_start3A_272 = arith.constant 0 : i32
          %dma_start3A_273 = tpu.memref_slice %arg11[%dma_start3A_271, %dma_start3A_272] : memref<10240x128xf32, #tpu.memory_space<vmem_shared>> -> memref<10240x128xf32, #tpu.memory_space<vmem_shared>>
          tpu.enqueue_indirect_dma source(%arg10 : memref<128x128xf32, #tpu.memory_space<vmem>>) target(%dma_start3A_273 : memref<10240x128xf32, #tpu.memory_space<vmem_shared>>) offsets(%dma_start3A_270 : memref<128xi32, #tpu.memory_space<vmem>>) semaphore(%run_scoped3A_267 : memref<!tpu.dma_semaphore, #tpu.memory_space<semaphore_mem>>) {add = true}
          %dma_wait3A_274 = arith.constant 0 : i32
          %dma_wait3A_275 = tpu.memref_slice %arg8[%run_scoped3A_266, %dma_wait3A_274] : memref<16x128xi32, #tpu.memory_space<vmem>> -> memref<1x128xi32, #tpu.memory_space<vmem>>
          %dma_wait3A_276 = tpu.memref_squeeze %dma_wait3A_275 : memref<1x128xi32, #tpu.memory_space<vmem>> -> memref<128xi32, #tpu.memory_space<vmem>>
          %dma_wait3A_277 = arith.constant 0 : i32
          %dma_wait3A_278 = arith.constant 0 : i32
          %dma_wait3A_279 = tpu.memref_slice %arg11[%dma_wait3A_277, %dma_wait3A_278] : memref<10240x128xf32, #tpu.memory_space<vmem_shared>> -> memref<10240x128xf32, #tpu.memory_space<vmem_shared>>
          tpu.wait_indirect_dma semaphore(%run_scoped3A_267 : memref<!tpu.dma_semaphore, #tpu.memory_space<semaphore_mem>>) src(%arg10 : memref<128x128xf32, #tpu.memory_space<vmem>>) dst(%dma_wait3A_279 : memref<10240x128xf32, #tpu.memory_space<vmem_shared>>)
          tpu.yield
        }) : () -> ()
      }
      %scan3A_28 = arith.constant 10 : i32
    } else {
    }
    %barrier3A_20 = arith.constant 0 : index
    tpu.barrier barrier_id(%barrier3A_20)
    %mul3A_21 = arith.constant 640 : i32
    %mul3A_22 = arith.muli %arg1, %mul3A_21 : i32
    "tpu.region"() ({
      %run_scoped3A = tpu.sem_alloc : memref<!tpu.dma_semaphore, #tpu.memory_space<semaphore_mem>>
      %dma_start3A = arith.constant 0 : i32
      %dma_start3A_23 = tpu.memref_slice %arg6[%arg0, %mul3A_22, %dma_start3A] : memref<2x10240x128xf32, #tpu.memory_space<hbm>> -> memref<1x640x128xf32, #tpu.memory_space<hbm>>
      %dma_start3A_24 = tpu.memref_squeeze %dma_start3A_23 : memref<1x640x128xf32, #tpu.memory_space<hbm>> -> memref<640x128xf32, #tpu.memory_space<hbm>>
      %dma_start3A_25 = arith.constant 0 : i32
      %dma_start3A_26 = tpu.memref_slice %arg11[%mul3A_22, %dma_start3A_25] : memref<10240x128xf32, #tpu.memory_space<vmem_shared>> -> memref<640x128xf32, #tpu.memory_space<vmem_shared>>
      tpu.enqueue_dma source(%dma_start3A_26 : memref<640x128xf32, #tpu.memory_space<vmem_shared>>) target(%dma_start3A_24 : memref<640x128xf32, #tpu.memory_space<hbm>>) target_semaphore(%run_scoped3A : memref<!tpu.dma_semaphore, #tpu.memory_space<semaphore_mem>>)
      %dma_wait3A = arith.constant 0 : i32
      %dma_wait3A_27 = tpu.memref_slice %arg6[%arg0, %mul3A_22, %dma_wait3A] : memref<2x10240x128xf32, #tpu.memory_space<hbm>> -> memref<1x640x128xf32, #tpu.memory_space<hbm>>
      %dma_wait3A_28 = tpu.memref_squeeze %dma_wait3A_27 : memref<1x640x128xf32, #tpu.memory_space<hbm>> -> memref<640x128xf32, #tpu.memory_space<hbm>>
      %dma_wait3A_29 = arith.constant 0 : i32
      %dma_wait3A_30 = tpu.memref_slice %arg11[%mul3A_22, %dma_wait3A_29] : memref<10240x128xf32, #tpu.memory_space<vmem_shared>> -> memref<640x128xf32, #tpu.memory_space<vmem_shared>>
      tpu.wait_dma2 semaphore(%run_scoped3A : memref<!tpu.dma_semaphore, #tpu.memory_space<semaphore_mem>>) src(%dma_wait3A_30 : memref<640x128xf32, #tpu.memory_space<vmem_shared>>) dst(%dma_wait3A_28 : memref<640x128xf32, #tpu.memory_space<hbm>>)
      tpu.yield
    }) : () -> ()
    return
  }
}

#map = affine_map<(d0, d1) -> (0, 0)>
#map1 = affine_map<(d0, d1) -> (0, 0, 0, 0)>
#map2 = affine_map<(d0, d1) -> (0, 0, 0)>
module attributes {stable_mosaic.version = 14 : i64} {
  func.func @_sc_spmm1(%arg0: i32, %arg1: i32, %arg2: memref<10240x128xf32, #tpu.memory_space<hbm>>, %arg3: memref<32x5x16x128xi32, #tpu.memory_space<hbm>>, %arg4: memref<32x5x16x128xi32, #tpu.memory_space<hbm>>, %arg5: memref<2x10240x128xf32, #tpu.memory_space<hbm>>, %arg6: memref<16x128xi32, #tpu.memory_space<vmem>>, %arg7: memref<16x128xi32, #tpu.memory_space<vmem>>, %arg8: memref<128x128xf32, #tpu.memory_space<vmem>>, %arg9: memref<128x128xf32, #tpu.memory_space<vmem>>, %arg10: memref<10240x128xf32, #tpu.memory_space<vmem_shared>>, %arg11: memref<!tpu.dma_semaphore, #tpu.memory_space<semaphore_mem>>, %arg12: memref<!tpu.dma_semaphore, #tpu.memory_space<semaphore_mem>>) attributes {dimension_semantics = [#tpu.dimension_semantics<core_parallel>, #tpu.dimension_semantics<subcore_parallel>], iteration_bounds = array<i64: 2, 16>, scalar_prefetch = 0 : i64, scratch_operands = 7 : i64, tpu.core_type = #tpu.core_type<sc_vector_subcore>, window_params = [{transform_indices = #map}, {transform_indices = #map1}, {transform_indices = #map1}, {transform_indices = #map2}]} {
    %mul3A = arith.constant 16 : i32
    %mul3A_0 = arith.muli %arg0, %mul3A : i32
    %add3A = arith.addi %mul3A_0, %arg1 : i32
    %broadcast_in_dim3A = arith.constant 0.000000e+00 : f32
    %broadcast_in_dim3A_1 = vector.broadcast %broadcast_in_dim3A : f32 to vector<16xf32>
    %scan3A = arith.constant 0 : i32
    %scan3A_2 = arith.constant 0 : i32
    %scan3A_3 = arith.constant 1024 : i32
    %scan3A_4 = arith.addi %scan3A_2, %scan3A_3 : i32
    %scan3A_5 = arith.constant 1 : i32
    scf.for %scan3A_24 = %scan3A_2 to %scan3A_4 step %scan3A_5  : i32 {
      %jit3A = arith.constant 8 : i32
      %div3A = arith.divsi %scan3A_24, %jit3A : i32
      %sign3A = arith.constant 0 : i32
      %sign3A_25 = arith.cmpi sgt, %scan3A_24, %sign3A : i32
      %sign3A_26 = arith.extui %sign3A_25 : i1 to i32
      %sign3A_27 = arith.constant 0 : i32
      %sign3A_28 = arith.cmpi slt, %scan3A_24, %sign3A_27 : i32
      %sign3A_29 = arith.extui %sign3A_28 : i1 to i32
      %sign3A_30 = arith.subi %sign3A_26, %sign3A_29 : i32
      %sign3A_31 = arith.constant 0 : i32
      %sign3A_32 = arith.cmpi sgt, %jit3A, %sign3A_31 : i32
      %sign3A_33 = arith.extui %sign3A_32 : i1 to i32
      %sign3A_34 = arith.constant 0 : i32
      %sign3A_35 = arith.cmpi slt, %jit3A, %sign3A_34 : i32
      %sign3A_36 = arith.extui %sign3A_35 : i1 to i32
      %sign3A_37 = arith.subi %sign3A_33, %sign3A_36 : i32
      %ne3A = arith.cmpi ne, %sign3A_30, %sign3A_37 : i32
      %rem3A = arith.remsi %scan3A_24, %jit3A : i32
      %ne3A_38 = arith.constant 0 : i32
      %ne3A_39 = arith.cmpi ne, %rem3A, %ne3A_38 : i32
      %and3A = arith.andi %ne3A, %ne3A_39 : i1
      %sub3A = arith.constant 1 : i32
      %sub3A_40 = arith.subi %div3A, %sub3A : i32
      %select_n3A = arith.select %and3A, %sub3A_40, %div3A : i32
      %jit3A_41 = arith.constant 8 : i32
      %eq3A = arith.constant 0 : i32
      %eq3A_42 = arith.cmpi eq, %jit3A_41, %eq3A : i32
      %jit3A_43 = arith.constant 1 : i32
      %select_n3A_44 = arith.select %eq3A_42, %jit3A_43, %jit3A_41 : i32
      %rem3A_45 = arith.remsi %scan3A_24, %select_n3A_44 : i32
      %ne3A_46 = arith.constant 0 : i32
      %ne3A_47 = arith.cmpi ne, %rem3A_45, %ne3A_46 : i32
      %lt3A = arith.constant 0 : i32
      %lt3A_48 = arith.cmpi slt, %rem3A_45, %lt3A : i32
      %lt3A_49 = arith.constant 0 : i32
      %lt3A_50 = arith.cmpi slt, %select_n3A_44, %lt3A_49 : i32
      %ne3A_51 = arith.xori %lt3A_48, %lt3A_50 : i1
      %and3A_52 = arith.andi %ne3A_51, %ne3A_47 : i1
      %add3A_53 = arith.addi %rem3A_45, %select_n3A_44 : i32
      %select_n3A_54 = arith.select %and3A_52, %add3A_53, %rem3A_45 : i32
      %mul3A_55 = arith.constant 16 : i32
      %mul3A_56 = arith.muli %select_n3A_54, %mul3A_55 : i32
      %swap3A = arith.index_cast %select_n3A : i32 to index
      %swap3A_57 = arith.index_cast %mul3A_56 : i32 to index
      %swap3A_58 = tpu.vector_load %arg8[%swap3A, %swap3A_57] {strides = array<i32>} : memref<128x128xf32, #tpu.memory_space<vmem>>, vector<1x16xf32>,
      %swap3A_59 = vector.shape_cast %swap3A_58 : vector<1x16xf32> to vector<16xf32>
      %swap3A_60 = vector.shape_cast %broadcast_in_dim3A_1 : vector<16xf32> to vector<1x16xf32>
      tpu.vector_store %arg8[%swap3A, %swap3A_57], %swap3A_60 {strides = array<i32>} : memref<128x128xf32, #tpu.memory_space<vmem>>, vector<1x16xf32>,
    }
    %scan3A_6 = arith.constant 1024 : i32
    %mul3A_7 = arith.constant 640 : i32
    %mul3A_8 = arith.muli %arg1, %mul3A_7 : i32
    %scan3A_9 = arith.constant 0 : i32
    %scan3A_10 = arith.constant 0 : i32
    %scan3A_11 = arith.constant 5 : i32
    %scan3A_12 = arith.addi %scan3A_10, %scan3A_11 : i32
    %scan3A_13 = arith.constant 1 : i32
    scf.for %scan3A_24 = %scan3A_10 to %scan3A_12 step %scan3A_13  : i32 {
      %mul3A_25 = arith.constant 128 : i32
      %mul3A_26 = arith.muli %scan3A_24, %mul3A_25 : i32
      %add3A_27 = arith.addi %mul3A_8, %mul3A_26 : i32
      "tpu.region"() ({
        %run_scoped3A = tpu.sem_alloc : memref<!tpu.dma_semaphore, #tpu.memory_space<semaphore_mem>>
        %dma_start3A = arith.constant 0 : i32
        %dma_start3A_28 = tpu.memref_slice %arg10[%add3A_27, %dma_start3A] : memref<10240x128xf32, #tpu.memory_space<vmem_shared>> -> memref<128x128xf32, #tpu.memory_space<vmem_shared>>
        %dma_start3A_29 = arith.constant 0 : i32
        %dma_start3A_30 = tpu.memref_slice %arg10[%add3A_27, %dma_start3A_29] : memref<10240x128xf32, #tpu.memory_space<vmem_shared>> -> memref<128x128xf32, #tpu.memory_space<vmem_shared>>
        tpu.enqueue_dma source(%arg8 : memref<128x128xf32, #tpu.memory_space<vmem>>) target(%dma_start3A_30 : memref<128x128xf32, #tpu.memory_space<vmem_shared>>) target_semaphore(%run_scoped3A : memref<!tpu.dma_semaphore, #tpu.memory_space<semaphore_mem>>)
        %dma_wait3A = arith.constant 0 : i32
        %dma_wait3A_31 = tpu.memref_slice %arg10[%add3A_27, %dma_wait3A] : memref<10240x128xf32, #tpu.memory_space<vmem_shared>> -> memref<128x128xf32, #tpu.memory_space<vmem_shared>>
        %dma_wait3A_32 = arith.constant 0 : i32
        %dma_wait3A_33 = tpu.memref_slice %arg10[%add3A_27, %dma_wait3A_32] : memref<10240x128xf32, #tpu.memory_space<vmem_shared>> -> memref<128x128xf32, #tpu.memory_space<vmem_shared>>
        tpu.wait_dma2 semaphore(%run_scoped3A : memref<!tpu.dma_semaphore, #tpu.memory_space<semaphore_mem>>) src(%arg8 : memref<128x128xf32, #tpu.memory_space<vmem>>) dst(%dma_wait3A_33 : memref<128x128xf32, #tpu.memory_space<vmem_shared>>)
        tpu.yield
      }) : () -> ()
    }
    %scan3A_14 = arith.constant 5 : i32
    %barrier3A = arith.constant 0 : index
    tpu.barrier barrier_id(%barrier3A)
    %scan3A_15 = arith.constant 0 : i32
    %scan3A_16 = arith.constant 0 : i32
    %scan3A_17 = arith.constant 5 : i32
    %scan3A_18 = arith.addi %scan3A_16, %scan3A_17 : i32
    %scan3A_19 = arith.constant 1 : i32
    scf.for %scan3A_24 = %scan3A_16 to %scan3A_18 step %scan3A_19  : i32 {
      "tpu.region"() ({
        %run_scoped3A_262 = tpu.sem_alloc : memref<!tpu.dma_semaphore, #tpu.memory_space<semaphore_mem>>
        %dma_start3A_263 = arith.constant 0 : i32
        %dma_start3A_264 = arith.constant 0 : i32
        %dma_start3A_265 = tpu.memref_slice %arg3[%add3A, %scan3A_24, %dma_start3A_263, %dma_start3A_264] : memref<32x5x16x128xi32, #tpu.memory_space<hbm>> -> memref<1x1x16x128xi32, #tpu.memory_space<hbm>>
        %dma_start3A_266 = tpu.memref_squeeze %dma_start3A_265 : memref<1x1x16x128xi32, #tpu.memory_space<hbm>> -> memref<16x128xi32, #tpu.memory_space<hbm>>
        %dma_start3A_267 = arith.constant 0 : i32
        %dma_start3A_268 = arith.constant 0 : i32
        %dma_start3A_269 = tpu.memref_slice %arg3[%add3A, %scan3A_24, %dma_start3A_267, %dma_start3A_268] : memref<32x5x16x128xi32, #tpu.memory_space<hbm>> -> memref<1x1x16x128xi32, #tpu.memory_space<hbm>>
        %dma_start3A_270 = tpu.memref_squeeze %dma_start3A_269 : memref<1x1x16x128xi32, #tpu.memory_space<hbm>> -> memref<16x128xi32, #tpu.memory_space<hbm>>
        tpu.enqueue_dma source(%dma_start3A_270 : memref<16x128xi32, #tpu.memory_space<hbm>>) target(%arg6 : memref<16x128xi32, #tpu.memory_space<vmem>>) target_semaphore(%run_scoped3A_262 : memref<!tpu.dma_semaphore, #tpu.memory_space<semaphore_mem>>)
        %dma_wait3A_271 = arith.constant 0 : i32
        %dma_wait3A_272 = arith.constant 0 : i32
        %dma_wait3A_273 = tpu.memref_slice %arg3[%add3A, %scan3A_24, %dma_wait3A_271, %dma_wait3A_272] : memref<32x5x16x128xi32, #tpu.memory_space<hbm>> -> memref<1x1x16x128xi32, #tpu.memory_space<hbm>>
        %dma_wait3A_274 = tpu.memref_squeeze %dma_wait3A_273 : memref<1x1x16x128xi32, #tpu.memory_space<hbm>> -> memref<16x128xi32, #tpu.memory_space<hbm>>
        %dma_wait3A_275 = arith.constant 0 : i32
        %dma_wait3A_276 = arith.constant 0 : i32
        %dma_wait3A_277 = tpu.memref_slice %arg3[%add3A, %scan3A_24, %dma_wait3A_275, %dma_wait3A_276] : memref<32x5x16x128xi32, #tpu.memory_space<hbm>> -> memref<1x1x16x128xi32, #tpu.memory_space<hbm>>
        %dma_wait3A_278 = tpu.memref_squeeze %dma_wait3A_277 : memref<1x1x16x128xi32, #tpu.memory_space<hbm>> -> memref<16x128xi32, #tpu.memory_space<hbm>>
        tpu.wait_dma2 semaphore(%run_scoped3A_262 : memref<!tpu.dma_semaphore, #tpu.memory_space<semaphore_mem>>) src(%dma_wait3A_278 : memref<16x128xi32, #tpu.memory_space<hbm>>) dst(%arg6 : memref<16x128xi32, #tpu.memory_space<vmem>>)
        tpu.yield
      }) : () -> ()
      "tpu.region"() ({
        %run_scoped3A_262 = tpu.sem_alloc : memref<!tpu.dma_semaphore, #tpu.memory_space<semaphore_mem>>
        %dma_start3A_263 = arith.constant 0 : i32
        %dma_start3A_264 = arith.constant 0 : i32
        %dma_start3A_265 = tpu.memref_slice %arg4[%add3A, %scan3A_24, %dma_start3A_263, %dma_start3A_264] : memref<32x5x16x128xi32, #tpu.memory_space<hbm>> -> memref<1x1x16x128xi32, #tpu.memory_space<hbm>>
        %dma_start3A_266 = tpu.memref_squeeze %dma_start3A_265 : memref<1x1x16x128xi32, #tpu.memory_space<hbm>> -> memref<16x128xi32, #tpu.memory_space<hbm>>
        %dma_start3A_267 = arith.constant 0 : i32
        %dma_start3A_268 = arith.constant 0 : i32
        %dma_start3A_269 = tpu.memref_slice %arg4[%add3A, %scan3A_24, %dma_start3A_267, %dma_start3A_268] : memref<32x5x16x128xi32, #tpu.memory_space<hbm>> -> memref<1x1x16x128xi32, #tpu.memory_space<hbm>>
        %dma_start3A_270 = tpu.memref_squeeze %dma_start3A_269 : memref<1x1x16x128xi32, #tpu.memory_space<hbm>> -> memref<16x128xi32, #tpu.memory_space<hbm>>
        tpu.enqueue_dma source(%dma_start3A_270 : memref<16x128xi32, #tpu.memory_space<hbm>>) target(%arg7 : memref<16x128xi32, #tpu.memory_space<vmem>>) target_semaphore(%run_scoped3A_262 : memref<!tpu.dma_semaphore, #tpu.memory_space<semaphore_mem>>)
        %dma_wait3A_271 = arith.constant 0 : i32
        %dma_wait3A_272 = arith.constant 0 : i32
        %dma_wait3A_273 = tpu.memref_slice %arg4[%add3A, %scan3A_24, %dma_wait3A_271, %dma_wait3A_272] : memref<32x5x16x128xi32, #tpu.memory_space<hbm>> -> memref<1x1x16x128xi32, #tpu.memory_space<hbm>>
        %dma_wait3A_274 = tpu.memref_squeeze %dma_wait3A_273 : memref<1x1x16x128xi32, #tpu.memory_space<hbm>> -> memref<16x128xi32, #tpu.memory_space<hbm>>
        %dma_wait3A_275 = arith.constant 0 : i32
        %dma_wait3A_276 = arith.constant 0 : i32
        %dma_wait3A_277 = tpu.memref_slice %arg4[%add3A, %scan3A_24, %dma_wait3A_275, %dma_wait3A_276] : memref<32x5x16x128xi32, #tpu.memory_space<hbm>> -> memref<1x1x16x128xi32, #tpu.memory_space<hbm>>
        %dma_wait3A_278 = tpu.memref_squeeze %dma_wait3A_277 : memref<1x1x16x128xi32, #tpu.memory_space<hbm>> -> memref<16x128xi32, #tpu.memory_space<hbm>>
        tpu.wait_dma2 semaphore(%run_scoped3A_262 : memref<!tpu.dma_semaphore, #tpu.memory_space<semaphore_mem>>) src(%dma_wait3A_278 : memref<16x128xi32, #tpu.memory_space<hbm>>) dst(%arg7 : memref<16x128xi32, #tpu.memory_space<vmem>>)
        tpu.yield
      }) : () -> ()
      %dma_start3A = arith.constant 0 : i32
      %dma_start3A_25 = arith.constant 0 : i32
      %dma_start3A_26 = tpu.memref_slice %arg6[%dma_start3A, %dma_start3A_25] : memref<16x128xi32, #tpu.memory_space<vmem>> -> memref<1x128xi32, #tpu.memory_space<vmem>>
      %dma_start3A_27 = tpu.memref_squeeze %dma_start3A_26 : memref<1x128xi32, #tpu.memory_space<vmem>> -> memref<128xi32, #tpu.memory_space<vmem>>
      %dma_start3A_28 = arith.constant 0 : i32
      %dma_start3A_29 = arith.constant 0 : i32
      %dma_start3A_30 = tpu.memref_slice %arg2[%dma_start3A_28, %dma_start3A_29] : memref<10240x128xf32, #tpu.memory_space<hbm>> -> memref<10240x128xf32, #tpu.memory_space<hbm>>
      tpu.enqueue_indirect_dma source(%dma_start3A_30 : memref<10240x128xf32, #tpu.memory_space<hbm>>) target(%arg8 : memref<128x128xf32, #tpu.memory_space<vmem>>) offsets(%dma_start3A_27 : memref<128xi32, #tpu.memory_space<vmem>>) semaphore(%arg11 : memref<!tpu.dma_semaphore, #tpu.memory_space<semaphore_mem>>)
      %dma_wait3A = arith.constant 0 : i32
      %dma_wait3A_31 = arith.constant 0 : i32
      %dma_wait3A_32 = tpu.memref_slice %arg6[%dma_wait3A, %dma_wait3A_31] : memref<16x128xi32, #tpu.memory_space<vmem>> -> memref<1x128xi32, #tpu.memory_space<vmem>>
      %dma_wait3A_33 = tpu.memref_squeeze %dma_wait3A_32 : memref<1x128xi32, #tpu.memory_space<vmem>> -> memref<128xi32, #tpu.memory_space<vmem>>
      %dma_wait3A_34 = arith.constant 0 : i32
      %dma_wait3A_35 = arith.constant 0 : i32
      %dma_wait3A_36 = tpu.memref_slice %arg2[%dma_wait3A_34, %dma_wait3A_35] : memref<10240x128xf32, #tpu.memory_space<hbm>> -> memref<10240x128xf32, #tpu.memory_space<hbm>>
      tpu.wait_indirect_dma semaphore(%arg11 : memref<!tpu.dma_semaphore, #tpu.memory_space<semaphore_mem>>) src(%dma_wait3A_36 : memref<10240x128xf32, #tpu.memory_space<hbm>>) dst(%arg8 : memref<128x128xf32, #tpu.memory_space<vmem>>)
      %dma_start3A_37 = arith.constant 1 : i32
      %dma_start3A_38 = arith.constant 0 : i32
      %dma_start3A_39 = tpu.memref_slice %arg6[%dma_start3A_37, %dma_start3A_38] : memref<16x128xi32, #tpu.memory_space<vmem>> -> memref<1x128xi32, #tpu.memory_space<vmem>>
      %dma_start3A_40 = tpu.memref_squeeze %dma_start3A_39 : memref<1x128xi32, #tpu.memory_space<vmem>> -> memref<128xi32, #tpu.memory_space<vmem>>
      %dma_start3A_41 = arith.constant 0 : i32
      %dma_start3A_42 = arith.constant 0 : i32
      %dma_start3A_43 = tpu.memref_slice %arg2[%dma_start3A_41, %dma_start3A_42] : memref<10240x128xf32, #tpu.memory_space<hbm>> -> memref<10240x128xf32, #tpu.memory_space<hbm>>
      tpu.enqueue_indirect_dma source(%dma_start3A_43 : memref<10240x128xf32, #tpu.memory_space<hbm>>) target(%arg9 : memref<128x128xf32, #tpu.memory_space<vmem>>) offsets(%dma_start3A_40 : memref<128xi32, #tpu.memory_space<vmem>>) semaphore(%arg12 : memref<!tpu.dma_semaphore, #tpu.memory_space<semaphore_mem>>)
      %run_scoped3A = arith.constant 0 : i32
      "tpu.region"() ({
        %run_scoped3A_262 = tpu.sem_alloc : memref<!tpu.dma_semaphore, #tpu.memory_space<semaphore_mem>>
        %dma_start3A_263 = arith.constant 0 : i32
        %dma_start3A_264 = tpu.memref_slice %arg7[%run_scoped3A, %dma_start3A_263] : memref<16x128xi32, #tpu.memory_space<vmem>> -> memref<1x128xi32, #tpu.memory_space<vmem>>
        %dma_start3A_265 = tpu.memref_squeeze %dma_start3A_264 : memref<1x128xi32, #tpu.memory_space<vmem>> -> memref<128xi32, #tpu.memory_space<vmem>>
        %dma_start3A_266 = arith.constant 0 : i32
        %dma_start3A_267 = arith.constant 0 : i32
        %dma_start3A_268 = tpu.memref_slice %arg10[%dma_start3A_266, %dma_start3A_267] : memref<10240x128xf32, #tpu.memory_space<vmem_shared>> -> memref<10240x128xf32, #tpu.memory_space<vmem_shared>>
        tpu.enqueue_indirect_dma source(%arg8 : memref<128x128xf32, #tpu.memory_space<vmem>>) target(%dma_start3A_268 : memref<10240x128xf32, #tpu.memory_space<vmem_shared>>) offsets(%dma_start3A_265 : memref<128xi32, #tpu.memory_space<vmem>>) semaphore(%run_scoped3A_262 : memref<!tpu.dma_semaphore, #tpu.memory_space<semaphore_mem>>) {add = true}
        %dma_wait3A_269 = arith.constant 0 : i32
        %dma_wait3A_270 = tpu.memref_slice %arg7[%run_scoped3A, %dma_wait3A_269] : memref<16x128xi32, #tpu.memory_space<vmem>> -> memref<1x128xi32, #tpu.memory_space<vmem>>
        %dma_wait3A_271 = tpu.memref_squeeze %dma_wait3A_270 : memref<1x128xi32, #tpu.memory_space<vmem>> -> memref<128xi32, #tpu.memory_space<vmem>>
        %dma_wait3A_272 = arith.constant 0 : i32
        %dma_wait3A_273 = arith.constant 0 : i32
        %dma_wait3A_274 = tpu.memref_slice %arg10[%dma_wait3A_272, %dma_wait3A_273] : memref<10240x128xf32, #tpu.memory_space<vmem_shared>> -> memref<10240x128xf32, #tpu.memory_space<vmem_shared>>
        tpu.wait_indirect_dma semaphore(%run_scoped3A_262 : memref<!tpu.dma_semaphore, #tpu.memory_space<semaphore_mem>>) src(%arg8 : memref<128x128xf32, #tpu.memory_space<vmem>>) dst(%dma_wait3A_274 : memref<10240x128xf32, #tpu.memory_space<vmem_shared>>)
        tpu.yield
      }) : () -> ()
      %dma_wait3A_44 = arith.constant 1 : i32
      %dma_wait3A_45 = arith.constant 0 : i32
      %dma_wait3A_46 = tpu.memref_slice %arg6[%dma_wait3A_44, %dma_wait3A_45] : memref<16x128xi32, #tpu.memory_space<vmem>> -> memref<1x128xi32, #tpu.memory_space<vmem>>
      %dma_wait3A_47 = tpu.memref_squeeze %dma_wait3A_46 : memref<1x128xi32, #tpu.memory_space<vmem>> -> memref<128xi32, #tpu.memory_space<vmem>>
      %dma_wait3A_48 = arith.constant 0 : i32
      %dma_wait3A_49 = arith.constant 0 : i32
      %dma_wait3A_50 = tpu.memref_slice %arg2[%dma_wait3A_48, %dma_wait3A_49] : memref<10240x128xf32, #tpu.memory_space<hbm>> -> memref<10240x128xf32, #tpu.memory_space<hbm>>
      tpu.wait_indirect_dma semaphore(%arg12 : memref<!tpu.dma_semaphore, #tpu.memory_space<semaphore_mem>>) src(%dma_wait3A_50 : memref<10240x128xf32, #tpu.memory_space<hbm>>) dst(%arg9 : memref<128x128xf32, #tpu.memory_space<vmem>>)
      %dma_start3A_51 = arith.constant 2 : i32
      %dma_start3A_52 = arith.constant 0 : i32
      %dma_start3A_53 = tpu.memref_slice %arg6[%dma_start3A_51, %dma_start3A_52] : memref<16x128xi32, #tpu.memory_space<vmem>> -> memref<1x128xi32, #tpu.memory_space<vmem>>
      %dma_start3A_54 = tpu.memref_squeeze %dma_start3A_53 : memref<1x128xi32, #tpu.memory_space<vmem>> -> memref<128xi32, #tpu.memory_space<vmem>>
      %dma_start3A_55 = arith.constant 0 : i32
      %dma_start3A_56 = arith.constant 0 : i32
      %dma_start3A_57 = tpu.memref_slice %arg2[%dma_start3A_55, %dma_start3A_56] : memref<10240x128xf32, #tpu.memory_space<hbm>> -> memref<10240x128xf32, #tpu.memory_space<hbm>>
      tpu.enqueue_indirect_dma source(%dma_start3A_57 : memref<10240x128xf32, #tpu.memory_space<hbm>>) target(%arg8 : memref<128x128xf32, #tpu.memory_space<vmem>>) offsets(%dma_start3A_54 : memref<128xi32, #tpu.memory_space<vmem>>) semaphore(%arg11 : memref<!tpu.dma_semaphore, #tpu.memory_space<semaphore_mem>>)
      %run_scoped3A_58 = arith.constant 1 : i32
      "tpu.region"() ({
        %run_scoped3A_262 = tpu.sem_alloc : memref<!tpu.dma_semaphore, #tpu.memory_space<semaphore_mem>>
        %dma_start3A_263 = arith.constant 0 : i32
        %dma_start3A_264 = tpu.memref_slice %arg7[%run_scoped3A_58, %dma_start3A_263] : memref<16x128xi32, #tpu.memory_space<vmem>> -> memref<1x128xi32, #tpu.memory_space<vmem>>
        %dma_start3A_265 = tpu.memref_squeeze %dma_start3A_264 : memref<1x128xi32, #tpu.memory_space<vmem>> -> memref<128xi32, #tpu.memory_space<vmem>>
        %dma_start3A_266 = arith.constant 0 : i32
        %dma_start3A_267 = arith.constant 0 : i32
        %dma_start3A_268 = tpu.memref_slice %arg10[%dma_start3A_266, %dma_start3A_267] : memref<10240x128xf32, #tpu.memory_space<vmem_shared>> -> memref<10240x128xf32, #tpu.memory_space<vmem_shared>>
        tpu.enqueue_indirect_dma source(%arg9 : memref<128x128xf32, #tpu.memory_space<vmem>>) target(%dma_start3A_268 : memref<10240x128xf32, #tpu.memory_space<vmem_shared>>) offsets(%dma_start3A_265 : memref<128xi32, #tpu.memory_space<vmem>>) semaphore(%run_scoped3A_262 : memref<!tpu.dma_semaphore, #tpu.memory_space<semaphore_mem>>) {add = true}
        %dma_wait3A_269 = arith.constant 0 : i32
        %dma_wait3A_270 = tpu.memref_slice %arg7[%run_scoped3A_58, %dma_wait3A_269] : memref<16x128xi32, #tpu.memory_space<vmem>> -> memref<1x128xi32, #tpu.memory_space<vmem>>
        %dma_wait3A_271 = tpu.memref_squeeze %dma_wait3A_270 : memref<1x128xi32, #tpu.memory_space<vmem>> -> memref<128xi32, #tpu.memory_space<vmem>>
        %dma_wait3A_272 = arith.constant 0 : i32
        %dma_wait3A_273 = arith.constant 0 : i32
        %dma_wait3A_274 = tpu.memref_slice %arg10[%dma_wait3A_272, %dma_wait3A_273] : memref<10240x128xf32, #tpu.memory_space<vmem_shared>> -> memref<10240x128xf32, #tpu.memory_space<vmem_shared>>
        tpu.wait_indirect_dma semaphore(%run_scoped3A_262 : memref<!tpu.dma_semaphore, #tpu.memory_space<semaphore_mem>>) src(%arg9 : memref<128x128xf32, #tpu.memory_space<vmem>>) dst(%dma_wait3A_274 : memref<10240x128xf32, #tpu.memory_space<vmem_shared>>)
        tpu.yield
      }) : () -> ()
      %dma_wait3A_59 = arith.constant 2 : i32
      %dma_wait3A_60 = arith.constant 0 : i32
      %dma_wait3A_61 = tpu.memref_slice %arg6[%dma_wait3A_59, %dma_wait3A_60] : memref<16x128xi32, #tpu.memory_space<vmem>> -> memref<1x128xi32, #tpu.memory_space<vmem>>
      %dma_wait3A_62 = tpu.memref_squeeze %dma_wait3A_61 : memref<1x128xi32, #tpu.memory_space<vmem>> -> memref<128xi32, #tpu.memory_space<vmem>>
      %dma_wait3A_63 = arith.constant 0 : i32
      %dma_wait3A_64 = arith.constant 0 : i32
      %dma_wait3A_65 = tpu.memref_slice %arg2[%dma_wait3A_63, %dma_wait3A_64] : memref<10240x128xf32, #tpu.memory_space<hbm>> -> memref<10240x128xf32, #tpu.memory_space<hbm>>
      tpu.wait_indirect_dma semaphore(%arg11 : memref<!tpu.dma_semaphore, #tpu.memory_space<semaphore_mem>>) src(%dma_wait3A_65 : memref<10240x128xf32, #tpu.memory_space<hbm>>) dst(%arg8 : memref<128x128xf32, #tpu.memory_space<vmem>>)
      %dma_start3A_66 = arith.constant 3 : i32
      %dma_start3A_67 = arith.constant 0 : i32
      %dma_start3A_68 = tpu.memref_slice %arg6[%dma_start3A_66, %dma_start3A_67] : memref<16x128xi32, #tpu.memory_space<vmem>> -> memref<1x128xi32, #tpu.memory_space<vmem>>
      %dma_start3A_69 = tpu.memref_squeeze %dma_start3A_68 : memref<1x128xi32, #tpu.memory_space<vmem>> -> memref<128xi32, #tpu.memory_space<vmem>>
      %dma_start3A_70 = arith.constant 0 : i32
      %dma_start3A_71 = arith.constant 0 : i32
      %dma_start3A_72 = tpu.memref_slice %arg2[%dma_start3A_70, %dma_start3A_71] : memref<10240x128xf32, #tpu.memory_space<hbm>> -> memref<10240x128xf32, #tpu.memory_space<hbm>>
      tpu.enqueue_indirect_dma source(%dma_start3A_72 : memref<10240x128xf32, #tpu.memory_space<hbm>>) target(%arg9 : memref<128x128xf32, #tpu.memory_space<vmem>>) offsets(%dma_start3A_69 : memref<128xi32, #tpu.memory_space<vmem>>) semaphore(%arg12 : memref<!tpu.dma_semaphore, #tpu.memory_space<semaphore_mem>>)
      %run_scoped3A_73 = arith.constant 2 : i32
      "tpu.region"() ({
        %run_scoped3A_262 = tpu.sem_alloc : memref<!tpu.dma_semaphore, #tpu.memory_space<semaphore_mem>>
        %dma_start3A_263 = arith.constant 0 : i32
        %dma_start3A_264 = tpu.memref_slice %arg7[%run_scoped3A_73, %dma_start3A_263] : memref<16x128xi32, #tpu.memory_space<vmem>> -> memref<1x128xi32, #tpu.memory_space<vmem>>
        %dma_start3A_265 = tpu.memref_squeeze %dma_start3A_264 : memref<1x128xi32, #tpu.memory_space<vmem>> -> memref<128xi32, #tpu.memory_space<vmem>>
        %dma_start3A_266 = arith.constant 0 : i32
        %dma_start3A_267 = arith.constant 0 : i32
        %dma_start3A_268 = tpu.memref_slice %arg10[%dma_start3A_266, %dma_start3A_267] : memref<10240x128xf32, #tpu.memory_space<vmem_shared>> -> memref<10240x128xf32, #tpu.memory_space<vmem_shared>>
        tpu.enqueue_indirect_dma source(%arg8 : memref<128x128xf32, #tpu.memory_space<vmem>>) target(%dma_start3A_268 : memref<10240x128xf32, #tpu.memory_space<vmem_shared>>) offsets(%dma_start3A_265 : memref<128xi32, #tpu.memory_space<vmem>>) semaphore(%run_scoped3A_262 : memref<!tpu.dma_semaphore, #tpu.memory_space<semaphore_mem>>) {add = true}
        %dma_wait3A_269 = arith.constant 0 : i32
        %dma_wait3A_270 = tpu.memref_slice %arg7[%run_scoped3A_73, %dma_wait3A_269] : memref<16x128xi32, #tpu.memory_space<vmem>> -> memref<1x128xi32, #tpu.memory_space<vmem>>
        %dma_wait3A_271 = tpu.memref_squeeze %dma_wait3A_270 : memref<1x128xi32, #tpu.memory_space<vmem>> -> memref<128xi32, #tpu.memory_space<vmem>>
        %dma_wait3A_272 = arith.constant 0 : i32
        %dma_wait3A_273 = arith.constant 0 : i32
        %dma_wait3A_274 = tpu.memref_slice %arg10[%dma_wait3A_272, %dma_wait3A_273] : memref<10240x128xf32, #tpu.memory_space<vmem_shared>> -> memref<10240x128xf32, #tpu.memory_space<vmem_shared>>
        tpu.wait_indirect_dma semaphore(%run_scoped3A_262 : memref<!tpu.dma_semaphore, #tpu.memory_space<semaphore_mem>>) src(%arg8 : memref<128x128xf32, #tpu.memory_space<vmem>>) dst(%dma_wait3A_274 : memref<10240x128xf32, #tpu.memory_space<vmem_shared>>)
        tpu.yield
      }) : () -> ()
      %dma_wait3A_74 = arith.constant 3 : i32
      %dma_wait3A_75 = arith.constant 0 : i32
      %dma_wait3A_76 = tpu.memref_slice %arg6[%dma_wait3A_74, %dma_wait3A_75] : memref<16x128xi32, #tpu.memory_space<vmem>> -> memref<1x128xi32, #tpu.memory_space<vmem>>
      %dma_wait3A_77 = tpu.memref_squeeze %dma_wait3A_76 : memref<1x128xi32, #tpu.memory_space<vmem>> -> memref<128xi32, #tpu.memory_space<vmem>>
      %dma_wait3A_78 = arith.constant 0 : i32
      %dma_wait3A_79 = arith.constant 0 : i32
      %dma_wait3A_80 = tpu.memref_slice %arg2[%dma_wait3A_78, %dma_wait3A_79] : memref<10240x128xf32, #tpu.memory_space<hbm>> -> memref<10240x128xf32, #tpu.memory_space<hbm>>
      tpu.wait_indirect_dma semaphore(%arg12 : memref<!tpu.dma_semaphore, #tpu.memory_space<semaphore_mem>>) src(%dma_wait3A_80 : memref<10240x128xf32, #tpu.memory_space<hbm>>) dst(%arg9 : memref<128x128xf32, #tpu.memory_space<vmem>>)
      %dma_start3A_81 = arith.constant 4 : i32
      %dma_start3A_82 = arith.constant 0 : i32
      %dma_start3A_83 = tpu.memref_slice %arg6[%dma_start3A_81, %dma_start3A_82] : memref<16x128xi32, #tpu.memory_space<vmem>> -> memref<1x128xi32, #tpu.memory_space<vmem>>
      %dma_start3A_84 = tpu.memref_squeeze %dma_start3A_83 : memref<1x128xi32, #tpu.memory_space<vmem>> -> memref<128xi32, #tpu.memory_space<vmem>>
      %dma_start3A_85 = arith.constant 0 : i32
      %dma_start3A_86 = arith.constant 0 : i32
      %dma_start3A_87 = tpu.memref_slice %arg2[%dma_start3A_85, %dma_start3A_86] : memref<10240x128xf32, #tpu.memory_space<hbm>> -> memref<10240x128xf32, #tpu.memory_space<hbm>>
      tpu.enqueue_indirect_dma source(%dma_start3A_87 : memref<10240x128xf32, #tpu.memory_space<hbm>>) target(%arg8 : memref<128x128xf32, #tpu.memory_space<vmem>>) offsets(%dma_start3A_84 : memref<128xi32, #tpu.memory_space<vmem>>) semaphore(%arg11 : memref<!tpu.dma_semaphore, #tpu.memory_space<semaphore_mem>>)
      %run_scoped3A_88 = arith.constant 3 : i32
      "tpu.region"() ({
        %run_scoped3A_262 = tpu.sem_alloc : memref<!tpu.dma_semaphore, #tpu.memory_space<semaphore_mem>>
        %dma_start3A_263 = arith.constant 0 : i32
        %dma_start3A_264 = tpu.memref_slice %arg7[%run_scoped3A_88, %dma_start3A_263] : memref<16x128xi32, #tpu.memory_space<vmem>> -> memref<1x128xi32, #tpu.memory_space<vmem>>
        %dma_start3A_265 = tpu.memref_squeeze %dma_start3A_264 : memref<1x128xi32, #tpu.memory_space<vmem>> -> memref<128xi32, #tpu.memory_space<vmem>>
        %dma_start3A_266 = arith.constant 0 : i32
        %dma_start3A_267 = arith.constant 0 : i32
        %dma_start3A_268 = tpu.memref_slice %arg10[%dma_start3A_266, %dma_start3A_267] : memref<10240x128xf32, #tpu.memory_space<vmem_shared>> -> memref<10240x128xf32, #tpu.memory_space<vmem_shared>>
        tpu.enqueue_indirect_dma source(%arg9 : memref<128x128xf32, #tpu.memory_space<vmem>>) target(%dma_start3A_268 : memref<10240x128xf32, #tpu.memory_space<vmem_shared>>) offsets(%dma_start3A_265 : memref<128xi32, #tpu.memory_space<vmem>>) semaphore(%run_scoped3A_262 : memref<!tpu.dma_semaphore, #tpu.memory_space<semaphore_mem>>) {add = true}
        %dma_wait3A_269 = arith.constant 0 : i32
        %dma_wait3A_270 = tpu.memref_slice %arg7[%run_scoped3A_88, %dma_wait3A_269] : memref<16x128xi32, #tpu.memory_space<vmem>> -> memref<1x128xi32, #tpu.memory_space<vmem>>
        %dma_wait3A_271 = tpu.memref_squeeze %dma_wait3A_270 : memref<1x128xi32, #tpu.memory_space<vmem>> -> memref<128xi32, #tpu.memory_space<vmem>>
        %dma_wait3A_272 = arith.constant 0 : i32
        %dma_wait3A_273 = arith.constant 0 : i32
        %dma_wait3A_274 = tpu.memref_slice %arg10[%dma_wait3A_272, %dma_wait3A_273] : memref<10240x128xf32, #tpu.memory_space<vmem_shared>> -> memref<10240x128xf32, #tpu.memory_space<vmem_shared>>
        tpu.wait_indirect_dma semaphore(%run_scoped3A_262 : memref<!tpu.dma_semaphore, #tpu.memory_space<semaphore_mem>>) src(%arg9 : memref<128x128xf32, #tpu.memory_space<vmem>>) dst(%dma_wait3A_274 : memref<10240x128xf32, #tpu.memory_space<vmem_shared>>)
        tpu.yield
      }) : () -> ()
      %dma_wait3A_89 = arith.constant 4 : i32
      %dma_wait3A_90 = arith.constant 0 : i32
      %dma_wait3A_91 = tpu.memref_slice %arg6[%dma_wait3A_89, %dma_wait3A_90] : memref<16x128xi32, #tpu.memory_space<vmem>> -> memref<1x128xi32, #tpu.memory_space<vmem>>
      %dma_wait3A_92 = tpu.memref_squeeze %dma_wait3A_91 : memref<1x128xi32, #tpu.memory_space<vmem>> -> memref<128xi32, #tpu.memory_space<vmem>>
      %dma_wait3A_93 = arith.constant 0 : i32
      %dma_wait3A_94 = arith.constant 0 : i32
      %dma_wait3A_95 = tpu.memref_slice %arg2[%dma_wait3A_93, %dma_wait3A_94] : memref<10240x128xf32, #tpu.memory_space<hbm>> -> memref<10240x128xf32, #tpu.memory_space<hbm>>
      tpu.wait_indirect_dma semaphore(%arg11 : memref<!tpu.dma_semaphore, #tpu.memory_space<semaphore_mem>>) src(%dma_wait3A_95 : memref<10240x128xf32, #tpu.memory_space<hbm>>) dst(%arg8 : memref<128x128xf32, #tpu.memory_space<vmem>>)
      %dma_start3A_96 = arith.constant 5 : i32
      %dma_start3A_97 = arith.constant 0 : i32
      %dma_start3A_98 = tpu.memref_slice %arg6[%dma_start3A_96, %dma_start3A_97] : memref<16x128xi32, #tpu.memory_space<vmem>> -> memref<1x128xi32, #tpu.memory_space<vmem>>
      %dma_start3A_99 = tpu.memref_squeeze %dma_start3A_98 : memref<1x128xi32, #tpu.memory_space<vmem>> -> memref<128xi32, #tpu.memory_space<vmem>>
      %dma_start3A_100 = arith.constant 0 : i32
      %dma_start3A_101 = arith.constant 0 : i32
      %dma_start3A_102 = tpu.memref_slice %arg2[%dma_start3A_100, %dma_start3A_101] : memref<10240x128xf32, #tpu.memory_space<hbm>> -> memref<10240x128xf32, #tpu.memory_space<hbm>>
      tpu.enqueue_indirect_dma source(%dma_start3A_102 : memref<10240x128xf32, #tpu.memory_space<hbm>>) target(%arg9 : memref<128x128xf32, #tpu.memory_space<vmem>>) offsets(%dma_start3A_99 : memref<128xi32, #tpu.memory_space<vmem>>) semaphore(%arg12 : memref<!tpu.dma_semaphore, #tpu.memory_space<semaphore_mem>>)
      %run_scoped3A_103 = arith.constant 4 : i32
      "tpu.region"() ({
        %run_scoped3A_262 = tpu.sem_alloc : memref<!tpu.dma_semaphore, #tpu.memory_space<semaphore_mem>>
        %dma_start3A_263 = arith.constant 0 : i32
        %dma_start3A_264 = tpu.memref_slice %arg7[%run_scoped3A_103, %dma_start3A_263] : memref<16x128xi32, #tpu.memory_space<vmem>> -> memref<1x128xi32, #tpu.memory_space<vmem>>
        %dma_start3A_265 = tpu.memref_squeeze %dma_start3A_264 : memref<1x128xi32, #tpu.memory_space<vmem>> -> memref<128xi32, #tpu.memory_space<vmem>>
        %dma_start3A_266 = arith.constant 0 : i32
        %dma_start3A_267 = arith.constant 0 : i32
        %dma_start3A_268 = tpu.memref_slice %arg10[%dma_start3A_266, %dma_start3A_267] : memref<10240x128xf32, #tpu.memory_space<vmem_shared>> -> memref<10240x128xf32, #tpu.memory_space<vmem_shared>>
        tpu.enqueue_indirect_dma source(%arg8 : memref<128x128xf32, #tpu.memory_space<vmem>>) target(%dma_start3A_268 : memref<10240x128xf32, #tpu.memory_space<vmem_shared>>) offsets(%dma_start3A_265 : memref<128xi32, #tpu.memory_space<vmem>>) semaphore(%run_scoped3A_262 : memref<!tpu.dma_semaphore, #tpu.memory_space<semaphore_mem>>) {add = true}
        %dma_wait3A_269 = arith.constant 0 : i32
        %dma_wait3A_270 = tpu.memref_slice %arg7[%run_scoped3A_103, %dma_wait3A_269] : memref<16x128xi32, #tpu.memory_space<vmem>> -> memref<1x128xi32, #tpu.memory_space<vmem>>
        %dma_wait3A_271 = tpu.memref_squeeze %dma_wait3A_270 : memref<1x128xi32, #tpu.memory_space<vmem>> -> memref<128xi32, #tpu.memory_space<vmem>>
        %dma_wait3A_272 = arith.constant 0 : i32
        %dma_wait3A_273 = arith.constant 0 : i32
        %dma_wait3A_274 = tpu.memref_slice %arg10[%dma_wait3A_272, %dma_wait3A_273] : memref<10240x128xf32, #tpu.memory_space<vmem_shared>> -> memref<10240x128xf32, #tpu.memory_space<vmem_shared>>
        tpu.wait_indirect_dma semaphore(%run_scoped3A_262 : memref<!tpu.dma_semaphore, #tpu.memory_space<semaphore_mem>>) src(%arg8 : memref<128x128xf32, #tpu.memory_space<vmem>>) dst(%dma_wait3A_274 : memref<10240x128xf32, #tpu.memory_space<vmem_shared>>)
        tpu.yield
      }) : () -> ()
      %dma_wait3A_104 = arith.constant 5 : i32
      %dma_wait3A_105 = arith.constant 0 : i32
      %dma_wait3A_106 = tpu.memref_slice %arg6[%dma_wait3A_104, %dma_wait3A_105] : memref<16x128xi32, #tpu.memory_space<vmem>> -> memref<1x128xi32, #tpu.memory_space<vmem>>
      %dma_wait3A_107 = tpu.memref_squeeze %dma_wait3A_106 : memref<1x128xi32, #tpu.memory_space<vmem>> -> memref<128xi32, #tpu.memory_space<vmem>>
      %dma_wait3A_108 = arith.constant 0 : i32
      %dma_wait3A_109 = arith.constant 0 : i32
      %dma_wait3A_110 = tpu.memref_slice %arg2[%dma_wait3A_108, %dma_wait3A_109] : memref<10240x128xf32, #tpu.memory_space<hbm>> -> memref<10240x128xf32, #tpu.memory_space<hbm>>
      tpu.wait_indirect_dma semaphore(%arg12 : memref<!tpu.dma_semaphore, #tpu.memory_space<semaphore_mem>>) src(%dma_wait3A_110 : memref<10240x128xf32, #tpu.memory_space<hbm>>) dst(%arg9 : memref<128x128xf32, #tpu.memory_space<vmem>>)
      %dma_start3A_111 = arith.constant 6 : i32
      %dma_start3A_112 = arith.constant 0 : i32
      %dma_start3A_113 = tpu.memref_slice %arg6[%dma_start3A_111, %dma_start3A_112] : memref<16x128xi32, #tpu.memory_space<vmem>> -> memref<1x128xi32, #tpu.memory_space<vmem>>
      %dma_start3A_114 = tpu.memref_squeeze %dma_start3A_113 : memref<1x128xi32, #tpu.memory_space<vmem>> -> memref<128xi32, #tpu.memory_space<vmem>>
      %dma_start3A_115 = arith.constant 0 : i32
      %dma_start3A_116 = arith.constant 0 : i32
      %dma_start3A_117 = tpu.memref_slice %arg2[%dma_start3A_115, %dma_start3A_116] : memref<10240x128xf32, #tpu.memory_space<hbm>> -> memref<10240x128xf32, #tpu.memory_space<hbm>>
      tpu.enqueue_indirect_dma source(%dma_start3A_117 : memref<10240x128xf32, #tpu.memory_space<hbm>>) target(%arg8 : memref<128x128xf32, #tpu.memory_space<vmem>>) offsets(%dma_start3A_114 : memref<128xi32, #tpu.memory_space<vmem>>) semaphore(%arg11 : memref<!tpu.dma_semaphore, #tpu.memory_space<semaphore_mem>>)
      %run_scoped3A_118 = arith.constant 5 : i32
      "tpu.region"() ({
        %run_scoped3A_262 = tpu.sem_alloc : memref<!tpu.dma_semaphore, #tpu.memory_space<semaphore_mem>>
        %dma_start3A_263 = arith.constant 0 : i32
        %dma_start3A_264 = tpu.memref_slice %arg7[%run_scoped3A_118, %dma_start3A_263] : memref<16x128xi32, #tpu.memory_space<vmem>> -> memref<1x128xi32, #tpu.memory_space<vmem>>
        %dma_start3A_265 = tpu.memref_squeeze %dma_start3A_264 : memref<1x128xi32, #tpu.memory_space<vmem>> -> memref<128xi32, #tpu.memory_space<vmem>>
        %dma_start3A_266 = arith.constant 0 : i32
        %dma_start3A_267 = arith.constant 0 : i32
        %dma_start3A_268 = tpu.memref_slice %arg10[%dma_start3A_266, %dma_start3A_267] : memref<10240x128xf32, #tpu.memory_space<vmem_shared>> -> memref<10240x128xf32, #tpu.memory_space<vmem_shared>>
        tpu.enqueue_indirect_dma source(%arg9 : memref<128x128xf32, #tpu.memory_space<vmem>>) target(%dma_start3A_268 : memref<10240x128xf32, #tpu.memory_space<vmem_shared>>) offsets(%dma_start3A_265 : memref<128xi32, #tpu.memory_space<vmem>>) semaphore(%run_scoped3A_262 : memref<!tpu.dma_semaphore, #tpu.memory_space<semaphore_mem>>) {add = true}
        %dma_wait3A_269 = arith.constant 0 : i32
        %dma_wait3A_270 = tpu.memref_slice %arg7[%run_scoped3A_118, %dma_wait3A_269] : memref<16x128xi32, #tpu.memory_space<vmem>> -> memref<1x128xi32, #tpu.memory_space<vmem>>
        %dma_wait3A_271 = tpu.memref_squeeze %dma_wait3A_270 : memref<1x128xi32, #tpu.memory_space<vmem>> -> memref<128xi32, #tpu.memory_space<vmem>>
        %dma_wait3A_272 = arith.constant 0 : i32
        %dma_wait3A_273 = arith.constant 0 : i32
        %dma_wait3A_274 = tpu.memref_slice %arg10[%dma_wait3A_272, %dma_wait3A_273] : memref<10240x128xf32, #tpu.memory_space<vmem_shared>> -> memref<10240x128xf32, #tpu.memory_space<vmem_shared>>
        tpu.wait_indirect_dma semaphore(%run_scoped3A_262 : memref<!tpu.dma_semaphore, #tpu.memory_space<semaphore_mem>>) src(%arg9 : memref<128x128xf32, #tpu.memory_space<vmem>>) dst(%dma_wait3A_274 : memref<10240x128xf32, #tpu.memory_space<vmem_shared>>)
        tpu.yield
      }) : () -> ()
      %dma_wait3A_119 = arith.constant 6 : i32
      %dma_wait3A_120 = arith.constant 0 : i32
      %dma_wait3A_121 = tpu.memref_slice %arg6[%dma_wait3A_119, %dma_wait3A_120] : memref<16x128xi32, #tpu.memory_space<vmem>> -> memref<1x128xi32, #tpu.memory_space<vmem>>
      %dma_wait3A_122 = tpu.memref_squeeze %dma_wait3A_121 : memref<1x128xi32, #tpu.memory_space<vmem>> -> memref<128xi32, #tpu.memory_space<vmem>>
      %dma_wait3A_123 = arith.constant 0 : i32
      %dma_wait3A_124 = arith.constant 0 : i32
      %dma_wait3A_125 = tpu.memref_slice %arg2[%dma_wait3A_123, %dma_wait3A_124] : memref<10240x128xf32, #tpu.memory_space<hbm>> -> memref<10240x128xf32, #tpu.memory_space<hbm>>
      tpu.wait_indirect_dma semaphore(%arg11 : memref<!tpu.dma_semaphore, #tpu.memory_space<semaphore_mem>>) src(%dma_wait3A_125 : memref<10240x128xf32, #tpu.memory_space<hbm>>) dst(%arg8 : memref<128x128xf32, #tpu.memory_space<vmem>>)
      %dma_start3A_126 = arith.constant 7 : i32
      %dma_start3A_127 = arith.constant 0 : i32
      %dma_start3A_128 = tpu.memref_slice %arg6[%dma_start3A_126, %dma_start3A_127] : memref<16x128xi32, #tpu.memory_space<vmem>> -> memref<1x128xi32, #tpu.memory_space<vmem>>
      %dma_start3A_129 = tpu.memref_squeeze %dma_start3A_128 : memref<1x128xi32, #tpu.memory_space<vmem>> -> memref<128xi32, #tpu.memory_space<vmem>>
      %dma_start3A_130 = arith.constant 0 : i32
      %dma_start3A_131 = arith.constant 0 : i32
      %dma_start3A_132 = tpu.memref_slice %arg2[%dma_start3A_130, %dma_start3A_131] : memref<10240x128xf32, #tpu.memory_space<hbm>> -> memref<10240x128xf32, #tpu.memory_space<hbm>>
      tpu.enqueue_indirect_dma source(%dma_start3A_132 : memref<10240x128xf32, #tpu.memory_space<hbm>>) target(%arg9 : memref<128x128xf32, #tpu.memory_space<vmem>>) offsets(%dma_start3A_129 : memref<128xi32, #tpu.memory_space<vmem>>) semaphore(%arg12 : memref<!tpu.dma_semaphore, #tpu.memory_space<semaphore_mem>>)
      %run_scoped3A_133 = arith.constant 6 : i32
      "tpu.region"() ({
        %run_scoped3A_262 = tpu.sem_alloc : memref<!tpu.dma_semaphore, #tpu.memory_space<semaphore_mem>>
        %dma_start3A_263 = arith.constant 0 : i32
        %dma_start3A_264 = tpu.memref_slice %arg7[%run_scoped3A_133, %dma_start3A_263] : memref<16x128xi32, #tpu.memory_space<vmem>> -> memref<1x128xi32, #tpu.memory_space<vmem>>
        %dma_start3A_265 = tpu.memref_squeeze %dma_start3A_264 : memref<1x128xi32, #tpu.memory_space<vmem>> -> memref<128xi32, #tpu.memory_space<vmem>>
        %dma_start3A_266 = arith.constant 0 : i32
        %dma_start3A_267 = arith.constant 0 : i32
        %dma_start3A_268 = tpu.memref_slice %arg10[%dma_start3A_266, %dma_start3A_267] : memref<10240x128xf32, #tpu.memory_space<vmem_shared>> -> memref<10240x128xf32, #tpu.memory_space<vmem_shared>>
        tpu.enqueue_indirect_dma source(%arg8 : memref<128x128xf32, #tpu.memory_space<vmem>>) target(%dma_start3A_268 : memref<10240x128xf32, #tpu.memory_space<vmem_shared>>) offsets(%dma_start3A_265 : memref<128xi32, #tpu.memory_space<vmem>>) semaphore(%run_scoped3A_262 : memref<!tpu.dma_semaphore, #tpu.memory_space<semaphore_mem>>) {add = true}
        %dma_wait3A_269 = arith.constant 0 : i32
        %dma_wait3A_270 = tpu.memref_slice %arg7[%run_scoped3A_133, %dma_wait3A_269] : memref<16x128xi32, #tpu.memory_space<vmem>> -> memref<1x128xi32, #tpu.memory_space<vmem>>
        %dma_wait3A_271 = tpu.memref_squeeze %dma_wait3A_270 : memref<1x128xi32, #tpu.memory_space<vmem>> -> memref<128xi32, #tpu.memory_space<vmem>>
        %dma_wait3A_272 = arith.constant 0 : i32
        %dma_wait3A_273 = arith.constant 0 : i32
        %dma_wait3A_274 = tpu.memref_slice %arg10[%dma_wait3A_272, %dma_wait3A_273] : memref<10240x128xf32, #tpu.memory_space<vmem_shared>> -> memref<10240x128xf32, #tpu.memory_space<vmem_shared>>
        tpu.wait_indirect_dma semaphore(%run_scoped3A_262 : memref<!tpu.dma_semaphore, #tpu.memory_space<semaphore_mem>>) src(%arg8 : memref<128x128xf32, #tpu.memory_space<vmem>>) dst(%dma_wait3A_274 : memref<10240x128xf32, #tpu.memory_space<vmem_shared>>)
        tpu.yield
      }) : () -> ()
      %dma_wait3A_134 = arith.constant 7 : i32
      %dma_wait3A_135 = arith.constant 0 : i32
      %dma_wait3A_136 = tpu.memref_slice %arg6[%dma_wait3A_134, %dma_wait3A_135] : memref<16x128xi32, #tpu.memory_space<vmem>> -> memref<1x128xi32, #tpu.memory_space<vmem>>
      %dma_wait3A_137 = tpu.memref_squeeze %dma_wait3A_136 : memref<1x128xi32, #tpu.memory_space<vmem>> -> memref<128xi32, #tpu.memory_space<vmem>>
      %dma_wait3A_138 = arith.constant 0 : i32
      %dma_wait3A_139 = arith.constant 0 : i32
      %dma_wait3A_140 = tpu.memref_slice %arg2[%dma_wait3A_138, %dma_wait3A_139] : memref<10240x128xf32, #tpu.memory_space<hbm>> -> memref<10240x128xf32, #tpu.memory_space<hbm>>
      tpu.wait_indirect_dma semaphore(%arg12 : memref<!tpu.dma_semaphore, #tpu.memory_space<semaphore_mem>>) src(%dma_wait3A_140 : memref<10240x128xf32, #tpu.memory_space<hbm>>) dst(%arg9 : memref<128x128xf32, #tpu.memory_space<vmem>>)
      %dma_start3A_141 = arith.constant 8 : i32
      %dma_start3A_142 = arith.constant 0 : i32
      %dma_start3A_143 = tpu.memref_slice %arg6[%dma_start3A_141, %dma_start3A_142] : memref<16x128xi32, #tpu.memory_space<vmem>> -> memref<1x128xi32, #tpu.memory_space<vmem>>
      %dma_start3A_144 = tpu.memref_squeeze %dma_start3A_143 : memref<1x128xi32, #tpu.memory_space<vmem>> -> memref<128xi32, #tpu.memory_space<vmem>>
      %dma_start3A_145 = arith.constant 0 : i32
      %dma_start3A_146 = arith.constant 0 : i32
      %dma_start3A_147 = tpu.memref_slice %arg2[%dma_start3A_145, %dma_start3A_146] : memref<10240x128xf32, #tpu.memory_space<hbm>> -> memref<10240x128xf32, #tpu.memory_space<hbm>>
      tpu.enqueue_indirect_dma source(%dma_start3A_147 : memref<10240x128xf32, #tpu.memory_space<hbm>>) target(%arg8 : memref<128x128xf32, #tpu.memory_space<vmem>>) offsets(%dma_start3A_144 : memref<128xi32, #tpu.memory_space<vmem>>) semaphore(%arg11 : memref<!tpu.dma_semaphore, #tpu.memory_space<semaphore_mem>>)
      %run_scoped3A_148 = arith.constant 7 : i32
      "tpu.region"() ({
        %run_scoped3A_262 = tpu.sem_alloc : memref<!tpu.dma_semaphore, #tpu.memory_space<semaphore_mem>>
        %dma_start3A_263 = arith.constant 0 : i32
        %dma_start3A_264 = tpu.memref_slice %arg7[%run_scoped3A_148, %dma_start3A_263] : memref<16x128xi32, #tpu.memory_space<vmem>> -> memref<1x128xi32, #tpu.memory_space<vmem>>
        %dma_start3A_265 = tpu.memref_squeeze %dma_start3A_264 : memref<1x128xi32, #tpu.memory_space<vmem>> -> memref<128xi32, #tpu.memory_space<vmem>>
        %dma_start3A_266 = arith.constant 0 : i32
        %dma_start3A_267 = arith.constant 0 : i32
        %dma_start3A_268 = tpu.memref_slice %arg10[%dma_start3A_266, %dma_start3A_267] : memref<10240x128xf32, #tpu.memory_space<vmem_shared>> -> memref<10240x128xf32, #tpu.memory_space<vmem_shared>>
        tpu.enqueue_indirect_dma source(%arg9 : memref<128x128xf32, #tpu.memory_space<vmem>>) target(%dma_start3A_268 : memref<10240x128xf32, #tpu.memory_space<vmem_shared>>) offsets(%dma_start3A_265 : memref<128xi32, #tpu.memory_space<vmem>>) semaphore(%run_scoped3A_262 : memref<!tpu.dma_semaphore, #tpu.memory_space<semaphore_mem>>) {add = true}
        %dma_wait3A_269 = arith.constant 0 : i32
        %dma_wait3A_270 = tpu.memref_slice %arg7[%run_scoped3A_148, %dma_wait3A_269] : memref<16x128xi32, #tpu.memory_space<vmem>> -> memref<1x128xi32, #tpu.memory_space<vmem>>
        %dma_wait3A_271 = tpu.memref_squeeze %dma_wait3A_270 : memref<1x128xi32, #tpu.memory_space<vmem>> -> memref<128xi32, #tpu.memory_space<vmem>>
        %dma_wait3A_272 = arith.constant 0 : i32
        %dma_wait3A_273 = arith.constant 0 : i32
        %dma_wait3A_274 = tpu.memref_slice %arg10[%dma_wait3A_272, %dma_wait3A_273] : memref<10240x128xf32, #tpu.memory_space<vmem_shared>> -> memref<10240x128xf32, #tpu.memory_space<vmem_shared>>
        tpu.wait_indirect_dma semaphore(%run_scoped3A_262 : memref<!tpu.dma_semaphore, #tpu.memory_space<semaphore_mem>>) src(%arg9 : memref<128x128xf32, #tpu.memory_space<vmem>>) dst(%dma_wait3A_274 : memref<10240x128xf32, #tpu.memory_space<vmem_shared>>)
        tpu.yield
      }) : () -> ()
      %dma_wait3A_149 = arith.constant 8 : i32
      %dma_wait3A_150 = arith.constant 0 : i32
      %dma_wait3A_151 = tpu.memref_slice %arg6[%dma_wait3A_149, %dma_wait3A_150] : memref<16x128xi32, #tpu.memory_space<vmem>> -> memref<1x128xi32, #tpu.memory_space<vmem>>
      %dma_wait3A_152 = tpu.memref_squeeze %dma_wait3A_151 : memref<1x128xi32, #tpu.memory_space<vmem>> -> memref<128xi32, #tpu.memory_space<vmem>>
      %dma_wait3A_153 = arith.constant 0 : i32
      %dma_wait3A_154 = arith.constant 0 : i32
      %dma_wait3A_155 = tpu.memref_slice %arg2[%dma_wait3A_153, %dma_wait3A_154] : memref<10240x128xf32, #tpu.memory_space<hbm>> -> memref<10240x128xf32, #tpu.memory_space<hbm>>
      tpu.wait_indirect_dma semaphore(%arg11 : memref<!tpu.dma_semaphore, #tpu.memory_space<semaphore_mem>>) src(%dma_wait3A_155 : memref<10240x128xf32, #tpu.memory_space<hbm>>) dst(%arg8 : memref<128x128xf32, #tpu.memory_space<vmem>>)
      %dma_start3A_156 = arith.constant 9 : i32
      %dma_start3A_157 = arith.constant 0 : i32
      %dma_start3A_158 = tpu.memref_slice %arg6[%dma_start3A_156, %dma_start3A_157] : memref<16x128xi32, #tpu.memory_space<vmem>> -> memref<1x128xi32, #tpu.memory_space<vmem>>
      %dma_start3A_159 = tpu.memref_squeeze %dma_start3A_158 : memref<1x128xi32, #tpu.memory_space<vmem>> -> memref<128xi32, #tpu.memory_space<vmem>>
      %dma_start3A_160 = arith.constant 0 : i32
      %dma_start3A_161 = arith.constant 0 : i32
      %dma_start3A_162 = tpu.memref_slice %arg2[%dma_start3A_160, %dma_start3A_161] : memref<10240x128xf32, #tpu.memory_space<hbm>> -> memref<10240x128xf32, #tpu.memory_space<hbm>>
      tpu.enqueue_indirect_dma source(%dma_start3A_162 : memref<10240x128xf32, #tpu.memory_space<hbm>>) target(%arg9 : memref<128x128xf32, #tpu.memory_space<vmem>>) offsets(%dma_start3A_159 : memref<128xi32, #tpu.memory_space<vmem>>) semaphore(%arg12 : memref<!tpu.dma_semaphore, #tpu.memory_space<semaphore_mem>>)
      %run_scoped3A_163 = arith.constant 8 : i32
      "tpu.region"() ({
        %run_scoped3A_262 = tpu.sem_alloc : memref<!tpu.dma_semaphore, #tpu.memory_space<semaphore_mem>>
        %dma_start3A_263 = arith.constant 0 : i32
        %dma_start3A_264 = tpu.memref_slice %arg7[%run_scoped3A_163, %dma_start3A_263] : memref<16x128xi32, #tpu.memory_space<vmem>> -> memref<1x128xi32, #tpu.memory_space<vmem>>
        %dma_start3A_265 = tpu.memref_squeeze %dma_start3A_264 : memref<1x128xi32, #tpu.memory_space<vmem>> -> memref<128xi32, #tpu.memory_space<vmem>>
        %dma_start3A_266 = arith.constant 0 : i32
        %dma_start3A_267 = arith.constant 0 : i32
        %dma_start3A_268 = tpu.memref_slice %arg10[%dma_start3A_266, %dma_start3A_267] : memref<10240x128xf32, #tpu.memory_space<vmem_shared>> -> memref<10240x128xf32, #tpu.memory_space<vmem_shared>>
        tpu.enqueue_indirect_dma source(%arg8 : memref<128x128xf32, #tpu.memory_space<vmem>>) target(%dma_start3A_268 : memref<10240x128xf32, #tpu.memory_space<vmem_shared>>) offsets(%dma_start3A_265 : memref<128xi32, #tpu.memory_space<vmem>>) semaphore(%run_scoped3A_262 : memref<!tpu.dma_semaphore, #tpu.memory_space<semaphore_mem>>) {add = true}
        %dma_wait3A_269 = arith.constant 0 : i32
        %dma_wait3A_270 = tpu.memref_slice %arg7[%run_scoped3A_163, %dma_wait3A_269] : memref<16x128xi32, #tpu.memory_space<vmem>> -> memref<1x128xi32, #tpu.memory_space<vmem>>
        %dma_wait3A_271 = tpu.memref_squeeze %dma_wait3A_270 : memref<1x128xi32, #tpu.memory_space<vmem>> -> memref<128xi32, #tpu.memory_space<vmem>>
        %dma_wait3A_272 = arith.constant 0 : i32
        %dma_wait3A_273 = arith.constant 0 : i32
        %dma_wait3A_274 = tpu.memref_slice %arg10[%dma_wait3A_272, %dma_wait3A_273] : memref<10240x128xf32, #tpu.memory_space<vmem_shared>> -> memref<10240x128xf32, #tpu.memory_space<vmem_shared>>
        tpu.wait_indirect_dma semaphore(%run_scoped3A_262 : memref<!tpu.dma_semaphore, #tpu.memory_space<semaphore_mem>>) src(%arg8 : memref<128x128xf32, #tpu.memory_space<vmem>>) dst(%dma_wait3A_274 : memref<10240x128xf32, #tpu.memory_space<vmem_shared>>)
        tpu.yield
      }) : () -> ()
      %dma_wait3A_164 = arith.constant 9 : i32
      %dma_wait3A_165 = arith.constant 0 : i32
      %dma_wait3A_166 = tpu.memref_slice %arg6[%dma_wait3A_164, %dma_wait3A_165] : memref<16x128xi32, #tpu.memory_space<vmem>> -> memref<1x128xi32, #tpu.memory_space<vmem>>
      %dma_wait3A_167 = tpu.memref_squeeze %dma_wait3A_166 : memref<1x128xi32, #tpu.memory_space<vmem>> -> memref<128xi32, #tpu.memory_space<vmem>>
      %dma_wait3A_168 = arith.constant 0 : i32
      %dma_wait3A_169 = arith.constant 0 : i32
      %dma_wait3A_170 = tpu.memref_slice %arg2[%dma_wait3A_168, %dma_wait3A_169] : memref<10240x128xf32, #tpu.memory_space<hbm>> -> memref<10240x128xf32, #tpu.memory_space<hbm>>
      tpu.wait_indirect_dma semaphore(%arg12 : memref<!tpu.dma_semaphore, #tpu.memory_space<semaphore_mem>>) src(%dma_wait3A_170 : memref<10240x128xf32, #tpu.memory_space<hbm>>) dst(%arg9 : memref<128x128xf32, #tpu.memory_space<vmem>>)
      %dma_start3A_171 = arith.constant 10 : i32
      %dma_start3A_172 = arith.constant 0 : i32
      %dma_start3A_173 = tpu.memref_slice %arg6[%dma_start3A_171, %dma_start3A_172] : memref<16x128xi32, #tpu.memory_space<vmem>> -> memref<1x128xi32, #tpu.memory_space<vmem>>
      %dma_start3A_174 = tpu.memref_squeeze %dma_start3A_173 : memref<1x128xi32, #tpu.memory_space<vmem>> -> memref<128xi32, #tpu.memory_space<vmem>>
      %dma_start3A_175 = arith.constant 0 : i32
      %dma_start3A_176 = arith.constant 0 : i32
      %dma_start3A_177 = tpu.memref_slice %arg2[%dma_start3A_175, %dma_start3A_176] : memref<10240x128xf32, #tpu.memory_space<hbm>> -> memref<10240x128xf32, #tpu.memory_space<hbm>>
      tpu.enqueue_indirect_dma source(%dma_start3A_177 : memref<10240x128xf32, #tpu.memory_space<hbm>>) target(%arg8 : memref<128x128xf32, #tpu.memory_space<vmem>>) offsets(%dma_start3A_174 : memref<128xi32, #tpu.memory_space<vmem>>) semaphore(%arg11 : memref<!tpu.dma_semaphore, #tpu.memory_space<semaphore_mem>>)
      %run_scoped3A_178 = arith.constant 9 : i32
      "tpu.region"() ({
        %run_scoped3A_262 = tpu.sem_alloc : memref<!tpu.dma_semaphore, #tpu.memory_space<semaphore_mem>>
        %dma_start3A_263 = arith.constant 0 : i32
        %dma_start3A_264 = tpu.memref_slice %arg7[%run_scoped3A_178, %dma_start3A_263] : memref<16x128xi32, #tpu.memory_space<vmem>> -> memref<1x128xi32, #tpu.memory_space<vmem>>
        %dma_start3A_265 = tpu.memref_squeeze %dma_start3A_264 : memref<1x128xi32, #tpu.memory_space<vmem>> -> memref<128xi32, #tpu.memory_space<vmem>>
        %dma_start3A_266 = arith.constant 0 : i32
        %dma_start3A_267 = arith.constant 0 : i32
        %dma_start3A_268 = tpu.memref_slice %arg10[%dma_start3A_266, %dma_start3A_267] : memref<10240x128xf32, #tpu.memory_space<vmem_shared>> -> memref<10240x128xf32, #tpu.memory_space<vmem_shared>>
        tpu.enqueue_indirect_dma source(%arg9 : memref<128x128xf32, #tpu.memory_space<vmem>>) target(%dma_start3A_268 : memref<10240x128xf32, #tpu.memory_space<vmem_shared>>) offsets(%dma_start3A_265 : memref<128xi32, #tpu.memory_space<vmem>>) semaphore(%run_scoped3A_262 : memref<!tpu.dma_semaphore, #tpu.memory_space<semaphore_mem>>) {add = true}
        %dma_wait3A_269 = arith.constant 0 : i32
        %dma_wait3A_270 = tpu.memref_slice %arg7[%run_scoped3A_178, %dma_wait3A_269] : memref<16x128xi32, #tpu.memory_space<vmem>> -> memref<1x128xi32, #tpu.memory_space<vmem>>
        %dma_wait3A_271 = tpu.memref_squeeze %dma_wait3A_270 : memref<1x128xi32, #tpu.memory_space<vmem>> -> memref<128xi32, #tpu.memory_space<vmem>>
        %dma_wait3A_272 = arith.constant 0 : i32
        %dma_wait3A_273 = arith.constant 0 : i32
        %dma_wait3A_274 = tpu.memref_slice %arg10[%dma_wait3A_272, %dma_wait3A_273] : memref<10240x128xf32, #tpu.memory_space<vmem_shared>> -> memref<10240x128xf32, #tpu.memory_space<vmem_shared>>
        tpu.wait_indirect_dma semaphore(%run_scoped3A_262 : memref<!tpu.dma_semaphore, #tpu.memory_space<semaphore_mem>>) src(%arg9 : memref<128x128xf32, #tpu.memory_space<vmem>>) dst(%dma_wait3A_274 : memref<10240x128xf32, #tpu.memory_space<vmem_shared>>)
        tpu.yield
      }) : () -> ()
      %dma_wait3A_179 = arith.constant 10 : i32
      %dma_wait3A_180 = arith.constant 0 : i32
      %dma_wait3A_181 = tpu.memref_slice %arg6[%dma_wait3A_179, %dma_wait3A_180] : memref<16x128xi32, #tpu.memory_space<vmem>> -> memref<1x128xi32, #tpu.memory_space<vmem>>
      %dma_wait3A_182 = tpu.memref_squeeze %dma_wait3A_181 : memref<1x128xi32, #tpu.memory_space<vmem>> -> memref<128xi32, #tpu.memory_space<vmem>>
      %dma_wait3A_183 = arith.constant 0 : i32
      %dma_wait3A_184 = arith.constant 0 : i32
      %dma_wait3A_185 = tpu.memref_slice %arg2[%dma_wait3A_183, %dma_wait3A_184] : memref<10240x128xf32, #tpu.memory_space<hbm>> -> memref<10240x128xf32, #tpu.memory_space<hbm>>
      tpu.wait_indirect_dma semaphore(%arg11 : memref<!tpu.dma_semaphore, #tpu.memory_space<semaphore_mem>>) src(%dma_wait3A_185 : memref<10240x128xf32, #tpu.memory_space<hbm>>) dst(%arg8 : memref<128x128xf32, #tpu.memory_space<vmem>>)
      %dma_start3A_186 = arith.constant 11 : i32
      %dma_start3A_187 = arith.constant 0 : i32
      %dma_start3A_188 = tpu.memref_slice %arg6[%dma_start3A_186, %dma_start3A_187] : memref<16x128xi32, #tpu.memory_space<vmem>> -> memref<1x128xi32, #tpu.memory_space<vmem>>
      %dma_start3A_189 = tpu.memref_squeeze %dma_start3A_188 : memref<1x128xi32, #tpu.memory_space<vmem>> -> memref<128xi32, #tpu.memory_space<vmem>>
      %dma_start3A_190 = arith.constant 0 : i32
      %dma_start3A_191 = arith.constant 0 : i32
      %dma_start3A_192 = tpu.memref_slice %arg2[%dma_start3A_190, %dma_start3A_191] : memref<10240x128xf32, #tpu.memory_space<hbm>> -> memref<10240x128xf32, #tpu.memory_space<hbm>>
      tpu.enqueue_indirect_dma source(%dma_start3A_192 : memref<10240x128xf32, #tpu.memory_space<hbm>>) target(%arg9 : memref<128x128xf32, #tpu.memory_space<vmem>>) offsets(%dma_start3A_189 : memref<128xi32, #tpu.memory_space<vmem>>) semaphore(%arg12 : memref<!tpu.dma_semaphore, #tpu.memory_space<semaphore_mem>>)
      %run_scoped3A_193 = arith.constant 10 : i32
      "tpu.region"() ({
        %run_scoped3A_262 = tpu.sem_alloc : memref<!tpu.dma_semaphore, #tpu.memory_space<semaphore_mem>>
        %dma_start3A_263 = arith.constant 0 : i32
        %dma_start3A_264 = tpu.memref_slice %arg7[%run_scoped3A_193, %dma_start3A_263] : memref<16x128xi32, #tpu.memory_space<vmem>> -> memref<1x128xi32, #tpu.memory_space<vmem>>
        %dma_start3A_265 = tpu.memref_squeeze %dma_start3A_264 : memref<1x128xi32, #tpu.memory_space<vmem>> -> memref<128xi32, #tpu.memory_space<vmem>>
        %dma_start3A_266 = arith.constant 0 : i32
        %dma_start3A_267 = arith.constant 0 : i32
        %dma_start3A_268 = tpu.memref_slice %arg10[%dma_start3A_266, %dma_start3A_267] : memref<10240x128xf32, #tpu.memory_space<vmem_shared>> -> memref<10240x128xf32, #tpu.memory_space<vmem_shared>>
        tpu.enqueue_indirect_dma source(%arg8 : memref<128x128xf32, #tpu.memory_space<vmem>>) target(%dma_start3A_268 : memref<10240x128xf32, #tpu.memory_space<vmem_shared>>) offsets(%dma_start3A_265 : memref<128xi32, #tpu.memory_space<vmem>>) semaphore(%run_scoped3A_262 : memref<!tpu.dma_semaphore, #tpu.memory_space<semaphore_mem>>) {add = true}
        %dma_wait3A_269 = arith.constant 0 : i32
        %dma_wait3A_270 = tpu.memref_slice %arg7[%run_scoped3A_193, %dma_wait3A_269] : memref<16x128xi32, #tpu.memory_space<vmem>> -> memref<1x128xi32, #tpu.memory_space<vmem>>
        %dma_wait3A_271 = tpu.memref_squeeze %dma_wait3A_270 : memref<1x128xi32, #tpu.memory_space<vmem>> -> memref<128xi32, #tpu.memory_space<vmem>>
        %dma_wait3A_272 = arith.constant 0 : i32
        %dma_wait3A_273 = arith.constant 0 : i32
        %dma_wait3A_274 = tpu.memref_slice %arg10[%dma_wait3A_272, %dma_wait3A_273] : memref<10240x128xf32, #tpu.memory_space<vmem_shared>> -> memref<10240x128xf32, #tpu.memory_space<vmem_shared>>
        tpu.wait_indirect_dma semaphore(%run_scoped3A_262 : memref<!tpu.dma_semaphore, #tpu.memory_space<semaphore_mem>>) src(%arg8 : memref<128x128xf32, #tpu.memory_space<vmem>>) dst(%dma_wait3A_274 : memref<10240x128xf32, #tpu.memory_space<vmem_shared>>)
        tpu.yield
      }) : () -> ()
      %dma_wait3A_194 = arith.constant 11 : i32
      %dma_wait3A_195 = arith.constant 0 : i32
      %dma_wait3A_196 = tpu.memref_slice %arg6[%dma_wait3A_194, %dma_wait3A_195] : memref<16x128xi32, #tpu.memory_space<vmem>> -> memref<1x128xi32, #tpu.memory_space<vmem>>
      %dma_wait3A_197 = tpu.memref_squeeze %dma_wait3A_196 : memref<1x128xi32, #tpu.memory_space<vmem>> -> memref<128xi32, #tpu.memory_space<vmem>>
      %dma_wait3A_198 = arith.constant 0 : i32
      %dma_wait3A_199 = arith.constant 0 : i32
      %dma_wait3A_200 = tpu.memref_slice %arg2[%dma_wait3A_198, %dma_wait3A_199] : memref<10240x128xf32, #tpu.memory_space<hbm>> -> memref<10240x128xf32, #tpu.memory_space<hbm>>
      tpu.wait_indirect_dma semaphore(%arg12 : memref<!tpu.dma_semaphore, #tpu.memory_space<semaphore_mem>>) src(%dma_wait3A_200 : memref<10240x128xf32, #tpu.memory_space<hbm>>) dst(%arg9 : memref<128x128xf32, #tpu.memory_space<vmem>>)
      %dma_start3A_201 = arith.constant 12 : i32
      %dma_start3A_202 = arith.constant 0 : i32
      %dma_start3A_203 = tpu.memref_slice %arg6[%dma_start3A_201, %dma_start3A_202] : memref<16x128xi32, #tpu.memory_space<vmem>> -> memref<1x128xi32, #tpu.memory_space<vmem>>
      %dma_start3A_204 = tpu.memref_squeeze %dma_start3A_203 : memref<1x128xi32, #tpu.memory_space<vmem>> -> memref<128xi32, #tpu.memory_space<vmem>>
      %dma_start3A_205 = arith.constant 0 : i32
      %dma_start3A_206 = arith.constant 0 : i32
      %dma_start3A_207 = tpu.memref_slice %arg2[%dma_start3A_205, %dma_start3A_206] : memref<10240x128xf32, #tpu.memory_space<hbm>> -> memref<10240x128xf32, #tpu.memory_space<hbm>>
      tpu.enqueue_indirect_dma source(%dma_start3A_207 : memref<10240x128xf32, #tpu.memory_space<hbm>>) target(%arg8 : memref<128x128xf32, #tpu.memory_space<vmem>>) offsets(%dma_start3A_204 : memref<128xi32, #tpu.memory_space<vmem>>) semaphore(%arg11 : memref<!tpu.dma_semaphore, #tpu.memory_space<semaphore_mem>>)
      %run_scoped3A_208 = arith.constant 11 : i32
      "tpu.region"() ({
        %run_scoped3A_262 = tpu.sem_alloc : memref<!tpu.dma_semaphore, #tpu.memory_space<semaphore_mem>>
        %dma_start3A_263 = arith.constant 0 : i32
        %dma_start3A_264 = tpu.memref_slice %arg7[%run_scoped3A_208, %dma_start3A_263] : memref<16x128xi32, #tpu.memory_space<vmem>> -> memref<1x128xi32, #tpu.memory_space<vmem>>
        %dma_start3A_265 = tpu.memref_squeeze %dma_start3A_264 : memref<1x128xi32, #tpu.memory_space<vmem>> -> memref<128xi32, #tpu.memory_space<vmem>>
        %dma_start3A_266 = arith.constant 0 : i32
        %dma_start3A_267 = arith.constant 0 : i32
        %dma_start3A_268 = tpu.memref_slice %arg10[%dma_start3A_266, %dma_start3A_267] : memref<10240x128xf32, #tpu.memory_space<vmem_shared>> -> memref<10240x128xf32, #tpu.memory_space<vmem_shared>>
        tpu.enqueue_indirect_dma source(%arg9 : memref<128x128xf32, #tpu.memory_space<vmem>>) target(%dma_start3A_268 : memref<10240x128xf32, #tpu.memory_space<vmem_shared>>) offsets(%dma_start3A_265 : memref<128xi32, #tpu.memory_space<vmem>>) semaphore(%run_scoped3A_262 : memref<!tpu.dma_semaphore, #tpu.memory_space<semaphore_mem>>) {add = true}
        %dma_wait3A_269 = arith.constant 0 : i32
        %dma_wait3A_270 = tpu.memref_slice %arg7[%run_scoped3A_208, %dma_wait3A_269] : memref<16x128xi32, #tpu.memory_space<vmem>> -> memref<1x128xi32, #tpu.memory_space<vmem>>
        %dma_wait3A_271 = tpu.memref_squeeze %dma_wait3A_270 : memref<1x128xi32, #tpu.memory_space<vmem>> -> memref<128xi32, #tpu.memory_space<vmem>>
        %dma_wait3A_272 = arith.constant 0 : i32
        %dma_wait3A_273 = arith.constant 0 : i32
        %dma_wait3A_274 = tpu.memref_slice %arg10[%dma_wait3A_272, %dma_wait3A_273] : memref<10240x128xf32, #tpu.memory_space<vmem_shared>> -> memref<10240x128xf32, #tpu.memory_space<vmem_shared>>
        tpu.wait_indirect_dma semaphore(%run_scoped3A_262 : memref<!tpu.dma_semaphore, #tpu.memory_space<semaphore_mem>>) src(%arg9 : memref<128x128xf32, #tpu.memory_space<vmem>>) dst(%dma_wait3A_274 : memref<10240x128xf32, #tpu.memory_space<vmem_shared>>)
        tpu.yield
      }) : () -> ()
      %dma_wait3A_209 = arith.constant 12 : i32
      %dma_wait3A_210 = arith.constant 0 : i32
      %dma_wait3A_211 = tpu.memref_slice %arg6[%dma_wait3A_209, %dma_wait3A_210] : memref<16x128xi32, #tpu.memory_space<vmem>> -> memref<1x128xi32, #tpu.memory_space<vmem>>
      %dma_wait3A_212 = tpu.memref_squeeze %dma_wait3A_211 : memref<1x128xi32, #tpu.memory_space<vmem>> -> memref<128xi32, #tpu.memory_space<vmem>>
      %dma_wait3A_213 = arith.constant 0 : i32
      %dma_wait3A_214 = arith.constant 0 : i32
      %dma_wait3A_215 = tpu.memref_slice %arg2[%dma_wait3A_213, %dma_wait3A_214] : memref<10240x128xf32, #tpu.memory_space<hbm>> -> memref<10240x128xf32, #tpu.memory_space<hbm>>
      tpu.wait_indirect_dma semaphore(%arg11 : memref<!tpu.dma_semaphore, #tpu.memory_space<semaphore_mem>>) src(%dma_wait3A_215 : memref<10240x128xf32, #tpu.memory_space<hbm>>) dst(%arg8 : memref<128x128xf32, #tpu.memory_space<vmem>>)
      %dma_start3A_216 = arith.constant 13 : i32
      %dma_start3A_217 = arith.constant 0 : i32
      %dma_start3A_218 = tpu.memref_slice %arg6[%dma_start3A_216, %dma_start3A_217] : memref<16x128xi32, #tpu.memory_space<vmem>> -> memref<1x128xi32, #tpu.memory_space<vmem>>
      %dma_start3A_219 = tpu.memref_squeeze %dma_start3A_218 : memref<1x128xi32, #tpu.memory_space<vmem>> -> memref<128xi32, #tpu.memory_space<vmem>>
      %dma_start3A_220 = arith.constant 0 : i32
      %dma_start3A_221 = arith.constant 0 : i32
      %dma_start3A_222 = tpu.memref_slice %arg2[%dma_start3A_220, %dma_start3A_221] : memref<10240x128xf32, #tpu.memory_space<hbm>> -> memref<10240x128xf32, #tpu.memory_space<hbm>>
      tpu.enqueue_indirect_dma source(%dma_start3A_222 : memref<10240x128xf32, #tpu.memory_space<hbm>>) target(%arg9 : memref<128x128xf32, #tpu.memory_space<vmem>>) offsets(%dma_start3A_219 : memref<128xi32, #tpu.memory_space<vmem>>) semaphore(%arg12 : memref<!tpu.dma_semaphore, #tpu.memory_space<semaphore_mem>>)
      %run_scoped3A_223 = arith.constant 12 : i32
      "tpu.region"() ({
        %run_scoped3A_262 = tpu.sem_alloc : memref<!tpu.dma_semaphore, #tpu.memory_space<semaphore_mem>>
        %dma_start3A_263 = arith.constant 0 : i32
        %dma_start3A_264 = tpu.memref_slice %arg7[%run_scoped3A_223, %dma_start3A_263] : memref<16x128xi32, #tpu.memory_space<vmem>> -> memref<1x128xi32, #tpu.memory_space<vmem>>
        %dma_start3A_265 = tpu.memref_squeeze %dma_start3A_264 : memref<1x128xi32, #tpu.memory_space<vmem>> -> memref<128xi32, #tpu.memory_space<vmem>>
        %dma_start3A_266 = arith.constant 0 : i32
        %dma_start3A_267 = arith.constant 0 : i32
        %dma_start3A_268 = tpu.memref_slice %arg10[%dma_start3A_266, %dma_start3A_267] : memref<10240x128xf32, #tpu.memory_space<vmem_shared>> -> memref<10240x128xf32, #tpu.memory_space<vmem_shared>>
        tpu.enqueue_indirect_dma source(%arg8 : memref<128x128xf32, #tpu.memory_space<vmem>>) target(%dma_start3A_268 : memref<10240x128xf32, #tpu.memory_space<vmem_shared>>) offsets(%dma_start3A_265 : memref<128xi32, #tpu.memory_space<vmem>>) semaphore(%run_scoped3A_262 : memref<!tpu.dma_semaphore, #tpu.memory_space<semaphore_mem>>) {add = true}
        %dma_wait3A_269 = arith.constant 0 : i32
        %dma_wait3A_270 = tpu.memref_slice %arg7[%run_scoped3A_223, %dma_wait3A_269] : memref<16x128xi32, #tpu.memory_space<vmem>> -> memref<1x128xi32, #tpu.memory_space<vmem>>
        %dma_wait3A_271 = tpu.memref_squeeze %dma_wait3A_270 : memref<1x128xi32, #tpu.memory_space<vmem>> -> memref<128xi32, #tpu.memory_space<vmem>>
        %dma_wait3A_272 = arith.constant 0 : i32
        %dma_wait3A_273 = arith.constant 0 : i32
        %dma_wait3A_274 = tpu.memref_slice %arg10[%dma_wait3A_272, %dma_wait3A_273] : memref<10240x128xf32, #tpu.memory_space<vmem_shared>> -> memref<10240x128xf32, #tpu.memory_space<vmem_shared>>
        tpu.wait_indirect_dma semaphore(%run_scoped3A_262 : memref<!tpu.dma_semaphore, #tpu.memory_space<semaphore_mem>>) src(%arg8 : memref<128x128xf32, #tpu.memory_space<vmem>>) dst(%dma_wait3A_274 : memref<10240x128xf32, #tpu.memory_space<vmem_shared>>)
        tpu.yield
      }) : () -> ()
      %dma_wait3A_224 = arith.constant 13 : i32
      %dma_wait3A_225 = arith.constant 0 : i32
      %dma_wait3A_226 = tpu.memref_slice %arg6[%dma_wait3A_224, %dma_wait3A_225] : memref<16x128xi32, #tpu.memory_space<vmem>> -> memref<1x128xi32, #tpu.memory_space<vmem>>
      %dma_wait3A_227 = tpu.memref_squeeze %dma_wait3A_226 : memref<1x128xi32, #tpu.memory_space<vmem>> -> memref<128xi32, #tpu.memory_space<vmem>>
      %dma_wait3A_228 = arith.constant 0 : i32
      %dma_wait3A_229 = arith.constant 0 : i32
      %dma_wait3A_230 = tpu.memref_slice %arg2[%dma_wait3A_228, %dma_wait3A_229] : memref<10240x128xf32, #tpu.memory_space<hbm>> -> memref<10240x128xf32, #tpu.memory_space<hbm>>
      tpu.wait_indirect_dma semaphore(%arg12 : memref<!tpu.dma_semaphore, #tpu.memory_space<semaphore_mem>>) src(%dma_wait3A_230 : memref<10240x128xf32, #tpu.memory_space<hbm>>) dst(%arg9 : memref<128x128xf32, #tpu.memory_space<vmem>>)
      %dma_start3A_231 = arith.constant 14 : i32
      %dma_start3A_232 = arith.constant 0 : i32
      %dma_start3A_233 = tpu.memref_slice %arg6[%dma_start3A_231, %dma_start3A_232] : memref<16x128xi32, #tpu.memory_space<vmem>> -> memref<1x128xi32, #tpu.memory_space<vmem>>
      %dma_start3A_234 = tpu.memref_squeeze %dma_start3A_233 : memref<1x128xi32, #tpu.memory_space<vmem>> -> memref<128xi32, #tpu.memory_space<vmem>>
      %dma_start3A_235 = arith.constant 0 : i32
      %dma_start3A_236 = arith.constant 0 : i32
      %dma_start3A_237 = tpu.memref_slice %arg2[%dma_start3A_235, %dma_start3A_236] : memref<10240x128xf32, #tpu.memory_space<hbm>> -> memref<10240x128xf32, #tpu.memory_space<hbm>>
      tpu.enqueue_indirect_dma source(%dma_start3A_237 : memref<10240x128xf32, #tpu.memory_space<hbm>>) target(%arg8 : memref<128x128xf32, #tpu.memory_space<vmem>>) offsets(%dma_start3A_234 : memref<128xi32, #tpu.memory_space<vmem>>) semaphore(%arg11 : memref<!tpu.dma_semaphore, #tpu.memory_space<semaphore_mem>>)
      %run_scoped3A_238 = arith.constant 13 : i32
      "tpu.region"() ({
        %run_scoped3A_262 = tpu.sem_alloc : memref<!tpu.dma_semaphore, #tpu.memory_space<semaphore_mem>>
        %dma_start3A_263 = arith.constant 0 : i32
        %dma_start3A_264 = tpu.memref_slice %arg7[%run_scoped3A_238, %dma_start3A_263] : memref<16x128xi32, #tpu.memory_space<vmem>> -> memref<1x128xi32, #tpu.memory_space<vmem>>
        %dma_start3A_265 = tpu.memref_squeeze %dma_start3A_264 : memref<1x128xi32, #tpu.memory_space<vmem>> -> memref<128xi32, #tpu.memory_space<vmem>>
        %dma_start3A_266 = arith.constant 0 : i32
        %dma_start3A_267 = arith.constant 0 : i32
        %dma_start3A_268 = tpu.memref_slice %arg10[%dma_start3A_266, %dma_start3A_267] : memref<10240x128xf32, #tpu.memory_space<vmem_shared>> -> memref<10240x128xf32, #tpu.memory_space<vmem_shared>>
        tpu.enqueue_indirect_dma source(%arg9 : memref<128x128xf32, #tpu.memory_space<vmem>>) target(%dma_start3A_268 : memref<10240x128xf32, #tpu.memory_space<vmem_shared>>) offsets(%dma_start3A_265 : memref<128xi32, #tpu.memory_space<vmem>>) semaphore(%run_scoped3A_262 : memref<!tpu.dma_semaphore, #tpu.memory_space<semaphore_mem>>) {add = true}
        %dma_wait3A_269 = arith.constant 0 : i32
        %dma_wait3A_270 = tpu.memref_slice %arg7[%run_scoped3A_238, %dma_wait3A_269] : memref<16x128xi32, #tpu.memory_space<vmem>> -> memref<1x128xi32, #tpu.memory_space<vmem>>
        %dma_wait3A_271 = tpu.memref_squeeze %dma_wait3A_270 : memref<1x128xi32, #tpu.memory_space<vmem>> -> memref<128xi32, #tpu.memory_space<vmem>>
        %dma_wait3A_272 = arith.constant 0 : i32
        %dma_wait3A_273 = arith.constant 0 : i32
        %dma_wait3A_274 = tpu.memref_slice %arg10[%dma_wait3A_272, %dma_wait3A_273] : memref<10240x128xf32, #tpu.memory_space<vmem_shared>> -> memref<10240x128xf32, #tpu.memory_space<vmem_shared>>
        tpu.wait_indirect_dma semaphore(%run_scoped3A_262 : memref<!tpu.dma_semaphore, #tpu.memory_space<semaphore_mem>>) src(%arg9 : memref<128x128xf32, #tpu.memory_space<vmem>>) dst(%dma_wait3A_274 : memref<10240x128xf32, #tpu.memory_space<vmem_shared>>)
        tpu.yield
      }) : () -> ()
      %dma_wait3A_239 = arith.constant 14 : i32
      %dma_wait3A_240 = arith.constant 0 : i32
      %dma_wait3A_241 = tpu.memref_slice %arg6[%dma_wait3A_239, %dma_wait3A_240] : memref<16x128xi32, #tpu.memory_space<vmem>> -> memref<1x128xi32, #tpu.memory_space<vmem>>
      %dma_wait3A_242 = tpu.memref_squeeze %dma_wait3A_241 : memref<1x128xi32, #tpu.memory_space<vmem>> -> memref<128xi32, #tpu.memory_space<vmem>>
      %dma_wait3A_243 = arith.constant 0 : i32
      %dma_wait3A_244 = arith.constant 0 : i32
      %dma_wait3A_245 = tpu.memref_slice %arg2[%dma_wait3A_243, %dma_wait3A_244] : memref<10240x128xf32, #tpu.memory_space<hbm>> -> memref<10240x128xf32, #tpu.memory_space<hbm>>
      tpu.wait_indirect_dma semaphore(%arg11 : memref<!tpu.dma_semaphore, #tpu.memory_space<semaphore_mem>>) src(%dma_wait3A_245 : memref<10240x128xf32, #tpu.memory_space<hbm>>) dst(%arg8 : memref<128x128xf32, #tpu.memory_space<vmem>>)
      %dma_start3A_246 = arith.constant 15 : i32
      %dma_start3A_247 = arith.constant 0 : i32
      %dma_start3A_248 = tpu.memref_slice %arg6[%dma_start3A_246, %dma_start3A_247] : memref<16x128xi32, #tpu.memory_space<vmem>> -> memref<1x128xi32, #tpu.memory_space<vmem>>
      %dma_start3A_249 = tpu.memref_squeeze %dma_start3A_248 : memref<1x128xi32, #tpu.memory_space<vmem>> -> memref<128xi32, #tpu.memory_space<vmem>>
      %dma_start3A_250 = arith.constant 0 : i32
      %dma_start3A_251 = arith.constant 0 : i32
      %dma_start3A_252 = tpu.memref_slice %arg2[%dma_start3A_250, %dma_start3A_251] : memref<10240x128xf32, #tpu.memory_space<hbm>> -> memref<10240x128xf32, #tpu.memory_space<hbm>>
      tpu.enqueue_indirect_dma source(%dma_start3A_252 : memref<10240x128xf32, #tpu.memory_space<hbm>>) target(%arg9 : memref<128x128xf32, #tpu.memory_space<vmem>>) offsets(%dma_start3A_249 : memref<128xi32, #tpu.memory_space<vmem>>) semaphore(%arg12 : memref<!tpu.dma_semaphore, #tpu.memory_space<semaphore_mem>>)
      %run_scoped3A_253 = arith.constant 14 : i32
      "tpu.region"() ({
        %run_scoped3A_262 = tpu.sem_alloc : memref<!tpu.dma_semaphore, #tpu.memory_space<semaphore_mem>>
        %dma_start3A_263 = arith.constant 0 : i32
        %dma_start3A_264 = tpu.memref_slice %arg7[%run_scoped3A_253, %dma_start3A_263] : memref<16x128xi32, #tpu.memory_space<vmem>> -> memref<1x128xi32, #tpu.memory_space<vmem>>
        %dma_start3A_265 = tpu.memref_squeeze %dma_start3A_264 : memref<1x128xi32, #tpu.memory_space<vmem>> -> memref<128xi32, #tpu.memory_space<vmem>>
        %dma_start3A_266 = arith.constant 0 : i32
        %dma_start3A_267 = arith.constant 0 : i32
        %dma_start3A_268 = tpu.memref_slice %arg10[%dma_start3A_266, %dma_start3A_267] : memref<10240x128xf32, #tpu.memory_space<vmem_shared>> -> memref<10240x128xf32, #tpu.memory_space<vmem_shared>>
        tpu.enqueue_indirect_dma source(%arg8 : memref<128x128xf32, #tpu.memory_space<vmem>>) target(%dma_start3A_268 : memref<10240x128xf32, #tpu.memory_space<vmem_shared>>) offsets(%dma_start3A_265 : memref<128xi32, #tpu.memory_space<vmem>>) semaphore(%run_scoped3A_262 : memref<!tpu.dma_semaphore, #tpu.memory_space<semaphore_mem>>) {add = true}
        %dma_wait3A_269 = arith.constant 0 : i32
        %dma_wait3A_270 = tpu.memref_slice %arg7[%run_scoped3A_253, %dma_wait3A_269] : memref<16x128xi32, #tpu.memory_space<vmem>> -> memref<1x128xi32, #tpu.memory_space<vmem>>
        %dma_wait3A_271 = tpu.memref_squeeze %dma_wait3A_270 : memref<1x128xi32, #tpu.memory_space<vmem>> -> memref<128xi32, #tpu.memory_space<vmem>>
        %dma_wait3A_272 = arith.constant 0 : i32
        %dma_wait3A_273 = arith.constant 0 : i32
        %dma_wait3A_274 = tpu.memref_slice %arg10[%dma_wait3A_272, %dma_wait3A_273] : memref<10240x128xf32, #tpu.memory_space<vmem_shared>> -> memref<10240x128xf32, #tpu.memory_space<vmem_shared>>
        tpu.wait_indirect_dma semaphore(%run_scoped3A_262 : memref<!tpu.dma_semaphore, #tpu.memory_space<semaphore_mem>>) src(%arg8 : memref<128x128xf32, #tpu.memory_space<vmem>>) dst(%dma_wait3A_274 : memref<10240x128xf32, #tpu.memory_space<vmem_shared>>)
        tpu.yield
      }) : () -> ()
      %dma_wait3A_254 = arith.constant 15 : i32
      %dma_wait3A_255 = arith.constant 0 : i32
      %dma_wait3A_256 = tpu.memref_slice %arg6[%dma_wait3A_254, %dma_wait3A_255] : memref<16x128xi32, #tpu.memory_space<vmem>> -> memref<1x128xi32, #tpu.memory_space<vmem>>
      %dma_wait3A_257 = tpu.memref_squeeze %dma_wait3A_256 : memref<1x128xi32, #tpu.memory_space<vmem>> -> memref<128xi32, #tpu.memory_space<vmem>>
      %dma_wait3A_258 = arith.constant 0 : i32
      %dma_wait3A_259 = arith.constant 0 : i32
      %dma_wait3A_260 = tpu.memref_slice %arg2[%dma_wait3A_258, %dma_wait3A_259] : memref<10240x128xf32, #tpu.memory_space<hbm>> -> memref<10240x128xf32, #tpu.memory_space<hbm>>
      tpu.wait_indirect_dma semaphore(%arg12 : memref<!tpu.dma_semaphore, #tpu.memory_space<semaphore_mem>>) src(%dma_wait3A_260 : memref<10240x128xf32, #tpu.memory_space<hbm>>) dst(%arg9 : memref<128x128xf32, #tpu.memory_space<vmem>>)
      %run_scoped3A_261 = arith.constant 15 : i32
      "tpu.region"() ({
        %run_scoped3A_262 = tpu.sem_alloc : memref<!tpu.dma_semaphore, #tpu.memory_space<semaphore_mem>>
        %dma_start3A_263 = arith.constant 0 : i32
        %dma_start3A_264 = tpu.memref_slice %arg7[%run_scoped3A_261, %dma_start3A_263] : memref<16x128xi32, #tpu.memory_space<vmem>> -> memref<1x128xi32, #tpu.memory_space<vmem>>
        %dma_start3A_265 = tpu.memref_squeeze %dma_start3A_264 : memref<1x128xi32, #tpu.memory_space<vmem>> -> memref<128xi32, #tpu.memory_space<vmem>>
        %dma_start3A_266 = arith.constant 0 : i32
        %dma_start3A_267 = arith.constant 0 : i32
        %dma_start3A_268 = tpu.memref_slice %arg10[%dma_start3A_266, %dma_start3A_267] : memref<10240x128xf32, #tpu.memory_space<vmem_shared>> -> memref<10240x128xf32, #tpu.memory_space<vmem_shared>>
        tpu.enqueue_indirect_dma source(%arg9 : memref<128x128xf32, #tpu.memory_space<vmem>>) target(%dma_start3A_268 : memref<10240x128xf32, #tpu.memory_space<vmem_shared>>) offsets(%dma_start3A_265 : memref<128xi32, #tpu.memory_space<vmem>>) semaphore(%run_scoped3A_262 : memref<!tpu.dma_semaphore, #tpu.memory_space<semaphore_mem>>) {add = true}
        %dma_wait3A_269 = arith.constant 0 : i32
        %dma_wait3A_270 = tpu.memref_slice %arg7[%run_scoped3A_261, %dma_wait3A_269] : memref<16x128xi32, #tpu.memory_space<vmem>> -> memref<1x128xi32, #tpu.memory_space<vmem>>
        %dma_wait3A_271 = tpu.memref_squeeze %dma_wait3A_270 : memref<1x128xi32, #tpu.memory_space<vmem>> -> memref<128xi32, #tpu.memory_space<vmem>>
        %dma_wait3A_272 = arith.constant 0 : i32
        %dma_wait3A_273 = arith.constant 0 : i32
        %dma_wait3A_274 = tpu.memref_slice %arg10[%dma_wait3A_272, %dma_wait3A_273] : memref<10240x128xf32, #tpu.memory_space<vmem_shared>> -> memref<10240x128xf32, #tpu.memory_space<vmem_shared>>
        tpu.wait_indirect_dma semaphore(%run_scoped3A_262 : memref<!tpu.dma_semaphore, #tpu.memory_space<semaphore_mem>>) src(%arg9 : memref<128x128xf32, #tpu.memory_space<vmem>>) dst(%dma_wait3A_274 : memref<10240x128xf32, #tpu.memory_space<vmem_shared>>)
        tpu.yield
      }) : () -> ()
    }
    %scan3A_20 = arith.constant 5 : i32
    %barrier3A_21 = arith.constant 0 : index
    tpu.barrier barrier_id(%barrier3A_21)
    %mul3A_22 = arith.constant 640 : i32
    %mul3A_23 = arith.muli %arg1, %mul3A_22 : i32
    "tpu.region"() ({
      %run_scoped3A = tpu.sem_alloc : memref<!tpu.dma_semaphore, #tpu.memory_space<semaphore_mem>>
      %dma_start3A = arith.constant 0 : i32
      %dma_start3A_24 = tpu.memref_slice %arg5[%arg0, %mul3A_23, %dma_start3A] : memref<2x10240x128xf32, #tpu.memory_space<hbm>> -> memref<1x640x128xf32, #tpu.memory_space<hbm>>
      %dma_start3A_25 = tpu.memref_squeeze %dma_start3A_24 : memref<1x640x128xf32, #tpu.memory_space<hbm>> -> memref<640x128xf32, #tpu.memory_space<hbm>>
      %dma_start3A_26 = arith.constant 0 : i32
      %dma_start3A_27 = tpu.memref_slice %arg10[%mul3A_23, %dma_start3A_26] : memref<10240x128xf32, #tpu.memory_space<vmem_shared>> -> memref<640x128xf32, #tpu.memory_space<vmem_shared>>
      tpu.enqueue_dma source(%dma_start3A_27 : memref<640x128xf32, #tpu.memory_space<vmem_shared>>) target(%dma_start3A_25 : memref<640x128xf32, #tpu.memory_space<hbm>>) target_semaphore(%run_scoped3A : memref<!tpu.dma_semaphore, #tpu.memory_space<semaphore_mem>>)
      %dma_wait3A = arith.constant 0 : i32
      %dma_wait3A_28 = tpu.memref_slice %arg5[%arg0, %mul3A_23, %dma_wait3A] : memref<2x10240x128xf32, #tpu.memory_space<hbm>> -> memref<1x640x128xf32, #tpu.memory_space<hbm>>
      %dma_wait3A_29 = tpu.memref_squeeze %dma_wait3A_28 : memref<1x640x128xf32, #tpu.memory_space<hbm>> -> memref<640x128xf32, #tpu.memory_space<hbm>>
      %dma_wait3A_30 = arith.constant 0 : i32
      %dma_wait3A_31 = tpu.memref_slice %arg10[%mul3A_23, %dma_wait3A_30] : memref<10240x128xf32, #tpu.memory_space<vmem_shared>> -> memref<640x128xf32, #tpu.memory_space<vmem_shared>>
      tpu.wait_dma2 semaphore(%run_scoped3A : memref<!tpu.dma_semaphore, #tpu.memory_space<semaphore_mem>>) src(%dma_wait3A_31 : memref<640x128xf32, #tpu.memory_space<vmem_shared>>) dst(%dma_wait3A_29 : memref<640x128xf32, #tpu.memory_space<hbm>>)
      tpu.yield
    }) : () -> ()
    return
  }
}

#map = affine_map<(d0, d1) -> (0, 0, 0)>
module attributes {stable_mosaic.version = 14 : i64} {
  func.func @_sc_deg(%arg0: i32, %arg1: i32, %arg2: memref<32x80x128xi32, #tpu.memory_space<hbm>>, %arg3: memref<2x10240x16xf32, #tpu.memory_space<hbm>>, %arg4: memref<80x128xi32, #tpu.memory_space<vmem>>, %arg5: memref<128x16xf32, #tpu.memory_space<vmem>>, %arg6: memref<128x16xf32, #tpu.memory_space<vmem>>, %arg7: memref<10240x16xf32, #tpu.memory_space<vmem_shared>>) attributes {dimension_semantics = [#tpu.dimension_semantics<core_parallel>, #tpu.dimension_semantics<subcore_parallel>], iteration_bounds = array<i64: 2, 16>, scalar_prefetch = 0 : i64, scratch_operands = 4 : i64, tpu.core_type = #tpu.core_type<sc_vector_subcore>, window_params = [{transform_indices = #map}, {transform_indices = #map}]} {
    %mul3A = arith.constant 16 : i32
    %mul3A_0 = arith.muli %arg0, %mul3A : i32
    %add3A = arith.addi %mul3A_0, %arg1 : i32
    "tpu.region"() ({
      %run_scoped3A = tpu.sem_alloc : memref<!tpu.dma_semaphore, #tpu.memory_space<semaphore_mem>>
      %dma_start3A = arith.constant 0 : i32
      %dma_start3A_24 = arith.constant 0 : i32
      %dma_start3A_25 = tpu.memref_slice %arg2[%add3A, %dma_start3A, %dma_start3A_24] : memref<32x80x128xi32, #tpu.memory_space<hbm>> -> memref<1x80x128xi32, #tpu.memory_space<hbm>>
      %dma_start3A_26 = tpu.memref_squeeze %dma_start3A_25 : memref<1x80x128xi32, #tpu.memory_space<hbm>> -> memref<80x128xi32, #tpu.memory_space<hbm>>
      %dma_start3A_27 = arith.constant 0 : i32
      %dma_start3A_28 = arith.constant 0 : i32
      %dma_start3A_29 = tpu.memref_slice %arg2[%add3A, %dma_start3A_27, %dma_start3A_28] : memref<32x80x128xi32, #tpu.memory_space<hbm>> -> memref<1x80x128xi32, #tpu.memory_space<hbm>>
      %dma_start3A_30 = tpu.memref_squeeze %dma_start3A_29 : memref<1x80x128xi32, #tpu.memory_space<hbm>> -> memref<80x128xi32, #tpu.memory_space<hbm>>
      tpu.enqueue_dma source(%dma_start3A_30 : memref<80x128xi32, #tpu.memory_space<hbm>>) target(%arg4 : memref<80x128xi32, #tpu.memory_space<vmem>>) target_semaphore(%run_scoped3A : memref<!tpu.dma_semaphore, #tpu.memory_space<semaphore_mem>>)
      %dma_wait3A = arith.constant 0 : i32
      %dma_wait3A_31 = arith.constant 0 : i32
      %dma_wait3A_32 = tpu.memref_slice %arg2[%add3A, %dma_wait3A, %dma_wait3A_31] : memref<32x80x128xi32, #tpu.memory_space<hbm>> -> memref<1x80x128xi32, #tpu.memory_space<hbm>>
      %dma_wait3A_33 = tpu.memref_squeeze %dma_wait3A_32 : memref<1x80x128xi32, #tpu.memory_space<hbm>> -> memref<80x128xi32, #tpu.memory_space<hbm>>
      %dma_wait3A_34 = arith.constant 0 : i32
      %dma_wait3A_35 = arith.constant 0 : i32
      %dma_wait3A_36 = tpu.memref_slice %arg2[%add3A, %dma_wait3A_34, %dma_wait3A_35] : memref<32x80x128xi32, #tpu.memory_space<hbm>> -> memref<1x80x128xi32, #tpu.memory_space<hbm>>
      %dma_wait3A_37 = tpu.memref_squeeze %dma_wait3A_36 : memref<1x80x128xi32, #tpu.memory_space<hbm>> -> memref<80x128xi32, #tpu.memory_space<hbm>>
      tpu.wait_dma2 semaphore(%run_scoped3A : memref<!tpu.dma_semaphore, #tpu.memory_space<semaphore_mem>>) src(%dma_wait3A_37 : memref<80x128xi32, #tpu.memory_space<hbm>>) dst(%arg4 : memref<80x128xi32, #tpu.memory_space<vmem>>)
      tpu.yield
    }) : () -> ()
    %broadcast_in_dim3A = arith.constant 0.000000e+00 : f32
    %broadcast_in_dim3A_1 = vector.broadcast %broadcast_in_dim3A : f32 to vector<16xf32>
    %broadcast_in_dim3A_2 = arith.constant 1.000000e+00 : f32
    %broadcast_in_dim3A_3 = vector.broadcast %broadcast_in_dim3A_2 : f32 to vector<16xf32>
    %scan3A = arith.constant 0 : i32
    %scan3A_4 = arith.constant 0 : i32
    %scan3A_5 = arith.constant 128 : i32
    %scan3A_6 = arith.addi %scan3A_4, %scan3A_5 : i32
    %scan3A_7 = arith.constant 1 : i32
    scf.for %scan3A_24 = %scan3A_4 to %scan3A_6 step %scan3A_7  : i32 {
      %swap3A = arith.index_cast %scan3A_24 : i32 to index
      %swap3A_25 = arith.constant 0 : index
      %swap3A_26 = tpu.vector_load %arg6[%swap3A, %swap3A_25] {strides = array<i32>} : memref<128x16xf32, #tpu.memory_space<vmem>>, vector<1x16xf32>,
      %swap3A_27 = vector.shape_cast %swap3A_26 : vector<1x16xf32> to vector<16xf32>
      %swap3A_28 = vector.shape_cast %broadcast_in_dim3A_1 : vector<16xf32> to vector<1x16xf32>
      tpu.vector_store %arg6[%swap3A, %swap3A_25], %swap3A_28 {strides = array<i32>} : memref<128x16xf32, #tpu.memory_space<vmem>>, vector<1x16xf32>,
      %swap3A_29 = arith.index_cast %scan3A_24 : i32 to index
      %swap3A_30 = arith.constant 0 : index
      %swap3A_31 = tpu.vector_load %arg5[%swap3A_29, %swap3A_30] {strides = array<i32>} : memref<128x16xf32, #tpu.memory_space<vmem>>, vector<1x16xf32>,
      %swap3A_32 = vector.shape_cast %swap3A_31 : vector<1x16xf32> to vector<16xf32>
      %swap3A_33 = vector.shape_cast %broadcast_in_dim3A_3 : vector<16xf32> to vector<1x16xf32>
      tpu.vector_store %arg5[%swap3A_29, %swap3A_30], %swap3A_33 {strides = array<i32>} : memref<128x16xf32, #tpu.memory_space<vmem>>, vector<1x16xf32>,
    }
    %scan3A_8 = arith.constant 128 : i32
    %mul3A_9 = arith.constant 640 : i32
    %mul3A_10 = arith.muli %arg1, %mul3A_9 : i32
    %scan3A_11 = arith.constant 0 : i32
    %scan3A_12 = arith.constant 0 : i32
    %scan3A_13 = arith.constant 5 : i32
    %scan3A_14 = arith.addi %scan3A_12, %scan3A_13 : i32
    %scan3A_15 = arith.constant 1 : i32
    scf.for %scan3A_24 = %scan3A_12 to %scan3A_14 step %scan3A_15  : i32 {
      %mul3A_25 = arith.constant 128 : i32
      %mul3A_26 = arith.muli %scan3A_24, %mul3A_25 : i32
      %add3A_27 = arith.addi %mul3A_10, %mul3A_26 : i32
      "tpu.region"() ({
        %run_scoped3A = tpu.sem_alloc : memref<!tpu.dma_semaphore, #tpu.memory_space<semaphore_mem>>
        %dma_start3A = arith.constant 0 : i32
        %dma_start3A_28 = tpu.memref_slice %arg7[%add3A_27, %dma_start3A] : memref<10240x16xf32, #tpu.memory_space<vmem_shared>> -> memref<128x16xf32, #tpu.memory_space<vmem_shared>>
        %dma_start3A_29 = arith.constant 0 : i32
        %dma_start3A_30 = tpu.memref_slice %arg7[%add3A_27, %dma_start3A_29] : memref<10240x16xf32, #tpu.memory_space<vmem_shared>> -> memref<128x16xf32, #tpu.memory_space<vmem_shared>>
        tpu.enqueue_dma source(%arg6 : memref<128x16xf32, #tpu.memory_space<vmem>>) target(%dma_start3A_30 : memref<128x16xf32, #tpu.memory_space<vmem_shared>>) target_semaphore(%run_scoped3A : memref<!tpu.dma_semaphore, #tpu.memory_space<semaphore_mem>>)
        %dma_wait3A = arith.constant 0 : i32
        %dma_wait3A_31 = tpu.memref_slice %arg7[%add3A_27, %dma_wait3A] : memref<10240x16xf32, #tpu.memory_space<vmem_shared>> -> memref<128x16xf32, #tpu.memory_space<vmem_shared>>
        %dma_wait3A_32 = arith.constant 0 : i32
        %dma_wait3A_33 = tpu.memref_slice %arg7[%add3A_27, %dma_wait3A_32] : memref<10240x16xf32, #tpu.memory_space<vmem_shared>> -> memref<128x16xf32, #tpu.memory_space<vmem_shared>>
        tpu.wait_dma2 semaphore(%run_scoped3A : memref<!tpu.dma_semaphore, #tpu.memory_space<semaphore_mem>>) src(%arg6 : memref<128x16xf32, #tpu.memory_space<vmem>>) dst(%dma_wait3A_33 : memref<128x16xf32, #tpu.memory_space<vmem_shared>>)
        tpu.yield
      }) : () -> ()
    }
    %scan3A_16 = arith.constant 5 : i32
    %barrier3A = arith.constant 0 : index
    tpu.barrier barrier_id(%barrier3A)
    %scan3A_17 = arith.constant 0 : i32
    %scan3A_18 = arith.constant 0 : i32
    %scan3A_19 = arith.constant 80 : i32
    %scan3A_20 = arith.addi %scan3A_18, %scan3A_19 : i32
    %scan3A_21 = arith.constant 1 : i32
    scf.for %scan3A_24 = %scan3A_18 to %scan3A_20 step %scan3A_21  : i32 {
      "tpu.region"() ({
        %run_scoped3A = tpu.sem_alloc : memref<!tpu.dma_semaphore, #tpu.memory_space<semaphore_mem>>
        %dma_start3A = arith.constant 0 : i32
        %dma_start3A_25 = tpu.memref_slice %arg4[%scan3A_24, %dma_start3A] : memref<80x128xi32, #tpu.memory_space<vmem>> -> memref<1x128xi32, #tpu.memory_space<vmem>>
        %dma_start3A_26 = tpu.memref_squeeze %dma_start3A_25 : memref<1x128xi32, #tpu.memory_space<vmem>> -> memref<128xi32, #tpu.memory_space<vmem>>
        %dma_start3A_27 = arith.constant 0 : i32
        %dma_start3A_28 = arith.constant 0 : i32
        %dma_start3A_29 = tpu.memref_slice %arg7[%dma_start3A_27, %dma_start3A_28] : memref<10240x16xf32, #tpu.memory_space<vmem_shared>> -> memref<10240x16xf32, #tpu.memory_space<vmem_shared>>
        tpu.enqueue_indirect_dma source(%arg5 : memref<128x16xf32, #tpu.memory_space<vmem>>) target(%dma_start3A_29 : memref<10240x16xf32, #tpu.memory_space<vmem_shared>>) offsets(%dma_start3A_26 : memref<128xi32, #tpu.memory_space<vmem>>) semaphore(%run_scoped3A : memref<!tpu.dma_semaphore, #tpu.memory_space<semaphore_mem>>) {add = true}
        %dma_wait3A = arith.constant 0 : i32
        %dma_wait3A_30 = tpu.memref_slice %arg4[%scan3A_24, %dma_wait3A] : memref<80x128xi32, #tpu.memory_space<vmem>> -> memref<1x128xi32, #tpu.memory_space<vmem>>
        %dma_wait3A_31 = tpu.memref_squeeze %dma_wait3A_30 : memref<1x128xi32, #tpu.memory_space<vmem>> -> memref<128xi32, #tpu.memory_space<vmem>>
        %dma_wait3A_32 = arith.constant 0 : i32
        %dma_wait3A_33 = arith.constant 0 : i32
        %dma_wait3A_34 = tpu.memref_slice %arg7[%dma_wait3A_32, %dma_wait3A_33] : memref<10240x16xf32, #tpu.memory_space<vmem_shared>> -> memref<10240x16xf32, #tpu.memory_space<vmem_shared>>
        tpu.wait_indirect_dma semaphore(%run_scoped3A : memref<!tpu.dma_semaphore, #tpu.memory_space<semaphore_mem>>) src(%arg5 : memref<128x16xf32, #tpu.memory_space<vmem>>) dst(%dma_wait3A_34 : memref<10240x16xf32, #tpu.memory_space<vmem_shared>>)
        tpu.yield
      }) : () -> ()
    }
    %scan3A_22 = arith.constant 80 : i32
    %barrier3A_23 = arith.constant 0 : index
    tpu.barrier barrier_id(%barrier3A_23)
    "tpu.region"() ({
      %run_scoped3A = tpu.sem_alloc : memref<!tpu.dma_semaphore, #tpu.memory_space<semaphore_mem>>
      %dma_start3A = arith.constant 0 : i32
      %dma_start3A_24 = tpu.memref_slice %arg3[%arg0, %mul3A_10, %dma_start3A] : memref<2x10240x16xf32, #tpu.memory_space<hbm>> -> memref<1x640x16xf32, #tpu.memory_space<hbm>>
      %dma_start3A_25 = tpu.memref_squeeze %dma_start3A_24 : memref<1x640x16xf32, #tpu.memory_space<hbm>> -> memref<640x16xf32, #tpu.memory_space<hbm>>
      %dma_start3A_26 = arith.constant 0 : i32
      %dma_start3A_27 = tpu.memref_slice %arg7[%mul3A_10, %dma_start3A_26] : memref<10240x16xf32, #tpu.memory_space<vmem_shared>> -> memref<640x16xf32, #tpu.memory_space<vmem_shared>>
      tpu.enqueue_dma source(%dma_start3A_27 : memref<640x16xf32, #tpu.memory_space<vmem_shared>>) target(%dma_start3A_25 : memref<640x16xf32, #tpu.memory_space<hbm>>) target_semaphore(%run_scoped3A : memref<!tpu.dma_semaphore, #tpu.memory_space<semaphore_mem>>)
      %dma_wait3A = arith.constant 0 : i32
      %dma_wait3A_28 = tpu.memref_slice %arg3[%arg0, %mul3A_10, %dma_wait3A] : memref<2x10240x16xf32, #tpu.memory_space<hbm>> -> memref<1x640x16xf32, #tpu.memory_space<hbm>>
      %dma_wait3A_29 = tpu.memref_squeeze %dma_wait3A_28 : memref<1x640x16xf32, #tpu.memory_space<hbm>> -> memref<640x16xf32, #tpu.memory_space<hbm>>
      %dma_wait3A_30 = arith.constant 0 : i32
      %dma_wait3A_31 = tpu.memref_slice %arg7[%mul3A_10, %dma_wait3A_30] : memref<10240x16xf32, #tpu.memory_space<vmem_shared>> -> memref<640x16xf32, #tpu.memory_space<vmem_shared>>
      tpu.wait_dma2 semaphore(%run_scoped3A : memref<!tpu.dma_semaphore, #tpu.memory_space<semaphore_mem>>) src(%dma_wait3A_31 : memref<640x16xf32, #tpu.memory_space<vmem_shared>>) dst(%dma_wait3A_29 : memref<640x16xf32, #tpu.memory_space<hbm>>)
      tpu.yield
    }) : () -> ()
    return
  }
}

module attributes {stable_mosaic.version = 14 : i64} {
  func.func @body(%arg0: i32, %arg1: memref<1024x128xf32, #tpu.memory_space<vmem>>, %arg2: memref<2x1024x16xf32, #tpu.memory_space<vmem>>, %arg3: memref<1024x128xf32, #tpu.memory_space<vmem>>, %arg4: memref<1024x1xf32, #tpu.memory_space<vmem>>) attributes {dimension_semantics = [#tpu.dimension_semantics<arbitrary>], iteration_bounds = array<i64: 10>, scalar_prefetch = 0 : i64, scratch_operands = 0 : i64, tpu.core_type = #tpu.core_type<tc>, window_params = [{transform_indices = @transform_0, window_bounds = array<i64: 1024, 128>}, {transform_indices = @transform_1, window_bounds = array<i64: 2, 1024, 16>}, {transform_indices = @transform_2, window_bounds = array<i64: 1024, 128>}, {transform_indices = @transform_3, window_bounds = array<i64: 1024, 1>}]} {
    %get3A = arith.constant 0 : index
    %get3A_0 = arith.constant 0 : index
    %get3A_1 = arith.constant 0 : index
    %get3A_2 = vector.load %arg2[%get3A, %get3A_0, %get3A_1] : memref<2x1024x16xf32, #tpu.memory_space<vmem>>, vector<1x1024x1xf32>
    %get3A_3 = vector.shape_cast %get3A_2 : vector<1x1024x1xf32> to vector<1024xf32>
    %add3A = arith.constant 1.000000e+00 : f32
    %add3A_4 = vector.broadcast %add3A : f32 to vector<1024xf32>
    %add3A_5 = arith.addf %add3A_4, %get3A_3 : vector<1024xf32>
    %get3A_6 = arith.constant 1 : index
    %get3A_7 = arith.constant 0 : index
    %get3A_8 = arith.constant 0 : index
    %get3A_9 = vector.load %arg2[%get3A_6, %get3A_7, %get3A_8] : memref<2x1024x16xf32, #tpu.memory_space<vmem>>, vector<1x1024x1xf32>
    %get3A_10 = vector.shape_cast %get3A_9 : vector<1x1024x1xf32> to vector<1024xf32>
    %add3A_11 = arith.addf %add3A_5, %get3A_10 : vector<1024xf32>
    %rsqrt3A = math.rsqrt %add3A_11 : vector<1024xf32>
    %broadcast_in_dim3A = vector.shape_cast %rsqrt3A : vector<1024xf32> to vector<1024x1xf32>
    %get3A_12 = arith.constant 0 : index
    %get3A_13 = arith.constant 0 : index
    %get3A_14 = vector.load %arg1[%get3A_12, %get3A_13] : memref<1024x128xf32, #tpu.memory_space<vmem>>, vector<1024x128xf32>
    %mul3A = vector.broadcast %broadcast_in_dim3A : vector<1024x1xf32> to vector<1024x128xf32>
    %mul3A_15 = arith.mulf %get3A_14, %mul3A : vector<1024x128xf32>
    %swap3A = arith.constant 0 : index
    %swap3A_16 = arith.constant 0 : index
    %swap3A_17 = vector.load %arg3[%swap3A, %swap3A_16] : memref<1024x128xf32, #tpu.memory_space<vmem>>, vector<1024x128xf32>
    tpu.vector_store %arg3[%swap3A, %swap3A_16], %mul3A_15 {strides = array<i32>} : memref<1024x128xf32, #tpu.memory_space<vmem>>, vector<1024x128xf32>,
    %swap3A_18 = arith.constant 0 : index
    %swap3A_19 = arith.constant 0 : index
    %swap3A_20 = vector.load %arg4[%swap3A_18, %swap3A_19] : memref<1024x1xf32, #tpu.memory_space<vmem>>, vector<1024x1xf32>
    tpu.vector_store %arg4[%swap3A_18, %swap3A_19], %broadcast_in_dim3A {strides = array<i32>} : memref<1024x1xf32, #tpu.memory_space<vmem>>, vector<1024x1xf32>,
    return
  }
  func.func @transform_0(%arg0: i32) -> (i32, i32) {
    %c0_i32 = arith.constant 0 : i32
    %c0_i32_0 = arith.constant 0 : i32
    return %arg0, %c0_i32 : i32, i32
  }
  func.func @transform_1(%arg0: i32) -> (i32, i32, i32) {
    %c0_i32 = arith.constant 0 : i32
    %c0_i32_0 = arith.constant 0 : i32
    %c0_i32_1 = arith.constant 0 : i32
    return %c0_i32, %arg0, %c0_i32_0 : i32, i32, i32
  }
  func.func @transform_2(%arg0: i32) -> (i32, i32) {
    %c0_i32 = arith.constant 0 : i32
    %c0_i32_0 = arith.constant 0 : i32
    return %arg0, %c0_i32 : i32, i32
  }
  func.func @transform_3(%arg0: i32) -> (i32, i32) {
    %c0_i32 = arith.constant 0 : i32
    %c0_i32_0 = arith.constant 0 : i32
    return %arg0, %c0_i32 : i32, i32
  }
}

module attributes {stable_mosaic.version = 14 : i64} {
  func.func @body(%arg0: i32, %arg1: memref<2x1024x128xf32, #tpu.memory_space<vmem>>, %arg2: memref<1024x128xf32, #tpu.memory_space<vmem>>, %arg3: memref<1024x128xf32, #tpu.memory_space<vmem>>, %arg4: memref<1024x1xf32, #tpu.memory_space<vmem>>, %arg5: memref<256x256xf32, #tpu.memory_space<vmem>>, %arg6: memref<1x256xf32, #tpu.memory_space<vmem>>, %arg7: memref<1x256xf32, #tpu.memory_space<vmem>>, %arg8: memref<1x256xf32, #tpu.memory_space<vmem>>, %arg9: memref<256x128xf32, #tpu.memory_space<vmem>>, %arg10: memref<1x128xf32, #tpu.memory_space<vmem>>, %arg11: memref<1024x128xf32, #tpu.memory_space<vmem>>) attributes {dimension_semantics = [#tpu.dimension_semantics<arbitrary>], iteration_bounds = array<i64: 10>, scalar_prefetch = 0 : i64, scratch_operands = 0 : i64, tpu.core_type = #tpu.core_type<tc>, window_params = [{transform_indices = @transform_0, window_bounds = array<i64: 2, 1024, 128>}, {transform_indices = @transform_1, window_bounds = array<i64: 1024, 128>}, {transform_indices = @transform_2, window_bounds = array<i64: 1024, 128>}, {transform_indices = @transform_3, window_bounds = array<i64: 1024, 1>}, {pipeline_mode = #tpu.pipeline_mode<synchronous>, transform_indices = @transform_4, window_bounds = array<i64: 256, 256>}, {pipeline_mode = #tpu.pipeline_mode<synchronous>, transform_indices = @transform_5, window_bounds = array<i64: 1, 256>}, {pipeline_mode = #tpu.pipeline_mode<synchronous>, transform_indices = @transform_6, window_bounds = array<i64: 1, 256>}, {pipeline_mode = #tpu.pipeline_mode<synchronous>, transform_indices = @transform_7, window_bounds = array<i64: 1, 256>}, {pipeline_mode = #tpu.pipeline_mode<synchronous>, transform_indices = @transform_8, window_bounds = array<i64: 256, 128>}, {pipeline_mode = #tpu.pipeline_mode<synchronous>, transform_indices = @transform_9, window_bounds = array<i64: 1, 128>}, {transform_indices = @transform_10, window_bounds = array<i64: 1024, 128>}]} {
    %get3A = arith.constant 0 : index
    %get3A_0 = arith.constant 0 : index
    %get3A_1 = vector.load %arg2[%get3A, %get3A_0] : memref<1024x128xf32, #tpu.memory_space<vmem>>, vector<1024x128xf32>
    %get3A_2 = arith.constant 0 : index
    %get3A_3 = arith.constant 0 : index
    %get3A_4 = vector.load %arg3[%get3A_2, %get3A_3] : memref<1024x128xf32, #tpu.memory_space<vmem>>, vector<1024x128xf32>
    %concatenate3A = tpu.concatenate %get3A_1, %get3A_4 in 1 : vector<1024x128xf32>, vector<1024x128xf32> -> vector<1024x256xf32>
    %get3A_5 = arith.constant 0 : index
    %get3A_6 = arith.constant 0 : index
    %get3A_7 = arith.constant 0 : index
    %get3A_8 = vector.load %arg1[%get3A_5, %get3A_6, %get3A_7] : memref<2x1024x128xf32, #tpu.memory_space<vmem>>, vector<1x1024x128xf32>
    %get3A_9 = vector.shape_cast %get3A_8 : vector<1x1024x128xf32> to vector<1024x128xf32>
    %get3A_10 = arith.constant 1 : index
    %get3A_11 = arith.constant 0 : index
    %get3A_12 = arith.constant 0 : index
    %get3A_13 = vector.load %arg1[%get3A_10, %get3A_11, %get3A_12] : memref<2x1024x128xf32, #tpu.memory_space<vmem>>, vector<1x1024x128xf32>
    %get3A_14 = vector.shape_cast %get3A_13 : vector<1x1024x128xf32> to vector<1024x128xf32>
    %concatenate3A_15 = tpu.concatenate %get3A_9, %get3A_14 in 1 : vector<1024x128xf32>, vector<1024x128xf32> -> vector<1024x256xf32>
    %add3A = arith.addf %concatenate3A_15, %concatenate3A : vector<1024x256xf32>
    %get3A_16 = arith.constant 0 : index
    %get3A_17 = arith.constant 0 : index
    %get3A_18 = vector.load %arg4[%get3A_16, %get3A_17] : memref<1024x1xf32, #tpu.memory_space<vmem>>, vector<1024x1xf32>
    %mul3A = vector.broadcast %get3A_18 : vector<1024x1xf32> to vector<1024x256xf32>
    %mul3A_19 = arith.mulf %add3A, %mul3A : vector<1024x256xf32>
    %get3A_20 = arith.constant 0 : index
    %get3A_21 = arith.constant 0 : index
    %get3A_22 = vector.load %arg5[%get3A_20, %get3A_21] : memref<256x256xf32, #tpu.memory_space<vmem>>, vector<256x256xf32>
    %dot_general3A = arith.constant dense<0.000000e+00> : vector<1024x256xf32>
    %dot_general3A_23 = tpu.matmul %mul3A_19, %get3A_22, %dot_general3A {dimension_numbers = #tpu.dot_dimension_numbers<[1], [0], [0], [1], [0, 0, 1, 1], [], []>, transpose_lhs_hint = false} : vector<1024x256xf32>, vector<256x256xf32>, vector<1024x256xf32> -> vector<1024x256xf32>
    %get3A_24 = arith.constant 0 : index
    %get3A_25 = arith.constant 0 : index
    %get3A_26 = vector.load %arg6[%get3A_24, %get3A_25] : memref<1x256xf32, #tpu.memory_space<vmem>>, vector<1x256xf32>
    %add3A_27 = vector.broadcast %get3A_26 : vector<1x256xf32> to vector<1024x256xf32>
    %add3A_28 = arith.addf %dot_general3A_23, %add3A_27 : vector<1024x256xf32>
    %get3A_29 = arith.constant 0 : index
    %get3A_30 = arith.constant 0 : index
    %get3A_31 = vector.load %arg7[%get3A_29, %get3A_30] : memref<1x256xf32, #tpu.memory_space<vmem>>, vector<1x256xf32>
    %get3A_32 = arith.constant 0 : index
    %get3A_33 = arith.constant 0 : index
    %get3A_34 = vector.load %arg8[%get3A_32, %get3A_33] : memref<1x256xf32, #tpu.memory_space<vmem>>, vector<1x256xf32>
    %reduce_sum3A = arith.constant dense<0.000000e+00> : vector<1024xf32>
    %reduce_sum3A_35 = vector.multi_reduction <add>, %add3A_28, %reduce_sum3A [1] : vector<1024x256xf32> to vector<1024xf32>
    %broadcast_in_dim3A = vector.shape_cast %reduce_sum3A_35 : vector<1024xf32> to vector<1024x1xf32>
    %div3A = arith.constant 2.560000e+02 : f32
    %div3A_36 = vector.broadcast %div3A : f32 to vector<1024x1xf32>
    %div3A_37 = arith.divf %broadcast_in_dim3A, %div3A_36 : vector<1024x1xf32>
    %sub3A = vector.broadcast %div3A_37 : vector<1024x1xf32> to vector<1024x256xf32>
    %sub3A_38 = arith.subf %add3A_28, %sub3A : vector<1024x256xf32>
    %integer_pow3A = arith.mulf %sub3A_38, %sub3A_38 : vector<1024x256xf32>
    %reduce_sum3A_39 = arith.constant dense<0.000000e+00> : vector<1024xf32>
    %reduce_sum3A_40 = vector.multi_reduction <add>, %integer_pow3A, %reduce_sum3A_39 [1] : vector<1024x256xf32> to vector<1024xf32>
    %broadcast_in_dim3A_41 = vector.shape_cast %reduce_sum3A_40 : vector<1024xf32> to vector<1024x1xf32>
    %div3A_42 = arith.constant 2.560000e+02 : f32
    %div3A_43 = vector.broadcast %div3A_42 : f32 to vector<1024x1xf32>
    %div3A_44 = arith.divf %broadcast_in_dim3A_41, %div3A_43 : vector<1024x1xf32>
    %sub3A_45 = vector.broadcast %div3A_37 : vector<1024x1xf32> to vector<1024x256xf32>
    %sub3A_46 = arith.subf %add3A_28, %sub3A_45 : vector<1024x256xf32>
    %add3A_47 = arith.constant 9.99999974E-6 : f32
    %add3A_48 = vector.broadcast %add3A_47 : f32 to vector<1024x1xf32>
    %add3A_49 = arith.addf %div3A_44, %add3A_48 : vector<1024x1xf32>
    %rsqrt3A = math.rsqrt %add3A_49 : vector<1024x1xf32>
    %mul3A_50 = vector.broadcast %rsqrt3A : vector<1024x1xf32> to vector<1024x256xf32>
    %mul3A_51 = arith.mulf %sub3A_46, %mul3A_50 : vector<1024x256xf32>
    %mul3A_52 = vector.broadcast %get3A_31 : vector<1x256xf32> to vector<1024x256xf32>
    %mul3A_53 = arith.mulf %mul3A_51, %mul3A_52 : vector<1024x256xf32>
    %add3A_54 = vector.broadcast %get3A_34 : vector<1x256xf32> to vector<1024x256xf32>
    %add3A_55 = arith.addf %mul3A_53, %add3A_54 : vector<1024x256xf32>
    %get3A_56 = arith.constant 0 : index
    %get3A_57 = arith.constant 0 : index
    %get3A_58 = vector.load %arg9[%get3A_56, %get3A_57] : memref<256x128xf32, #tpu.memory_space<vmem>>, vector<256x128xf32>
    %dot_general3A_59 = arith.constant dense<0.000000e+00> : vector<1024x128xf32>
    %dot_general3A_60 = tpu.matmul %add3A_55, %get3A_58, %dot_general3A_59 {dimension_numbers = #tpu.dot_dimension_numbers<[1], [0], [0], [1], [0, 0, 1, 1], [], []>, transpose_lhs_hint = false} : vector<1024x256xf32>, vector<256x128xf32>, vector<1024x128xf32> -> vector<1024x128xf32>
    %get3A_61 = arith.constant 0 : index
    %get3A_62 = arith.constant 0 : index
    %get3A_63 = vector.load %arg10[%get3A_61, %get3A_62] : memref<1x128xf32, #tpu.memory_space<vmem>>, vector<1x128xf32>
    %add3A_64 = vector.broadcast %get3A_63 : vector<1x128xf32> to vector<1024x128xf32>
    %add3A_65 = arith.addf %dot_general3A_60, %add3A_64 : vector<1024x128xf32>
    %swap3A = arith.constant 0 : index
    %swap3A_66 = arith.constant 0 : index
    %swap3A_67 = vector.load %arg11[%swap3A, %swap3A_66] : memref<1024x128xf32, #tpu.memory_space<vmem>>, vector<1024x128xf32>
    tpu.vector_store %arg11[%swap3A, %swap3A_66], %add3A_65 {strides = array<i32>} : memref<1024x128xf32, #tpu.memory_space<vmem>>, vector<1024x128xf32>,
    return
  }
  func.func @transform_0(%arg0: i32) -> (i32, i32, i32) {
    %c0_i32 = arith.constant 0 : i32
    %c0_i32_0 = arith.constant 0 : i32
    %c0_i32_1 = arith.constant 0 : i32
    return %c0_i32, %arg0, %c0_i32_0 : i32, i32, i32
  }
  func.func @transform_1(%arg0: i32) -> (i32, i32) {
    %c0_i32 = arith.constant 0 : i32
    %c0_i32_0 = arith.constant 0 : i32
    return %arg0, %c0_i32 : i32, i32
  }
  func.func @transform_2(%arg0: i32) -> (i32, i32) {
    %c0_i32 = arith.constant 0 : i32
    %c0_i32_0 = arith.constant 0 : i32
    return %arg0, %c0_i32 : i32, i32
  }
  func.func @transform_3(%arg0: i32) -> (i32, i32) {
    %c0_i32 = arith.constant 0 : i32
    %c0_i32_0 = arith.constant 0 : i32
    return %arg0, %c0_i32 : i32, i32
  }
  func.func @transform_4(%arg0: i32) -> (i32, i32) {
    %c0_i32 = arith.constant 0 : i32
    %c0_i32_0 = arith.constant 0 : i32
    %c0_i32_1 = arith.constant 0 : i32
    return %c0_i32, %c0_i32_0 : i32, i32
  }
  func.func @transform_5(%arg0: i32) -> (i32, i32) {
    %c0_i32 = arith.constant 0 : i32
    %c0_i32_0 = arith.constant 0 : i32
    %c0_i32_1 = arith.constant 0 : i32
    return %c0_i32, %c0_i32_0 : i32, i32
  }
  func.func @transform_6(%arg0: i32) -> (i32, i32) {
    %c0_i32 = arith.constant 0 : i32
    %c0_i32_0 = arith.constant 0 : i32
    %c0_i32_1 = arith.constant 0 : i32
    return %c0_i32, %c0_i32_0 : i32, i32
  }
  func.func @transform_7(%arg0: i32) -> (i32, i32) {
    %c0_i32 = arith.constant 0 : i32
    %c0_i32_0 = arith.constant 0 : i32
    %c0_i32_1 = arith.constant 0 : i32
    return %c0_i32, %c0_i32_0 : i32, i32
  }
  func.func @transform_8(%arg0: i32) -> (i32, i32) {
    %c0_i32 = arith.constant 0 : i32
    %c0_i32_0 = arith.constant 0 : i32
    %c0_i32_1 = arith.constant 0 : i32
    return %c0_i32, %c0_i32_0 : i32, i32
  }
  func.func @transform_9(%arg0: i32) -> (i32, i32) {
    %c0_i32 = arith.constant 0 : i32
    %c0_i32_0 = arith.constant 0 : i32
    %c0_i32_1 = arith.constant 0 : i32
    return %c0_i32, %c0_i32_0 : i32, i32
  }
  func.func @transform_10(%arg0: i32) -> (i32, i32) {
    %c0_i32 = arith.constant 0 : i32
    %c0_i32_0 = arith.constant 0 : i32
    return %arg0, %c0_i32 : i32, i32
  }
}

module attributes {stable_mosaic.version = 14 : i64} {
  func.func @body(%arg0: i32, %arg1: memref<2x1024x128xf32, #tpu.memory_space<vmem>>, %arg2: memref<1024x128xf32, #tpu.memory_space<vmem>>, %arg3: memref<1024x1xf32, #tpu.memory_space<vmem>>, %arg4: memref<128x256xf32, #tpu.memory_space<vmem>>, %arg5: memref<1x256xf32, #tpu.memory_space<vmem>>, %arg6: memref<1x256xf32, #tpu.memory_space<vmem>>, %arg7: memref<1x256xf32, #tpu.memory_space<vmem>>, %arg8: memref<1024x128xf32, #tpu.memory_space<vmem>>, %arg9: memref<1024x128xf32, #tpu.memory_space<vmem>>) attributes {dimension_semantics = [#tpu.dimension_semantics<arbitrary>], iteration_bounds = array<i64: 10>, scalar_prefetch = 0 : i64, scratch_operands = 0 : i64, tpu.core_type = #tpu.core_type<tc>, window_params = [{transform_indices = @transform_0, window_bounds = array<i64: 2, 1024, 128>}, {transform_indices = @transform_1, window_bounds = array<i64: 1024, 128>}, {transform_indices = @transform_2, window_bounds = array<i64: 1024, 1>}, {pipeline_mode = #tpu.pipeline_mode<synchronous>, transform_indices = @transform_3, window_bounds = array<i64: 128, 256>}, {pipeline_mode = #tpu.pipeline_mode<synchronous>, transform_indices = @transform_4, window_bounds = array<i64: 1, 256>}, {pipeline_mode = #tpu.pipeline_mode<synchronous>, transform_indices = @transform_5, window_bounds = array<i64: 1, 256>}, {pipeline_mode = #tpu.pipeline_mode<synchronous>, transform_indices = @transform_6, window_bounds = array<i64: 1, 256>}, {transform_indices = @transform_7, window_bounds = array<i64: 1024, 128>}, {transform_indices = @transform_8, window_bounds = array<i64: 1024, 128>}]} {
    %get3A = arith.constant 0 : index
    %get3A_0 = arith.constant 0 : index
    %get3A_1 = vector.load %arg3[%get3A, %get3A_0] : memref<1024x1xf32, #tpu.memory_space<vmem>>, vector<1024x1xf32>
    %get3A_2 = arith.constant 0 : index
    %get3A_3 = arith.constant 0 : index
    %get3A_4 = arith.constant 0 : index
    %get3A_5 = vector.load %arg1[%get3A_2, %get3A_3, %get3A_4] : memref<2x1024x128xf32, #tpu.memory_space<vmem>>, vector<1x1024x128xf32>
    %get3A_6 = vector.shape_cast %get3A_5 : vector<1x1024x128xf32> to vector<1024x128xf32>
    %get3A_7 = arith.constant 1 : index
    %get3A_8 = arith.constant 0 : index
    %get3A_9 = arith.constant 0 : index
    %get3A_10 = vector.load %arg1[%get3A_7, %get3A_8, %get3A_9] : memref<2x1024x128xf32, #tpu.memory_space<vmem>>, vector<1x1024x128xf32>
    %get3A_11 = vector.shape_cast %get3A_10 : vector<1x1024x128xf32> to vector<1024x128xf32>
    %add3A = arith.addf %get3A_6, %get3A_11 : vector<1024x128xf32>
    %get3A_12 = arith.constant 0 : index
    %get3A_13 = arith.constant 0 : index
    %get3A_14 = vector.load %arg2[%get3A_12, %get3A_13] : memref<1024x128xf32, #tpu.memory_space<vmem>>, vector<1024x128xf32>
    %add3A_15 = arith.addf %add3A, %get3A_14 : vector<1024x128xf32>
    %mul3A = vector.broadcast %get3A_1 : vector<1024x1xf32> to vector<1024x128xf32>
    %mul3A_16 = arith.mulf %add3A_15, %mul3A : vector<1024x128xf32>
    %get3A_17 = arith.constant 0 : index
    %get3A_18 = arith.constant 0 : index
    %get3A_19 = vector.load %arg4[%get3A_17, %get3A_18] : memref<128x256xf32, #tpu.memory_space<vmem>>, vector<128x256xf32>
    %dot_general3A = arith.constant dense<0.000000e+00> : vector<1024x256xf32>
    %dot_general3A_20 = tpu.matmul %mul3A_16, %get3A_19, %dot_general3A {dimension_numbers = #tpu.dot_dimension_numbers<[1], [0], [0], [1], [0, 0, 1, 1], [], []>, transpose_lhs_hint = false} : vector<1024x128xf32>, vector<128x256xf32>, vector<1024x256xf32> -> vector<1024x256xf32>
    %get3A_21 = arith.constant 0 : index
    %get3A_22 = arith.constant 0 : index
    %get3A_23 = vector.load %arg5[%get3A_21, %get3A_22] : memref<1x256xf32, #tpu.memory_space<vmem>>, vector<1x256xf32>
    %add3A_24 = vector.broadcast %get3A_23 : vector<1x256xf32> to vector<1024x256xf32>
    %add3A_25 = arith.addf %dot_general3A_20, %add3A_24 : vector<1024x256xf32>
    %get3A_26 = arith.constant 0 : index
    %get3A_27 = arith.constant 0 : index
    %get3A_28 = vector.load %arg6[%get3A_26, %get3A_27] : memref<1x256xf32, #tpu.memory_space<vmem>>, vector<1x256xf32>
    %get3A_29 = arith.constant 0 : index
    %get3A_30 = arith.constant 0 : index
    %get3A_31 = vector.load %arg7[%get3A_29, %get3A_30] : memref<1x256xf32, #tpu.memory_space<vmem>>, vector<1x256xf32>
    %reduce_sum3A = arith.constant dense<0.000000e+00> : vector<1024xf32>
    %reduce_sum3A_32 = vector.multi_reduction <add>, %add3A_25, %reduce_sum3A [1] : vector<1024x256xf32> to vector<1024xf32>
    %broadcast_in_dim3A = vector.shape_cast %reduce_sum3A_32 : vector<1024xf32> to vector<1024x1xf32>
    %div3A = arith.constant 2.560000e+02 : f32
    %div3A_33 = vector.broadcast %div3A : f32 to vector<1024x1xf32>
    %div3A_34 = arith.divf %broadcast_in_dim3A, %div3A_33 : vector<1024x1xf32>
    %sub3A = vector.broadcast %div3A_34 : vector<1024x1xf32> to vector<1024x256xf32>
    %sub3A_35 = arith.subf %add3A_25, %sub3A : vector<1024x256xf32>
    %integer_pow3A = arith.mulf %sub3A_35, %sub3A_35 : vector<1024x256xf32>
    %reduce_sum3A_36 = arith.constant dense<0.000000e+00> : vector<1024xf32>
    %reduce_sum3A_37 = vector.multi_reduction <add>, %integer_pow3A, %reduce_sum3A_36 [1] : vector<1024x256xf32> to vector<1024xf32>
    %broadcast_in_dim3A_38 = vector.shape_cast %reduce_sum3A_37 : vector<1024xf32> to vector<1024x1xf32>
    %div3A_39 = arith.constant 2.560000e+02 : f32
    %div3A_40 = vector.broadcast %div3A_39 : f32 to vector<1024x1xf32>
    %div3A_41 = arith.divf %broadcast_in_dim3A_38, %div3A_40 : vector<1024x1xf32>
    %sub3A_42 = vector.broadcast %div3A_34 : vector<1024x1xf32> to vector<1024x256xf32>
    %sub3A_43 = arith.subf %add3A_25, %sub3A_42 : vector<1024x256xf32>
    %add3A_44 = arith.constant 9.99999974E-6 : f32
    %add3A_45 = vector.broadcast %add3A_44 : f32 to vector<1024x1xf32>
    %add3A_46 = arith.addf %div3A_41, %add3A_45 : vector<1024x1xf32>
    %rsqrt3A = math.rsqrt %add3A_46 : vector<1024x1xf32>
    %mul3A_47 = vector.broadcast %rsqrt3A : vector<1024x1xf32> to vector<1024x256xf32>
    %mul3A_48 = arith.mulf %sub3A_43, %mul3A_47 : vector<1024x256xf32>
    %mul3A_49 = vector.broadcast %get3A_28 : vector<1x256xf32> to vector<1024x256xf32>
    %mul3A_50 = arith.mulf %mul3A_48, %mul3A_49 : vector<1024x256xf32>
    %add3A_51 = vector.broadcast %get3A_31 : vector<1x256xf32> to vector<1024x256xf32>
    %add3A_52 = arith.addf %mul3A_50, %add3A_51 : vector<1024x256xf32>
    %max3A = arith.constant 0.000000e+00 : f32
    %max3A_53 = vector.broadcast %max3A : f32 to vector<1024x256xf32>
    %max3A_54 = arith.maximumf %add3A_52, %max3A_53 : vector<1024x256xf32>
    %mul3A_55 = vector.broadcast %get3A_1 : vector<1024x1xf32> to vector<1024x256xf32>
    %mul3A_56 = arith.mulf %max3A_54, %mul3A_55 : vector<1024x256xf32>
    %slice3A = vector.extract_strided_slice %mul3A_56 {offsets = [0, 0], sizes = [1024, 128], strides = [1, 1]} : vector<1024x256xf32> to vector<1024x128xf32>
    %swap3A = arith.constant 0 : index
    %swap3A_57 = arith.constant 0 : index
    %swap3A_58 = vector.load %arg8[%swap3A, %swap3A_57] : memref<1024x128xf32, #tpu.memory_space<vmem>>, vector<1024x128xf32>
    tpu.vector_store %arg8[%swap3A, %swap3A_57], %slice3A {strides = array<i32>} : memref<1024x128xf32, #tpu.memory_space<vmem>>, vector<1024x128xf32>,
    %slice3A_59 = vector.extract_strided_slice %mul3A_56 {offsets = [0, 128], sizes = [1024, 128], strides = [1, 1]} : vector<1024x256xf32> to vector<1024x128xf32>
    %swap3A_60 = arith.constant 0 : index
    %swap3A_61 = arith.constant 0 : index
    %swap3A_62 = vector.load %arg9[%swap3A_60, %swap3A_61] : memref<1024x128xf32, #tpu.memory_space<vmem>>, vector<1024x128xf32>
    tpu.vector_store %arg9[%swap3A_60, %swap3A_61], %slice3A_59 {strides = array<i32>} : memref<1024x128xf32, #tpu.memory_space<vmem>>, vector<1024x128xf32>,
    return
  }
  func.func @transform_0(%arg0: i32) -> (i32, i32, i32) {
    %c0_i32 = arith.constant 0 : i32
    %c0_i32_0 = arith.constant 0 : i32
    %c0_i32_1 = arith.constant 0 : i32
    return %c0_i32, %arg0, %c0_i32_0 : i32, i32, i32
  }
  func.func @transform_1(%arg0: i32) -> (i32, i32) {
    %c0_i32 = arith.constant 0 : i32
    %c0_i32_0 = arith.constant 0 : i32
    return %arg0, %c0_i32 : i32, i32
  }
  func.func @transform_2(%arg0: i32) -> (i32, i32) {
    %c0_i32 = arith.constant 0 : i32
    %c0_i32_0 = arith.constant 0 : i32
    return %arg0, %c0_i32 : i32, i32
  }
  func.func @transform_3(%arg0: i32) -> (i32, i32) {
    %c0_i32 = arith.constant 0 : i32
    %c0_i32_0 = arith.constant 0 : i32
    %c0_i32_1 = arith.constant 0 : i32
    return %c0_i32, %c0_i32_0 : i32, i32
  }
  func.func @transform_4(%arg0: i32) -> (i32, i32) {
    %c0_i32 = arith.constant 0 : i32
    %c0_i32_0 = arith.constant 0 : i32
    %c0_i32_1 = arith.constant 0 : i32
    return %c0_i32, %c0_i32_0 : i32, i32
  }
  func.func @transform_5(%arg0: i32) -> (i32, i32) {
    %c0_i32 = arith.constant 0 : i32
    %c0_i32_0 = arith.constant 0 : i32
    %c0_i32_1 = arith.constant 0 : i32
    return %c0_i32, %c0_i32_0 : i32, i32
  }
  func.func @transform_6(%arg0: i32) -> (i32, i32) {
    %c0_i32 = arith.constant 0 : i32
    %c0_i32_0 = arith.constant 0 : i32
    %c0_i32_1 = arith.constant 0 : i32
    return %c0_i32, %c0_i32_0 : i32, i32
  }
  func.func @transform_7(%arg0: i32) -> (i32, i32) {
    %c0_i32 = arith.constant 0 : i32
    %c0_i32_0 = arith.constant 0 : i32
    return %arg0, %c0_i32 : i32, i32
  }
  func.func @transform_8(%arg0: i32) -> (i32, i32) {
    %c0_i32 = arith.constant 0 : i32
    %c0_i32_0 = arith.constant 0 : i32
    return %arg0, %c0_i32 : i32, i32
  }
}

</mosaic_0001>

<sc_bundles>
// kernel: kernel.11.cloned.1.call-start
scs
__scs_entry_jumppad:
0x0: {  	(pc) =	sbr.rel $0x88, $3  }
0x1: {  	(tag) =	ssettag $0x0;
	lr =	simm.s32 $0x1  }
0x2: {  	[smem:$0x3F97] =	sst lr;
	_ =	strace $0xD0000000  }
0x3: {  	_ = 	snop  }
0x4: {  	_ = 	snop  }
0x5: {  	_ = 	snop  }
0x6: {  	_ = 	snop  }
0x7: {  	_ = 	snop  }
__scs_overlays_trampoline_lowered:
0x8: {  	[smem:$0x3FA6] =	sst s0  }
0x9: {  	[smem:$0x3FA7] =	sst s1  }
0xa: {  	[smem:$0x3FA8] =	sst s2  }
0xb: {  	[smem:$0x3FA9] =	sst s3  }
0xc: {  	[smem:$0x3FAA] =	sst s4  }
0xd: {  	[smem:$0x3FAB] =	sst s5  }
0xe: {  	[smem:$0x3FAC] =	sst s6  }
0xf: {  	[smem:$0x3FAD] =	sst s7  }
0x10: {  	[smem:$0x3FAE] =	sst s8  }
0x11: {  	[smem:$0x3FAF] =	sst s9;
	s0 =	simm.s32 @!p0 $0x0  }
0x12: {  	s1 =	sld [smem:$0x3F95];
	s0 =	simm.s32 @p0 $0x1  }
0x13: {  	[smem:$0x3FB0] =	sst s0;
	s0 =	simm.s32 @!p1 $0x0  }
0x14: {  	s2 =	sld [smem:$0x3F94];
	s0 =	simm.s32 @p1 $0x1  }
0x15: {  	[smem:$0x3FB1] =	sst s0;
	s0 =	simm.s32 @!p2 $0x0  }
0x16: {  	s3 =	sld [smem:$0x3FDB];
	s0 =	simm.s32 @p2 $0x1  }
0x17: {  	s4 =	simm.s32 $0x1BF5;
	[smem:$0x3FB3] =	sst s0  }
0x18: {  	s0 =	sld [smem:$0x3F96];
	_ =	swait.ge [sflag:s4], $0x0  }
0x19: {  	s7 =	sld [smem:$0x3F97]  }
0x1a: {  	s8 =	sadd.s32 $0xFFFFE003, lr  }
0x1b: {  	s9 =	sadd.s32 $0xFFFFFEF7, lr;
	s5 =	simm.s32 $0xFFFFFFFF;
	p2 =	slt.u32 s8, $0xFFFFF086  }
0x1c: {  	p1 =	slt.u32 s9, $0xF7A;
	s5 =	simm.s32 @!p2 $0x0  }
0x1d: {  	s5 =	simm.s32 @p1 $0x1;
	p0 =	seq.s32 s7, s2  }
0x1e: {  	s7 =	smul.u32 @!p0 $0xF7A, s2;
	p2 =	seq.s32 @!p0 s5, $0x0  }
0x1f: {  	s9 =	smul.u32 $0xF7A, s1;
	s8 =	simm.s32 @!p0 $0x1BF5;
	p2 =	por !p2, p0  }
0x20: {  	[sflag:s8] =	ssyncset.s32 @!p0 $0xFFFFF086;
	s6 =	sadd.s32 @!p0 s3, s7;
	s7 =	simm.s32 @!p0 $0x108  }
0x21: {  	s3 =	sadd.s32 s3, s9;
	s6 =	sadd.s32 @!p0 $0x88, s6;
	s7 =	simm.s32 @p2 $0x1082  }
0x22: {  	[simem:s7], [sflag:s8] =	dma.local @!p0 [hbm:s6], $0xF7A  }
0x23: {  	s9 =	sor.u32 $0xD0000000, s2;
	s6 =	simm.s32 $0x108;
	_ =	swait.ge @!p0 [sflag:s8], $0x0  }
0x24: {  	s3 =	sadd.s32 $0x88, s3;
	s6 =	simm.s32 @!p1 $0x1082;
	[sflag:s4] =	ssyncset.s32 $0xFFFFF086  }
0x25: {  	[simem:s6], [sflag:s4] =	dma.local [hbm:s3], $0xF7A  }
0x26: {  	[smem:$0x3F97] =	sst s1;
	(tag) =	ssettag s2;
	_ =	strace s9  }
0x27: {  	s1 =	sld [smem:$0x3FA7]  }
0x28: {  	s2 =	sld [smem:$0x3FA8]  }
0x29: {  	s4 =	sld [smem:$0x3FAA]  }
0x2a: {  	p0 =	seq.s32 s5, $0x0;
	s5 =	sld [smem:$0x3FAB]  }
0x2b: {  	s6 =	sld [smem:$0x3FAC]  }
0x2c: {  	s7 =	sld [smem:$0x3FAD]  }
0x2d: {  	s3 =	simm.s32 $0x108;
	s8 =	sld [smem:$0x3FAE]  }
0x2e: {  	s3 =	simm.s32 @!p0 $0x1082;
	s9 =	sld [smem:$0x3FAF]  }
0x2f: {  	lr =	sadd.s32 s0, s3;
	s0 =	sld [smem:$0x3FA6]  }
0x30: {  	s3 =	sld [smem:$0x3FA9]  }
0x31: {  	[smem:$0x3FB2] =	sst s10  }
0x32: {  	s10 =	sld [smem:$0x3FB0];
	_ =	sdelay $0x3  }
0x33: {  	p0 =	seq.s32 s10, $0x1;
	s10 =	sld [smem:$0x3FB2];
	_ =	sdelay $0x3  }
0x34: {  	[smem:$0x3FB2] =	sst s10  }
0x35: {  	s10 =	sld [smem:$0x3FB1];
	_ =	sdelay $0x3  }
0x36: {  	p1 =	seq.s32 s10, $0x1;
	s10 =	sld [smem:$0x3FB2];
	_ =	sdelay $0x3  }
0x37: {  	[smem:$0x3FB2] =	sst s10  }
0x38: {  	s10 =	sld [smem:$0x3FB3]  }
0x39: {  	_ = 	snop;
	(pc) =	sbr.ind lr, $3  }
0x3a: {  	_ = 	snop  }
0x3b: {  	_ = 	snop  }
0x3c: {  	p2 =	seq.s32 s10, $0x1;
	s10 =	sld [smem:$0x3FB2]  }
0x3d: {  	_ =	shalt  }
0x3e: {  	_ =	shalt  }
0x3f: {  	_ =	shalt  }
0x40: {  	_ =	shalt  }
0x41: {  	_ =	shalt  }
0x42: {  	_ =	shalt  }
0x43: {  	_ =	shalt  }
0x44: {  	_ =	shalt  }
0x45: {  	_ =	shalt  }
0x46: {  	_ =	shalt  }
0x47: {  	_ =	shalt  }
0x48: {  	_ =	shalt  }
0x49: {  	_ =	shalt  }
0x4a: {  	_ =	shalt  }
0x4b: {  	_ =	shalt  }
0x4c: {  	_ =	shalt  }
0x4d: {  	_ =	shalt  }
0x4e: {  	_ =	shalt  }
0x4f: {  	_ =	shalt  }
0x50: {  	_ =	shalt  }
0x51: {  	_ =	shalt  }
0x52: {  	_ =	shalt  }
0x53: {  	_ =	shalt  }
0x54: {  	_ =	shalt  }
0x55: {  	_ =	shalt  }
0x56: {  	_ =	shalt  }
0x57: {  	_ =	shalt  }
0x58: {  	_ =	shalt  }
0x59: {  	_ =	shalt  }
0x5a: {  	_ =	shalt  }
0x5b: {  	_ =	shalt  }
0x5c: {  	_ =	shalt  }
0x5d: {  	_ =	shalt  }
0x5e: {  	_ =	shalt  }
0x5f: {  	_ =	shalt  }
0x60: {  	_ =	shalt  }
0x61: {  	_ =	shalt  }
0x62: {  	_ =	shalt  }
0x63: {  	_ =	shalt  }
0x64: {  	_ =	shalt  }
0x65: {  	_ =	shalt  }
0x66: {  	_ =	shalt  }
0x67: {  	_ =	shalt  }
0x68: {  	_ =	shalt  }
0x69: {  	_ =	shalt  }
0x6a: {  	_ =	shalt  }
0x6b: {  	_ =	shalt  }
0x6c: {  	_ =	shalt  }
0x6d: {  	_ =	shalt  }
0x6e: {  	_ =	shalt  }
0x6f: {  	_ =	shalt  }
0x70: {  	_ =	shalt  }
0x71: {  	_ =	shalt  }
0x72: {  	_ =	shalt  }
0x73: {  	_ =	shalt  }
0x74: {  	_ =	shalt  }
0x75: {  	_ =	shalt  }
0x76: {  	_ =	shalt  }
0x77: {  	_ =	shalt  }
0x78: {  	_ =	shalt  }
0x79: {  	_ =	shalt  }
0x7a: {  	_ =	shalt  }
0x7b: {  	_ =	shalt  }
0x7c: {  	_ =	shalt  }
0x7d: {  	_ =	shalt  }
0x7e: {  	_ =	shalt  }
0x7f: {  	_ =	shalt  }
0x80: {  	_ =	shalt  }
0x81: {  	_ =	shalt  }
0x82: {  	_ =	shalt  }
0x83: {  	_ =	shalt  }
0x84: {  	_ =	shalt  }
0x85: {  	_ =	shalt  }
0x86: {  	_ =	shalt  }
0x87: {  	_ =	shalt  }
.Lfunc_end0:
.L_simem_size_0:
called_computation.1_lowered:
.L_overlay_start_0:
0x88: {  	s2 =	sld [smem:$0x3FD9]  }
0x89: {  	s3 =	sld [smem:$0x3FFE];
	_ =	sdelay $0x1  }
0x8a: {  	s1 =	srdreg.scid  }
0x8b: {  	s0 =	sand.u32 $0x1, s1  }
0x8c: {  	s17 =	sshll.u32 s0, $0xA;
	s2 =	sadd.s32 s3, s2  }
0x8d: {  	s2 =	sadd.s32 s2, s17  }
0x8e: {  	[smem:$0x3FBE] =	sst s2  }
0x8f: {  	_ = 	snop  }
0x90: {  	s2 =	sld [smem:$0x3FD0];
	(tm) =	ssettm $0x1  }
0x91: {  	s18 =	sld [smem:$0x3FFB];
	_ =	sdelay $0x3  }
0x92: {  	_ =	strace s18  }
0x93: {  	s3 =	sld [smem:$0x3FFC];
	_ =	sdelay $0x3  }
0x94: {  	_ =	strace s3  }
0x95: {  	s3 =	sld [smem:$0x3FFD];
	_ =	sdelay $0x3  }
0x96: {  	_ =	strace s3  }
0x97: {  	_ =	strace $0x8FFFFFFF  }
0x98: {  	s19 =	sld [smem:$0x3FDB];
	_ =	sdelay $0x1  }
0x99: {  	s4 =	simm.s32 $_scs_section_size  }
0x9a: {  	s5 =	simm.s32 $_size__tile_overlayer_lowered;
	s6 =	simm.s32 $_tile_overlayer_lowered  }
0x9b: {  	s22 =	simm.s32 $0x1BFF;
	s21 =	sshll.u32 s6, $0x1;
	s3 =	sadd.s32 s4, s19  }
0x9c: {  	s7 =	simm.s32 $0x0;
	s20 =	sshll.u32 s5, $0x1;
	s5 =	sadd.s32 s21, s3  }
0x9d: {  	[timem:s7], [sflag:s22] =	dma.local [hbm:s5], s20  }
0x9e: {  	_ =	swait.ge [sflag:s22], s20  }
0x9f: {  	s4 =	ssub.s32 $0x0, s20;
	[sflag:s22] =	ssyncset.done $0x0  }
0xa0: {  	[sflag:s22] =	ssyncadd.s32 s4;
	_ =	sdelay $0x1  }
0xa1: {  	s23 =	simm.s32 $0x1B8B  }
0xa2: {  	_ =	swait.ge [sflag:s23], $0x1  }
0xa3: {  	[sflag:s23] =	ssyncset.done $0x0  }
0xa4: {  	s25 =	simm.s32 $0x1B8E;
	s24 =	sld [smem:$0x3FFE];
	[sflag:s23] =	ssyncadd.s32 $0xFFFFFFFF  }
0xa5: {  	s26 =	simm.s32 $execute0_lowered;
	[smem:$0x3FD2] =	sst s25  }
0xa6: {  	s5 =	sshll.u32 s26, $0x1;
	_ =	strace $0x80000049;
	[dreg:$0x1] =	wrdreg $0xFFFFFFFF  }
0xa7: {  	s28 =	simm.s32 $_size_execute0_lowered;
	s3 =	sadd.s32 s3, s5;
	[dreg:$0x0] =	wrdreg $0x0  }
0xa8: {  	s5 =	sshll.u32 s28, $0x1;
	[dreg:$0x2] =	wrdreg s3  }
0xa9: {  	[dreg:$0x3] =	wrdreg s5  }
0xaa: {  	[dreg:$0x4] =	wrdreg $0xC0  }
0xab: {  	_ =	task [dreg:s7], $0x5FFFF  }
0xac: {  	[dreg:$0x1] =	wrdreg $0xFFFFFFFF  }
0xad: {  	[dreg:$0x0] =	wrdreg $0x60  }
0xae: {  	[dreg:$0x2] =	wrdreg s24  }
0xaf: {  	[dreg:$0x3] =	wrdreg s2  }
0xb0: {  	[dreg:$0x4] =	wrdreg $0x90000  }
0xb1: {  	[dreg:$0x5] =	wrdreg $0x9  }
0xb2: {  	_ =	task.clear_ibuf [dreg:s7], $0x6FFFF;
	_ =	strace $0x90000049  }
0xb3: {  	s29 =	simm.s32 $0x9;
	_ =	strace $0x8000004B  }
0xb4: {  	_ =	swait.ge [sflag:s29], $0x1  }
0xb5: {  	[sflag:s29] =	ssyncadd.s32 $0xFFFFFFFF  }
0xb6: {  	_ =	strace $0x9000004B  }
0xb7: {  	_ =	sfence  }
0xb8: {  	s30 =	sld [smem:$0x0];
	_ =	sdelay $0x2  }
0xb9: {  	s31 =	sshll.u32 s1, $0xD;
	s1 =	sshrl.u32 s1, $0x2  }
0xba: {  	s3 =	sand.u32 $0x4000, s31;
	s1 =	sadd.s32 s1, s30  }
0xbb: {  	s0 =	sor.u32 s3, s0;
	s1 =	sshll.u32 s1, $0x11  }
0xbc: {  	s0 =	sor.u32 s1, s0  }
0xbd: {  	s0 =	sadd.s32 $0x8F2B, s0  }
0xbe: {  	[sflag:s0] =	ssyncadd.remote.s32 $0x1  }
0xbf: {  	_ =	sfence.sel $0xFFFF  }
0xc0: {  	[dreg:$0x0] =	wrdreg $0xFFFFFFFF;
	(pc) =	sbr.abs _section_cstart, $3  }
0xc1: {  	[dreg:$0x1] =	wrdreg $0xFFFFFFFF  }
0xc2: {  	_ =	task.clear_ibuf [dreg:s7], $0x2FFFF;
	_ =	strace $0x9FFFFFFF  }
0xc3: {  	(tm) =	ssettm $0x7FFFFFFF  }
tec
execute0_lowered:
.L_overlay_start_1:
0x0: {  	(tag) =	ssettag $0x1  }
0x1: {  	s0 =	rddreg [dreg:$0x0]  }
0x2: {  	s1 =	srdreg.scid;
	s5 =	rddreg [dreg:$0x1]  }
0x3: {  	s10 =	stileid.u32;
	s2 =	rddreg [dreg:$0x2]  }
0x4: {  	s3 =	simm.s32 $0x0;
	s11 =	simm.s32 $0x100;
	s12 =	simm.s32 $0x880  }
0x5: {  	s13 =	simm.s32 $0x180;
	s15 =	simm.s32 $0x900;
	[smem:$0x7FF] =	sst s3  }
0x6: {  	s17 =	simm.s32 $0x200;
	_ =	strace $0x8000004A;
	[dreg:$0x6] =	wrdreg s11  }
0x7: {  	s19 =	simm.s32 $0x980;
	s21 =	simm.s32 $0x280;
	[dreg:$0x7] =	wrdreg s12  }
0x8: {  	s22 =	simm.s32 $0xA00;
	s23 =	simm.s32 $0x300;
	[dreg:$0x8] =	wrdreg s13  }
0x9: {  	s24 =	simm.s32 $0xA80;
	s25 =	simm.s32 $0x380;
	[dreg:$0x9] =	wrdreg s15  }
0xa: {  	s28 =	simm.s32 $0x600;
	s6 =	smul.u32 $0x2800, s10;
	[dreg:$0xa] =	wrdreg s17  }
0xb: {  	s29 =	simm.s32 $0xD80;
	s8 =	smul.u32 $0x14000, s10;
	[dreg:$0xb] =	wrdreg s19  }
0xc: {  	s1 =	sand.u32 $0x1, s1;
	s10 =	smul.u32 $0x50000, s10;
	[dreg:$0xc] =	wrdreg s21  }
0xd: {  	s30 =	simm.s32 $0x680;
	s4 =	smul.u32 $0x28000, s1;
	[dreg:$0xd] =	wrdreg s22  }
0xe: {  	s31 =	simm.s32 $0xE00;
	s7 =	smul.u32 $0x140000, s1;
	[dreg:$0xe] =	wrdreg s23  }
0xf: {  	s1 =	ssub.s32 $0x2, s1;
	s12 =	simm.s32 $0x1000;
	[dreg:$0xf] =	wrdreg s24  }
0x10: {  	s13 =	simm.s32 $0x3;
	s15 =	simm.s32 $0x80;
	[dreg:$0x10] =	wrdreg s25  }
0x11: {  	s17 =	simm.s32 $0x5000;
	s19 =	simm.s32 $0x400;
	s21 =	simm.s32 $0x480  }
0x12: {  	s22 =	simm.s32 $0xC00;
	s23 =	simm.s32 $0x500;
	s24 =	simm.s32 $0xC80  }
0x13: {  	s25 =	simm.s32 $0x580;
	s26 =	sshrl.u32 s1, $0x1;
	s6 =	sadd.s32 s6, s4  }
0x14: {  	s4 =	sadd.s32 $0xE000, s0;
	s7 =	sadd.s32 s8, s7;
	s1 =	ssub.s32 s1, s26  }
0x15: {  	s26 =	simm.s32 $0xB00;
	s6 =	sshrl.u32 s6, $0x3;
	s7 =	sshrl.u32 s7, $0x3  }
0x16: {  	s1 =	smax.u32 s1, $0x1;
	[dreg:$0x11] =	wrdreg s26;
	s26 =	simm.s32 $0xD00  }
0x17: {  	s9 =	sadd.s32 s6, s0;
	s5 =	sadd.s32 s6, s5;
	[dreg:$0x14] =	wrdreg s1  }
0x18: {  	s0 =	sadd.s32 s7, s0;
	s8 =	sadd.s32 $0x4000, s9;
	[dreg:$0x5] =	wrdreg s5  }
0x19: {  	s9 =	sshrl.u32 s10, $0x2;
	s0 =	sadd.s32 $0x36000, s0;
	[dreg:$0x4] =	wrdreg s8  }
0x1a: {  	s1 =	simm.s32 $0x700;
	s10 =	sadd.s32 s9, s2;
	[dreg:$0x13] =	wrdreg s0  }
0x1b: {  	s6 =	simm.s32 $0x780;
	s14 =	sadd.s32 $0x4000, s10;
	[dreg:$0x12] =	wrdreg s10  }
0x1c: {  	s7 =	simm.s32 $0xF00;
	s16 =	sadd.s32 $0x8000, s10;
	[dreg:$0x15] =	wrdreg s14  }
0x1d: {  	s0 =	simm.s32 $0xE80;
	s18 =	sadd.s32 $0xC000, s10;
	[dreg:$0x16] =	wrdreg s16  }
0x1e: {  	s8 =	simm.s32 $0xF80;
	s20 =	sadd.s32 $0x10000, s10;
	[dreg:$0x17] =	wrdreg s18  }
0x1f: {  	s9 =	simm.s32 $0x0;
	[dreg:$0x18] =	wrdreg s20;
	s14 =	simm.s32 $0x800  }
0x20: {  	v0 =	vimm.f32 $0.0e+00;
	s16 =	simm.s32 $0x1;
	s18 =	simm.s32 $0x2;
	s20 =	simm.s32 $0xB80  }
.LBB2_1:
0x21: {  	s5 =	sand.u32 $0xFE00, s3  }
0x22: {  	[dreg:$0x19] =	wrdreg s9;
	s11 =	sand.u32 $0x70, s3;
	s5 =	sshrl.u32 s5, $0x2  }
0x23: {  	s10 =	simm.s32 $0x40;
	s5 =	sor.u32 s11, s5;
	s11 =	simm.s32 $0x0  }
.LBB2_2:
0x24: {  	p0 =	sne.s32 s10, $0xFFC0  }
0x25: {  	[tilespmem:s5+$0x1000] =	vst v0;
	s11 =	sadd.s32 $0x10, s11;
	s5 =	smov.u32 s10;
	s10 =	sadd.s32 $0x40, s10  }
.Ltmp0:
0x26: {  	(pc) =	sbr.rel @p0 .LBB2_2-.Ltmp0, $4  }
0x27: {  	_ = 	snop  }
0x28: {  	s5 =	sand.u32 $0xFE00, s5  }
0x29: {  	s9 =	sand.u32 $0x70, s11;
	s5 =	sshrl.u32 s5, $0x2  }
0x2a: {  	s5 =	sor.u32 s9, s5  }
0x2b: {  	[tilespmem:s5+$0x1000] =	vst v0;
	s10 =	rddreg [dreg:$0x12]  }
0x2c: {  	[spmem:s10] =	stream.linear.scatter [tilespmem:s12], [sflag:$0x3], $0x4000, $0x38;
	[tilespmem:$0x1D000] =	vst v63  }
0x2d: {  	_ =	swait.ge [sflag:s13], $0x4000  }
0x2e: {  	[sflag:s13] =	ssyncset.done $0x0  }
0x2f: {  	s11 =	rddreg [dreg:$0x15];
	[sflag:s13] =	ssyncadd.s32 $0xFFFFC000  }
0x30: {  	[spmem:s11] =	stream.linear.scatter [tilespmem:s12], [sflag:$0x3], $0x4000, $0x38;
	[tilespmem:$0x1D000] =	vst v63  }
0x31: {  	_ =	swait.ge [sflag:s13], $0x4000  }
0x32: {  	[sflag:s13] =	ssyncset.done $0x0  }
0x33: {  	s9 =	rddreg [dreg:$0x16];
	[sflag:s13] =	ssyncadd.s32 $0xFFFFC000  }
0x34: {  	[spmem:s9] =	stream.linear.scatter [tilespmem:s12], [sflag:$0x3], $0x4000, $0x38;
	[tilespmem:$0x1D000] =	vst v63  }
0x35: {  	_ =	swait.ge [sflag:s13], $0x4000  }
0x36: {  	[sflag:s13] =	ssyncset.done $0x0  }
0x37: {  	s10 =	rddreg [dreg:$0x17];
	[sflag:s13] =	ssyncadd.s32 $0xFFFFC000  }
0x38: {  	[spmem:s10] =	stream.linear.scatter [tilespmem:s12], [sflag:$0x3], $0x4000, $0x38;
	[tilespmem:$0x1D000] =	vst v63  }
0x39: {  	_ =	swait.ge [sflag:s13], $0x4000  }
0x3a: {  	[sflag:s13] =	ssyncset.done $0x0  }
0x3b: {  	s11 =	rddreg [dreg:$0x18];
	[sflag:s13] =	ssyncadd.s32 $0xFFFFC000  }
0x3c: {  	[spmem:s11] =	stream.linear.scatter [tilespmem:s12], [sflag:$0x3], $0x4000, $0x38;
	[tilespmem:$0x1D000] =	vst v63  }
0x3d: {  	_ =	swait.ge [sflag:s13], $0x4000  }
0x3e: {  	[sflag:s13] =	ssyncset.done $0x0  }
0x3f: {  	[sflag:s13] =	ssyncadd.s32 $0xFFFFC000  }
0x40: {  	[bflag:$0x0] =	sbarrier.arrive $0xFFFF  }
0x41: {  	s9 =	rddreg [dreg:$0x5]  }
0x42: {  	s5 =	sadd.s32 $0x0, s9  }
0x43: {  	[tilespmem:s3], [sflag:$0x3] =	stream.linear.gather [hbm4b:s5+s3], $0x800, $0x38;
	[tilespmem:$0x1D000] =	vst v63  }
0x44: {  	_ =	swait.ge [sflag:s13], $0x800  }
0x45: {  	s10 =	rddreg [dreg:$0x4];
	[sflag:s13] =	ssyncset.done $0x0  }
0x46: {  	[sflag:s13] =	ssyncadd.s32 $0xFFFFF800;
	s5 =	sadd.s32 $0x0, s10  }
0x47: {  	[tilespmem:s14], [sflag:$0x3] =	stream.linear.gather [hbm4b:s5+s3], $0x800, $0x38;
	[tilespmem:$0x1D000] =	vst v63  }
0x48: {  	_ =	swait.ge [sflag:s13], $0x800  }
0x49: {  	[sflag:s13] =	ssyncset.done $0x0  }
0x4a: {  	[sflag:s13] =	ssyncadd.s32 $0xFFFFF800  }
0x4b: {  	[tilespmem:s12], [sflag:$0x1] =	stream.indirect.gather [hbm4b:s4+s15], $0x80, s3, s15, $0xb8;
	[tilespmem:$0x1D000] =	vst v63  }
0x4c: {  	_ =	swait.ge [sflag:s16], $0x4000  }
0x4d: {  	[sflag:s16] =	ssyncset.done $0x0  }
0x4e: {  	[sflag:s16] =	ssyncadd.s32 $0xFFFFC000  }
0x4f: {  	[tilespmem:s17], [sflag:$0x2] =	stream.indirect.gather [hbm4b:s4+s15], $0x80, s15, s15, $0xb8;
	[tilespmem:$0x1D000] =	vst v63  }
0x50: {  	_ = 	snop  }
0x51: {  	[spmem:s2] =	stream.indirect.scatter.add.f32 [tilespmem:s12], [sflag:$0x3], $0x80, s14, s15, $0xb8;
	[tilespmem:$0x1D000] =	vst v63  }
0x52: {  	_ =	swait.ge [sflag:s13], $0x4000  }
0x53: {  	[sflag:s13] =	ssyncset.done $0x0  }
0x54: {  	[sflag:s13] =	ssyncadd.s32 $0xFFFFC000  }
0x55: {  	_ =	swait.ge [sflag:s18], $0x4000  }
0x56: {  	[sflag:s18] =	ssyncset.done $0x0  }
0x57: {  	s11 =	rddreg [dreg:$0x6];
	[sflag:s18] =	ssyncadd.s32 $0xFFFFC000  }
0x58: {  	[tilespmem:s12], [sflag:$0x1] =	stream.indirect.gather [hbm4b:s4+s15], $0x80, s11, s15, $0xb8;
	[tilespmem:$0x1D000] =	vst v63  }
0x59: {  	s9 =	rddreg [dreg:$0x7]  }
0x5a: {  	[spmem:s2] =	stream.indirect.scatter.add.f32 [tilespmem:s17], [sflag:$0x3], $0x80, s9, s15, $0xb8;
	[tilespmem:$0x1D000] =	vst v63  }
0x5b: {  	_ =	swait.ge [sflag:s13], $0x4000  }
0x5c: {  	[sflag:s13] =	ssyncset.done $0x0  }
0x5d: {  	[sflag:s13] =	ssyncadd.s32 $0xFFFFC000  }
0x5e: {  	_ =	swait.ge [sflag:s16], $0x4000  }
0x5f: {  	[sflag:s16] =	ssyncset.done $0x0  }
0x60: {  	s10 =	rddreg [dreg:$0x8];
	[sflag:s16] =	ssyncadd.s32 $0xFFFFC000  }
0x61: {  	[tilespmem:s17], [sflag:$0x2] =	stream.indirect.gather [hbm4b:s4+s15], $0x80, s10, s15, $0xb8;
	[tilespmem:$0x1D000] =	vst v63  }
0x62: {  	s11 =	rddreg [dreg:$0x9]  }
0x63: {  	[spmem:s2] =	stream.indirect.scatter.add.f32 [tilespmem:s12], [sflag:$0x3], $0x80, s11, s15, $0xb8;
	[tilespmem:$0x1D000] =	vst v63  }
0x64: {  	_ =	swait.ge [sflag:s13], $0x4000  }
0x65: {  	[sflag:s13] =	ssyncset.done $0x0  }
0x66: {  	[sflag:s13] =	ssyncadd.s32 $0xFFFFC000  }
0x67: {  	_ =	swait.ge [sflag:s18], $0x4000  }
0x68: {  	[sflag:s18] =	ssyncset.done $0x0  }
0x69: {  	s10 =	rddreg [dreg:$0xa];
	[sflag:s18] =	ssyncadd.s32 $0xFFFFC000  }
0x6a: {  	[tilespmem:s12], [sflag:$0x1] =	stream.indirect.gather [hbm4b:s4+s15], $0x80, s10, s15, $0xb8;
	[tilespmem:$0x1D000] =	vst v63  }
0x6b: {  	s11 =	rddreg [dreg:$0xb]  }
0x6c: {  	[spmem:s2] =	stream.indirect.scatter.add.f32 [tilespmem:s17], [sflag:$0x3], $0x80, s11, s15, $0xb8;
	[tilespmem:$0x1D000] =	vst v63  }
0x6d: {  	_ =	swait.ge [sflag:s13], $0x4000  }
0x6e: {  	[sflag:s13] =	ssyncset.done $0x0  }
0x6f: {  	[sflag:s13] =	ssyncadd.s32 $0xFFFFC000  }
0x70: {  	_ =	swait.ge [sflag:s16], $0x4000  }
0x71: {  	[sflag:s16] =	ssyncset.done $0x0  }
0x72: {  	s10 =	rddreg [dreg:$0xc];
	[sflag:s16] =	ssyncadd.s32 $0xFFFFC000  }
0x73: {  	[tilespmem:s17], [sflag:$0x2] =	stream.indirect.gather [hbm4b:s4+s15], $0x80, s10, s15, $0xb8;
	[tilespmem:$0x1D000] =	vst v63  }
0x74: {  	s11 =	rddreg [dreg:$0xd]  }
0x75: {  	[spmem:s2] =	stream.indirect.scatter.add.f32 [tilespmem:s12], [sflag:$0x3], $0x80, s11, s15, $0xb8;
	[tilespmem:$0x1D000] =	vst v63  }
0x76: {  	_ =	swait.ge [sflag:s13], $0x4000  }
0x77: {  	[sflag:s13] =	ssyncset.done $0x0  }
0x78: {  	[sflag:s13] =	ssyncadd.s32 $0xFFFFC000  }
0x79: {  	_ =	swait.ge [sflag:s18], $0x4000  }
0x7a: {  	[sflag:s18] =	ssyncset.done $0x0  }
0x7b: {  	s10 =	rddreg [dreg:$0xe];
	[sflag:s18] =	ssyncadd.s32 $0xFFFFC000  }
0x7c: {  	[tilespmem:s12], [sflag:$0x1] =	stream.indirect.gather [hbm4b:s4+s15], $0x80, s10, s15, $0xb8;
	[tilespmem:$0x1D000] =	vst v63  }
0x7d: {  	s11 =	rddreg [dreg:$0xf]  }
0x7e: {  	[spmem:s2] =	stream.indirect.scatter.add.f32 [tilespmem:s17], [sflag:$0x3], $0x80, s11, s15, $0xb8;
	[tilespmem:$0x1D000] =	vst v63  }
0x7f: {  	_ =	swait.ge [sflag:s13], $0x4000  }
0x80: {  	[sflag:s13] =	ssyncset.done $0x0  }
0x81: {  	[sflag:s13] =	ssyncadd.s32 $0xFFFFC000  }
0x82: {  	_ =	swait.ge [sflag:s16], $0x4000  }
0x83: {  	[sflag:s16] =	ssyncset.done $0x0  }
0x84: {  	s10 =	rddreg [dreg:$0x10];
	[sflag:s16] =	ssyncadd.s32 $0xFFFFC000  }
0x85: {  	[tilespmem:s17], [sflag:$0x2] =	stream.indirect.gather [hbm4b:s4+s15], $0x80, s10, s15, $0xb8;
	[tilespmem:$0x1D000] =	vst v63  }
0x86: {  	s11 =	rddreg [dreg:$0x11]  }
0x87: {  	[spmem:s2] =	stream.indirect.scatter.add.f32 [tilespmem:s12], [sflag:$0x3], $0x80, s11, s15, $0xb8;
	[tilespmem:$0x1D000] =	vst v63  }
0x88: {  	_ =	swait.ge [sflag:s13], $0x4000  }
0x89: {  	[sflag:s13] =	ssyncset.done $0x0  }
0x8a: {  	[sflag:s13] =	ssyncadd.s32 $0xFFFFC000  }
0x8b: {  	_ =	swait.ge [sflag:s18], $0x4000  }
0x8c: {  	[sflag:s18] =	ssyncset.done $0x0  }
0x8d: {  	[sflag:s18] =	ssyncadd.s32 $0xFFFFC000  }
0x8e: {  	[tilespmem:s12], [sflag:$0x1] =	stream.indirect.gather [hbm4b:s4+s15], $0x80, s19, s15, $0xb8;
	[tilespmem:$0x1D000] =	vst v63  }
0x8f: {  	_ = 	snop  }
0x90: {  	[spmem:s2] =	stream.indirect.scatter.add.f32 [tilespmem:s17], [sflag:$0x3], $0x80, s20, s15, $0xb8;
	[tilespmem:$0x1D000] =	vst v63  }
0x91: {  	_ =	swait.ge [sflag:s13], $0x4000  }
0x92: {  	[sflag:s13] =	ssyncset.done $0x0  }
0x93: {  	[sflag:s13] =	ssyncadd.s32 $0xFFFFC000  }
0x94: {  	_ =	swait.ge [sflag:s16], $0x4000  }
0x95: {  	[sflag:s16] =	ssyncset.done $0x0  }
0x96: {  	[sflag:s16] =	ssyncadd.s32 $0xFFFFC000  }
0x97: {  	[tilespmem:s17], [sflag:$0x2] =	stream.indirect.gather [hbm4b:s4+s15], $0x80, s21, s15, $0xb8;
	[tilespmem:$0x1D000] =	vst v63  }
0x98: {  	_ = 	snop  }
0x99: {  	[spmem:s2] =	stream.indirect.scatter.add.f32 [tilespmem:s12], [sflag:$0x3], $0x80, s22, s15, $0xb8;
	[tilespmem:$0x1D000] =	vst v63  }
0x9a: {  	_ =	swait.ge [sflag:s13], $0x4000  }
0x9b: {  	[sflag:s13] =	ssyncset.done $0x0  }
0x9c: {  	[sflag:s13] =	ssyncadd.s32 $0xFFFFC000  }
0x9d: {  	_ =	swait.ge [sflag:s18], $0x4000  }
0x9e: {  	[sflag:s18] =	ssyncset.done $0x0  }
0x9f: {  	[sflag:s18] =	ssyncadd.s32 $0xFFFFC000  }
0xa0: {  	[tilespmem:s12], [sflag:$0x1] =	stream.indirect.gather [hbm4b:s4+s15], $0x80, s23, s15, $0xb8;
	[tilespmem:$0x1D000] =	vst v63  }
0xa1: {  	_ = 	snop  }
0xa2: {  	[spmem:s2] =	stream.indirect.scatter.add.f32 [tilespmem:s17], [sflag:$0x3], $0x80, s24, s15, $0xb8;
	[tilespmem:$0x1D000] =	vst v63  }
0xa3: {  	_ =	swait.ge [sflag:s13], $0x4000  }
0xa4: {  	[sflag:s13] =	ssyncset.done $0x0  }
0xa5: {  	[sflag:s13] =	ssyncadd.s32 $0xFFFFC000  }
0xa6: {  	_ =	swait.ge [sflag:s16], $0x4000  }
0xa7: {  	[sflag:s16] =	ssyncset.done $0x0  }
0xa8: {  	[sflag:s16] =	ssyncadd.s32 $0xFFFFC000  }
0xa9: {  	[tilespmem:s17], [sflag:$0x2] =	stream.indirect.gather [hbm4b:s4+s15], $0x80, s25, s15, $0xb8;
	[tilespmem:$0x1D000] =	vst v63  }
0xaa: {  	_ = 	snop  }
0xab: {  	[spmem:s2] =	stream.indirect.scatter.add.f32 [tilespmem:s12], [sflag:$0x3], $0x80, s26, s15, $0xb8;
	[tilespmem:$0x1D000] =	vst v63  }
0xac: {  	_ =	swait.ge [sflag:s13], $0x4000  }
0xad: {  	[sflag:s13] =	ssyncset.done $0x0  }
0xae: {  	[sflag:s13] =	ssyncadd.s32 $0xFFFFC000  }
0xaf: {  	_ =	swait.ge [sflag:s18], $0x4000  }
0xb0: {  	[sflag:s18] =	ssyncset.done $0x0  }
0xb1: {  	[sflag:s18] =	ssyncadd.s32 $0xFFFFC000  }
0xb2: {  	[tilespmem:s12], [sflag:$0x1] =	stream.indirect.gather [hbm4b:s4+s15], $0x80, s28, s15, $0xb8;
	[tilespmem:$0x1D000] =	vst v63  }
0xb3: {  	_ = 	snop  }
0xb4: {  	[spmem:s2] =	stream.indirect.scatter.add.f32 [tilespmem:s17], [sflag:$0x3], $0x80, s29, s15, $0xb8;
	[tilespmem:$0x1D000] =	vst v63  }
0xb5: {  	_ =	swait.ge [sflag:s13], $0x4000  }
0xb6: {  	[sflag:s13] =	ssyncset.done $0x0  }
0xb7: {  	[sflag:s13] =	ssyncadd.s32 $0xFFFFC000  }
0xb8: {  	_ =	swait.ge [sflag:s16], $0x4000  }
0xb9: {  	[sflag:s16] =	ssyncset.done $0x0  }
0xba: {  	[sflag:s16] =	ssyncadd.s32 $0xFFFFC000  }
0xbb: {  	[tilespmem:s17], [sflag:$0x2] =	stream.indirect.gather [hbm4b:s4+s15], $0x80, s30, s15, $0xb8;
	[tilespmem:$0x1D000] =	vst v63  }
0xbc: {  	_ = 	snop  }
0xbd: {  	[spmem:s2] =	stream.indirect.scatter.add.f32 [tilespmem:s12], [sflag:$0x3], $0x80, s31, s15, $0xb8;
	[tilespmem:$0x1D000] =	vst v63  }
0xbe: {  	_ =	swait.ge [sflag:s13], $0x4000  }
0xbf: {  	[sflag:s13] =	ssyncset.done $0x0  }
0xc0: {  	[sflag:s13] =	ssyncadd.s32 $0xFFFFC000  }
0xc1: {  	_ =	swait.ge [sflag:s18], $0x4000  }
0xc2: {  	[sflag:s18] =	ssyncset.done $0x0  }
0xc3: {  	[sflag:s18] =	ssyncadd.s32 $0xFFFFC000  }
0xc4: {  	[tilespmem:s12], [sflag:$0x1] =	stream.indirect.gather [hbm4b:s4+s15], $0x80, s1, s15, $0xb8;
	[tilespmem:$0x1D000] =	vst v63  }
0xc5: {  	_ = 	snop  }
0xc6: {  	[spmem:s2] =	stream.indirect.scatter.add.f32 [tilespmem:s17], [sflag:$0x3], $0x80, s0, s15, $0xb8;
	[tilespmem:$0x1D000] =	vst v63  }
0xc7: {  	_ =	swait.ge [sflag:s13], $0x4000  }
0xc8: {  	[sflag:s13] =	ssyncset.done $0x0  }
0xc9: {  	[sflag:s13] =	ssyncadd.s32 $0xFFFFC000  }
0xca: {  	_ =	swait.ge [sflag:s16], $0x4000  }
0xcb: {  	[sflag:s16] =	ssyncset.done $0x0  }
0xcc: {  	[sflag:s16] =	ssyncadd.s32 $0xFFFFC000  }
0xcd: {  	[tilespmem:s17], [sflag:$0x2] =	stream.indirect.gather [hbm4b:s4+s15], $0x80, s6, s15, $0xb8;
	[tilespmem:$0x1D000] =	vst v63  }
0xce: {  	_ = 	snop  }
0xcf: {  	[spmem:s2] =	stream.indirect.scatter.add.f32 [tilespmem:s12], [sflag:$0x3], $0x80, s7, s15, $0xb8;
	[tilespmem:$0x1D000] =	vst v63  }
0xd0: {  	_ =	swait.ge [sflag:s13], $0x4000  }
0xd1: {  	[sflag:s13] =	ssyncset.done $0x0  }
0xd2: {  	[sflag:s13] =	ssyncadd.s32 $0xFFFFC000  }
0xd3: {  	_ =	swait.ge [sflag:s18], $0x4000  }
0xd4: {  	[sflag:s18] =	ssyncset.done $0x0  }
0xd5: {  	[sflag:s18] =	ssyncadd.s32 $0xFFFFC000  }
0xd6: {  	[spmem:s2] =	stream.indirect.scatter.add.f32 [tilespmem:s17], [sflag:$0x3], $0x80, s8, s15, $0xb8;
	[tilespmem:$0x1D000] =	vst v63  }
0xd7: {  	s10 =	simm.s32 $0x100;
	_ =	swait.ge [sflag:s13], $0x4000  }
0xd8: {  	s11 =	simm.s32 $0x200;
	s5 =	rddreg [dreg:$0x5];
	[sflag:s13] =	ssyncset.done $0x0  }
.LBB2_4:
0xd9: {  	[sflag:s13] =	ssyncadd.s32 $0xFFFFC000;
	s5 =	sadd.s32 s10, s5  }
0xda: {  	[tilespmem:s3], [sflag:$0x3] =	stream.linear.gather [hbm4b:s5+s3], $0x800, $0x38;
	[tilespmem:$0x1D000] =	vst v63  }
0xdb: {  	_ =	swait.ge [sflag:s13], $0x800  }
0xdc: {  	s5 =	rddreg [dreg:$0x4];
	[sflag:s13] =	ssyncset.done $0x0  }
0xdd: {  	[sflag:s13] =	ssyncadd.s32 $0xFFFFF800;
	s5 =	sadd.s32 s10, s5  }
0xde: {  	[tilespmem:s14], [sflag:$0x3] =	stream.linear.gather [hbm4b:s5+s3], $0x800, $0x38;
	[tilespmem:$0x1D000] =	vst v63  }
0xdf: {  	_ =	swait.ge [sflag:s13], $0x800  }
0xe0: {  	[sflag:s13] =	ssyncset.done $0x0  }
0xe1: {  	[sflag:s13] =	ssyncadd.s32 $0xFFFFF800  }
0xe2: {  	[tilespmem:s12], [sflag:$0x1] =	stream.indirect.gather [hbm4b:s4+s15], $0x80, s3, s15, $0xb8;
	[tilespmem:$0x1D000] =	vst v63  }
0xe3: {  	_ =	swait.ge [sflag:s16], $0x4000  }
0xe4: {  	[sflag:s16] =	ssyncset.done $0x0  }
0xe5: {  	[sflag:s16] =	ssyncadd.s32 $0xFFFFC000  }
0xe6: {  	[tilespmem:s17], [sflag:$0x2] =	stream.indirect.gather [hbm4b:s4+s15], $0x80, s15, s15, $0xb8;
	[tilespmem:$0x1D000] =	vst v63  }
0xe7: {  	_ = 	snop  }
0xe8: {  	[spmem:s2] =	stream.indirect.scatter.add.f32 [tilespmem:s12], [sflag:$0x3], $0x80, s14, s15, $0xb8;
	[tilespmem:$0x1D000] =	vst v63  }
0xe9: {  	_ =	swait.ge [sflag:s13], $0x4000  }
0xea: {  	[sflag:s13] =	ssyncset.done $0x0  }
0xeb: {  	[sflag:s13] =	ssyncadd.s32 $0xFFFFC000  }
0xec: {  	_ =	swait.ge [sflag:s18], $0x4000  }
0xed: {  	[sflag:s18] =	ssyncset.done $0x0  }
0xee: {  	s9 =	smov.u32 s11;
	s5 =	rddreg [dreg:$0x6];
	[sflag:s18] =	ssyncadd.s32 $0xFFFFC000  }
0xef: {  	[tilespmem:s12], [sflag:$0x1] =	stream.indirect.gather [hbm4b:s4+s15], $0x80, s5, s15, $0xb8;
	[tilespmem:$0x1D000] =	vst v63  }
0xf0: {  	s10 =	smov.u32 s9;
	s9 =	rddreg [dreg:$0x7]  }
0xf1: {  	[spmem:s2] =	stream.indirect.scatter.add.f32 [tilespmem:s17], [sflag:$0x3], $0x80, s9, s15, $0xb8;
	[tilespmem:$0x1D000] =	vst v63  }
0xf2: {  	_ =	swait.ge [sflag:s13], $0x4000  }
0xf3: {  	[sflag:s13] =	ssyncset.done $0x0  }
0xf4: {  	[sflag:s13] =	ssyncadd.s32 $0xFFFFC000  }
0xf5: {  	_ =	swait.ge [sflag:s16], $0x4000  }
0xf6: {  	[sflag:s16] =	ssyncset.done $0x0  }
0xf7: {  	s5 =	rddreg [dreg:$0x8];
	[sflag:s16] =	ssyncadd.s32 $0xFFFFC000  }
0xf8: {  	[tilespmem:s17], [sflag:$0x2] =	stream.indirect.gather [hbm4b:s4+s15], $0x80, s5, s15, $0xb8;
	[tilespmem:$0x1D000] =	vst v63  }
0xf9: {  	s9 =	rddreg [dreg:$0x9]  }
0xfa: {  	[spmem:s2] =	stream.indirect.scatter.add.f32 [tilespmem:s12], [sflag:$0x3], $0x80, s9, s15, $0xb8;
	[tilespmem:$0x1D000] =	vst v63  }
0xfb: {  	_ =	swait.ge [sflag:s13], $0x4000  }
0xfc: {  	[sflag:s13] =	ssyncset.done $0x0  }
0xfd: {  	[sflag:s13] =	ssyncadd.s32 $0xFFFFC000  }
0xfe: {  	_ =	swait.ge [sflag:s18], $0x4000  }
0xff: {  	[sflag:s18] =	ssyncset.done $0x0  }
0x100: {  	s5 =	rddreg [dreg:$0xa];
	[sflag:s18] =	ssyncadd.s32 $0xFFFFC000  }
0x101: {  	[tilespmem:s12], [sflag:$0x1] =	stream.indirect.gather [hbm4b:s4+s15], $0x80, s5, s15, $0xb8;
	[tilespmem:$0x1D000] =	vst v63  }
0x102: {  	s9 =	rddreg [dreg:$0xb]  }
0x103: {  	[spmem:s2] =	stream.indirect.scatter.add.f32 [tilespmem:s17], [sflag:$0x3], $0x80, s9, s15, $0xb8;
	[tilespmem:$0x1D000] =	vst v63  }
0x104: {  	_ =	swait.ge [sflag:s13], $0x4000  }
0x105: {  	[sflag:s13] =	ssyncset.done $0x0  }
0x106: {  	[sflag:s13] =	ssyncadd.s32 $0xFFFFC000  }
0x107: {  	_ =	swait.ge [sflag:s16], $0x4000  }
0x108: {  	[sflag:s16] =	ssyncset.done $0x0  }
0x109: {  	s5 =	rddreg [dreg:$0xc];
	[sflag:s16] =	ssyncadd.s32 $0xFFFFC000  }
0x10a: {  	[tilespmem:s17], [sflag:$0x2] =	stream.indirect.gather [hbm4b:s4+s15], $0x80, s5, s15, $0xb8;
	[tilespmem:$0x1D000] =	vst v63  }
0x10b: {  	s9 =	rddreg [dreg:$0xd]  }
0x10c: {  	[spmem:s2] =	stream.indirect.scatter.add.f32 [tilespmem:s12], [sflag:$0x3], $0x80, s9, s15, $0xb8;
	[tilespmem:$0x1D000] =	vst v63  }
0x10d: {  	_ =	swait.ge [sflag:s13], $0x4000  }
0x10e: {  	[sflag:s13] =	ssyncset.done $0x0  }
0x10f: {  	[sflag:s13] =	ssyncadd.s32 $0xFFFFC000  }
0x110: {  	_ =	swait.ge [sflag:s18], $0x4000  }
0x111: {  	[sflag:s18] =	ssyncset.done $0x0  }
0x112: {  	s5 =	rddreg [dreg:$0xe];
	[sflag:s18] =	ssyncadd.s32 $0xFFFFC000  }
0x113: {  	[tilespmem:s12], [sflag:$0x1] =	stream.indirect.gather [hbm4b:s4+s15], $0x80, s5, s15, $0xb8;
	[tilespmem:$0x1D000] =	vst v63  }
0x114: {  	s9 =	rddreg [dreg:$0xf]  }
0x115: {  	[spmem:s2] =	stream.indirect.scatter.add.f32 [tilespmem:s17], [sflag:$0x3], $0x80, s9, s15, $0xb8;
	[tilespmem:$0x1D000] =	vst v63  }
0x116: {  	_ =	swait.ge [sflag:s13], $0x4000  }
0x117: {  	[sflag:s13] =	ssyncset.done $0x0  }
0x118: {  	[sflag:s13] =	ssyncadd.s32 $0xFFFFC000  }
0x119: {  	_ =	swait.ge [sflag:s16], $0x4000  }
0x11a: {  	[sflag:s16] =	ssyncset.done $0x0  }
0x11b: {  	s5 =	rddreg [dreg:$0x10];
	[sflag:s16] =	ssyncadd.s32 $0xFFFFC000  }
0x11c: {  	[tilespmem:s17], [sflag:$0x2] =	stream.indirect.gather [hbm4b:s4+s15], $0x80, s5, s15, $0xb8;
	[tilespmem:$0x1D000] =	vst v63  }
0x11d: {  	s9 =	rddreg [dreg:$0x11]  }
0x11e: {  	[spmem:s2] =	stream.indirect.scatter.add.f32 [tilespmem:s12], [sflag:$0x3], $0x80, s9, s15, $0xb8;
	[tilespmem:$0x1D000] =	vst v63  }
0x11f: {  	_ =	swait.ge [sflag:s13], $0x4000  }
0x120: {  	[sflag:s13] =	ssyncset.done $0x0  }
0x121: {  	[sflag:s13] =	ssyncadd.s32 $0xFFFFC000  }
0x122: {  	_ =	swait.ge [sflag:s18], $0x4000  }
0x123: {  	[sflag:s18] =	ssyncset.done $0x0  }
0x124: {  	[sflag:s18] =	ssyncadd.s32 $0xFFFFC000  }
0x125: {  	[tilespmem:s12], [sflag:$0x1] =	stream.indirect.gather [hbm4b:s4+s15], $0x80, s19, s15, $0xb8;
	[tilespmem:$0x1D000] =	vst v63  }
0x126: {  	_ = 	snop  }
0x127: {  	[spmem:s2] =	stream.indirect.scatter.add.f32 [tilespmem:s17], [sflag:$0x3], $0x80, s20, s15, $0xb8;
	[tilespmem:$0x1D000] =	vst v63  }
0x128: {  	_ =	swait.ge [sflag:s13], $0x4000  }
0x129: {  	[sflag:s13] =	ssyncset.done $0x0  }
0x12a: {  	[sflag:s13] =	ssyncadd.s32 $0xFFFFC000  }
0x12b: {  	_ =	swait.ge [sflag:s16], $0x4000  }
0x12c: {  	[sflag:s16] =	ssyncset.done $0x0  }
0x12d: {  	[sflag:s16] =	ssyncadd.s32 $0xFFFFC000  }
0x12e: {  	[tilespmem:s17], [sflag:$0x2] =	stream.indirect.gather [hbm4b:s4+s15], $0x80, s21, s15, $0xb8;
	[tilespmem:$0x1D000] =	vst v63  }
0x12f: {  	_ = 	snop  }
0x130: {  	[spmem:s2] =	stream.indirect.scatter.add.f32 [tilespmem:s12], [sflag:$0x3], $0x80, s22, s15, $0xb8;
	[tilespmem:$0x1D000] =	vst v63  }
0x131: {  	_ =	swait.ge [sflag:s13], $0x4000  }
0x132: {  	[sflag:s13] =	ssyncset.done $0x0  }
0x133: {  	[sflag:s13] =	ssyncadd.s32 $0xFFFFC000  }
0x134: {  	_ =	swait.ge [sflag:s18], $0x4000  }
0x135: {  	[sflag:s18] =	ssyncset.done $0x0  }
0x136: {  	[sflag:s18] =	ssyncadd.s32 $0xFFFFC000  }
0x137: {  	[tilespmem:s12], [sflag:$0x1] =	stream.indirect.gather [hbm4b:s4+s15], $0x80, s23, s15, $0xb8;
	[tilespmem:$0x1D000] =	vst v63  }
0x138: {  	_ = 	snop  }
0x139: {  	[spmem:s2] =	stream.indirect.scatter.add.f32 [tilespmem:s17], [sflag:$0x3], $0x80, s24, s15, $0xb8;
	[tilespmem:$0x1D000] =	vst v63  }
0x13a: {  	_ =	swait.ge [sflag:s13], $0x4000  }
0x13b: {  	[sflag:s13] =	ssyncset.done $0x0  }
0x13c: {  	[sflag:s13] =	ssyncadd.s32 $0xFFFFC000  }
0x13d: {  	_ =	swait.ge [sflag:s16], $0x4000  }
0x13e: {  	[sflag:s16] =	ssyncset.done $0x0  }
0x13f: {  	[sflag:s16] =	ssyncadd.s32 $0xFFFFC000  }
0x140: {  	[tilespmem:s17], [sflag:$0x2] =	stream.indirect.gather [hbm4b:s4+s15], $0x80, s25, s15, $0xb8;
	[tilespmem:$0x1D000] =	vst v63  }
0x141: {  	_ = 	snop  }
0x142: {  	[spmem:s2] =	stream.indirect.scatter.add.f32 [tilespmem:s12], [sflag:$0x3], $0x80, s26, s15, $0xb8;
	[tilespmem:$0x1D000] =	vst v63  }
0x143: {  	_ =	swait.ge [sflag:s13], $0x4000  }
0x144: {  	[sflag:s13] =	ssyncset.done $0x0  }
0x145: {  	[sflag:s13] =	ssyncadd.s32 $0xFFFFC000  }
0x146: {  	_ =	swait.ge [sflag:s18], $0x4000  }
0x147: {  	[sflag:s18] =	ssyncset.done $0x0  }
0x148: {  	[sflag:s18] =	ssyncadd.s32 $0xFFFFC000  }
0x149: {  	[tilespmem:s12], [sflag:$0x1] =	stream.indirect.gather [hbm4b:s4+s15], $0x80, s28, s15, $0xb8;
	[tilespmem:$0x1D000] =	vst v63  }
0x14a: {  	_ = 	snop  }
0x14b: {  	[spmem:s2] =	stream.indirect.scatter.add.f32 [tilespmem:s17], [sflag:$0x3], $0x80, s29, s15, $0xb8;
	[tilespmem:$0x1D000] =	vst v63  }
0x14c: {  	_ =	swait.ge [sflag:s13], $0x4000  }
0x14d: {  	[sflag:s13] =	ssyncset.done $0x0  }
0x14e: {  	[sflag:s13] =	ssyncadd.s32 $0xFFFFC000  }
0x14f: {  	_ =	swait.ge [sflag:s16], $0x4000  }
0x150: {  	[sflag:s16] =	ssyncset.done $0x0  }
0x151: {  	[sflag:s16] =	ssyncadd.s32 $0xFFFFC000  }
0x152: {  	[tilespmem:s17], [sflag:$0x2] =	stream.indirect.gather [hbm4b:s4+s15], $0x80, s30, s15, $0xb8;
	[tilespmem:$0x1D000] =	vst v63  }
0x153: {  	_ = 	snop  }
0x154: {  	[spmem:s2] =	stream.indirect.scatter.add.f32 [tilespmem:s12], [sflag:$0x3], $0x80, s31, s15, $0xb8;
	[tilespmem:$0x1D000] =	vst v63  }
0x155: {  	_ =	swait.ge [sflag:s13], $0x4000  }
0x156: {  	[sflag:s13] =	ssyncset.done $0x0  }
0x157: {  	[sflag:s13] =	ssyncadd.s32 $0xFFFFC000  }
0x158: {  	_ =	swait.ge [sflag:s18], $0x4000  }
0x159: {  	[sflag:s18] =	ssyncset.done $0x0  }
0x15a: {  	[sflag:s18] =	ssyncadd.s32 $0xFFFFC000  }
0x15b: {  	[tilespmem:s12], [sflag:$0x1] =	stream.indirect.gather [hbm4b:s4+s15], $0x80, s1, s15, $0xb8;
	[tilespmem:$0x1D000] =	vst v63  }
0x15c: {  	_ = 	snop  }
0x15d: {  	[spmem:s2] =	stream.indirect.scatter.add.f32 [tilespmem:s17], [sflag:$0x3], $0x80, s0, s15, $0xb8;
	[tilespmem:$0x1D000] =	vst v63  }
0x15e: {  	_ =	swait.ge [sflag:s13], $0x4000  }
0x15f: {  	[sflag:s13] =	ssyncset.done $0x0  }
0x160: {  	[sflag:s13] =	ssyncadd.s32 $0xFFFFC000  }
0x161: {  	_ =	swait.ge [sflag:s16], $0x4000  }
0x162: {  	[sflag:s16] =	ssyncset.done $0x0  }
0x163: {  	[sflag:s16] =	ssyncadd.s32 $0xFFFFC000  }
0x164: {  	[tilespmem:s17], [sflag:$0x2] =	stream.indirect.gather [hbm4b:s4+s15], $0x80, s6, s15, $0xb8;
	[tilespmem:$0x1D000] =	vst v63  }
0x165: {  	_ = 	snop  }
0x166: {  	[spmem:s2] =	stream.indirect.scatter.add.f32 [tilespmem:s12], [sflag:$0x3], $0x80, s7, s15, $0xb8;
	[tilespmem:$0x1D000] =	vst v63  }
0x167: {  	_ =	swait.ge [sflag:s13], $0x4000  }
0x168: {  	[sflag:s13] =	ssyncset.done $0x0  }
0x169: {  	[sflag:s13] =	ssyncadd.s32 $0xFFFFC000  }
0x16a: {  	p0 =	sne.s32 s11, $0x400;
	_ =	swait.ge [sflag:s18], $0x4000  }
.Ltmp1:
0x16b: {  	[sflag:s18] =	ssyncset.done $0x0;
	(pc) =	sbr.rel @p0 .LBB2_4-.Ltmp1, $4  }
0x16c: {  	[sflag:s18] =	ssyncadd.s32 $0xFFFFC000  }
0x16d: {  	[spmem:s2] =	stream.indirect.scatter.add.f32 [tilespmem:s17], [sflag:$0x3], $0x80, s8, s15, $0xb8;
	[tilespmem:$0x1D000] =	vst v63  }
0x16e: {  	_ =	swait.ge [sflag:s13], $0x4000  }
0x16f: {  	s11 =	sadd.s32 $0x100, s11;
	s5 =	rddreg [dreg:$0x5];
	[sflag:s13] =	ssyncset.done $0x0  }
0x170: {  	[sflag:s13] =	ssyncadd.s32 $0xFFFFC000;
	s5 =	sadd.s32 s10, s5  }
0x171: {  	[tilespmem:s3], [sflag:$0x3] =	stream.linear.gather [hbm4b:s5+s3], $0x800, $0x38;
	[tilespmem:$0x1D000] =	vst v63  }
0x172: {  	_ =	swait.ge [sflag:s13], $0x800  }
0x173: {  	s9 =	rddreg [dreg:$0x4];
	[sflag:s13] =	ssyncset.done $0x0  }
0x174: {  	[sflag:s13] =	ssyncadd.s32 $0xFFFFF800;
	s5 =	sadd.s32 s10, s9  }
0x175: {  	[tilespmem:s14], [sflag:$0x3] =	stream.linear.gather [hbm4b:s5+s3], $0x800, $0x38;
	[tilespmem:$0x1D000] =	vst v63  }
0x176: {  	_ =	swait.ge [sflag:s13], $0x800  }
0x177: {  	[sflag:s13] =	ssyncset.done $0x0  }
0x178: {  	[sflag:s13] =	ssyncadd.s32 $0xFFFFF800  }
0x179: {  	[tilespmem:s12], [sflag:$0x1] =	stream.indirect.gather [hbm4b:s4+s15], $0x80, s3, s15, $0xb8;
	[tilespmem:$0x1D000] =	vst v63  }
0x17a: {  	_ =	swait.ge [sflag:s16], $0x4000  }
0x17b: {  	[sflag:s16] =	ssyncset.done $0x0  }
0x17c: {  	[sflag:s16] =	ssyncadd.s32 $0xFFFFC000  }
0x17d: {  	[tilespmem:s17], [sflag:$0x2] =	stream.indirect.gather [hbm4b:s4+s15], $0x80, s15, s15, $0xb8;
	[tilespmem:$0x1D000] =	vst v63  }
0x17e: {  	_ = 	snop  }
0x17f: {  	[spmem:s2] =	stream.indirect.scatter.add.f32 [tilespmem:s12], [sflag:$0x3], $0x80, s14, s15, $0xb8;
	[tilespmem:$0x1D000] =	vst v63  }
0x180: {  	_ =	swait.ge [sflag:s13], $0x4000  }
0x181: {  	[sflag:s13] =	ssyncset.done $0x0  }
0x182: {  	[sflag:s13] =	ssyncadd.s32 $0xFFFFC000  }
0x183: {  	_ =	swait.ge [sflag:s18], $0x4000  }
0x184: {  	[sflag:s18] =	ssyncset.done $0x0  }
0x185: {  	s11 =	rddreg [dreg:$0x6];
	[sflag:s18] =	ssyncadd.s32 $0xFFFFC000  }
0x186: {  	[tilespmem:s12], [sflag:$0x1] =	stream.indirect.gather [hbm4b:s4+s15], $0x80, s11, s15, $0xb8;
	[tilespmem:$0x1D000] =	vst v63  }
0x187: {  	s9 =	rddreg [dreg:$0x7]  }
0x188: {  	[spmem:s2] =	stream.indirect.scatter.add.f32 [tilespmem:s17], [sflag:$0x3], $0x80, s9, s15, $0xb8;
	[tilespmem:$0x1D000] =	vst v63  }
0x189: {  	_ =	swait.ge [sflag:s13], $0x4000  }
0x18a: {  	[sflag:s13] =	ssyncset.done $0x0  }
0x18b: {  	[sflag:s13] =	ssyncadd.s32 $0xFFFFC000  }
0x18c: {  	_ =	swait.ge [sflag:s16], $0x4000  }
0x18d: {  	[sflag:s16] =	ssyncset.done $0x0  }
0x18e: {  	s10 =	rddreg [dreg:$0x8];
	[sflag:s16] =	ssyncadd.s32 $0xFFFFC000  }
0x18f: {  	[tilespmem:s17], [sflag:$0x2] =	stream.indirect.gather [hbm4b:s4+s15], $0x80, s10, s15, $0xb8;
	[tilespmem:$0x1D000] =	vst v63  }
0x190: {  	s11 =	rddreg [dreg:$0x9]  }
0x191: {  	[spmem:s2] =	stream.indirect.scatter.add.f32 [tilespmem:s12], [sflag:$0x3], $0x80, s11, s15, $0xb8;
	[tilespmem:$0x1D000] =	vst v63  }
0x192: {  	_ =	swait.ge [sflag:s13], $0x4000  }
0x193: {  	[sflag:s13] =	ssyncset.done $0x0  }
0x194: {  	[sflag:s13] =	ssyncadd.s32 $0xFFFFC000  }
0x195: {  	_ =	swait.ge [sflag:s18], $0x4000  }
0x196: {  	[sflag:s18] =	ssyncset.done $0x0  }
0x197: {  	s10 =	rddreg [dreg:$0xa];
	[sflag:s18] =	ssyncadd.s32 $0xFFFFC000  }
0x198: {  	[tilespmem:s12], [sflag:$0x1] =	stream.indirect.gather [hbm4b:s4+s15], $0x80, s10, s15, $0xb8;
	[tilespmem:$0x1D000] =	vst v63  }
0x199: {  	s11 =	rddreg [dreg:$0xb]  }
0x19a: {  	[spmem:s2] =	stream.indirect.scatter.add.f32 [tilespmem:s17], [sflag:$0x3], $0x80, s11, s15, $0xb8;
	[tilespmem:$0x1D000] =	vst v63  }
0x19b: {  	_ =	swait.ge [sflag:s13], $0x4000  }
0x19c: {  	[sflag:s13] =	ssyncset.done $0x0  }
0x19d: {  	[sflag:s13] =	ssyncadd.s32 $0xFFFFC000  }
0x19e: {  	_ =	swait.ge [sflag:s16], $0x4000  }
0x19f: {  	[sflag:s16] =	ssyncset.done $0x0  }
0x1a0: {  	s10 =	rddreg [dreg:$0xc];
	[sflag:s16] =	ssyncadd.s32 $0xFFFFC000  }
0x1a1: {  	[tilespmem:s17], [sflag:$0x2] =	stream.indirect.gather [hbm4b:s4+s15], $0x80, s10, s15, $0xb8;
	[tilespmem:$0x1D000] =	vst v63  }
0x1a2: {  	s11 =	rddreg [dreg:$0xd]  }
0x1a3: {  	[spmem:s2] =	stream.indirect.scatter.add.f32 [tilespmem:s12], [sflag:$0x3], $0x80, s11, s15, $0xb8;
	[tilespmem:$0x1D000] =	vst v63  }
0x1a4: {  	_ =	swait.ge [sflag:s13], $0x4000  }
0x1a5: {  	[sflag:s13] =	ssyncset.done $0x0  }
0x1a6: {  	[sflag:s13] =	ssyncadd.s32 $0xFFFFC000  }
0x1a7: {  	_ =	swait.ge [sflag:s18], $0x4000  }
0x1a8: {  	[sflag:s18] =	ssyncset.done $0x0  }
0x1a9: {  	s10 =	rddreg [dreg:$0xe];
	[sflag:s18] =	ssyncadd.s32 $0xFFFFC000  }
0x1aa: {  	[tilespmem:s12], [sflag:$0x1] =	stream.indirect.gather [hbm4b:s4+s15], $0x80, s10, s15, $0xb8;
	[tilespmem:$0x1D000] =	vst v63  }
0x1ab: {  	s11 =	rddreg [dreg:$0xf]  }
0x1ac: {  	[spmem:s2] =	stream.indirect.scatter.add.f32 [tilespmem:s17], [sflag:$0x3], $0x80, s11, s15, $0xb8;
	[tilespmem:$0x1D000] =	vst v63  }
0x1ad: {  	_ =	swait.ge [sflag:s13], $0x4000  }
0x1ae: {  	[sflag:s13] =	ssyncset.done $0x0  }
0x1af: {  	[sflag:s13] =	ssyncadd.s32 $0xFFFFC000  }
0x1b0: {  	_ =	swait.ge [sflag:s16], $0x4000  }
0x1b1: {  	[sflag:s16] =	ssyncset.done $0x0  }
0x1b2: {  	s10 =	rddreg [dreg:$0x10];
	[sflag:s16] =	ssyncadd.s32 $0xFFFFC000  }
0x1b3: {  	[tilespmem:s17], [sflag:$0x2] =	stream.indirect.gather [hbm4b:s4+s15], $0x80, s10, s15, $0xb8;
	[tilespmem:$0x1D000] =	vst v63  }
0x1b4: {  	s11 =	rddreg [dreg:$0x11]  }
0x1b5: {  	[spmem:s2] =	stream.indirect.scatter.add.f32 [tilespmem:s12], [sflag:$0x3], $0x80, s11, s15, $0xb8;
	[tilespmem:$0x1D000] =	vst v63  }
0x1b6: {  	_ =	swait.ge [sflag:s13], $0x4000  }
0x1b7: {  	[sflag:s13] =	ssyncset.done $0x0  }
0x1b8: {  	[sflag:s13] =	ssyncadd.s32 $0xFFFFC000  }
0x1b9: {  	_ =	swait.ge [sflag:s18], $0x4000  }
0x1ba: {  	[sflag:s18] =	ssyncset.done $0x0  }
0x1bb: {  	[sflag:s18] =	ssyncadd.s32 $0xFFFFC000  }
0x1bc: {  	[tilespmem:s12], [sflag:$0x1] =	stream.indirect.gather [hbm4b:s4+s15], $0x80, s19, s15, $0xb8;
	[tilespmem:$0x1D000] =	vst v63  }
0x1bd: {  	_ = 	snop  }
0x1be: {  	[spmem:s2] =	stream.indirect.scatter.add.f32 [tilespmem:s17], [sflag:$0x3], $0x80, s20, s15, $0xb8;
	[tilespmem:$0x1D000] =	vst v63  }
0x1bf: {  	_ =	swait.ge [sflag:s13], $0x4000  }
0x1c0: {  	[sflag:s13] =	ssyncset.done $0x0  }
0x1c1: {  	[sflag:s13] =	ssyncadd.s32 $0xFFFFC000  }
0x1c2: {  	_ =	swait.ge [sflag:s16], $0x4000  }
0x1c3: {  	[sflag:s16] =	ssyncset.done $0x0  }
0x1c4: {  	[sflag:s16] =	ssyncadd.s32 $0xFFFFC000  }
0x1c5: {  	[tilespmem:s17], [sflag:$0x2] =	stream.indirect.gather [hbm4b:s4+s15], $0x80, s21, s15, $0xb8;
	[tilespmem:$0x1D000] =	vst v63  }
0x1c6: {  	_ = 	snop  }
0x1c7: {  	[spmem:s2] =	stream.indirect.scatter.add.f32 [tilespmem:s12], [sflag:$0x3], $0x80, s22, s15, $0xb8;
	[tilespmem:$0x1D000] =	vst v63  }
0x1c8: {  	_ =	swait.ge [sflag:s13], $0x4000  }
0x1c9: {  	[sflag:s13] =	ssyncset.done $0x0  }
0x1ca: {  	[sflag:s13] =	ssyncadd.s32 $0xFFFFC000  }
0x1cb: {  	_ =	swait.ge [sflag:s18], $0x4000  }
0x1cc: {  	[sflag:s18] =	ssyncset.done $0x0  }
0x1cd: {  	[sflag:s18] =	ssyncadd.s32 $0xFFFFC000  }
0x1ce: {  	[tilespmem:s12], [sflag:$0x1] =	stream.indirect.gather [hbm4b:s4+s15], $0x80, s23, s15, $0xb8;
	[tilespmem:$0x1D000] =	vst v63  }
0x1cf: {  	_ = 	snop  }
0x1d0: {  	[spmem:s2] =	stream.indirect.scatter.add.f32 [tilespmem:s17], [sflag:$0x3], $0x80, s24, s15, $0xb8;
	[tilespmem:$0x1D000] =	vst v63  }
0x1d1: {  	_ =	swait.ge [sflag:s13], $0x4000  }
0x1d2: {  	[sflag:s13] =	ssyncset.done $0x0  }
0x1d3: {  	[sflag:s13] =	ssyncadd.s32 $0xFFFFC000  }
0x1d4: {  	_ =	swait.ge [sflag:s16], $0x4000  }
0x1d5: {  	[sflag:s16] =	ssyncset.done $0x0  }
0x1d6: {  	[sflag:s16] =	ssyncadd.s32 $0xFFFFC000  }
0x1d7: {  	[tilespmem:s17], [sflag:$0x2] =	stream.indirect.gather [hbm4b:s4+s15], $0x80, s25, s15, $0xb8;
	[tilespmem:$0x1D000] =	vst v63  }
0x1d8: {  	_ = 	snop  }
0x1d9: {  	[spmem:s2] =	stream.indirect.scatter.add.f32 [tilespmem:s12], [sflag:$0x3], $0x80, s26, s15, $0xb8;
	[tilespmem:$0x1D000] =	vst v63  }
0x1da: {  	_ =	swait.ge [sflag:s13], $0x4000  }
0x1db: {  	[sflag:s13] =	ssyncset.done $0x0  }
0x1dc: {  	[sflag:s13] =	ssyncadd.s32 $0xFFFFC000  }
0x1dd: {  	_ =	swait.ge [sflag:s18], $0x4000  }
0x1de: {  	[sflag:s18] =	ssyncset.done $0x0  }
0x1df: {  	[sflag:s18] =	ssyncadd.s32 $0xFFFFC000  }
0x1e0: {  	[tilespmem:s12], [sflag:$0x1] =	stream.indirect.gather [hbm4b:s4+s15], $0x80, s28, s15, $0xb8;
	[tilespmem:$0x1D000] =	vst v63  }
0x1e1: {  	_ = 	snop  }
0x1e2: {  	[spmem:s2] =	stream.indirect.scatter.add.f32 [tilespmem:s17], [sflag:$0x3], $0x80, s29, s15, $0xb8;
	[tilespmem:$0x1D000] =	vst v63  }
0x1e3: {  	_ =	swait.ge [sflag:s13], $0x4000  }
0x1e4: {  	[sflag:s13] =	ssyncset.done $0x0  }
0x1e5: {  	[sflag:s13] =	ssyncadd.s32 $0xFFFFC000  }
0x1e6: {  	_ =	swait.ge [sflag:s16], $0x4000  }
0x1e7: {  	[sflag:s16] =	ssyncset.done $0x0  }
0x1e8: {  	[sflag:s16] =	ssyncadd.s32 $0xFFFFC000  }
0x1e9: {  	[tilespmem:s17], [sflag:$0x2] =	stream.indirect.gather [hbm4b:s4+s15], $0x80, s30, s15, $0xb8;
	[tilespmem:$0x1D000] =	vst v63  }
0x1ea: {  	_ = 	snop  }
0x1eb: {  	[spmem:s2] =	stream.indirect.scatter.add.f32 [tilespmem:s12], [sflag:$0x3], $0x80, s31, s15, $0xb8;
	[tilespmem:$0x1D000] =	vst v63  }
0x1ec: {  	_ =	swait.ge [sflag:s13], $0x4000  }
0x1ed: {  	[sflag:s13] =	ssyncset.done $0x0  }
0x1ee: {  	[sflag:s13] =	ssyncadd.s32 $0xFFFFC000  }
0x1ef: {  	_ =	swait.ge [sflag:s18], $0x4000  }
0x1f0: {  	[sflag:s18] =	ssyncset.done $0x0  }
0x1f1: {  	[sflag:s18] =	ssyncadd.s32 $0xFFFFC000  }
0x1f2: {  	[tilespmem:s12], [sflag:$0x1] =	stream.indirect.gather [hbm4b:s4+s15], $0x80, s1, s15, $0xb8;
	[tilespmem:$0x1D000] =	vst v63  }
0x1f3: {  	_ = 	snop  }
0x1f4: {  	[spmem:s2] =	stream.indirect.scatter.add.f32 [tilespmem:s17], [sflag:$0x3], $0x80, s0, s15, $0xb8;
	[tilespmem:$0x1D000] =	vst v63  }
0x1f5: {  	_ =	swait.ge [sflag:s13], $0x4000  }
0x1f6: {  	[sflag:s13] =	ssyncset.done $0x0  }
0x1f7: {  	[sflag:s13] =	ssyncadd.s32 $0xFFFFC000  }
0x1f8: {  	_ =	swait.ge [sflag:s16], $0x4000  }
0x1f9: {  	[sflag:s16] =	ssyncset.done $0x0  }
0x1fa: {  	[sflag:s16] =	ssyncadd.s32 $0xFFFFC000  }
0x1fb: {  	[tilespmem:s17], [sflag:$0x2] =	stream.indirect.gather [hbm4b:s4+s15], $0x80, s6, s15, $0xb8;
	[tilespmem:$0x1D000] =	vst v63  }
0x1fc: {  	_ = 	snop  }
0x1fd: {  	[spmem:s2] =	stream.indirect.scatter.add.f32 [tilespmem:s12], [sflag:$0x3], $0x80, s7, s15, $0xb8;
	[tilespmem:$0x1D000] =	vst v63  }
0x1fe: {  	_ =	swait.ge [sflag:s13], $0x4000  }
0x1ff: {  	[sflag:s13] =	ssyncset.done $0x0  }
0x200: {  	[sflag:s13] =	ssyncadd.s32 $0xFFFFC000  }
0x201: {  	_ =	swait.ge [sflag:s18], $0x4000  }
0x202: {  	[sflag:s18] =	ssyncset.done $0x0  }
0x203: {  	[sflag:s18] =	ssyncadd.s32 $0xFFFFC000  }
0x204: {  	[spmem:s2] =	stream.indirect.scatter.add.f32 [tilespmem:s17], [sflag:$0x3], $0x80, s8, s15, $0xb8;
	[tilespmem:$0x1D000] =	vst v63  }
0x205: {  	_ =	swait.ge [sflag:s13], $0x4000  }
0x206: {  	[sflag:s13] =	ssyncset.done $0x0  }
0x207: {  	[sflag:s13] =	ssyncadd.s32 $0xFFFFC000  }
0x208: {  	s9 =	stileid.u32;
	[bflag:$0x0] =	sbarrier.arrive $0xFFFF  }
0x209: {  	s5 =	sshll.u32 s9, $0x6;
	s10 =	rddreg [dreg:$0x12]  }
0x20a: {  	s5 =	sor.u32 $0x1C03, s5;
	s11 =	rddreg [dreg:$0x13];
	s9 =	sshrl.u32 s10, $0x3  }
0x20b: {  	[hbm:s11], [sflag:s5] =	dma.local [spmem:s9], $0x2800  }
0x20c: {  	_ =	swait.ge [sflag:s13], $0x2800  }
0x20d: {  	s10 =	rddreg [dreg:$0x19]  }
0x20e: {  	s11 =	rddreg [dreg:$0x14];
	s9 =	sadd.s32 $0x1, s10  }
0x20f: {  	p0 =	sne.s32 s9, s11  }
.Ltmp2:
0x210: {  	_ = 	snop;
	(pc) =	sbr.rel @p0 .LBB2_1-.Ltmp2, $3  }
0x211: {  	_ =	sdelay $0x1  }
0x212: {  	[sflag:s13] =	ssyncset.done $0x0  }
0x213: {  	[sflag:s13] =	ssyncadd.s32 $0xFFFFD800  }
0x214: {  	_ =	sfence.sel $0x180000  }
0x215: {  	[bflag:$0x0] =	sbarrier.arrive $0xFFFF  }
0x216: {  	_ =	strace $0x9000004A  }
0x217: {  	s0 =	stileid.u32;
	[bflag:$0x2] =	sbarrier.arrive $0xFFFF  }
0x218: {  	p0 =	sne.s32 s0, $0x0;
	s0 =	rddreg [dreg:$0x3]  }
0x219: {  	s0 =	sadd.s32 @!p0 $0x100000, s0  }
0x21a: {  	[sflag:s0] =	ssyncadd.tile.s32 @!p0 $0x1;
	_ =	shalt  }
.Lfunc_end2:
_tile_overlayer_lowered:
.L_overlay_start_2:
0x21b: {  	(tag) =	ssettag $0x2  }
0x21c: {  	s0 =	rddreg [dreg:$0x0];
	s2 =	stileid.u32  }
0x21d: {  	s1 =	rddreg [dreg:$0x1];
	p0 =	sne.s32 s2, $0x0  }
0x21e: {  	s3 =	rddreg [dreg:$0x2];
	[bflag:$0x3] =	sbarrier.arrive $0xFFFF;
	s2 =	simm.s32 @!p0 $0x1C03  }
0x21f: {  	[timem:s3], [sflag:s2] =	dma.local @!p0 [hbm:s0], s1  }
0x220: {  	s0 =	simm.s32 @!p0 $0x3  }
0x221: {  	_ =	swait.ge @!p0 [sflag:s0], s1  }
0x222: {  	s1 =	ssub.s32 @!p0 $0x0, s1;
	[sflag:s0] =	ssyncset.done @!p0 $0x0  }
0x223: {  	[sflag:s0] =	ssyncadd.s32 @!p0 s1  }
0x224: {  	[bflag:$0x3] =	sbarrier.arrive $0xFFFF  }
0x225: {  	_ =	shalt  }

// kernel: kernel.14.cloned.1.call-start
scs
__scs_entry_jumppad:
0x0: {  	(pc) =	sbr.rel $0x88, $3  }
0x1: {  	(tag) =	ssettag $0x0;
	lr =	simm.s32 $0x1  }
0x2: {  	[smem:$0x3F97] =	sst lr;
	_ =	strace $0xD0000000  }
0x3: {  	_ = 	snop  }
0x4: {  	_ = 	snop  }
0x5: {  	_ = 	snop  }
0x6: {  	_ = 	snop  }
0x7: {  	_ = 	snop  }
__scs_overlays_trampoline_lowered:
0x8: {  	[smem:$0x3FA6] =	sst s0  }
0x9: {  	[smem:$0x3FA7] =	sst s1  }
0xa: {  	[smem:$0x3FA8] =	sst s2  }
0xb: {  	[smem:$0x3FA9] =	sst s3  }
0xc: {  	[smem:$0x3FAA] =	sst s4  }
0xd: {  	[smem:$0x3FAB] =	sst s5  }
0xe: {  	[smem:$0x3FAC] =	sst s6  }
0xf: {  	[smem:$0x3FAD] =	sst s7  }
0x10: {  	[smem:$0x3FAE] =	sst s8  }
0x11: {  	[smem:$0x3FAF] =	sst s9;
	s0 =	simm.s32 @!p0 $0x0  }
0x12: {  	s1 =	sld [smem:$0x3F95];
	s0 =	simm.s32 @p0 $0x1  }
0x13: {  	[smem:$0x3FB0] =	sst s0;
	s0 =	simm.s32 @!p1 $0x0  }
0x14: {  	s2 =	sld [smem:$0x3F94];
	s0 =	simm.s32 @p1 $0x1  }
0x15: {  	[smem:$0x3FB1] =	sst s0;
	s0 =	simm.s32 @!p2 $0x0  }
0x16: {  	s3 =	sld [smem:$0x3FDB];
	s0 =	simm.s32 @p2 $0x1  }
0x17: {  	s4 =	simm.s32 $0x1BF5;
	[smem:$0x3FB3] =	sst s0  }
0x18: {  	s0 =	sld [smem:$0x3F96];
	_ =	swait.ge [sflag:s4], $0x0  }
0x19: {  	s7 =	sld [smem:$0x3F97]  }
0x1a: {  	s8 =	sadd.s32 $0xFFFFE003, lr  }
0x1b: {  	s9 =	sadd.s32 $0xFFFFFEF7, lr;
	s5 =	simm.s32 $0xFFFFFFFF;
	p2 =	slt.u32 s8, $0xFFFFF086  }
0x1c: {  	p1 =	slt.u32 s9, $0xF7A;
	s5 =	simm.s32 @!p2 $0x0  }
0x1d: {  	s5 =	simm.s32 @p1 $0x1;
	p0 =	seq.s32 s7, s2  }
0x1e: {  	s7 =	smul.u32 @!p0 $0xF7A, s2;
	p2 =	seq.s32 @!p0 s5, $0x0  }
0x1f: {  	s9 =	smul.u32 $0xF7A, s1;
	s8 =	simm.s32 @!p0 $0x1BF5;
	p2 =	por !p2, p0  }
0x20: {  	[sflag:s8] =	ssyncset.s32 @!p0 $0xFFFFF086;
	s6 =	sadd.s32 @!p0 s3, s7;
	s7 =	simm.s32 @!p0 $0x108  }
0x21: {  	s3 =	sadd.s32 s3, s9;
	s6 =	sadd.s32 @!p0 $0x88, s6;
	s7 =	simm.s32 @p2 $0x1082  }
0x22: {  	[simem:s7], [sflag:s8] =	dma.local @!p0 [hbm:s6], $0xF7A  }
0x23: {  	s9 =	sor.u32 $0xD0000000, s2;
	s6 =	simm.s32 $0x108;
	_ =	swait.ge @!p0 [sflag:s8], $0x0  }
0x24: {  	s3 =	sadd.s32 $0x88, s3;
	s6 =	simm.s32 @!p1 $0x1082;
	[sflag:s4] =	ssyncset.s32 $0xFFFFF086  }
0x25: {  	[simem:s6], [sflag:s4] =	dma.local [hbm:s3], $0xF7A  }
0x26: {  	[smem:$0x3F97] =	sst s1;
	(tag) =	ssettag s2;
	_ =	strace s9  }
0x27: {  	s1 =	sld [smem:$0x3FA7]  }
0x28: {  	s2 =	sld [smem:$0x3FA8]  }
0x29: {  	s4 =	sld [smem:$0x3FAA]  }
0x2a: {  	p0 =	seq.s32 s5, $0x0;
	s5 =	sld [smem:$0x3FAB]  }
0x2b: {  	s6 =	sld [smem:$0x3FAC]  }
0x2c: {  	s7 =	sld [smem:$0x3FAD]  }
0x2d: {  	s3 =	simm.s32 $0x108;
	s8 =	sld [smem:$0x3FAE]  }
0x2e: {  	s3 =	simm.s32 @!p0 $0x1082;
	s9 =	sld [smem:$0x3FAF]  }
0x2f: {  	lr =	sadd.s32 s0, s3;
	s0 =	sld [smem:$0x3FA6]  }
0x30: {  	s3 =	sld [smem:$0x3FA9]  }
0x31: {  	[smem:$0x3FB2] =	sst s10  }
0x32: {  	s10 =	sld [smem:$0x3FB0];
	_ =	sdelay $0x3  }
0x33: {  	p0 =	seq.s32 s10, $0x1;
	s10 =	sld [smem:$0x3FB2];
	_ =	sdelay $0x3  }
0x34: {  	[smem:$0x3FB2] =	sst s10  }
0x35: {  	s10 =	sld [smem:$0x3FB1];
	_ =	sdelay $0x3  }
0x36: {  	p1 =	seq.s32 s10, $0x1;
	s10 =	sld [smem:$0x3FB2];
	_ =	sdelay $0x3  }
0x37: {  	[smem:$0x3FB2] =	sst s10  }
0x38: {  	s10 =	sld [smem:$0x3FB3]  }
0x39: {  	_ = 	snop;
	(pc) =	sbr.ind lr, $3  }
0x3a: {  	_ = 	snop  }
0x3b: {  	_ = 	snop  }
0x3c: {  	p2 =	seq.s32 s10, $0x1;
	s10 =	sld [smem:$0x3FB2]  }
0x3d: {  	_ =	shalt  }
0x3e: {  	_ =	shalt  }
0x3f: {  	_ =	shalt  }
0x40: {  	_ =	shalt  }
0x41: {  	_ =	shalt  }
0x42: {  	_ =	shalt  }
0x43: {  	_ =	shalt  }
0x44: {  	_ =	shalt  }
0x45: {  	_ =	shalt  }
0x46: {  	_ =	shalt  }
0x47: {  	_ =	shalt  }
0x48: {  	_ =	shalt  }
0x49: {  	_ =	shalt  }
0x4a: {  	_ =	shalt  }
0x4b: {  	_ =	shalt  }
0x4c: {  	_ =	shalt  }
0x4d: {  	_ =	shalt  }
0x4e: {  	_ =	shalt  }
0x4f: {  	_ =	shalt  }
0x50: {  	_ =	shalt  }
0x51: {  	_ =	shalt  }
0x52: {  	_ =	shalt  }
0x53: {  	_ =	shalt  }
0x54: {  	_ =	shalt  }
0x55: {  	_ =	shalt  }
0x56: {  	_ =	shalt  }
0x57: {  	_ =	shalt  }
0x58: {  	_ =	shalt  }
0x59: {  	_ =	shalt  }
0x5a: {  	_ =	shalt  }
0x5b: {  	_ =	shalt  }
0x5c: {  	_ =	shalt  }
0x5d: {  	_ =	shalt  }
0x5e: {  	_ =	shalt  }
0x5f: {  	_ =	shalt  }
0x60: {  	_ =	shalt  }
0x61: {  	_ =	shalt  }
0x62: {  	_ =	shalt  }
0x63: {  	_ =	shalt  }
0x64: {  	_ =	shalt  }
0x65: {  	_ =	shalt  }
0x66: {  	_ =	shalt  }
0x67: {  	_ =	shalt  }
0x68: {  	_ =	shalt  }
0x69: {  	_ =	shalt  }
0x6a: {  	_ =	shalt  }
0x6b: {  	_ =	shalt  }
0x6c: {  	_ =	shalt  }
0x6d: {  	_ =	shalt  }
0x6e: {  	_ =	shalt  }
0x6f: {  	_ =	shalt  }
0x70: {  	_ =	shalt  }
0x71: {  	_ =	shalt  }
0x72: {  	_ =	shalt  }
0x73: {  	_ =	shalt  }
0x74: {  	_ =	shalt  }
0x75: {  	_ =	shalt  }
0x76: {  	_ =	shalt  }
0x77: {  	_ =	shalt  }
0x78: {  	_ =	shalt  }
0x79: {  	_ =	shalt  }
0x7a: {  	_ =	shalt  }
0x7b: {  	_ =	shalt  }
0x7c: {  	_ =	shalt  }
0x7d: {  	_ =	shalt  }
0x7e: {  	_ =	shalt  }
0x7f: {  	_ =	shalt  }
0x80: {  	_ =	shalt  }
0x81: {  	_ =	shalt  }
0x82: {  	_ =	shalt  }
0x83: {  	_ =	shalt  }
0x84: {  	_ =	shalt  }
0x85: {  	_ =	shalt  }
0x86: {  	_ =	shalt  }
0x87: {  	_ =	shalt  }
.Lfunc_end0:
.L_simem_size_0:
called_computation.2_lowered:
.L_overlay_start_0:
0x88: {  	s2 =	sld [smem:$0x3FD9]  }
0x89: {  	s3 =	sld [smem:$0x3FFE];
	_ =	sdelay $0x1  }
0x8a: {  	s1 =	srdreg.scid  }
0x8b: {  	s0 =	sand.u32 $0x1, s1  }
0x8c: {  	s17 =	sshll.u32 s0, $0xA;
	s2 =	sadd.s32 s3, s2  }
0x8d: {  	s2 =	sadd.s32 s2, s17  }
0x8e: {  	[smem:$0x3FBE] =	sst s2  }
0x8f: {  	_ = 	snop  }
0x90: {  	s2 =	sld [smem:$0x3FD0];
	(tm) =	ssettm $0x1  }
0x91: {  	s18 =	sld [smem:$0x3FFB];
	_ =	sdelay $0x3  }
0x92: {  	_ =	strace s18  }
0x93: {  	s3 =	sld [smem:$0x3FFC];
	_ =	sdelay $0x3  }
0x94: {  	_ =	strace s3  }
0x95: {  	s3 =	sld [smem:$0x3FFD];
	_ =	sdelay $0x3  }
0x96: {  	_ =	strace s3  }
0x97: {  	_ =	strace $0x8FFFFFFF  }
0x98: {  	s19 =	sld [smem:$0x3FDB];
	_ =	sdelay $0x1  }
0x99: {  	s4 =	simm.s32 $_scs_section_size  }
0x9a: {  	s5 =	simm.s32 $_size__tile_overlayer_lowered;
	s6 =	simm.s32 $_tile_overlayer_lowered  }
0x9b: {  	s22 =	simm.s32 $0x1BFF;
	s21 =	sshll.u32 s6, $0x1;
	s3 =	sadd.s32 s4, s19  }
0x9c: {  	s7 =	simm.s32 $0x0;
	s20 =	sshll.u32 s5, $0x1;
	s5 =	sadd.s32 s21, s3  }
0x9d: {  	[timem:s7], [sflag:s22] =	dma.local [hbm:s5], s20  }
0x9e: {  	_ =	swait.ge [sflag:s22], s20  }
0x9f: {  	s4 =	ssub.s32 $0x0, s20;
	[sflag:s22] =	ssyncset.done $0x0  }
0xa0: {  	[sflag:s22] =	ssyncadd.s32 s4;
	_ =	sdelay $0x1  }
0xa1: {  	s23 =	simm.s32 $0x1B8B  }
0xa2: {  	_ =	swait.ge [sflag:s23], $0x1  }
0xa3: {  	[sflag:s23] =	ssyncset.done $0x0  }
0xa4: {  	s25 =	simm.s32 $0x1B8E;
	s24 =	sld [smem:$0x3FFE];
	[sflag:s23] =	ssyncadd.s32 $0xFFFFFFFF  }
0xa5: {  	s26 =	simm.s32 $execute0_lowered;
	[smem:$0x3FD2] =	sst s25  }
0xa6: {  	s5 =	sshll.u32 s26, $0x1;
	_ =	strace $0x8000004C;
	[dreg:$0x1] =	wrdreg $0xFFFFFFFF  }
0xa7: {  	s28 =	simm.s32 $_size_execute0_lowered;
	s3 =	sadd.s32 s3, s5;
	[dreg:$0x0] =	wrdreg $0x0  }
0xa8: {  	s5 =	sshll.u32 s28, $0x1;
	[dreg:$0x2] =	wrdreg s3  }
0xa9: {  	[dreg:$0x3] =	wrdreg s5  }
0xaa: {  	[dreg:$0x4] =	wrdreg $0xC0  }
0xab: {  	_ =	task [dreg:s7], $0x5FFFF  }
0xac: {  	[dreg:$0x1] =	wrdreg $0xFFFFFFFF  }
0xad: {  	[dreg:$0x0] =	wrdreg $0x60  }
0xae: {  	[dreg:$0x2] =	wrdreg s24  }
0xaf: {  	[dreg:$0x3] =	wrdreg s2  }
0xb0: {  	[dreg:$0x4] =	wrdreg $0x90000  }
0xb1: {  	[dreg:$0x5] =	wrdreg $0x9  }
0xb2: {  	_ =	task.clear_ibuf [dreg:s7], $0x6FFFF;
	_ =	strace $0x9000004C  }
0xb3: {  	s29 =	simm.s32 $0x9;
	_ =	strace $0x8000004E  }
0xb4: {  	_ =	swait.ge [sflag:s29], $0x1  }
0xb5: {  	[sflag:s29] =	ssyncadd.s32 $0xFFFFFFFF  }
0xb6: {  	_ =	strace $0x9000004E  }
0xb7: {  	_ =	sfence  }
0xb8: {  	s30 =	sld [smem:$0x0];
	_ =	sdelay $0x2  }
0xb9: {  	s31 =	sshll.u32 s1, $0xD;
	s1 =	sshrl.u32 s1, $0x2  }
0xba: {  	s3 =	sand.u32 $0x4000, s31;
	s1 =	sadd.s32 s1, s30  }
0xbb: {  	s0 =	sor.u32 s3, s0;
	s1 =	sshll.u32 s1, $0x11  }
0xbc: {  	s0 =	sor.u32 s1, s0  }
0xbd: {  	s0 =	sadd.s32 $0x8F2B, s0  }
0xbe: {  	[sflag:s0] =	ssyncadd.remote.s32 $0x1  }
0xbf: {  	_ =	sfence.sel $0xFFFF  }
0xc0: {  	[dreg:$0x0] =	wrdreg $0xFFFFFFFF;
	(pc) =	sbr.abs _section_cstart, $3  }
0xc1: {  	[dreg:$0x1] =	wrdreg $0xFFFFFFFF  }
0xc2: {  	_ =	task.clear_ibuf [dreg:s7], $0x2FFFF;
	_ =	strace $0x9FFFFFFF  }
0xc3: {  	(tm) =	ssettm $0x7FFFFFFF  }
tec
execute0_lowered:
.L_overlay_start_1:
0x0: {  	(tag) =	ssettag $0x1  }
0x1: {  	s0 =	rddreg [dreg:$0x0]  }
0x2: {  	s2 =	rddreg [dreg:$0x1]  }
0x3: {  	s1 =	rddreg [dreg:$0x2];
	s3 =	srdreg.scid  }
0x4: {  	s10 =	stileid.u32;
	s15 =	simm.s32 $0x1000;
	s16 =	simm.s32 $0x3  }
0x5: {  	s17 =	simm.s32 $0x800;
	s18 =	simm.s32 $0x80;
	s8 =	smul.u32 $0x14000, s10  }
0x6: {  	s19 =	simm.s32 $0x1;
	s6 =	sand.u32 $0x1, s3;
	s9 =	smul.u32 $0xA00, s10  }
0x7: {  	s3 =	simm.s32 $0x0;
	s4 =	sadd.s32 $0xE000, s0;
	s7 =	smul.u32 $0x140000, s6  }
0x8: {  	s5 =	sadd.s32 $0x36000, s0;
	s23 =	smul.u32 $0x50000, s10;
	[smem:$0x7FF] =	sst s3  }
0x9: {  	s11 =	ssub.s32 $0x2, s6;
	s24 =	sadd.s32 s9, s0;
	s7 =	sadd.s32 s8, s7  }
0xa: {  	s25 =	sshrl.u32 s11, $0x1;
	s8 =	sshrl.u32 s23, $0x2;
	s7 =	sshrl.u32 s7, $0x3  }
0xb: {  	s0 =	sadd.s32 s7, s0;
	s7 =	ssub.s32 s11, s25;
	s11 =	sadd.s32 s8, s1  }
0xc: {  	_ =	strace $0x8000004D;
	s0 =	sadd.s32 $0x5E000, s0;
	[dreg:$0x4] =	wrdreg s11  }
0xd: {  	s20 =	simm.s32 $0x5000;
	s26 =	smax.u32 s7, $0x1;
	[dreg:$0x5] =	wrdreg s0  }
.Ltmp0:
0xe: {  	s28 =	sadd.s32 $0x4000, s11;
	[dreg:$0x6] =	wrdreg s26;
	(pc) =	sbr.rel .LBB2_1-.Ltmp0, $4  }
0xf: {  	s21 =	simm.s32 $0x2;
	s29 =	sadd.s32 $0x8000, s11;
	[dreg:$0x7] =	wrdreg s28  }
0x10: {  	p0 =	seq.s32 s6, $0x1;
	s30 =	sadd.s32 $0xC000, s11;
	[dreg:$0x8] =	wrdreg s29  }
0x11: {  	s14 =	sadd.s32 s9, s2;
	s31 =	sadd.s32 $0x10000, s11;
	[dreg:$0x9] =	wrdreg s30  }
0x12: {  	v0 =	vimm.f32 $0.0e+00;
	s13 =	sadd.s32 $0x4000, s24;
	[dreg:$0xa] =	wrdreg s31;
	s0 =	simm.s32 $0x0  }
.LBB2_6:
0x13: {  	s8 =	sadd.s32 s7, s14;
	[sflag:s16] =	ssyncadd.s32 $0xFFFFC000  }
0x14: {  	[tilespmem:s3], [sflag:$0x3] =	stream.linear.gather [hbm4b:s8+s3], $0x800, $0x38;
	[tilespmem:$0x1D000] =	vst v63  }
0x15: {  	_ =	swait.ge [sflag:s16], $0x800  }
0x16: {  	[sflag:s16] =	ssyncset.done $0x0  }
0x17: {  	s9 =	sadd.s32 s7, s13;
	[sflag:s16] =	ssyncadd.s32 $0xFFFFF800  }
0x18: {  	[tilespmem:s17], [sflag:$0x3] =	stream.linear.gather [hbm4b:s9+s3], $0x800, $0x38;
	[tilespmem:$0x1D000] =	vst v63  }
0x19: {  	_ =	swait.ge [sflag:s16], $0x800  }
0x1a: {  	[sflag:s16] =	ssyncset.done $0x0  }
0x1b: {  	[sflag:s16] =	ssyncadd.s32 $0xFFFFF800  }
0x1c: {  	[tilespmem:s15], [sflag:$0x1] =	stream.indirect.gather [hbm4b:s4+s18], $0x80, s3, s18, $0xb8;
	[tilespmem:$0x1D000] =	vst v63  }
0x1d: {  	_ =	swait.ge [sflag:s19], $0x4000  }
0x1e: {  	[sflag:s19] =	ssyncset.done $0x0  }
0x1f: {  	[sflag:s19] =	ssyncadd.s32 $0xFFFFC000  }
0x20: {  	[tilespmem:s20], [sflag:$0x2] =	stream.indirect.gather [hbm4b:s4+s18], $0x80, s18, s18, $0xb8;
	[tilespmem:$0x1D000] =	vst v63  }
0x21: {  	_ = 	snop  }
0x22: {  	[spmem:s1] =	stream.indirect.scatter.add.f32 [tilespmem:s15], [sflag:$0x3], $0x80, s17, s18, $0xb8;
	[tilespmem:$0x1D000] =	vst v63  }
0x23: {  	_ =	swait.ge [sflag:s16], $0x4000  }
0x24: {  	[sflag:s16] =	ssyncset.done $0x0  }
0x25: {  	[sflag:s16] =	ssyncadd.s32 $0xFFFFC000  }
0x26: {  	_ =	swait.ge [sflag:s21], $0x4000  }
0x27: {  	[sflag:s21] =	ssyncset.done $0x0  }
0x28: {  	[sflag:s21] =	ssyncadd.s32 $0xFFFFC000  }
0x29: {  	[tilespmem:s15], [sflag:$0x1] =	stream.indirect.gather [hbm4b:s4+s18], $0x80, s10, s18, $0xb8;
	[tilespmem:$0x1D000] =	vst v63  }
0x2a: {  	_ = 	snop  }
0x2b: {  	[spmem:s1] =	stream.indirect.scatter.add.f32 [tilespmem:s20], [sflag:$0x3], $0x80, s11, s18, $0xb8;
	[tilespmem:$0x1D000] =	vst v63  }
0x2c: {  	_ =	swait.ge [sflag:s16], $0x4000  }
0x2d: {  	[sflag:s16] =	ssyncset.done $0x0  }
0x2e: {  	[sflag:s16] =	ssyncadd.s32 $0xFFFFC000  }
0x2f: {  	_ =	swait.ge [sflag:s19], $0x4000  }
0x30: {  	[sflag:s19] =	ssyncset.done $0x0  }
0x31: {  	[sflag:s19] =	ssyncadd.s32 $0xFFFFC000  }
0x32: {  	[tilespmem:s20], [sflag:$0x2] =	stream.indirect.gather [hbm4b:s4+s18], $0x80, s12, s18, $0xb8;
	[tilespmem:$0x1D000] =	vst v63  }
0x33: {  	_ = 	snop  }
0x34: {  	[spmem:s1] =	stream.indirect.scatter.add.f32 [tilespmem:s15], [sflag:$0x3], $0x80, s6, s18, $0xb8;
	[tilespmem:$0x1D000] =	vst v63  }
0x35: {  	_ =	swait.ge [sflag:s16], $0x4000  }
0x36: {  	[sflag:s16] =	ssyncset.done $0x0  }
0x37: {  	[sflag:s16] =	ssyncadd.s32 $0xFFFFC000  }
0x38: {  	_ =	swait.ge [sflag:s21], $0x4000  }
0x39: {  	[sflag:s21] =	ssyncset.done $0x0  }
0x3a: {  	[sflag:s21] =	ssyncadd.s32 $0xFFFFC000  }
0x3b: {  	[tilespmem:s15], [sflag:$0x1] =	stream.indirect.gather [hbm4b:s4+s18], $0x80, s22, s18, $0xb8;
	[tilespmem:$0x1D000] =	vst v63  }
0x3c: {  	_ = 	snop  }
0x3d: {  	[spmem:s1] =	stream.indirect.scatter.add.f32 [tilespmem:s20], [sflag:$0x3], $0x80, s23, s18, $0xb8;
	[tilespmem:$0x1D000] =	vst v63  }
0x3e: {  	_ =	swait.ge [sflag:s16], $0x4000  }
0x3f: {  	[sflag:s16] =	ssyncset.done $0x0  }
0x40: {  	[sflag:s16] =	ssyncadd.s32 $0xFFFFC000  }
0x41: {  	_ =	swait.ge [sflag:s19], $0x4000  }
0x42: {  	[sflag:s19] =	ssyncset.done $0x0  }
0x43: {  	[sflag:s19] =	ssyncadd.s32 $0xFFFFC000  }
0x44: {  	[tilespmem:s20], [sflag:$0x2] =	stream.indirect.gather [hbm4b:s4+s18], $0x80, s24, s18, $0xb8;
	[tilespmem:$0x1D000] =	vst v63  }
0x45: {  	_ = 	snop  }
0x46: {  	[spmem:s1] =	stream.indirect.scatter.add.f32 [tilespmem:s15], [sflag:$0x3], $0x80, s25, s18, $0xb8;
	[tilespmem:$0x1D000] =	vst v63  }
0x47: {  	_ =	swait.ge [sflag:s16], $0x4000  }
0x48: {  	[sflag:s16] =	ssyncset.done $0x0  }
0x49: {  	[sflag:s16] =	ssyncadd.s32 $0xFFFFC000  }
0x4a: {  	_ =	swait.ge [sflag:s21], $0x4000  }
0x4b: {  	[sflag:s21] =	ssyncset.done $0x0  }
0x4c: {  	[sflag:s21] =	ssyncadd.s32 $0xFFFFC000  }
0x4d: {  	[tilespmem:s15], [sflag:$0x1] =	stream.indirect.gather [hbm4b:s4+s18], $0x80, s26, s18, $0xb8;
	[tilespmem:$0x1D000] =	vst v63  }
0x4e: {  	_ = 	snop  }
0x4f: {  	[spmem:s1] =	stream.indirect.scatter.add.f32 [tilespmem:s20], [sflag:$0x3], $0x80, s28, s18, $0xb8;
	[tilespmem:$0x1D000] =	vst v63  }
0x50: {  	_ =	swait.ge [sflag:s16], $0x4000  }
0x51: {  	[sflag:s16] =	ssyncset.done $0x0  }
0x52: {  	[sflag:s16] =	ssyncadd.s32 $0xFFFFC000  }
0x53: {  	_ =	swait.ge [sflag:s19], $0x4000  }
0x54: {  	[sflag:s19] =	ssyncset.done $0x0  }
0x55: {  	[sflag:s19] =	ssyncadd.s32 $0xFFFFC000  }
0x56: {  	[tilespmem:s20], [sflag:$0x2] =	stream.indirect.gather [hbm4b:s4+s18], $0x80, s29, s18, $0xb8;
	[tilespmem:$0x1D000] =	vst v63  }
0x57: {  	_ = 	snop  }
0x58: {  	[spmem:s1] =	stream.indirect.scatter.add.f32 [tilespmem:s15], [sflag:$0x3], $0x80, s30, s18, $0xb8;
	[tilespmem:$0x1D000] =	vst v63  }
0x59: {  	_ =	swait.ge [sflag:s16], $0x4000  }
0x5a: {  	[sflag:s16] =	ssyncset.done $0x0  }
0x5b: {  	[sflag:s16] =	ssyncadd.s32 $0xFFFFC000  }
0x5c: {  	_ =	swait.ge [sflag:s21], $0x4000  }
0x5d: {  	[sflag:s21] =	ssyncset.done $0x0  }
0x5e: {  	[sflag:s21] =	ssyncadd.s32 $0xFFFFC000  }
0x5f: {  	[tilespmem:s15], [sflag:$0x1] =	stream.indirect.gather [hbm4b:s4+s18], $0x80, s31, s18, $0xb8;
	[tilespmem:$0x1D000] =	vst v63  }
0x60: {  	_ = 	snop  }
0x61: {  	[spmem:s1] =	stream.indirect.scatter.add.f32 [tilespmem:s20], [sflag:$0x3], $0x80, s0, s18, $0xb8;
	[tilespmem:$0x1D000] =	vst v63  }
0x62: {  	_ =	swait.ge [sflag:s16], $0x4000  }
0x63: {  	[sflag:s16] =	ssyncset.done $0x0  }
0x64: {  	[sflag:s16] =	ssyncadd.s32 $0xFFFFC000  }
0x65: {  	_ =	swait.ge [sflag:s19], $0x4000  }
0x66: {  	[sflag:s19] =	ssyncset.done $0x0  }
0x67: {  	[sflag:s19] =	ssyncadd.s32 $0xFFFFC000  }
0x68: {  	[tilespmem:s20], [sflag:$0x2] =	stream.indirect.gather [hbm4b:s4+s18], $0x80, s2, s18, $0xb8;
	[tilespmem:$0x1D000] =	vst v63  }
0x69: {  	s8 =	simm.s32 $0xC00  }
0x6a: {  	[spmem:s1] =	stream.indirect.scatter.add.f32 [tilespmem:s15], [sflag:$0x3], $0x80, s8, s18, $0xb8;
	[tilespmem:$0x1D000] =	vst v63  }
0x6b: {  	_ =	swait.ge [sflag:s16], $0x4000  }
0x6c: {  	[sflag:s16] =	ssyncset.done $0x0  }
0x6d: {  	[sflag:s16] =	ssyncadd.s32 $0xFFFFC000  }
0x6e: {  	_ =	swait.ge [sflag:s21], $0x4000  }
0x6f: {  	[sflag:s21] =	ssyncset.done $0x0  }
0x70: {  	s9 =	simm.s32 $0x500;
	[sflag:s21] =	ssyncadd.s32 $0xFFFFC000  }
0x71: {  	[tilespmem:s15], [sflag:$0x1] =	stream.indirect.gather [hbm4b:s4+s18], $0x80, s9, s18, $0xb8;
	[tilespmem:$0x1D000] =	vst v63  }
0x72: {  	s10 =	simm.s32 $0xC80  }
0x73: {  	[spmem:s1] =	stream.indirect.scatter.add.f32 [tilespmem:s20], [sflag:$0x3], $0x80, s10, s18, $0xb8;
	[tilespmem:$0x1D000] =	vst v63  }
0x74: {  	_ =	swait.ge [sflag:s16], $0x4000  }
0x75: {  	[sflag:s16] =	ssyncset.done $0x0  }
0x76: {  	[sflag:s16] =	ssyncadd.s32 $0xFFFFC000  }
0x77: {  	_ =	swait.ge [sflag:s19], $0x4000  }
0x78: {  	[sflag:s19] =	ssyncset.done $0x0  }
0x79: {  	s11 =	simm.s32 $0x580;
	[sflag:s19] =	ssyncadd.s32 $0xFFFFC000  }
0x7a: {  	[tilespmem:s20], [sflag:$0x2] =	stream.indirect.gather [hbm4b:s4+s18], $0x80, s11, s18, $0xb8;
	[tilespmem:$0x1D000] =	vst v63  }
0x7b: {  	s12 =	simm.s32 $0xD00  }
0x7c: {  	[spmem:s1] =	stream.indirect.scatter.add.f32 [tilespmem:s15], [sflag:$0x3], $0x80, s12, s18, $0xb8;
	[tilespmem:$0x1D000] =	vst v63  }
0x7d: {  	_ =	swait.ge [sflag:s16], $0x4000  }
0x7e: {  	[sflag:s16] =	ssyncset.done $0x0  }
0x7f: {  	[sflag:s16] =	ssyncadd.s32 $0xFFFFC000  }
0x80: {  	_ =	swait.ge [sflag:s21], $0x4000  }
0x81: {  	[sflag:s21] =	ssyncset.done $0x0  }
0x82: {  	s22 =	simm.s32 $0x600;
	[sflag:s21] =	ssyncadd.s32 $0xFFFFC000  }
0x83: {  	[tilespmem:s15], [sflag:$0x1] =	stream.indirect.gather [hbm4b:s4+s18], $0x80, s22, s18, $0xb8;
	[tilespmem:$0x1D000] =	vst v63  }
0x84: {  	s23 =	simm.s32 $0xD80  }
0x85: {  	[spmem:s1] =	stream.indirect.scatter.add.f32 [tilespmem:s20], [sflag:$0x3], $0x80, s23, s18, $0xb8;
	[tilespmem:$0x1D000] =	vst v63  }
0x86: {  	_ =	swait.ge [sflag:s16], $0x4000  }
0x87: {  	[sflag:s16] =	ssyncset.done $0x0  }
0x88: {  	[sflag:s16] =	ssyncadd.s32 $0xFFFFC000  }
0x89: {  	_ =	swait.ge [sflag:s19], $0x4000  }
0x8a: {  	[sflag:s19] =	ssyncset.done $0x0  }
0x8b: {  	s24 =	simm.s32 $0x680;
	[sflag:s19] =	ssyncadd.s32 $0xFFFFC000  }
0x8c: {  	[tilespmem:s20], [sflag:$0x2] =	stream.indirect.gather [hbm4b:s4+s18], $0x80, s24, s18, $0xb8;
	[tilespmem:$0x1D000] =	vst v63  }
0x8d: {  	s25 =	simm.s32 $0xE00  }
0x8e: {  	[spmem:s1] =	stream.indirect.scatter.add.f32 [tilespmem:s15], [sflag:$0x3], $0x80, s25, s18, $0xb8;
	[tilespmem:$0x1D000] =	vst v63  }
0x8f: {  	_ =	swait.ge [sflag:s16], $0x4000  }
0x90: {  	[sflag:s16] =	ssyncset.done $0x0  }
0x91: {  	[sflag:s16] =	ssyncadd.s32 $0xFFFFC000  }
0x92: {  	_ =	swait.ge [sflag:s21], $0x4000  }
0x93: {  	[sflag:s21] =	ssyncset.done $0x0  }
0x94: {  	s26 =	simm.s32 $0x700;
	[sflag:s21] =	ssyncadd.s32 $0xFFFFC000  }
0x95: {  	[tilespmem:s15], [sflag:$0x1] =	stream.indirect.gather [hbm4b:s4+s18], $0x80, s26, s18, $0xb8;
	[tilespmem:$0x1D000] =	vst v63  }
0x96: {  	s28 =	simm.s32 $0xE80  }
0x97: {  	[spmem:s1] =	stream.indirect.scatter.add.f32 [tilespmem:s20], [sflag:$0x3], $0x80, s28, s18, $0xb8;
	[tilespmem:$0x1D000] =	vst v63  }
0x98: {  	_ =	swait.ge [sflag:s16], $0x4000  }
0x99: {  	[sflag:s16] =	ssyncset.done $0x0  }
0x9a: {  	[sflag:s16] =	ssyncadd.s32 $0xFFFFC000  }
0x9b: {  	_ =	swait.ge [sflag:s19], $0x4000  }
0x9c: {  	[sflag:s19] =	ssyncset.done $0x0  }
0x9d: {  	s29 =	simm.s32 $0x780;
	[sflag:s19] =	ssyncadd.s32 $0xFFFFC000  }
0x9e: {  	[tilespmem:s20], [sflag:$0x2] =	stream.indirect.gather [hbm4b:s4+s18], $0x80, s29, s18, $0xb8;
	[tilespmem:$0x1D000] =	vst v63  }
0x9f: {  	s30 =	simm.s32 $0xF00  }
0xa0: {  	[spmem:s1] =	stream.indirect.scatter.add.f32 [tilespmem:s15], [sflag:$0x3], $0x80, s30, s18, $0xb8;
	[tilespmem:$0x1D000] =	vst v63  }
0xa1: {  	_ =	swait.ge [sflag:s16], $0x4000  }
0xa2: {  	[sflag:s16] =	ssyncset.done $0x0  }
0xa3: {  	[sflag:s16] =	ssyncadd.s32 $0xFFFFC000  }
0xa4: {  	_ =	swait.ge [sflag:s21], $0x4000  }
0xa5: {  	[sflag:s21] =	ssyncset.done $0x0  }
0xa6: {  	s31 =	simm.s32 $0xF80;
	[sflag:s21] =	ssyncadd.s32 $0xFFFFC000  }
0xa7: {  	[spmem:s1] =	stream.indirect.scatter.add.f32 [tilespmem:s20], [sflag:$0x3], $0x80, s31, s18, $0xb8;
	[tilespmem:$0x1D000] =	vst v63  }
0xa8: {  	_ =	swait.ge [sflag:s16], $0x4000  }
0xa9: {  	[sflag:s16] =	ssyncset.done $0x0  }
0xaa: {  	s0 =	rddreg [dreg:$0xb];
	[sflag:s16] =	ssyncadd.s32 $0xFFFFC000  }
.LBB2_10:
0xab: {  	s7 =	stileid.u32;
	[bflag:$0x0] =	sbarrier.arrive $0xFFFF  }
0xac: {  	s7 =	sshll.u32 s7, $0x6;
	s11 =	rddreg [dreg:$0x4]  }
0xad: {  	s9 =	rddreg [dreg:$0x5];
	s7 =	sor.u32 $0x1C03, s7;
	s8 =	sshrl.u32 s11, $0x3  }
0xae: {  	[hbm:s9], [sflag:s7] =	dma.local [spmem:s8], $0x2800  }
0xaf: {  	_ =	swait.ge [sflag:s16], $0x2800  }
0xb0: {  	s0 =	sadd.s32 $0x1, s0;
	s31 =	rddreg [dreg:$0x6]  }
0xb1: {  	p1 =	sne.s32 s0, s31  }
.Ltmp1:
0xb2: {  	_ = 	snop;
	(pc) =	sbr.rel @!p1 .LBB2_11-.Ltmp1, $3  }
0xb3: {  	_ =	sdelay $0x1  }
0xb4: {  	[sflag:s16] =	ssyncset.done $0x0  }
0xb5: {  	[sflag:s16] =	ssyncadd.s32 $0xFFFFD800  }
.LBB2_1:
0xb6: {  	s7 =	sand.u32 $0xFE00, s3  }
0xb7: {  	s8 =	sand.u32 $0x70, s3;
	s9 =	sshrl.u32 s7, $0x2  }
0xb8: {  	s7 =	simm.s32 $0x40;
	s9 =	sor.u32 s8, s9;
	s8 =	simm.s32 $0x0  }
.LBB2_2:
0xb9: {  	p1 =	sne.s32 s7, $0xFFC0  }
0xba: {  	[tilespmem:s9+$0x1000] =	vst v0;
	s8 =	sadd.s32 $0x10, s8;
	s9 =	smov.u32 s7;
	s7 =	sadd.s32 $0x40, s7  }
.Ltmp2:
0xbb: {  	(pc) =	sbr.rel @p1 .LBB2_2-.Ltmp2, $4  }
0xbc: {  	_ = 	snop  }
0xbd: {  	s9 =	sand.u32 $0xFE00, s9  }
0xbe: {  	s10 =	sand.u32 $0x70, s8;
	s9 =	sshrl.u32 s9, $0x2  }
0xbf: {  	s9 =	sor.u32 s10, s9  }
0xc0: {  	[dreg:$0xb] =	wrdreg s0;
	[tilespmem:s9+$0x1000] =	vst v0  }
0xc1: {  	[spmem:s11] =	stream.linear.scatter [tilespmem:s15], [sflag:$0x3], $0x4000, $0x38;
	[tilespmem:$0x1D000] =	vst v63  }
0xc2: {  	_ =	swait.ge [sflag:s16], $0x4000  }
0xc3: {  	[sflag:s16] =	ssyncset.done $0x0  }
0xc4: {  	s7 =	rddreg [dreg:$0x7];
	[sflag:s16] =	ssyncadd.s32 $0xFFFFC000  }
0xc5: {  	[spmem:s7] =	stream.linear.scatter [tilespmem:s15], [sflag:$0x3], $0x4000, $0x38;
	[tilespmem:$0x1D000] =	vst v63  }
0xc6: {  	_ =	swait.ge [sflag:s16], $0x4000  }
0xc7: {  	[sflag:s16] =	ssyncset.done $0x0  }
0xc8: {  	s29 =	rddreg [dreg:$0x8];
	[sflag:s16] =	ssyncadd.s32 $0xFFFFC000  }
0xc9: {  	[spmem:s29] =	stream.linear.scatter [tilespmem:s15], [sflag:$0x3], $0x4000, $0x38;
	[tilespmem:$0x1D000] =	vst v63  }
0xca: {  	_ =	swait.ge [sflag:s16], $0x4000  }
0xcb: {  	[sflag:s16] =	ssyncset.done $0x0  }
0xcc: {  	s30 =	rddreg [dreg:$0x9];
	[sflag:s16] =	ssyncadd.s32 $0xFFFFC000  }
0xcd: {  	[spmem:s30] =	stream.linear.scatter [tilespmem:s15], [sflag:$0x3], $0x4000, $0x38;
	[tilespmem:$0x1D000] =	vst v63  }
0xce: {  	_ =	swait.ge [sflag:s16], $0x4000  }
0xcf: {  	[sflag:s16] =	ssyncset.done $0x0  }
0xd0: {  	s31 =	rddreg [dreg:$0xa];
	[sflag:s16] =	ssyncadd.s32 $0xFFFFC000  }
0xd1: {  	[spmem:s31] =	stream.linear.scatter [tilespmem:s15], [sflag:$0x3], $0x4000, $0x38;
	[tilespmem:$0x1D000] =	vst v63  }
.Ltmp3:
0xd2: {  	_ =	swait.ge [sflag:s16], $0x4000;
	(pc) =	sbr.rel @!p0 .LBB2_4-.Ltmp3, $4  }
0xd3: {  	[sflag:s16] =	ssyncset.done $0x0  }
0xd4: {  	[sflag:s16] =	ssyncadd.s32 $0xFFFFC000  }
0xd5: {  	[bflag:$0x0] =	sbarrier.arrive $0xFFFF  }
0xd6: {  	s7 =	sadd.s32 $0x0, s14  }
0xd7: {  	[tilespmem:s3], [sflag:$0x3] =	stream.linear.gather [hbm4b:s7+s3], $0x800, $0x38;
	[tilespmem:$0x1D000] =	vst v63  }
0xd8: {  	_ =	swait.ge [sflag:s16], $0x800  }
0xd9: {  	[sflag:s16] =	ssyncset.done $0x0  }
0xda: {  	s6 =	sadd.s32 $0x0, s13;
	[sflag:s16] =	ssyncadd.s32 $0xFFFFF800  }
0xdb: {  	[tilespmem:s17], [sflag:$0x3] =	stream.linear.gather [hbm4b:s6+s3], $0x800, $0x38;
	[tilespmem:$0x1D000] =	vst v63  }
0xdc: {  	_ =	swait.ge [sflag:s16], $0x800  }
0xdd: {  	[sflag:s16] =	ssyncset.done $0x0  }
0xde: {  	[sflag:s16] =	ssyncadd.s32 $0xFFFFF800  }
0xdf: {  	[tilespmem:s15], [sflag:$0x1] =	stream.indirect.gather [hbm4b:s5+s18], $0x80, s3, s18, $0xb8;
	[tilespmem:$0x1D000] =	vst v63  }
0xe0: {  	_ =	swait.ge [sflag:s19], $0x4000  }
0xe1: {  	[sflag:s19] =	ssyncset.done $0x0  }
0xe2: {  	[sflag:s19] =	ssyncadd.s32 $0xFFFFC000  }
0xe3: {  	[tilespmem:s20], [sflag:$0x2] =	stream.indirect.gather [hbm4b:s5+s18], $0x80, s18, s18, $0xb8;
	[tilespmem:$0x1D000] =	vst v63  }
0xe4: {  	_ = 	snop  }
0xe5: {  	[spmem:s1] =	stream.indirect.scatter.add.f32 [tilespmem:s15], [sflag:$0x3], $0x80, s17, s18, $0xb8;
	[tilespmem:$0x1D000] =	vst v63  }
0xe6: {  	_ =	swait.ge [sflag:s16], $0x4000  }
0xe7: {  	[sflag:s16] =	ssyncset.done $0x0  }
0xe8: {  	[sflag:s16] =	ssyncadd.s32 $0xFFFFC000  }
0xe9: {  	_ =	swait.ge [sflag:s21], $0x4000  }
0xea: {  	[sflag:s21] =	ssyncset.done $0x0  }
0xeb: {  	s8 =	simm.s32 $0x100;
	[sflag:s21] =	ssyncadd.s32 $0xFFFFC000  }
0xec: {  	[tilespmem:s15], [sflag:$0x1] =	stream.indirect.gather [hbm4b:s5+s18], $0x80, s8, s18, $0xb8;
	[tilespmem:$0x1D000] =	vst v63  }
0xed: {  	s9 =	simm.s32 $0x880  }
0xee: {  	[spmem:s1] =	stream.indirect.scatter.add.f32 [tilespmem:s20], [sflag:$0x3], $0x80, s9, s18, $0xb8;
	[tilespmem:$0x1D000] =	vst v63  }
0xef: {  	_ =	swait.ge [sflag:s16], $0x4000  }
0xf0: {  	[sflag:s16] =	ssyncset.done $0x0  }
0xf1: {  	[sflag:s16] =	ssyncadd.s32 $0xFFFFC000  }
0xf2: {  	_ =	swait.ge [sflag:s19], $0x4000  }
0xf3: {  	[sflag:s19] =	ssyncset.done $0x0  }
0xf4: {  	s12 =	simm.s32 $0x180;
	[sflag:s19] =	ssyncadd.s32 $0xFFFFC000  }
0xf5: {  	[tilespmem:s20], [sflag:$0x2] =	stream.indirect.gather [hbm4b:s5+s18], $0x80, s12, s18, $0xb8;
	[tilespmem:$0x1D000] =	vst v63  }
0xf6: {  	s6 =	simm.s32 $0x900  }
0xf7: {  	[spmem:s1] =	stream.indirect.scatter.add.f32 [tilespmem:s15], [sflag:$0x3], $0x80, s6, s18, $0xb8;
	[tilespmem:$0x1D000] =	vst v63  }
0xf8: {  	_ =	swait.ge [sflag:s16], $0x4000  }
0xf9: {  	[sflag:s16] =	ssyncset.done $0x0  }
0xfa: {  	[sflag:s16] =	ssyncadd.s32 $0xFFFFC000  }
0xfb: {  	_ =	swait.ge [sflag:s21], $0x4000  }
0xfc: {  	[sflag:s21] =	ssyncset.done $0x0  }
0xfd: {  	s22 =	simm.s32 $0x200;
	[sflag:s21] =	ssyncadd.s32 $0xFFFFC000  }
0xfe: {  	[tilespmem:s15], [sflag:$0x1] =	stream.indirect.gather [hbm4b:s5+s18], $0x80, s22, s18, $0xb8;
	[tilespmem:$0x1D000] =	vst v63  }
0xff: {  	s23 =	simm.s32 $0x980  }
0x100: {  	[spmem:s1] =	stream.indirect.scatter.add.f32 [tilespmem:s20], [sflag:$0x3], $0x80, s23, s18, $0xb8;
	[tilespmem:$0x1D000] =	vst v63  }
0x101: {  	_ =	swait.ge [sflag:s16], $0x4000  }
0x102: {  	[sflag:s16] =	ssyncset.done $0x0  }
0x103: {  	[sflag:s16] =	ssyncadd.s32 $0xFFFFC000  }
0x104: {  	_ =	swait.ge [sflag:s19], $0x4000  }
0x105: {  	[sflag:s19] =	ssyncset.done $0x0  }
0x106: {  	s24 =	simm.s32 $0x280;
	[sflag:s19] =	ssyncadd.s32 $0xFFFFC000  }
0x107: {  	[tilespmem:s20], [sflag:$0x2] =	stream.indirect.gather [hbm4b:s5+s18], $0x80, s24, s18, $0xb8;
	[tilespmem:$0x1D000] =	vst v63  }
0x108: {  	s25 =	simm.s32 $0xA00  }
0x109: {  	[spmem:s1] =	stream.indirect.scatter.add.f32 [tilespmem:s15], [sflag:$0x3], $0x80, s25, s18, $0xb8;
	[tilespmem:$0x1D000] =	vst v63  }
0x10a: {  	_ =	swait.ge [sflag:s16], $0x4000  }
0x10b: {  	[sflag:s16] =	ssyncset.done $0x0  }
0x10c: {  	[sflag:s16] =	ssyncadd.s32 $0xFFFFC000  }
0x10d: {  	_ =	swait.ge [sflag:s21], $0x4000  }
0x10e: {  	[sflag:s21] =	ssyncset.done $0x0  }
0x10f: {  	s26 =	simm.s32 $0x300;
	[sflag:s21] =	ssyncadd.s32 $0xFFFFC000  }
0x110: {  	[tilespmem:s15], [sflag:$0x1] =	stream.indirect.gather [hbm4b:s5+s18], $0x80, s26, s18, $0xb8;
	[tilespmem:$0x1D000] =	vst v63  }
0x111: {  	s28 =	simm.s32 $0xA80  }
0x112: {  	[spmem:s1] =	stream.indirect.scatter.add.f32 [tilespmem:s20], [sflag:$0x3], $0x80, s28, s18, $0xb8;
	[tilespmem:$0x1D000] =	vst v63  }
0x113: {  	_ =	swait.ge [sflag:s16], $0x4000  }
0x114: {  	[sflag:s16] =	ssyncset.done $0x0  }
0x115: {  	[sflag:s16] =	ssyncadd.s32 $0xFFFFC000  }
0x116: {  	_ =	swait.ge [sflag:s19], $0x4000  }
0x117: {  	[sflag:s19] =	ssyncset.done $0x0  }
0x118: {  	s29 =	simm.s32 $0x380;
	[sflag:s19] =	ssyncadd.s32 $0xFFFFC000  }
0x119: {  	[tilespmem:s20], [sflag:$0x2] =	stream.indirect.gather [hbm4b:s5+s18], $0x80, s29, s18, $0xb8;
	[tilespmem:$0x1D000] =	vst v63  }
0x11a: {  	s30 =	simm.s32 $0xB00  }
0x11b: {  	[spmem:s1] =	stream.indirect.scatter.add.f32 [tilespmem:s15], [sflag:$0x3], $0x80, s30, s18, $0xb8;
	[tilespmem:$0x1D000] =	vst v63  }
0x11c: {  	_ =	swait.ge [sflag:s16], $0x4000  }
0x11d: {  	[sflag:s16] =	ssyncset.done $0x0  }
0x11e: {  	[sflag:s16] =	ssyncadd.s32 $0xFFFFC000  }
0x11f: {  	_ =	swait.ge [sflag:s21], $0x4000  }
0x120: {  	[sflag:s21] =	ssyncset.done $0x0  }
0x121: {  	s31 =	simm.s32 $0x400;
	[sflag:s21] =	ssyncadd.s32 $0xFFFFC000  }
0x122: {  	[tilespmem:s15], [sflag:$0x1] =	stream.indirect.gather [hbm4b:s5+s18], $0x80, s31, s18, $0xb8;
	[tilespmem:$0x1D000] =	vst v63  }
0x123: {  	s0 =	simm.s32 $0xB80  }
0x124: {  	[spmem:s1] =	stream.indirect.scatter.add.f32 [tilespmem:s20], [sflag:$0x3], $0x80, s0, s18, $0xb8;
	[tilespmem:$0x1D000] =	vst v63  }
0x125: {  	_ =	swait.ge [sflag:s16], $0x4000  }
0x126: {  	[sflag:s16] =	ssyncset.done $0x0  }
0x127: {  	[sflag:s16] =	ssyncadd.s32 $0xFFFFC000  }
0x128: {  	_ =	swait.ge [sflag:s19], $0x4000  }
0x129: {  	[sflag:s19] =	ssyncset.done $0x0  }
0x12a: {  	s2 =	simm.s32 $0x480;
	[sflag:s19] =	ssyncadd.s32 $0xFFFFC000  }
0x12b: {  	[tilespmem:s20], [sflag:$0x2] =	stream.indirect.gather [hbm4b:s5+s18], $0x80, s2, s18, $0xb8;
	[tilespmem:$0x1D000] =	vst v63  }
0x12c: {  	s10 =	simm.s32 $0xC00  }
0x12d: {  	[spmem:s1] =	stream.indirect.scatter.add.f32 [tilespmem:s15], [sflag:$0x3], $0x80, s10, s18, $0xb8;
	[tilespmem:$0x1D000] =	vst v63  }
0x12e: {  	_ =	swait.ge [sflag:s16], $0x4000  }
0x12f: {  	[sflag:s16] =	ssyncset.done $0x0  }
0x130: {  	[sflag:s16] =	ssyncadd.s32 $0xFFFFC000  }
0x131: {  	_ =	swait.ge [sflag:s21], $0x4000  }
0x132: {  	[sflag:s21] =	ssyncset.done $0x0  }
0x133: {  	s11 =	simm.s32 $0x500;
	[sflag:s21] =	ssyncadd.s32 $0xFFFFC000  }
0x134: {  	[tilespmem:s15], [sflag:$0x1] =	stream.indirect.gather [hbm4b:s5+s18], $0x80, s11, s18, $0xb8;
	[tilespmem:$0x1D000] =	vst v63  }
0x135: {  	s8 =	simm.s32 $0xC80  }
0x136: {  	[spmem:s1] =	stream.indirect.scatter.add.f32 [tilespmem:s20], [sflag:$0x3], $0x80, s8, s18, $0xb8;
	[tilespmem:$0x1D000] =	vst v63  }
0x137: {  	_ =	swait.ge [sflag:s16], $0x4000  }
0x138: {  	[sflag:s16] =	ssyncset.done $0x0  }
0x139: {  	[sflag:s16] =	ssyncadd.s32 $0xFFFFC000  }
0x13a: {  	_ =	swait.ge [sflag:s19], $0x4000  }
0x13b: {  	[sflag:s19] =	ssyncset.done $0x0  }
0x13c: {  	s9 =	simm.s32 $0x580;
	[sflag:s19] =	ssyncadd.s32 $0xFFFFC000  }
0x13d: {  	[tilespmem:s20], [sflag:$0x2] =	stream.indirect.gather [hbm4b:s5+s18], $0x80, s9, s18, $0xb8;
	[tilespmem:$0x1D000] =	vst v63  }
0x13e: {  	s10 =	simm.s32 $0xD00  }
0x13f: {  	[spmem:s1] =	stream.indirect.scatter.add.f32 [tilespmem:s15], [sflag:$0x3], $0x80, s10, s18, $0xb8;
	[tilespmem:$0x1D000] =	vst v63  }
0x140: {  	_ =	swait.ge [sflag:s16], $0x4000  }
0x141: {  	[sflag:s16] =	ssyncset.done $0x0  }
0x142: {  	[sflag:s16] =	ssyncadd.s32 $0xFFFFC000  }
0x143: {  	_ =	swait.ge [sflag:s21], $0x4000  }
0x144: {  	[sflag:s21] =	ssyncset.done $0x0  }
0x145: {  	s11 =	simm.s32 $0x600;
	[sflag:s21] =	ssyncadd.s32 $0xFFFFC000  }
0x146: {  	[tilespmem:s15], [sflag:$0x1] =	stream.indirect.gather [hbm4b:s5+s18], $0x80, s11, s18, $0xb8;
	[tilespmem:$0x1D000] =	vst v63  }
0x147: {  	s8 =	simm.s32 $0xD80  }
0x148: {  	[spmem:s1] =	stream.indirect.scatter.add.f32 [tilespmem:s20], [sflag:$0x3], $0x80, s8, s18, $0xb8;
	[tilespmem:$0x1D000] =	vst v63  }
0x149: {  	_ =	swait.ge [sflag:s16], $0x4000  }
0x14a: {  	[sflag:s16] =	ssyncset.done $0x0  }
0x14b: {  	[sflag:s16] =	ssyncadd.s32 $0xFFFFC000  }
0x14c: {  	_ =	swait.ge [sflag:s19], $0x4000  }
0x14d: {  	[sflag:s19] =	ssyncset.done $0x0  }
0x14e: {  	s9 =	simm.s32 $0x680;
	[sflag:s19] =	ssyncadd.s32 $0xFFFFC000  }
0x14f: {  	[tilespmem:s20], [sflag:$0x2] =	stream.indirect.gather [hbm4b:s5+s18], $0x80, s9, s18, $0xb8;
	[tilespmem:$0x1D000] =	vst v63  }
0x150: {  	s10 =	simm.s32 $0xE00  }
0x151: {  	[spmem:s1] =	stream.indirect.scatter.add.f32 [tilespmem:s15], [sflag:$0x3], $0x80, s10, s18, $0xb8;
	[tilespmem:$0x1D000] =	vst v63  }
0x152: {  	_ =	swait.ge [sflag:s16], $0x4000  }
0x153: {  	[sflag:s16] =	ssyncset.done $0x0  }
0x154: {  	[sflag:s16] =	ssyncadd.s32 $0xFFFFC000  }
0x155: {  	_ =	swait.ge [sflag:s21], $0x4000  }
0x156: {  	[sflag:s21] =	ssyncset.done $0x0  }
0x157: {  	s11 =	simm.s32 $0x700;
	[sflag:s21] =	ssyncadd.s32 $0xFFFFC000  }
0x158: {  	[tilespmem:s15], [sflag:$0x1] =	stream.indirect.gather [hbm4b:s5+s18], $0x80, s11, s18, $0xb8;
	[tilespmem:$0x1D000] =	vst v63  }
0x159: {  	s8 =	simm.s32 $0xE80  }
0x15a: {  	[spmem:s1] =	stream.indirect.scatter.add.f32 [tilespmem:s20], [sflag:$0x3], $0x80, s8, s18, $0xb8;
	[tilespmem:$0x1D000] =	vst v63  }
0x15b: {  	_ =	swait.ge [sflag:s16], $0x4000  }
0x15c: {  	[sflag:s16] =	ssyncset.done $0x0  }
0x15d: {  	[sflag:s16] =	ssyncadd.s32 $0xFFFFC000  }
0x15e: {  	_ =	swait.ge [sflag:s19], $0x4000  }
0x15f: {  	[sflag:s19] =	ssyncset.done $0x0  }
0x160: {  	s9 =	simm.s32 $0x780;
	[sflag:s19] =	ssyncadd.s32 $0xFFFFC000  }
0x161: {  	[tilespmem:s20], [sflag:$0x2] =	stream.indirect.gather [hbm4b:s5+s18], $0x80, s9, s18, $0xb8;
	[tilespmem:$0x1D000] =	vst v63  }
0x162: {  	s10 =	simm.s32 $0xF00  }
0x163: {  	[spmem:s1] =	stream.indirect.scatter.add.f32 [tilespmem:s15], [sflag:$0x3], $0x80, s10, s18, $0xb8;
	[tilespmem:$0x1D000] =	vst v63  }
0x164: {  	_ =	swait.ge [sflag:s16], $0x4000  }
0x165: {  	[sflag:s16] =	ssyncset.done $0x0  }
0x166: {  	[sflag:s16] =	ssyncadd.s32 $0xFFFFC000  }
0x167: {  	_ =	swait.ge [sflag:s21], $0x4000  }
0x168: {  	[sflag:s21] =	ssyncset.done $0x0  }
0x169: {  	s11 =	simm.s32 $0xF80;
	[sflag:s21] =	ssyncadd.s32 $0xFFFFC000  }
0x16a: {  	[spmem:s1] =	stream.indirect.scatter.add.f32 [tilespmem:s20], [sflag:$0x3], $0x80, s11, s18, $0xb8;
	[tilespmem:$0x1D000] =	vst v63  }
0x16b: {  	_ =	swait.ge [sflag:s16], $0x4000  }
0x16c: {  	s7 =	simm.s32 $0x100;
	s9 =	simm.s32 $0x200;
	[sflag:s16] =	ssyncset.done $0x0  }
.LBB2_8:
0x16d: {  	s10 =	sadd.s32 s7, s14  }
0x16e: {  	[sflag:s16] =	ssyncadd.s32 $0xFFFFC000;
	s11 =	smov.u32 s9;
	s8 =	sadd.s32 $0x100, s9  }
0x16f: {  	[tilespmem:s3], [sflag:$0x3] =	stream.linear.gather [hbm4b:s10+s3], $0x800, $0x38;
	[tilespmem:$0x1D000] =	vst v63  }
0x170: {  	s10 =	simm.s32 $0x100  }
0x171: {  	p1 =	sne.s32 s9, $0x900;
	_ =	swait.ge [sflag:s16], $0x800  }
0x172: {  	s9 =	sadd.s32 s7, s13;
	[sflag:s16] =	ssyncset.done $0x0  }
0x173: {  	s7 =	smov.u32 s11;
	s11 =	simm.s32 $0x880;
	[sflag:s16] =	ssyncadd.s32 $0xFFFFF800  }
0x174: {  	[tilespmem:s17], [sflag:$0x3] =	stream.linear.gather [hbm4b:s9+s3], $0x800, $0x38;
	[tilespmem:$0x1D000] =	vst v63  }
0x175: {  	_ =	swait.ge [sflag:s16], $0x800  }
0x176: {  	[sflag:s16] =	ssyncset.done $0x0  }
0x177: {  	[sflag:s16] =	ssyncadd.s32 $0xFFFFF800  }
0x178: {  	[tilespmem:s15], [sflag:$0x1] =	stream.indirect.gather [hbm4b:s5+s18], $0x80, s3, s18, $0xb8;
	[tilespmem:$0x1D000] =	vst v63  }
0x179: {  	_ =	swait.ge [sflag:s19], $0x4000  }
0x17a: {  	[sflag:s19] =	ssyncset.done $0x0  }
0x17b: {  	[sflag:s19] =	ssyncadd.s32 $0xFFFFC000  }
0x17c: {  	[tilespmem:s20], [sflag:$0x2] =	stream.indirect.gather [hbm4b:s5+s18], $0x80, s18, s18, $0xb8;
	[tilespmem:$0x1D000] =	vst v63  }
0x17d: {  	_ = 	snop  }
0x17e: {  	[spmem:s1] =	stream.indirect.scatter.add.f32 [tilespmem:s15], [sflag:$0x3], $0x80, s17, s18, $0xb8;
	[tilespmem:$0x1D000] =	vst v63  }
0x17f: {  	_ =	swait.ge [sflag:s16], $0x4000  }
0x180: {  	[sflag:s16] =	ssyncset.done $0x0  }
0x181: {  	[sflag:s16] =	ssyncadd.s32 $0xFFFFC000  }
0x182: {  	_ =	swait.ge [sflag:s21], $0x4000  }
0x183: {  	[sflag:s21] =	ssyncset.done $0x0  }
0x184: {  	[sflag:s21] =	ssyncadd.s32 $0xFFFFC000  }
0x185: {  	[tilespmem:s15], [sflag:$0x1] =	stream.indirect.gather [hbm4b:s5+s18], $0x80, s10, s18, $0xb8;
	[tilespmem:$0x1D000] =	vst v63  }
0x186: {  	_ = 	snop  }
0x187: {  	[spmem:s1] =	stream.indirect.scatter.add.f32 [tilespmem:s20], [sflag:$0x3], $0x80, s11, s18, $0xb8;
	[tilespmem:$0x1D000] =	vst v63  }
0x188: {  	_ =	swait.ge [sflag:s16], $0x4000  }
0x189: {  	[sflag:s16] =	ssyncset.done $0x0  }
0x18a: {  	[sflag:s16] =	ssyncadd.s32 $0xFFFFC000  }
0x18b: {  	_ =	swait.ge [sflag:s19], $0x4000  }
0x18c: {  	[sflag:s19] =	ssyncset.done $0x0  }
0x18d: {  	[sflag:s19] =	ssyncadd.s32 $0xFFFFC000  }
0x18e: {  	[tilespmem:s20], [sflag:$0x2] =	stream.indirect.gather [hbm4b:s5+s18], $0x80, s12, s18, $0xb8;
	[tilespmem:$0x1D000] =	vst v63  }
0x18f: {  	_ = 	snop  }
0x190: {  	[spmem:s1] =	stream.indirect.scatter.add.f32 [tilespmem:s15], [sflag:$0x3], $0x80, s6, s18, $0xb8;
	[tilespmem:$0x1D000] =	vst v63  }
0x191: {  	_ =	swait.ge [sflag:s16], $0x4000  }
0x192: {  	[sflag:s16] =	ssyncset.done $0x0  }
0x193: {  	[sflag:s16] =	ssyncadd.s32 $0xFFFFC000  }
0x194: {  	_ =	swait.ge [sflag:s21], $0x4000  }
0x195: {  	[sflag:s21] =	ssyncset.done $0x0  }
0x196: {  	[sflag:s21] =	ssyncadd.s32 $0xFFFFC000  }
0x197: {  	[tilespmem:s15], [sflag:$0x1] =	stream.indirect.gather [hbm4b:s5+s18], $0x80, s22, s18, $0xb8;
	[tilespmem:$0x1D000] =	vst v63  }
0x198: {  	_ = 	snop  }
0x199: {  	[spmem:s1] =	stream.indirect.scatter.add.f32 [tilespmem:s20], [sflag:$0x3], $0x80, s23, s18, $0xb8;
	[tilespmem:$0x1D000] =	vst v63  }
0x19a: {  	_ =	swait.ge [sflag:s16], $0x4000  }
0x19b: {  	[sflag:s16] =	ssyncset.done $0x0  }
0x19c: {  	[sflag:s16] =	ssyncadd.s32 $0xFFFFC000  }
0x19d: {  	_ =	swait.ge [sflag:s19], $0x4000  }
0x19e: {  	[sflag:s19] =	ssyncset.done $0x0  }
0x19f: {  	[sflag:s19] =	ssyncadd.s32 $0xFFFFC000  }
0x1a0: {  	[tilespmem:s20], [sflag:$0x2] =	stream.indirect.gather [hbm4b:s5+s18], $0x80, s24, s18, $0xb8;
	[tilespmem:$0x1D000] =	vst v63  }
0x1a1: {  	_ = 	snop  }
0x1a2: {  	[spmem:s1] =	stream.indirect.scatter.add.f32 [tilespmem:s15], [sflag:$0x3], $0x80, s25, s18, $0xb8;
	[tilespmem:$0x1D000] =	vst v63  }
0x1a3: {  	_ =	swait.ge [sflag:s16], $0x4000  }
0x1a4: {  	[sflag:s16] =	ssyncset.done $0x0  }
0x1a5: {  	[sflag:s16] =	ssyncadd.s32 $0xFFFFC000  }
0x1a6: {  	_ =	swait.ge [sflag:s21], $0x4000  }
0x1a7: {  	[sflag:s21] =	ssyncset.done $0x0  }
0x1a8: {  	[sflag:s21] =	ssyncadd.s32 $0xFFFFC000  }
0x1a9: {  	[tilespmem:s15], [sflag:$0x1] =	stream.indirect.gather [hbm4b:s5+s18], $0x80, s26, s18, $0xb8;
	[tilespmem:$0x1D000] =	vst v63  }
0x1aa: {  	_ = 	snop  }
0x1ab: {  	[spmem:s1] =	stream.indirect.scatter.add.f32 [tilespmem:s20], [sflag:$0x3], $0x80, s28, s18, $0xb8;
	[tilespmem:$0x1D000] =	vst v63  }
0x1ac: {  	_ =	swait.ge [sflag:s16], $0x4000  }
0x1ad: {  	[sflag:s16] =	ssyncset.done $0x0  }
0x1ae: {  	[sflag:s16] =	ssyncadd.s32 $0xFFFFC000  }
0x1af: {  	_ =	swait.ge [sflag:s19], $0x4000  }
0x1b0: {  	[sflag:s19] =	ssyncset.done $0x0  }
0x1b1: {  	[sflag:s19] =	ssyncadd.s32 $0xFFFFC000  }
0x1b2: {  	[tilespmem:s20], [sflag:$0x2] =	stream.indirect.gather [hbm4b:s5+s18], $0x80, s29, s18, $0xb8;
	[tilespmem:$0x1D000] =	vst v63  }
0x1b3: {  	_ = 	snop  }
0x1b4: {  	[spmem:s1] =	stream.indirect.scatter.add.f32 [tilespmem:s15], [sflag:$0x3], $0x80, s30, s18, $0xb8;
	[tilespmem:$0x1D000] =	vst v63  }
0x1b5: {  	_ =	swait.ge [sflag:s16], $0x4000  }
0x1b6: {  	[sflag:s16] =	ssyncset.done $0x0  }
0x1b7: {  	[sflag:s16] =	ssyncadd.s32 $0xFFFFC000  }
0x1b8: {  	_ =	swait.ge [sflag:s21], $0x4000  }
0x1b9: {  	[sflag:s21] =	ssyncset.done $0x0  }
0x1ba: {  	[sflag:s21] =	ssyncadd.s32 $0xFFFFC000  }
0x1bb: {  	[tilespmem:s15], [sflag:$0x1] =	stream.indirect.gather [hbm4b:s5+s18], $0x80, s31, s18, $0xb8;
	[tilespmem:$0x1D000] =	vst v63  }
0x1bc: {  	_ = 	snop  }
0x1bd: {  	[spmem:s1] =	stream.indirect.scatter.add.f32 [tilespmem:s20], [sflag:$0x3], $0x80, s0, s18, $0xb8;
	[tilespmem:$0x1D000] =	vst v63  }
0x1be: {  	_ =	swait.ge [sflag:s16], $0x4000  }
0x1bf: {  	[sflag:s16] =	ssyncset.done $0x0  }
0x1c0: {  	[sflag:s16] =	ssyncadd.s32 $0xFFFFC000  }
0x1c1: {  	_ =	swait.ge [sflag:s19], $0x4000  }
0x1c2: {  	[sflag:s19] =	ssyncset.done $0x0  }
0x1c3: {  	[sflag:s19] =	ssyncadd.s32 $0xFFFFC000  }
0x1c4: {  	[tilespmem:s20], [sflag:$0x2] =	stream.indirect.gather [hbm4b:s5+s18], $0x80, s2, s18, $0xb8;
	[tilespmem:$0x1D000] =	vst v63  }
0x1c5: {  	s9 =	simm.s32 $0xC00  }
0x1c6: {  	[spmem:s1] =	stream.indirect.scatter.add.f32 [tilespmem:s15], [sflag:$0x3], $0x80, s9, s18, $0xb8;
	[tilespmem:$0x1D000] =	vst v63  }
0x1c7: {  	_ =	swait.ge [sflag:s16], $0x4000  }
0x1c8: {  	[sflag:s16] =	ssyncset.done $0x0  }
0x1c9: {  	[sflag:s16] =	ssyncadd.s32 $0xFFFFC000  }
0x1ca: {  	_ =	swait.ge [sflag:s21], $0x4000  }
0x1cb: {  	[sflag:s21] =	ssyncset.done $0x0  }
0x1cc: {  	s9 =	simm.s32 $0x500;
	[sflag:s21] =	ssyncadd.s32 $0xFFFFC000  }
0x1cd: {  	[tilespmem:s15], [sflag:$0x1] =	stream.indirect.gather [hbm4b:s5+s18], $0x80, s9, s18, $0xb8;
	[tilespmem:$0x1D000] =	vst v63  }
0x1ce: {  	s9 =	simm.s32 $0xC80  }
0x1cf: {  	[spmem:s1] =	stream.indirect.scatter.add.f32 [tilespmem:s20], [sflag:$0x3], $0x80, s9, s18, $0xb8;
	[tilespmem:$0x1D000] =	vst v63  }
0x1d0: {  	_ =	swait.ge [sflag:s16], $0x4000  }
0x1d1: {  	[sflag:s16] =	ssyncset.done $0x0  }
0x1d2: {  	[sflag:s16] =	ssyncadd.s32 $0xFFFFC000  }
0x1d3: {  	_ =	swait.ge [sflag:s19], $0x4000  }
0x1d4: {  	[sflag:s19] =	ssyncset.done $0x0  }
0x1d5: {  	s9 =	simm.s32 $0x580;
	[sflag:s19] =	ssyncadd.s32 $0xFFFFC000  }
0x1d6: {  	[tilespmem:s20], [sflag:$0x2] =	stream.indirect.gather [hbm4b:s5+s18], $0x80, s9, s18, $0xb8;
	[tilespmem:$0x1D000] =	vst v63  }
0x1d7: {  	s9 =	simm.s32 $0xD00  }
0x1d8: {  	[spmem:s1] =	stream.indirect.scatter.add.f32 [tilespmem:s15], [sflag:$0x3], $0x80, s9, s18, $0xb8;
	[tilespmem:$0x1D000] =	vst v63  }
0x1d9: {  	_ =	swait.ge [sflag:s16], $0x4000  }
0x1da: {  	[sflag:s16] =	ssyncset.done $0x0  }
0x1db: {  	[sflag:s16] =	ssyncadd.s32 $0xFFFFC000  }
0x1dc: {  	_ =	swait.ge [sflag:s21], $0x4000  }
0x1dd: {  	[sflag:s21] =	ssyncset.done $0x0  }
0x1de: {  	s9 =	simm.s32 $0x600;
	[sflag:s21] =	ssyncadd.s32 $0xFFFFC000  }
0x1df: {  	[tilespmem:s15], [sflag:$0x1] =	stream.indirect.gather [hbm4b:s5+s18], $0x80, s9, s18, $0xb8;
	[tilespmem:$0x1D000] =	vst v63  }
0x1e0: {  	s9 =	simm.s32 $0xD80  }
0x1e1: {  	[spmem:s1] =	stream.indirect.scatter.add.f32 [tilespmem:s20], [sflag:$0x3], $0x80, s9, s18, $0xb8;
	[tilespmem:$0x1D000] =	vst v63  }
0x1e2: {  	_ =	swait.ge [sflag:s16], $0x4000  }
0x1e3: {  	[sflag:s16] =	ssyncset.done $0x0  }
0x1e4: {  	[sflag:s16] =	ssyncadd.s32 $0xFFFFC000  }
0x1e5: {  	_ =	swait.ge [sflag:s19], $0x4000  }
0x1e6: {  	[sflag:s19] =	ssyncset.done $0x0  }
0x1e7: {  	s9 =	simm.s32 $0x680;
	[sflag:s19] =	ssyncadd.s32 $0xFFFFC000  }
0x1e8: {  	[tilespmem:s20], [sflag:$0x2] =	stream.indirect.gather [hbm4b:s5+s18], $0x80, s9, s18, $0xb8;
	[tilespmem:$0x1D000] =	vst v63  }
0x1e9: {  	s9 =	simm.s32 $0xE00  }
0x1ea: {  	[spmem:s1] =	stream.indirect.scatter.add.f32 [tilespmem:s15], [sflag:$0x3], $0x80, s9, s18, $0xb8;
	[tilespmem:$0x1D000] =	vst v63  }
0x1eb: {  	_ =	swait.ge [sflag:s16], $0x4000  }
0x1ec: {  	[sflag:s16] =	ssyncset.done $0x0  }
0x1ed: {  	[sflag:s16] =	ssyncadd.s32 $0xFFFFC000  }
0x1ee: {  	_ =	swait.ge [sflag:s21], $0x4000  }
0x1ef: {  	[sflag:s21] =	ssyncset.done $0x0  }
0x1f0: {  	s9 =	simm.s32 $0x700;
	[sflag:s21] =	ssyncadd.s32 $0xFFFFC000  }
0x1f1: {  	[tilespmem:s15], [sflag:$0x1] =	stream.indirect.gather [hbm4b:s5+s18], $0x80, s9, s18, $0xb8;
	[tilespmem:$0x1D000] =	vst v63  }
0x1f2: {  	s9 =	simm.s32 $0xE80  }
0x1f3: {  	[spmem:s1] =	stream.indirect.scatter.add.f32 [tilespmem:s20], [sflag:$0x3], $0x80, s9, s18, $0xb8;
	[tilespmem:$0x1D000] =	vst v63  }
0x1f4: {  	_ =	swait.ge [sflag:s16], $0x4000  }
0x1f5: {  	[sflag:s16] =	ssyncset.done $0x0  }
0x1f6: {  	[sflag:s16] =	ssyncadd.s32 $0xFFFFC000  }
0x1f7: {  	_ =	swait.ge [sflag:s19], $0x4000  }
0x1f8: {  	[sflag:s19] =	ssyncset.done $0x0  }
0x1f9: {  	s9 =	simm.s32 $0x780;
	[sflag:s19] =	ssyncadd.s32 $0xFFFFC000  }
0x1fa: {  	[tilespmem:s20], [sflag:$0x2] =	stream.indirect.gather [hbm4b:s5+s18], $0x80, s9, s18, $0xb8;
	[tilespmem:$0x1D000] =	vst v63  }
0x1fb: {  	s9 =	simm.s32 $0xF00  }
0x1fc: {  	[spmem:s1] =	stream.indirect.scatter.add.f32 [tilespmem:s15], [sflag:$0x3], $0x80, s9, s18, $0xb8;
	[tilespmem:$0x1D000] =	vst v63  }
0x1fd: {  	_ =	swait.ge [sflag:s16], $0x4000  }
0x1fe: {  	[sflag:s16] =	ssyncset.done $0x0  }
0x1ff: {  	[sflag:s16] =	ssyncadd.s32 $0xFFFFC000  }
0x200: {  	_ =	swait.ge [sflag:s21], $0x4000  }
.Ltmp4:
0x201: {  	[sflag:s21] =	ssyncset.done $0x0;
	(pc) =	sbr.rel @p1 .LBB2_8-.Ltmp4, $4  }
0x202: {  	s9 =	simm.s32 $0xF80;
	[sflag:s21] =	ssyncadd.s32 $0xFFFFC000  }
0x203: {  	[spmem:s1] =	stream.indirect.scatter.add.f32 [tilespmem:s20], [sflag:$0x3], $0x80, s9, s18, $0xb8;
	[tilespmem:$0x1D000] =	vst v63  }
0x204: {  	_ =	swait.ge [sflag:s16], $0x4000  }
0x205: {  	s9 =	smov.u32 s8;
	[sflag:s16] =	ssyncset.done $0x0  }
0x206: {  	s8 =	sadd.s32 s7, s14;
	[sflag:s16] =	ssyncadd.s32 $0xFFFFC000  }
0x207: {  	[tilespmem:s3], [sflag:$0x3] =	stream.linear.gather [hbm4b:s8+s3], $0x800, $0x38;
	[tilespmem:$0x1D000] =	vst v63  }
0x208: {  	_ =	swait.ge [sflag:s16], $0x800  }
0x209: {  	[sflag:s16] =	ssyncset.done $0x0  }
0x20a: {  	s9 =	sadd.s32 s7, s13;
	[sflag:s16] =	ssyncadd.s32 $0xFFFFF800  }
0x20b: {  	[tilespmem:s17], [sflag:$0x3] =	stream.linear.gather [hbm4b:s9+s3], $0x800, $0x38;
	[tilespmem:$0x1D000] =	vst v63  }
0x20c: {  	_ =	swait.ge [sflag:s16], $0x800  }
0x20d: {  	[sflag:s16] =	ssyncset.done $0x0  }
0x20e: {  	[sflag:s16] =	ssyncadd.s32 $0xFFFFF800  }
0x20f: {  	[tilespmem:s15], [sflag:$0x1] =	stream.indirect.gather [hbm4b:s5+s18], $0x80, s3, s18, $0xb8;
	[tilespmem:$0x1D000] =	vst v63  }
0x210: {  	_ =	swait.ge [sflag:s19], $0x4000  }
0x211: {  	[sflag:s19] =	ssyncset.done $0x0  }
0x212: {  	[sflag:s19] =	ssyncadd.s32 $0xFFFFC000  }
0x213: {  	[tilespmem:s20], [sflag:$0x2] =	stream.indirect.gather [hbm4b:s5+s18], $0x80, s18, s18, $0xb8;
	[tilespmem:$0x1D000] =	vst v63  }
0x214: {  	_ = 	snop  }
0x215: {  	[spmem:s1] =	stream.indirect.scatter.add.f32 [tilespmem:s15], [sflag:$0x3], $0x80, s17, s18, $0xb8;
	[tilespmem:$0x1D000] =	vst v63  }
0x216: {  	_ =	swait.ge [sflag:s16], $0x4000  }
0x217: {  	[sflag:s16] =	ssyncset.done $0x0  }
0x218: {  	[sflag:s16] =	ssyncadd.s32 $0xFFFFC000  }
0x219: {  	_ =	swait.ge [sflag:s21], $0x4000  }
0x21a: {  	[sflag:s21] =	ssyncset.done $0x0  }
0x21b: {  	[sflag:s21] =	ssyncadd.s32 $0xFFFFC000  }
0x21c: {  	[tilespmem:s15], [sflag:$0x1] =	stream.indirect.gather [hbm4b:s5+s18], $0x80, s10, s18, $0xb8;
	[tilespmem:$0x1D000] =	vst v63  }
0x21d: {  	_ = 	snop  }
0x21e: {  	[spmem:s1] =	stream.indirect.scatter.add.f32 [tilespmem:s20], [sflag:$0x3], $0x80, s11, s18, $0xb8;
	[tilespmem:$0x1D000] =	vst v63  }
0x21f: {  	_ =	swait.ge [sflag:s16], $0x4000  }
0x220: {  	[sflag:s16] =	ssyncset.done $0x0  }
0x221: {  	[sflag:s16] =	ssyncadd.s32 $0xFFFFC000  }
0x222: {  	_ =	swait.ge [sflag:s19], $0x4000  }
0x223: {  	[sflag:s19] =	ssyncset.done $0x0  }
0x224: {  	[sflag:s19] =	ssyncadd.s32 $0xFFFFC000  }
0x225: {  	[tilespmem:s20], [sflag:$0x2] =	stream.indirect.gather [hbm4b:s5+s18], $0x80, s12, s18, $0xb8;
	[tilespmem:$0x1D000] =	vst v63  }
0x226: {  	_ = 	snop  }
0x227: {  	[spmem:s1] =	stream.indirect.scatter.add.f32 [tilespmem:s15], [sflag:$0x3], $0x80, s6, s18, $0xb8;
	[tilespmem:$0x1D000] =	vst v63  }
0x228: {  	_ =	swait.ge [sflag:s16], $0x4000  }
0x229: {  	[sflag:s16] =	ssyncset.done $0x0  }
0x22a: {  	[sflag:s16] =	ssyncadd.s32 $0xFFFFC000  }
0x22b: {  	_ =	swait.ge [sflag:s21], $0x4000  }
0x22c: {  	[sflag:s21] =	ssyncset.done $0x0  }
0x22d: {  	[sflag:s21] =	ssyncadd.s32 $0xFFFFC000  }
0x22e: {  	[tilespmem:s15], [sflag:$0x1] =	stream.indirect.gather [hbm4b:s5+s18], $0x80, s22, s18, $0xb8;
	[tilespmem:$0x1D000] =	vst v63  }
0x22f: {  	_ = 	snop  }
0x230: {  	[spmem:s1] =	stream.indirect.scatter.add.f32 [tilespmem:s20], [sflag:$0x3], $0x80, s23, s18, $0xb8;
	[tilespmem:$0x1D000] =	vst v63  }
0x231: {  	_ =	swait.ge [sflag:s16], $0x4000  }
0x232: {  	[sflag:s16] =	ssyncset.done $0x0  }
0x233: {  	[sflag:s16] =	ssyncadd.s32 $0xFFFFC000  }
0x234: {  	_ =	swait.ge [sflag:s19], $0x4000  }
0x235: {  	[sflag:s19] =	ssyncset.done $0x0  }
0x236: {  	[sflag:s19] =	ssyncadd.s32 $0xFFFFC000  }
0x237: {  	[tilespmem:s20], [sflag:$0x2] =	stream.indirect.gather [hbm4b:s5+s18], $0x80, s24, s18, $0xb8;
	[tilespmem:$0x1D000] =	vst v63  }
0x238: {  	_ = 	snop  }
0x239: {  	[spmem:s1] =	stream.indirect.scatter.add.f32 [tilespmem:s15], [sflag:$0x3], $0x80, s25, s18, $0xb8;
	[tilespmem:$0x1D000] =	vst v63  }
0x23a: {  	_ =	swait.ge [sflag:s16], $0x4000  }
0x23b: {  	[sflag:s16] =	ssyncset.done $0x0  }
0x23c: {  	[sflag:s16] =	ssyncadd.s32 $0xFFFFC000  }
0x23d: {  	_ =	swait.ge [sflag:s21], $0x4000  }
0x23e: {  	[sflag:s21] =	ssyncset.done $0x0  }
0x23f: {  	[sflag:s21] =	ssyncadd.s32 $0xFFFFC000  }
0x240: {  	[tilespmem:s15], [sflag:$0x1] =	stream.indirect.gather [hbm4b:s5+s18], $0x80, s26, s18, $0xb8;
	[tilespmem:$0x1D000] =	vst v63  }
0x241: {  	_ = 	snop  }
0x242: {  	[spmem:s1] =	stream.indirect.scatter.add.f32 [tilespmem:s20], [sflag:$0x3], $0x80, s28, s18, $0xb8;
	[tilespmem:$0x1D000] =	vst v63  }
0x243: {  	_ =	swait.ge [sflag:s16], $0x4000  }
0x244: {  	[sflag:s16] =	ssyncset.done $0x0  }
0x245: {  	[sflag:s16] =	ssyncadd.s32 $0xFFFFC000  }
0x246: {  	_ =	swait.ge [sflag:s19], $0x4000  }
0x247: {  	[sflag:s19] =	ssyncset.done $0x0  }
0x248: {  	[sflag:s19] =	ssyncadd.s32 $0xFFFFC000  }
0x249: {  	[tilespmem:s20], [sflag:$0x2] =	stream.indirect.gather [hbm4b:s5+s18], $0x80, s29, s18, $0xb8;
	[tilespmem:$0x1D000] =	vst v63  }
0x24a: {  	_ = 	snop  }
0x24b: {  	[spmem:s1] =	stream.indirect.scatter.add.f32 [tilespmem:s15], [sflag:$0x3], $0x80, s30, s18, $0xb8;
	[tilespmem:$0x1D000] =	vst v63  }
0x24c: {  	_ =	swait.ge [sflag:s16], $0x4000  }
0x24d: {  	[sflag:s16] =	ssyncset.done $0x0  }
0x24e: {  	[sflag:s16] =	ssyncadd.s32 $0xFFFFC000  }
0x24f: {  	_ =	swait.ge [sflag:s21], $0x4000  }
0x250: {  	[sflag:s21] =	ssyncset.done $0x0  }
0x251: {  	[sflag:s21] =	ssyncadd.s32 $0xFFFFC000  }
0x252: {  	[tilespmem:s15], [sflag:$0x1] =	stream.indirect.gather [hbm4b:s5+s18], $0x80, s31, s18, $0xb8;
	[tilespmem:$0x1D000] =	vst v63  }
0x253: {  	_ = 	snop  }
0x254: {  	[spmem:s1] =	stream.indirect.scatter.add.f32 [tilespmem:s20], [sflag:$0x3], $0x80, s0, s18, $0xb8;
	[tilespmem:$0x1D000] =	vst v63  }
0x255: {  	_ =	swait.ge [sflag:s16], $0x4000  }
0x256: {  	[sflag:s16] =	ssyncset.done $0x0  }
0x257: {  	[sflag:s16] =	ssyncadd.s32 $0xFFFFC000  }
0x258: {  	_ =	swait.ge [sflag:s19], $0x4000  }
0x259: {  	[sflag:s19] =	ssyncset.done $0x0  }
0x25a: {  	[sflag:s19] =	ssyncadd.s32 $0xFFFFC000  }
0x25b: {  	[tilespmem:s20], [sflag:$0x2] =	stream.indirect.gather [hbm4b:s5+s18], $0x80, s2, s18, $0xb8;
	[tilespmem:$0x1D000] =	vst v63  }
0x25c: {  	s8 =	simm.s32 $0xC00  }
0x25d: {  	[spmem:s1] =	stream.indirect.scatter.add.f32 [tilespmem:s15], [sflag:$0x3], $0x80, s8, s18, $0xb8;
	[tilespmem:$0x1D000] =	vst v63  }
0x25e: {  	_ =	swait.ge [sflag:s16], $0x4000  }
0x25f: {  	[sflag:s16] =	ssyncset.done $0x0  }
0x260: {  	[sflag:s16] =	ssyncadd.s32 $0xFFFFC000  }
0x261: {  	_ =	swait.ge [sflag:s21], $0x4000  }
0x262: {  	[sflag:s21] =	ssyncset.done $0x0  }
0x263: {  	s9 =	simm.s32 $0x500;
	[sflag:s21] =	ssyncadd.s32 $0xFFFFC000  }
0x264: {  	[tilespmem:s15], [sflag:$0x1] =	stream.indirect.gather [hbm4b:s5+s18], $0x80, s9, s18, $0xb8;
	[tilespmem:$0x1D000] =	vst v63  }
0x265: {  	s10 =	simm.s32 $0xC80  }
0x266: {  	[spmem:s1] =	stream.indirect.scatter.add.f32 [tilespmem:s20], [sflag:$0x3], $0x80, s10, s18, $0xb8;
	[tilespmem:$0x1D000] =	vst v63  }
0x267: {  	_ =	swait.ge [sflag:s16], $0x4000  }
0x268: {  	[sflag:s16] =	ssyncset.done $0x0  }
0x269: {  	[sflag:s16] =	ssyncadd.s32 $0xFFFFC000  }
0x26a: {  	_ =	swait.ge [sflag:s19], $0x4000  }
0x26b: {  	[sflag:s19] =	ssyncset.done $0x0  }
0x26c: {  	s11 =	simm.s32 $0x580;
	[sflag:s19] =	ssyncadd.s32 $0xFFFFC000  }
0x26d: {  	[tilespmem:s20], [sflag:$0x2] =	stream.indirect.gather [hbm4b:s5+s18], $0x80, s11, s18, $0xb8;
	[tilespmem:$0x1D000] =	vst v63  }
0x26e: {  	s12 =	simm.s32 $0xD00  }
0x26f: {  	[spmem:s1] =	stream.indirect.scatter.add.f32 [tilespmem:s15], [sflag:$0x3], $0x80, s12, s18, $0xb8;
	[tilespmem:$0x1D000] =	vst v63  }
0x270: {  	_ =	swait.ge [sflag:s16], $0x4000  }
0x271: {  	[sflag:s16] =	ssyncset.done $0x0  }
0x272: {  	[sflag:s16] =	ssyncadd.s32 $0xFFFFC000  }
0x273: {  	_ =	swait.ge [sflag:s21], $0x4000  }
0x274: {  	[sflag:s21] =	ssyncset.done $0x0  }
0x275: {  	s22 =	simm.s32 $0x600;
	[sflag:s21] =	ssyncadd.s32 $0xFFFFC000  }
0x276: {  	[tilespmem:s15], [sflag:$0x1] =	stream.indirect.gather [hbm4b:s5+s18], $0x80, s22, s18, $0xb8;
	[tilespmem:$0x1D000] =	vst v63  }
0x277: {  	s23 =	simm.s32 $0xD80  }
0x278: {  	[spmem:s1] =	stream.indirect.scatter.add.f32 [tilespmem:s20], [sflag:$0x3], $0x80, s23, s18, $0xb8;
	[tilespmem:$0x1D000] =	vst v63  }
0x279: {  	_ =	swait.ge [sflag:s16], $0x4000  }
0x27a: {  	[sflag:s16] =	ssyncset.done $0x0  }
0x27b: {  	[sflag:s16] =	ssyncadd.s32 $0xFFFFC000  }
0x27c: {  	_ =	swait.ge [sflag:s19], $0x4000  }
0x27d: {  	[sflag:s19] =	ssyncset.done $0x0  }
0x27e: {  	s24 =	simm.s32 $0x680;
	[sflag:s19] =	ssyncadd.s32 $0xFFFFC000  }
0x27f: {  	[tilespmem:s20], [sflag:$0x2] =	stream.indirect.gather [hbm4b:s5+s18], $0x80, s24, s18, $0xb8;
	[tilespmem:$0x1D000] =	vst v63  }
0x280: {  	s25 =	simm.s32 $0xE00  }
0x281: {  	[spmem:s1] =	stream.indirect.scatter.add.f32 [tilespmem:s15], [sflag:$0x3], $0x80, s25, s18, $0xb8;
	[tilespmem:$0x1D000] =	vst v63  }
0x282: {  	_ =	swait.ge [sflag:s16], $0x4000  }
0x283: {  	[sflag:s16] =	ssyncset.done $0x0  }
0x284: {  	[sflag:s16] =	ssyncadd.s32 $0xFFFFC000  }
0x285: {  	_ =	swait.ge [sflag:s21], $0x4000  }
0x286: {  	[sflag:s21] =	ssyncset.done $0x0  }
0x287: {  	s26 =	simm.s32 $0x700;
	[sflag:s21] =	ssyncadd.s32 $0xFFFFC000  }
0x288: {  	[tilespmem:s15], [sflag:$0x1] =	stream.indirect.gather [hbm4b:s5+s18], $0x80, s26, s18, $0xb8;
	[tilespmem:$0x1D000] =	vst v63  }
0x289: {  	s28 =	simm.s32 $0xE80  }
0x28a: {  	[spmem:s1] =	stream.indirect.scatter.add.f32 [tilespmem:s20], [sflag:$0x3], $0x80, s28, s18, $0xb8;
	[tilespmem:$0x1D000] =	vst v63  }
0x28b: {  	_ =	swait.ge [sflag:s16], $0x4000  }
0x28c: {  	[sflag:s16] =	ssyncset.done $0x0  }
0x28d: {  	[sflag:s16] =	ssyncadd.s32 $0xFFFFC000  }
0x28e: {  	_ =	swait.ge [sflag:s19], $0x4000  }
0x28f: {  	[sflag:s19] =	ssyncset.done $0x0  }
0x290: {  	s29 =	simm.s32 $0x780;
	[sflag:s19] =	ssyncadd.s32 $0xFFFFC000  }
0x291: {  	[tilespmem:s20], [sflag:$0x2] =	stream.indirect.gather [hbm4b:s5+s18], $0x80, s29, s18, $0xb8;
	[tilespmem:$0x1D000] =	vst v63  }
0x292: {  	s30 =	simm.s32 $0xF00  }
0x293: {  	[spmem:s1] =	stream.indirect.scatter.add.f32 [tilespmem:s15], [sflag:$0x3], $0x80, s30, s18, $0xb8;
	[tilespmem:$0x1D000] =	vst v63  }
0x294: {  	_ =	swait.ge [sflag:s16], $0x4000  }
0x295: {  	[sflag:s16] =	ssyncset.done $0x0  }
0x296: {  	[sflag:s16] =	ssyncadd.s32 $0xFFFFC000  }
0x297: {  	_ =	swait.ge [sflag:s21], $0x4000  }
0x298: {  	[sflag:s21] =	ssyncset.done $0x0  }
.Ltmp5:
0x299: {  	s31 =	simm.s32 $0xF80;
	[sflag:s21] =	ssyncadd.s32 $0xFFFFC000;
	(pc) =	sbr.rel .LBB2_10-.Ltmp5, $4  }
0x29a: {  	[spmem:s1] =	stream.indirect.scatter.add.f32 [tilespmem:s20], [sflag:$0x3], $0x80, s31, s18, $0xb8;
	[tilespmem:$0x1D000] =	vst v63  }
0x29b: {  	_ =	swait.ge [sflag:s16], $0x4000  }
0x29c: {  	[sflag:s16] =	ssyncset.done $0x0  }
0x29d: {  	s0 =	rddreg [dreg:$0xb];
	[sflag:s16] =	ssyncadd.s32 $0xFFFFC000  }
.LBB2_4:
0x29e: {  	[tilespmem:s3], [sflag:$0x3] =	stream.linear.gather [hbm4b:s7+s3], $0x800, $0x38;
	[tilespmem:$0x1D000] =	vst v63  }
0x29f: {  	_ =	swait.ge [sflag:s16], $0x800  }
0x2a0: {  	[sflag:s16] =	ssyncset.done $0x0  }
0x2a1: {  	s6 =	sadd.s32 $0x0, s13;
	[sflag:s16] =	ssyncadd.s32 $0xFFFFF800  }
0x2a2: {  	[tilespmem:s17], [sflag:$0x3] =	stream.linear.gather [hbm4b:s6+s3], $0x800, $0x38;
	[tilespmem:$0x1D000] =	vst v63  }
0x2a3: {  	_ =	swait.ge [sflag:s16], $0x800  }
0x2a4: {  	[sflag:s16] =	ssyncset.done $0x0  }
0x2a5: {  	[sflag:s16] =	ssyncadd.s32 $0xFFFFF800  }
0x2a6: {  	[tilespmem:s15], [sflag:$0x1] =	stream.indirect.gather [hbm4b:s4+s18], $0x80, s3, s18, $0xb8;
	[tilespmem:$0x1D000] =	vst v63  }
0x2a7: {  	_ =	swait.ge [sflag:s19], $0x4000  }
0x2a8: {  	[sflag:s19] =	ssyncset.done $0x0  }
0x2a9: {  	[sflag:s19] =	ssyncadd.s32 $0xFFFFC000  }
0x2aa: {  	[tilespmem:s20], [sflag:$0x2] =	stream.indirect.gather [hbm4b:s4+s18], $0x80, s18, s18, $0xb8;
	[tilespmem:$0x1D000] =	vst v63  }
0x2ab: {  	_ = 	snop  }
0x2ac: {  	[spmem:s1] =	stream.indirect.scatter.add.f32 [tilespmem:s15], [sflag:$0x3], $0x80, s17, s18, $0xb8;
	[tilespmem:$0x1D000] =	vst v63  }
0x2ad: {  	_ =	swait.ge [sflag:s16], $0x4000  }
0x2ae: {  	[sflag:s16] =	ssyncset.done $0x0  }
0x2af: {  	[sflag:s16] =	ssyncadd.s32 $0xFFFFC000  }
0x2b0: {  	_ =	swait.ge [sflag:s21], $0x4000  }
0x2b1: {  	[sflag:s21] =	ssyncset.done $0x0  }
0x2b2: {  	s8 =	simm.s32 $0x100;
	[sflag:s21] =	ssyncadd.s32 $0xFFFFC000  }
0x2b3: {  	[tilespmem:s15], [sflag:$0x1] =	stream.indirect.gather [hbm4b:s4+s18], $0x80, s8, s18, $0xb8;
	[tilespmem:$0x1D000] =	vst v63  }
0x2b4: {  	s9 =	simm.s32 $0x880  }
0x2b5: {  	[spmem:s1] =	stream.indirect.scatter.add.f32 [tilespmem:s20], [sflag:$0x3], $0x80, s9, s18, $0xb8;
	[tilespmem:$0x1D000] =	vst v63  }
0x2b6: {  	_ =	swait.ge [sflag:s16], $0x4000  }
0x2b7: {  	[sflag:s16] =	ssyncset.done $0x0  }
0x2b8: {  	[sflag:s16] =	ssyncadd.s32 $0xFFFFC000  }
0x2b9: {  	_ =	swait.ge [sflag:s19], $0x4000  }
0x2ba: {  	[sflag:s19] =	ssyncset.done $0x0  }
0x2bb: {  	s12 =	simm.s32 $0x180;
	[sflag:s19] =	ssyncadd.s32 $0xFFFFC000  }
0x2bc: {  	[tilespmem:s20], [sflag:$0x2] =	stream.indirect.gather [hbm4b:s4+s18], $0x80, s12, s18, $0xb8;
	[tilespmem:$0x1D000] =	vst v63  }
0x2bd: {  	s6 =	simm.s32 $0x900  }
0x2be: {  	[spmem:s1] =	stream.indirect.scatter.add.f32 [tilespmem:s15], [sflag:$0x3], $0x80, s6, s18, $0xb8;
	[tilespmem:$0x1D000] =	vst v63  }
0x2bf: {  	_ =	swait.ge [sflag:s16], $0x4000  }
0x2c0: {  	[sflag:s16] =	ssyncset.done $0x0  }
0x2c1: {  	[sflag:s16] =	ssyncadd.s32 $0xFFFFC000  }
0x2c2: {  	_ =	swait.ge [sflag:s21], $0x4000  }
0x2c3: {  	[sflag:s21] =	ssyncset.done $0x0  }
0x2c4: {  	s22 =	simm.s32 $0x200;
	[sflag:s21] =	ssyncadd.s32 $0xFFFFC000  }
0x2c5: {  	[tilespmem:s15], [sflag:$0x1] =	stream.indirect.gather [hbm4b:s4+s18], $0x80, s22, s18, $0xb8;
	[tilespmem:$0x1D000] =	vst v63  }
0x2c6: {  	s23 =	simm.s32 $0x980  }
0x2c7: {  	[spmem:s1] =	stream.indirect.scatter.add.f32 [tilespmem:s20], [sflag:$0x3], $0x80, s23, s18, $0xb8;
	[tilespmem:$0x1D000] =	vst v63  }
0x2c8: {  	_ =	swait.ge [sflag:s16], $0x4000  }
0x2c9: {  	[sflag:s16] =	ssyncset.done $0x0  }
0x2ca: {  	[sflag:s16] =	ssyncadd.s32 $0xFFFFC000  }
0x2cb: {  	_ =	swait.ge [sflag:s19], $0x4000  }
0x2cc: {  	[sflag:s19] =	ssyncset.done $0x0  }
0x2cd: {  	s24 =	simm.s32 $0x280;
	[sflag:s19] =	ssyncadd.s32 $0xFFFFC000  }
0x2ce: {  	[tilespmem:s20], [sflag:$0x2] =	stream.indirect.gather [hbm4b:s4+s18], $0x80, s24, s18, $0xb8;
	[tilespmem:$0x1D000] =	vst v63  }
0x2cf: {  	s25 =	simm.s32 $0xA00  }
0x2d0: {  	[spmem:s1] =	stream.indirect.scatter.add.f32 [tilespmem:s15], [sflag:$0x3], $0x80, s25, s18, $0xb8;
	[tilespmem:$0x1D000] =	vst v63  }
0x2d1: {  	_ =	swait.ge [sflag:s16], $0x4000  }
0x2d2: {  	[sflag:s16] =	ssyncset.done $0x0  }
0x2d3: {  	[sflag:s16] =	ssyncadd.s32 $0xFFFFC000  }
0x2d4: {  	_ =	swait.ge [sflag:s21], $0x4000  }
0x2d5: {  	[sflag:s21] =	ssyncset.done $0x0  }
0x2d6: {  	s26 =	simm.s32 $0x300;
	[sflag:s21] =	ssyncadd.s32 $0xFFFFC000  }
0x2d7: {  	[tilespmem:s15], [sflag:$0x1] =	stream.indirect.gather [hbm4b:s4+s18], $0x80, s26, s18, $0xb8;
	[tilespmem:$0x1D000] =	vst v63  }
0x2d8: {  	s28 =	simm.s32 $0xA80  }
0x2d9: {  	[spmem:s1] =	stream.indirect.scatter.add.f32 [tilespmem:s20], [sflag:$0x3], $0x80, s28, s18, $0xb8;
	[tilespmem:$0x1D000] =	vst v63  }
0x2da: {  	_ =	swait.ge [sflag:s16], $0x4000  }
0x2db: {  	[sflag:s16] =	ssyncset.done $0x0  }
0x2dc: {  	[sflag:s16] =	ssyncadd.s32 $0xFFFFC000  }
0x2dd: {  	_ =	swait.ge [sflag:s19], $0x4000  }
0x2de: {  	[sflag:s19] =	ssyncset.done $0x0  }
0x2df: {  	s29 =	simm.s32 $0x380;
	[sflag:s19] =	ssyncadd.s32 $0xFFFFC000  }
0x2e0: {  	[tilespmem:s20], [sflag:$0x2] =	stream.indirect.gather [hbm4b:s4+s18], $0x80, s29, s18, $0xb8;
	[tilespmem:$0x1D000] =	vst v63  }
0x2e1: {  	s30 =	simm.s32 $0xB00  }
0x2e2: {  	[spmem:s1] =	stream.indirect.scatter.add.f32 [tilespmem:s15], [sflag:$0x3], $0x80, s30, s18, $0xb8;
	[tilespmem:$0x1D000] =	vst v63  }
0x2e3: {  	_ =	swait.ge [sflag:s16], $0x4000  }
0x2e4: {  	[sflag:s16] =	ssyncset.done $0x0  }
0x2e5: {  	[sflag:s16] =	ssyncadd.s32 $0xFFFFC000  }
0x2e6: {  	_ =	swait.ge [sflag:s21], $0x4000  }
0x2e7: {  	[sflag:s21] =	ssyncset.done $0x0  }
0x2e8: {  	s31 =	simm.s32 $0x400;
	[sflag:s21] =	ssyncadd.s32 $0xFFFFC000  }
0x2e9: {  	[tilespmem:s15], [sflag:$0x1] =	stream.indirect.gather [hbm4b:s4+s18], $0x80, s31, s18, $0xb8;
	[tilespmem:$0x1D000] =	vst v63  }
0x2ea: {  	s0 =	simm.s32 $0xB80  }
0x2eb: {  	[spmem:s1] =	stream.indirect.scatter.add.f32 [tilespmem:s20], [sflag:$0x3], $0x80, s0, s18, $0xb8;
	[tilespmem:$0x1D000] =	vst v63  }
0x2ec: {  	_ =	swait.ge [sflag:s16], $0x4000  }
0x2ed: {  	[sflag:s16] =	ssyncset.done $0x0  }
0x2ee: {  	[sflag:s16] =	ssyncadd.s32 $0xFFFFC000  }
0x2ef: {  	_ =	swait.ge [sflag:s19], $0x4000  }
0x2f0: {  	[sflag:s19] =	ssyncset.done $0x0  }
0x2f1: {  	s2 =	simm.s32 $0x480;
	[sflag:s19] =	ssyncadd.s32 $0xFFFFC000  }
0x2f2: {  	[tilespmem:s20], [sflag:$0x2] =	stream.indirect.gather [hbm4b:s4+s18], $0x80, s2, s18, $0xb8;
	[tilespmem:$0x1D000] =	vst v63  }
0x2f3: {  	s10 =	simm.s32 $0xC00  }
0x2f4: {  	[spmem:s1] =	stream.indirect.scatter.add.f32 [tilespmem:s15], [sflag:$0x3], $0x80, s10, s18, $0xb8;
	[tilespmem:$0x1D000] =	vst v63  }
0x2f5: {  	_ =	swait.ge [sflag:s16], $0x4000  }
0x2f6: {  	[sflag:s16] =	ssyncset.done $0x0  }
0x2f7: {  	[sflag:s16] =	ssyncadd.s32 $0xFFFFC000  }
0x2f8: {  	_ =	swait.ge [sflag:s21], $0x4000  }
0x2f9: {  	[sflag:s21] =	ssyncset.done $0x0  }
0x2fa: {  	s11 =	simm.s32 $0x500;
	[sflag:s21] =	ssyncadd.s32 $0xFFFFC000  }
0x2fb: {  	[tilespmem:s15], [sflag:$0x1] =	stream.indirect.gather [hbm4b:s4+s18], $0x80, s11, s18, $0xb8;
	[tilespmem:$0x1D000] =	vst v63  }
0x2fc: {  	s8 =	simm.s32 $0xC80  }
0x2fd: {  	[spmem:s1] =	stream.indirect.scatter.add.f32 [tilespmem:s20], [sflag:$0x3], $0x80, s8, s18, $0xb8;
	[tilespmem:$0x1D000] =	vst v63  }
0x2fe: {  	_ =	swait.ge [sflag:s16], $0x4000  }
0x2ff: {  	[sflag:s16] =	ssyncset.done $0x0  }
0x300: {  	[sflag:s16] =	ssyncadd.s32 $0xFFFFC000  }
0x301: {  	_ =	swait.ge [sflag:s19], $0x4000  }
0x302: {  	[sflag:s19] =	ssyncset.done $0x0  }
0x303: {  	s9 =	simm.s32 $0x580;
	[sflag:s19] =	ssyncadd.s32 $0xFFFFC000  }
0x304: {  	[tilespmem:s20], [sflag:$0x2] =	stream.indirect.gather [hbm4b:s4+s18], $0x80, s9, s18, $0xb8;
	[tilespmem:$0x1D000] =	vst v63  }
0x305: {  	s10 =	simm.s32 $0xD00  }
0x306: {  	[spmem:s1] =	stream.indirect.scatter.add.f32 [tilespmem:s15], [sflag:$0x3], $0x80, s10, s18, $0xb8;
	[tilespmem:$0x1D000] =	vst v63  }
0x307: {  	_ =	swait.ge [sflag:s16], $0x4000  }
0x308: {  	[sflag:s16] =	ssyncset.done $0x0  }
0x309: {  	[sflag:s16] =	ssyncadd.s32 $0xFFFFC000  }
0x30a: {  	_ =	swait.ge [sflag:s21], $0x4000  }
0x30b: {  	[sflag:s21] =	ssyncset.done $0x0  }
0x30c: {  	s11 =	simm.s32 $0x600;
	[sflag:s21] =	ssyncadd.s32 $0xFFFFC000  }
0x30d: {  	[tilespmem:s15], [sflag:$0x1] =	stream.indirect.gather [hbm4b:s4+s18], $0x80, s11, s18, $0xb8;
	[tilespmem:$0x1D000] =	vst v63  }
0x30e: {  	s8 =	simm.s32 $0xD80  }
0x30f: {  	[spmem:s1] =	stream.indirect.scatter.add.f32 [tilespmem:s20], [sflag:$0x3], $0x80, s8, s18, $0xb8;
	[tilespmem:$0x1D000] =	vst v63  }
0x310: {  	_ =	swait.ge [sflag:s16], $0x4000  }
0x311: {  	[sflag:s16] =	ssyncset.done $0x0  }
0x312: {  	[sflag:s16] =	ssyncadd.s32 $0xFFFFC000  }
0x313: {  	_ =	swait.ge [sflag:s19], $0x4000  }
0x314: {  	[sflag:s19] =	ssyncset.done $0x0  }
0x315: {  	s9 =	simm.s32 $0x680;
	[sflag:s19] =	ssyncadd.s32 $0xFFFFC000  }
0x316: {  	[tilespmem:s20], [sflag:$0x2] =	stream.indirect.gather [hbm4b:s4+s18], $0x80, s9, s18, $0xb8;
	[tilespmem:$0x1D000] =	vst v63  }
0x317: {  	s10 =	simm.s32 $0xE00  }
0x318: {  	[spmem:s1] =	stream.indirect.scatter.add.f32 [tilespmem:s15], [sflag:$0x3], $0x80, s10, s18, $0xb8;
	[tilespmem:$0x1D000] =	vst v63  }
0x319: {  	_ =	swait.ge [sflag:s16], $0x4000  }
0x31a: {  	[sflag:s16] =	ssyncset.done $0x0  }
0x31b: {  	[sflag:s16] =	ssyncadd.s32 $0xFFFFC000  }
0x31c: {  	_ =	swait.ge [sflag:s21], $0x4000  }
0x31d: {  	[sflag:s21] =	ssyncset.done $0x0  }
0x31e: {  	s11 =	simm.s32 $0x700;
	[sflag:s21] =	ssyncadd.s32 $0xFFFFC000  }
0x31f: {  	[tilespmem:s15], [sflag:$0x1] =	stream.indirect.gather [hbm4b:s4+s18], $0x80, s11, s18, $0xb8;
	[tilespmem:$0x1D000] =	vst v63  }
0x320: {  	s8 =	simm.s32 $0xE80  }
0x321: {  	[spmem:s1] =	stream.indirect.scatter.add.f32 [tilespmem:s20], [sflag:$0x3], $0x80, s8, s18, $0xb8;
	[tilespmem:$0x1D000] =	vst v63  }
0x322: {  	_ =	swait.ge [sflag:s16], $0x4000  }
0x323: {  	[sflag:s16] =	ssyncset.done $0x0  }
0x324: {  	[sflag:s16] =	ssyncadd.s32 $0xFFFFC000  }
0x325: {  	_ =	swait.ge [sflag:s19], $0x4000  }
0x326: {  	[sflag:s19] =	ssyncset.done $0x0  }
0x327: {  	s9 =	simm.s32 $0x780;
	[sflag:s19] =	ssyncadd.s32 $0xFFFFC000  }
0x328: {  	[tilespmem:s20], [sflag:$0x2] =	stream.indirect.gather [hbm4b:s4+s18], $0x80, s9, s18, $0xb8;
	[tilespmem:$0x1D000] =	vst v63  }
0x329: {  	s10 =	simm.s32 $0xF00  }
0x32a: {  	[spmem:s1] =	stream.indirect.scatter.add.f32 [tilespmem:s15], [sflag:$0x3], $0x80, s10, s18, $0xb8;
	[tilespmem:$0x1D000] =	vst v63  }
0x32b: {  	_ =	swait.ge [sflag:s16], $0x4000  }
0x32c: {  	[sflag:s16] =	ssyncset.done $0x0  }
0x32d: {  	[sflag:s16] =	ssyncadd.s32 $0xFFFFC000  }
0x32e: {  	_ =	swait.ge [sflag:s21], $0x4000  }
0x32f: {  	[sflag:s21] =	ssyncset.done $0x0  }
0x330: {  	s11 =	simm.s32 $0xF80;
	[sflag:s21] =	ssyncadd.s32 $0xFFFFC000  }
0x331: {  	[spmem:s1] =	stream.indirect.scatter.add.f32 [tilespmem:s20], [sflag:$0x3], $0x80, s11, s18, $0xb8;
	[tilespmem:$0x1D000] =	vst v63  }
0x332: {  	_ =	swait.ge [sflag:s16], $0x4000  }
0x333: {  	s7 =	simm.s32 $0x100;
	s8 =	simm.s32 $0x200;
	[sflag:s16] =	ssyncset.done $0x0  }
.LBB2_5:
0x334: {  	s10 =	sadd.s32 s7, s14  }
0x335: {  	[sflag:s16] =	ssyncadd.s32 $0xFFFFC000;
	s11 =	smov.u32 s8;
	s9 =	sadd.s32 $0x100, s8  }
0x336: {  	[tilespmem:s3], [sflag:$0x3] =	stream.linear.gather [hbm4b:s10+s3], $0x800, $0x38;
	[tilespmem:$0x1D000] =	vst v63  }
0x337: {  	s10 =	simm.s32 $0x100  }
0x338: {  	p1 =	seq.s32 s8, $0x900;
	_ =	swait.ge [sflag:s16], $0x800  }
0x339: {  	s8 =	sadd.s32 s7, s13;
	[sflag:s16] =	ssyncset.done $0x0  }
0x33a: {  	s7 =	smov.u32 s11;
	s11 =	simm.s32 $0x880;
	[sflag:s16] =	ssyncadd.s32 $0xFFFFF800  }
0x33b: {  	[tilespmem:s17], [sflag:$0x3] =	stream.linear.gather [hbm4b:s8+s3], $0x800, $0x38;
	[tilespmem:$0x1D000] =	vst v63  }
0x33c: {  	_ =	swait.ge [sflag:s16], $0x800  }
0x33d: {  	[sflag:s16] =	ssyncset.done $0x0  }
0x33e: {  	[sflag:s16] =	ssyncadd.s32 $0xFFFFF800  }
0x33f: {  	[tilespmem:s15], [sflag:$0x1] =	stream.indirect.gather [hbm4b:s4+s18], $0x80, s3, s18, $0xb8;
	[tilespmem:$0x1D000] =	vst v63  }
0x340: {  	_ =	swait.ge [sflag:s19], $0x4000  }
0x341: {  	[sflag:s19] =	ssyncset.done $0x0  }
0x342: {  	[sflag:s19] =	ssyncadd.s32 $0xFFFFC000  }
0x343: {  	[tilespmem:s20], [sflag:$0x2] =	stream.indirect.gather [hbm4b:s4+s18], $0x80, s18, s18, $0xb8;
	[tilespmem:$0x1D000] =	vst v63  }
0x344: {  	_ = 	snop  }
0x345: {  	[spmem:s1] =	stream.indirect.scatter.add.f32 [tilespmem:s15], [sflag:$0x3], $0x80, s17, s18, $0xb8;
	[tilespmem:$0x1D000] =	vst v63  }
0x346: {  	_ =	swait.ge [sflag:s16], $0x4000  }
0x347: {  	[sflag:s16] =	ssyncset.done $0x0  }
0x348: {  	[sflag:s16] =	ssyncadd.s32 $0xFFFFC000  }
0x349: {  	_ =	swait.ge [sflag:s21], $0x4000  }
0x34a: {  	[sflag:s21] =	ssyncset.done $0x0  }
0x34b: {  	[sflag:s21] =	ssyncadd.s32 $0xFFFFC000  }
0x34c: {  	[tilespmem:s15], [sflag:$0x1] =	stream.indirect.gather [hbm4b:s4+s18], $0x80, s10, s18, $0xb8;
	[tilespmem:$0x1D000] =	vst v63  }
0x34d: {  	_ = 	snop  }
0x34e: {  	[spmem:s1] =	stream.indirect.scatter.add.f32 [tilespmem:s20], [sflag:$0x3], $0x80, s11, s18, $0xb8;
	[tilespmem:$0x1D000] =	vst v63  }
0x34f: {  	_ =	swait.ge [sflag:s16], $0x4000  }
0x350: {  	[sflag:s16] =	ssyncset.done $0x0  }
0x351: {  	[sflag:s16] =	ssyncadd.s32 $0xFFFFC000  }
0x352: {  	_ =	swait.ge [sflag:s19], $0x4000  }
0x353: {  	[sflag:s19] =	ssyncset.done $0x0  }
0x354: {  	[sflag:s19] =	ssyncadd.s32 $0xFFFFC000  }
0x355: {  	[tilespmem:s20], [sflag:$0x2] =	stream.indirect.gather [hbm4b:s4+s18], $0x80, s12, s18, $0xb8;
	[tilespmem:$0x1D000] =	vst v63  }
0x356: {  	_ = 	snop  }
0x357: {  	[spmem:s1] =	stream.indirect.scatter.add.f32 [tilespmem:s15], [sflag:$0x3], $0x80, s6, s18, $0xb8;
	[tilespmem:$0x1D000] =	vst v63  }
0x358: {  	_ =	swait.ge [sflag:s16], $0x4000  }
0x359: {  	[sflag:s16] =	ssyncset.done $0x0  }
0x35a: {  	[sflag:s16] =	ssyncadd.s32 $0xFFFFC000  }
0x35b: {  	_ =	swait.ge [sflag:s21], $0x4000  }
0x35c: {  	[sflag:s21] =	ssyncset.done $0x0  }
0x35d: {  	[sflag:s21] =	ssyncadd.s32 $0xFFFFC000  }
0x35e: {  	[tilespmem:s15], [sflag:$0x1] =	stream.indirect.gather [hbm4b:s4+s18], $0x80, s22, s18, $0xb8;
	[tilespmem:$0x1D000] =	vst v63  }
0x35f: {  	_ = 	snop  }
0x360: {  	[spmem:s1] =	stream.indirect.scatter.add.f32 [tilespmem:s20], [sflag:$0x3], $0x80, s23, s18, $0xb8;
	[tilespmem:$0x1D000] =	vst v63  }
0x361: {  	_ =	swait.ge [sflag:s16], $0x4000  }
0x362: {  	[sflag:s16] =	ssyncset.done $0x0  }
0x363: {  	[sflag:s16] =	ssyncadd.s32 $0xFFFFC000  }
0x364: {  	_ =	swait.ge [sflag:s19], $0x4000  }
0x365: {  	[sflag:s19] =	ssyncset.done $0x0  }
0x366: {  	[sflag:s19] =	ssyncadd.s32 $0xFFFFC000  }
0x367: {  	[tilespmem:s20], [sflag:$0x2] =	stream.indirect.gather [hbm4b:s4+s18], $0x80, s24, s18, $0xb8;
	[tilespmem:$0x1D000] =	vst v63  }
0x368: {  	_ = 	snop  }
0x369: {  	[spmem:s1] =	stream.indirect.scatter.add.f32 [tilespmem:s15], [sflag:$0x3], $0x80, s25, s18, $0xb8;
	[tilespmem:$0x1D000] =	vst v63  }
0x36a: {  	_ =	swait.ge [sflag:s16], $0x4000  }
0x36b: {  	[sflag:s16] =	ssyncset.done $0x0  }
0x36c: {  	[sflag:s16] =	ssyncadd.s32 $0xFFFFC000  }
0x36d: {  	_ =	swait.ge [sflag:s21], $0x4000  }
0x36e: {  	[sflag:s21] =	ssyncset.done $0x0  }
0x36f: {  	[sflag:s21] =	ssyncadd.s32 $0xFFFFC000  }
0x370: {  	[tilespmem:s15], [sflag:$0x1] =	stream.indirect.gather [hbm4b:s4+s18], $0x80, s26, s18, $0xb8;
	[tilespmem:$0x1D000] =	vst v63  }
0x371: {  	_ = 	snop  }
0x372: {  	[spmem:s1] =	stream.indirect.scatter.add.f32 [tilespmem:s20], [sflag:$0x3], $0x80, s28, s18, $0xb8;
	[tilespmem:$0x1D000] =	vst v63  }
0x373: {  	_ =	swait.ge [sflag:s16], $0x4000  }
0x374: {  	[sflag:s16] =	ssyncset.done $0x0  }
0x375: {  	[sflag:s16] =	ssyncadd.s32 $0xFFFFC000  }
0x376: {  	_ =	swait.ge [sflag:s19], $0x4000  }
0x377: {  	[sflag:s19] =	ssyncset.done $0x0  }
0x378: {  	[sflag:s19] =	ssyncadd.s32 $0xFFFFC000  }
0x379: {  	[tilespmem:s20], [sflag:$0x2] =	stream.indirect.gather [hbm4b:s4+s18], $0x80, s29, s18, $0xb8;
	[tilespmem:$0x1D000] =	vst v63  }
0x37a: {  	_ = 	snop  }
0x37b: {  	[spmem:s1] =	stream.indirect.scatter.add.f32 [tilespmem:s15], [sflag:$0x3], $0x80, s30, s18, $0xb8;
	[tilespmem:$0x1D000] =	vst v63  }
0x37c: {  	_ =	swait.ge [sflag:s16], $0x4000  }
0x37d: {  	[sflag:s16] =	ssyncset.done $0x0  }
0x37e: {  	[sflag:s16] =	ssyncadd.s32 $0xFFFFC000  }
0x37f: {  	_ =	swait.ge [sflag:s21], $0x4000  }
0x380: {  	[sflag:s21] =	ssyncset.done $0x0  }
0x381: {  	[sflag:s21] =	ssyncadd.s32 $0xFFFFC000  }
0x382: {  	[tilespmem:s15], [sflag:$0x1] =	stream.indirect.gather [hbm4b:s4+s18], $0x80, s31, s18, $0xb8;
	[tilespmem:$0x1D000] =	vst v63  }
0x383: {  	_ = 	snop  }
0x384: {  	[spmem:s1] =	stream.indirect.scatter.add.f32 [tilespmem:s20], [sflag:$0x3], $0x80, s0, s18, $0xb8;
	[tilespmem:$0x1D000] =	vst v63  }
0x385: {  	_ =	swait.ge [sflag:s16], $0x4000  }
0x386: {  	[sflag:s16] =	ssyncset.done $0x0  }
0x387: {  	[sflag:s16] =	ssyncadd.s32 $0xFFFFC000  }
0x388: {  	_ =	swait.ge [sflag:s19], $0x4000  }
0x389: {  	[sflag:s19] =	ssyncset.done $0x0  }
0x38a: {  	[sflag:s19] =	ssyncadd.s32 $0xFFFFC000  }
0x38b: {  	[tilespmem:s20], [sflag:$0x2] =	stream.indirect.gather [hbm4b:s4+s18], $0x80, s2, s18, $0xb8;
	[tilespmem:$0x1D000] =	vst v63  }
0x38c: {  	s8 =	simm.s32 $0xC00  }
0x38d: {  	[spmem:s1] =	stream.indirect.scatter.add.f32 [tilespmem:s15], [sflag:$0x3], $0x80, s8, s18, $0xb8;
	[tilespmem:$0x1D000] =	vst v63  }
0x38e: {  	_ =	swait.ge [sflag:s16], $0x4000  }
0x38f: {  	[sflag:s16] =	ssyncset.done $0x0  }
0x390: {  	[sflag:s16] =	ssyncadd.s32 $0xFFFFC000  }
0x391: {  	_ =	swait.ge [sflag:s21], $0x4000  }
0x392: {  	[sflag:s21] =	ssyncset.done $0x0  }
0x393: {  	s8 =	simm.s32 $0x500;
	[sflag:s21] =	ssyncadd.s32 $0xFFFFC000  }
0x394: {  	[tilespmem:s15], [sflag:$0x1] =	stream.indirect.gather [hbm4b:s4+s18], $0x80, s8, s18, $0xb8;
	[tilespmem:$0x1D000] =	vst v63  }
0x395: {  	s8 =	simm.s32 $0xC80  }
0x396: {  	[spmem:s1] =	stream.indirect.scatter.add.f32 [tilespmem:s20], [sflag:$0x3], $0x80, s8, s18, $0xb8;
	[tilespmem:$0x1D000] =	vst v63  }
0x397: {  	_ =	swait.ge [sflag:s16], $0x4000  }
0x398: {  	[sflag:s16] =	ssyncset.done $0x0  }
0x399: {  	[sflag:s16] =	ssyncadd.s32 $0xFFFFC000  }
0x39a: {  	_ =	swait.ge [sflag:s19], $0x4000  }
0x39b: {  	[sflag:s19] =	ssyncset.done $0x0  }
0x39c: {  	s8 =	simm.s32 $0x580;
	[sflag:s19] =	ssyncadd.s32 $0xFFFFC000  }
0x39d: {  	[tilespmem:s20], [sflag:$0x2] =	stream.indirect.gather [hbm4b:s4+s18], $0x80, s8, s18, $0xb8;
	[tilespmem:$0x1D000] =	vst v63  }
0x39e: {  	s8 =	simm.s32 $0xD00  }
0x39f: {  	[spmem:s1] =	stream.indirect.scatter.add.f32 [tilespmem:s15], [sflag:$0x3], $0x80, s8, s18, $0xb8;
	[tilespmem:$0x1D000] =	vst v63  }
0x3a0: {  	_ =	swait.ge [sflag:s16], $0x4000  }
0x3a1: {  	[sflag:s16] =	ssyncset.done $0x0  }
0x3a2: {  	[sflag:s16] =	ssyncadd.s32 $0xFFFFC000  }
0x3a3: {  	_ =	swait.ge [sflag:s21], $0x4000  }
0x3a4: {  	[sflag:s21] =	ssyncset.done $0x0  }
0x3a5: {  	s8 =	simm.s32 $0x600;
	[sflag:s21] =	ssyncadd.s32 $0xFFFFC000  }
0x3a6: {  	[tilespmem:s15], [sflag:$0x1] =	stream.indirect.gather [hbm4b:s4+s18], $0x80, s8, s18, $0xb8;
	[tilespmem:$0x1D000] =	vst v63  }
0x3a7: {  	s8 =	simm.s32 $0xD80  }
0x3a8: {  	[spmem:s1] =	stream.indirect.scatter.add.f32 [tilespmem:s20], [sflag:$0x3], $0x80, s8, s18, $0xb8;
	[tilespmem:$0x1D000] =	vst v63  }
0x3a9: {  	_ =	swait.ge [sflag:s16], $0x4000  }
0x3aa: {  	[sflag:s16] =	ssyncset.done $0x0  }
0x3ab: {  	[sflag:s16] =	ssyncadd.s32 $0xFFFFC000  }
0x3ac: {  	_ =	swait.ge [sflag:s19], $0x4000  }
0x3ad: {  	[sflag:s19] =	ssyncset.done $0x0  }
0x3ae: {  	s8 =	simm.s32 $0x680;
	[sflag:s19] =	ssyncadd.s32 $0xFFFFC000  }
0x3af: {  	[tilespmem:s20], [sflag:$0x2] =	stream.indirect.gather [hbm4b:s4+s18], $0x80, s8, s18, $0xb8;
	[tilespmem:$0x1D000] =	vst v63  }
0x3b0: {  	s8 =	simm.s32 $0xE00  }
0x3b1: {  	[spmem:s1] =	stream.indirect.scatter.add.f32 [tilespmem:s15], [sflag:$0x3], $0x80, s8, s18, $0xb8;
	[tilespmem:$0x1D000] =	vst v63  }
0x3b2: {  	_ =	swait.ge [sflag:s16], $0x4000  }
0x3b3: {  	[sflag:s16] =	ssyncset.done $0x0  }
0x3b4: {  	[sflag:s16] =	ssyncadd.s32 $0xFFFFC000  }
0x3b5: {  	_ =	swait.ge [sflag:s21], $0x4000  }
0x3b6: {  	[sflag:s21] =	ssyncset.done $0x0  }
0x3b7: {  	s8 =	simm.s32 $0x700;
	[sflag:s21] =	ssyncadd.s32 $0xFFFFC000  }
0x3b8: {  	[tilespmem:s15], [sflag:$0x1] =	stream.indirect.gather [hbm4b:s4+s18], $0x80, s8, s18, $0xb8;
	[tilespmem:$0x1D000] =	vst v63  }
0x3b9: {  	s8 =	simm.s32 $0xE80  }
0x3ba: {  	[spmem:s1] =	stream.indirect.scatter.add.f32 [tilespmem:s20], [sflag:$0x3], $0x80, s8, s18, $0xb8;
	[tilespmem:$0x1D000] =	vst v63  }
0x3bb: {  	_ =	swait.ge [sflag:s16], $0x4000  }
0x3bc: {  	[sflag:s16] =	ssyncset.done $0x0  }
0x3bd: {  	[sflag:s16] =	ssyncadd.s32 $0xFFFFC000  }
0x3be: {  	_ =	swait.ge [sflag:s19], $0x4000  }
0x3bf: {  	[sflag:s19] =	ssyncset.done $0x0  }
0x3c0: {  	s8 =	simm.s32 $0x780;
	[sflag:s19] =	ssyncadd.s32 $0xFFFFC000  }
0x3c1: {  	[tilespmem:s20], [sflag:$0x2] =	stream.indirect.gather [hbm4b:s4+s18], $0x80, s8, s18, $0xb8;
	[tilespmem:$0x1D000] =	vst v63  }
0x3c2: {  	s8 =	simm.s32 $0xF00  }
0x3c3: {  	[spmem:s1] =	stream.indirect.scatter.add.f32 [tilespmem:s15], [sflag:$0x3], $0x80, s8, s18, $0xb8;
	[tilespmem:$0x1D000] =	vst v63  }
0x3c4: {  	_ =	swait.ge [sflag:s16], $0x4000  }
0x3c5: {  	[sflag:s16] =	ssyncset.done $0x0  }
0x3c6: {  	[sflag:s16] =	ssyncadd.s32 $0xFFFFC000  }
0x3c7: {  	_ =	swait.ge [sflag:s21], $0x4000  }
.Ltmp6:
0x3c8: {  	[sflag:s21] =	ssyncset.done $0x0;
	(pc) =	sbr.rel @!p1 .LBB2_5-.Ltmp6, $4  }
0x3c9: {  	s8 =	simm.s32 $0xF80;
	[sflag:s21] =	ssyncadd.s32 $0xFFFFC000  }
0x3ca: {  	[spmem:s1] =	stream.indirect.scatter.add.f32 [tilespmem:s20], [sflag:$0x3], $0x80, s8, s18, $0xb8;
	[tilespmem:$0x1D000] =	vst v63  }
0x3cb: {  	_ =	swait.ge [sflag:s16], $0x4000  }
0x3cc: {  	s8 =	smov.u32 s9;
	[sflag:s16] =	ssyncset.done $0x0  }
.Ltmp7:
0x3cd: {  	_ = 	snop;
	(pc) =	sbr.rel .LBB2_6-.Ltmp7, $1  }
0x3ce: {  	_ =	sdelay $0x3  }
.LBB2_11:
0x3cf: {  	_ =	sfence.sel $0x180000  }
0x3d0: {  	[bflag:$0x0] =	sbarrier.arrive $0xFFFF  }
0x3d1: {  	_ =	strace $0x9000004D  }
0x3d2: {  	s0 =	stileid.u32;
	[bflag:$0x2] =	sbarrier.arrive $0xFFFF  }
0x3d3: {  	p0 =	sne.s32 s0, $0x0;
	s0 =	rddreg [dreg:$0x3]  }
0x3d4: {  	s0 =	sadd.s32 @!p0 $0x100000, s0  }
0x3d5: {  	[sflag:s0] =	ssyncadd.tile.s32 @!p0 $0x1;
	_ =	shalt  }
.Lfunc_end2:
_tile_overlayer_lowered:
.L_overlay_start_2:
0x3d6: {  	(tag) =	ssettag $0x2  }
0x3d7: {  	s0 =	rddreg [dreg:$0x0];
	s2 =	stileid.u32  }
0x3d8: {  	s1 =	rddreg [dreg:$0x1];
	p0 =	sne.s32 s2, $0x0  }
0x3d9: {  	s3 =	rddreg [dreg:$0x2];
	[bflag:$0x3] =	sbarrier.arrive $0xFFFF;
	s2 =	simm.s32 @!p0 $0x1C03  }
0x3da: {  	[timem:s3], [sflag:s2] =	dma.local @!p0 [hbm:s0], s1  }
0x3db: {  	s0 =	simm.s32 @!p0 $0x3  }
0x3dc: {  	_ =	swait.ge @!p0 [sflag:s0], s1  }
0x3dd: {  	s1 =	ssub.s32 @!p0 $0x0, s1;
	[sflag:s0] =	ssyncset.done @!p0 $0x0  }
0x3de: {  	[sflag:s0] =	ssyncadd.s32 @!p0 s1  }
0x3df: {  	[bflag:$0x3] =	sbarrier.arrive $0xFFFF  }
0x3e0: {  	_ =	shalt  }

// kernel: kernel.8.cloned.1.call-start
scs
__scs_entry_jumppad:
0x0: {  	(pc) =	sbr.rel $0x88, $3  }
0x1: {  	(tag) =	ssettag $0x0;
	lr =	simm.s32 $0x1  }
0x2: {  	[smem:$0x3F97] =	sst lr;
	_ =	strace $0xD0000000  }
0x3: {  	_ = 	snop  }
0x4: {  	_ = 	snop  }
0x5: {  	_ = 	snop  }
0x6: {  	_ = 	snop  }
0x7: {  	_ = 	snop  }
__scs_overlays_trampoline_lowered:
0x8: {  	[smem:$0x3FA6] =	sst s0  }
0x9: {  	[smem:$0x3FA7] =	sst s1  }
0xa: {  	[smem:$0x3FA8] =	sst s2  }
0xb: {  	[smem:$0x3FA9] =	sst s3  }
0xc: {  	[smem:$0x3FAA] =	sst s4  }
0xd: {  	[smem:$0x3FAB] =	sst s5  }
0xe: {  	[smem:$0x3FAC] =	sst s6  }
0xf: {  	[smem:$0x3FAD] =	sst s7  }
0x10: {  	[smem:$0x3FAE] =	sst s8  }
0x11: {  	[smem:$0x3FAF] =	sst s9;
	s0 =	simm.s32 @!p0 $0x0  }
0x12: {  	s1 =	sld [smem:$0x3F95];
	s0 =	simm.s32 @p0 $0x1  }
0x13: {  	[smem:$0x3FB0] =	sst s0;
	s0 =	simm.s32 @!p1 $0x0  }
0x14: {  	s2 =	sld [smem:$0x3F94];
	s0 =	simm.s32 @p1 $0x1  }
0x15: {  	[smem:$0x3FB1] =	sst s0;
	s0 =	simm.s32 @!p2 $0x0  }
0x16: {  	s3 =	sld [smem:$0x3FDB];
	s0 =	simm.s32 @p2 $0x1  }
0x17: {  	s4 =	simm.s32 $0x1BF5;
	[smem:$0x3FB3] =	sst s0  }
0x18: {  	s0 =	sld [smem:$0x3F96];
	_ =	swait.ge [sflag:s4], $0x0  }
0x19: {  	s7 =	sld [smem:$0x3F97]  }
0x1a: {  	s8 =	sadd.s32 $0xFFFFE003, lr  }
0x1b: {  	s9 =	sadd.s32 $0xFFFFFEF7, lr;
	s5 =	simm.s32 $0xFFFFFFFF;
	p2 =	slt.u32 s8, $0xFFFFF086  }
0x1c: {  	p1 =	slt.u32 s9, $0xF7A;
	s5 =	simm.s32 @!p2 $0x0  }
0x1d: {  	s5 =	simm.s32 @p1 $0x1;
	p0 =	seq.s32 s7, s2  }
0x1e: {  	s7 =	smul.u32 @!p0 $0xF7A, s2;
	p2 =	seq.s32 @!p0 s5, $0x0  }
0x1f: {  	s9 =	smul.u32 $0xF7A, s1;
	s8 =	simm.s32 @!p0 $0x1BF5;
	p2 =	por !p2, p0  }
0x20: {  	[sflag:s8] =	ssyncset.s32 @!p0 $0xFFFFF086;
	s6 =	sadd.s32 @!p0 s3, s7;
	s7 =	simm.s32 @!p0 $0x108  }
0x21: {  	s3 =	sadd.s32 s3, s9;
	s6 =	sadd.s32 @!p0 $0x88, s6;
	s7 =	simm.s32 @p2 $0x1082  }
0x22: {  	[simem:s7], [sflag:s8] =	dma.local @!p0 [hbm:s6], $0xF7A  }
0x23: {  	s9 =	sor.u32 $0xD0000000, s2;
	s6 =	simm.s32 $0x108;
	_ =	swait.ge @!p0 [sflag:s8], $0x0  }
0x24: {  	s3 =	sadd.s32 $0x88, s3;
	s6 =	simm.s32 @!p1 $0x1082;
	[sflag:s4] =	ssyncset.s32 $0xFFFFF086  }
0x25: {  	[simem:s6], [sflag:s4] =	dma.local [hbm:s3], $0xF7A  }
0x26: {  	[smem:$0x3F97] =	sst s1;
	(tag) =	ssettag s2;
	_ =	strace s9  }
0x27: {  	s1 =	sld [smem:$0x3FA7]  }
0x28: {  	s2 =	sld [smem:$0x3FA8]  }
0x29: {  	s4 =	sld [smem:$0x3FAA]  }
0x2a: {  	p0 =	seq.s32 s5, $0x0;
	s5 =	sld [smem:$0x3FAB]  }
0x2b: {  	s6 =	sld [smem:$0x3FAC]  }
0x2c: {  	s7 =	sld [smem:$0x3FAD]  }
0x2d: {  	s3 =	simm.s32 $0x108;
	s8 =	sld [smem:$0x3FAE]  }
0x2e: {  	s3 =	simm.s32 @!p0 $0x1082;
	s9 =	sld [smem:$0x3FAF]  }
0x2f: {  	lr =	sadd.s32 s0, s3;
	s0 =	sld [smem:$0x3FA6]  }
0x30: {  	s3 =	sld [smem:$0x3FA9]  }
0x31: {  	[smem:$0x3FB2] =	sst s10  }
0x32: {  	s10 =	sld [smem:$0x3FB0];
	_ =	sdelay $0x3  }
0x33: {  	p0 =	seq.s32 s10, $0x1;
	s10 =	sld [smem:$0x3FB2];
	_ =	sdelay $0x3  }
0x34: {  	[smem:$0x3FB2] =	sst s10  }
0x35: {  	s10 =	sld [smem:$0x3FB1];
	_ =	sdelay $0x3  }
0x36: {  	p1 =	seq.s32 s10, $0x1;
	s10 =	sld [smem:$0x3FB2];
	_ =	sdelay $0x3  }
0x37: {  	[smem:$0x3FB2] =	sst s10  }
0x38: {  	s10 =	sld [smem:$0x3FB3]  }
0x39: {  	_ = 	snop;
	(pc) =	sbr.ind lr, $3  }
0x3a: {  	_ = 	snop  }
0x3b: {  	_ = 	snop  }
0x3c: {  	p2 =	seq.s32 s10, $0x1;
	s10 =	sld [smem:$0x3FB2]  }
0x3d: {  	_ =	shalt  }
0x3e: {  	_ =	shalt  }
0x3f: {  	_ =	shalt  }
0x40: {  	_ =	shalt  }
0x41: {  	_ =	shalt  }
0x42: {  	_ =	shalt  }
0x43: {  	_ =	shalt  }
0x44: {  	_ =	shalt  }
0x45: {  	_ =	shalt  }
0x46: {  	_ =	shalt  }
0x47: {  	_ =	shalt  }
0x48: {  	_ =	shalt  }
0x49: {  	_ =	shalt  }
0x4a: {  	_ =	shalt  }
0x4b: {  	_ =	shalt  }
0x4c: {  	_ =	shalt  }
0x4d: {  	_ =	shalt  }
0x4e: {  	_ =	shalt  }
0x4f: {  	_ =	shalt  }
0x50: {  	_ =	shalt  }
0x51: {  	_ =	shalt  }
0x52: {  	_ =	shalt  }
0x53: {  	_ =	shalt  }
0x54: {  	_ =	shalt  }
0x55: {  	_ =	shalt  }
0x56: {  	_ =	shalt  }
0x57: {  	_ =	shalt  }
0x58: {  	_ =	shalt  }
0x59: {  	_ =	shalt  }
0x5a: {  	_ =	shalt  }
0x5b: {  	_ =	shalt  }
0x5c: {  	_ =	shalt  }
0x5d: {  	_ =	shalt  }
0x5e: {  	_ =	shalt  }
0x5f: {  	_ =	shalt  }
0x60: {  	_ =	shalt  }
0x61: {  	_ =	shalt  }
0x62: {  	_ =	shalt  }
0x63: {  	_ =	shalt  }
0x64: {  	_ =	shalt  }
0x65: {  	_ =	shalt  }
0x66: {  	_ =	shalt  }
0x67: {  	_ =	shalt  }
0x68: {  	_ =	shalt  }
0x69: {  	_ =	shalt  }
0x6a: {  	_ =	shalt  }
0x6b: {  	_ =	shalt  }
0x6c: {  	_ =	shalt  }
0x6d: {  	_ =	shalt  }
0x6e: {  	_ =	shalt  }
0x6f: {  	_ =	shalt  }
0x70: {  	_ =	shalt  }
0x71: {  	_ =	shalt  }
0x72: {  	_ =	shalt  }
0x73: {  	_ =	shalt  }
0x74: {  	_ =	shalt  }
0x75: {  	_ =	shalt  }
0x76: {  	_ =	shalt  }
0x77: {  	_ =	shalt  }
0x78: {  	_ =	shalt  }
0x79: {  	_ =	shalt  }
0x7a: {  	_ =	shalt  }
0x7b: {  	_ =	shalt  }
0x7c: {  	_ =	shalt  }
0x7d: {  	_ =	shalt  }
0x7e: {  	_ =	shalt  }
0x7f: {  	_ =	shalt  }
0x80: {  	_ =	shalt  }
0x81: {  	_ =	shalt  }
0x82: {  	_ =	shalt  }
0x83: {  	_ =	shalt  }
0x84: {  	_ =	shalt  }
0x85: {  	_ =	shalt  }
0x86: {  	_ =	shalt  }
0x87: {  	_ =	shalt  }
.Lfunc_end0:
.L_simem_size_0:
called_computation_lowered:
.L_overlay_start_0:
0x88: {  	s2 =	sld [smem:$0x3FD9]  }
0x89: {  	s3 =	sld [smem:$0x3FFE];
	_ =	sdelay $0x1  }
0x8a: {  	s1 =	srdreg.scid  }
0x8b: {  	s0 =	sand.u32 $0x1, s1  }
0x8c: {  	s16 =	sshll.u32 s0, $0xA;
	s2 =	sadd.s32 s3, s2  }
0x8d: {  	s2 =	sadd.s32 s2, s16  }
0x8e: {  	[smem:$0x3FBE] =	sst s2  }
0x8f: {  	_ = 	snop  }
0x90: {  	(tm) =	ssettm $0x1  }
0x91: {  	s17 =	sld [smem:$0x3FFB];
	_ =	sdelay $0x3  }
0x92: {  	_ =	strace s17  }
0x93: {  	s2 =	sld [smem:$0x3FFC];
	_ =	sdelay $0x3  }
0x94: {  	_ =	strace s2  }
0x95: {  	s2 =	sld [smem:$0x3FFD];
	_ =	sdelay $0x3  }
0x96: {  	_ =	strace s2  }
0x97: {  	_ =	strace $0x8FFFFFFF  }
0x98: {  	s18 =	sld [smem:$0x3FDB];
	_ =	sdelay $0x1  }
0x99: {  	s19 =	simm.s32 $_scs_section_size  }
0x9a: {  	s4 =	simm.s32 $_size__tile_overlayer_lowered;
	s5 =	simm.s32 $_tile_overlayer_lowered  }
0x9b: {  	s22 =	simm.s32 $0x1BFF;
	s21 =	sshll.u32 s5, $0x1;
	s2 =	sadd.s32 s19, s18  }
0x9c: {  	s6 =	simm.s32 $0x0;
	s20 =	sshll.u32 s4, $0x1;
	s4 =	sadd.s32 s21, s2  }
0x9d: {  	[timem:s6], [sflag:s22] =	dma.local [hbm:s4], s20  }
0x9e: {  	_ =	swait.ge [sflag:s22], s20  }
0x9f: {  	s3 =	ssub.s32 $0x0, s20;
	[sflag:s22] =	ssyncset.done $0x0  }
0xa0: {  	[sflag:s22] =	ssyncadd.s32 s3;
	_ =	sdelay $0x1  }
0xa1: {  	s23 =	simm.s32 $0x1B8B  }
0xa2: {  	_ =	swait.ge [sflag:s23], $0x1  }
0xa3: {  	[sflag:s23] =	ssyncset.done $0x0  }
0xa4: {  	s25 =	simm.s32 $0x1B8E;
	s24 =	sld [smem:$0x3FFE];
	[sflag:s23] =	ssyncadd.s32 $0xFFFFFFFF  }
0xa5: {  	s26 =	simm.s32 $execute0_lowered;
	[smem:$0x3FD2] =	sst s25  }
0xa6: {  	s4 =	sshll.u32 s26, $0x1;
	_ =	strace $0x80000046;
	[dreg:$0x1] =	wrdreg $0xFFFFFFFF  }
0xa7: {  	s28 =	simm.s32 $_size_execute0_lowered;
	s2 =	sadd.s32 s2, s4;
	[dreg:$0x0] =	wrdreg $0x0  }
0xa8: {  	s4 =	sshll.u32 s28, $0x1;
	[dreg:$0x2] =	wrdreg s2  }
0xa9: {  	[dreg:$0x3] =	wrdreg s4  }
0xaa: {  	[dreg:$0x4] =	wrdreg $0xC0  }
0xab: {  	_ =	task [dreg:s6], $0x5FFFF  }
0xac: {  	[dreg:$0x1] =	wrdreg $0xFFFFFFFF  }
0xad: {  	[dreg:$0x0] =	wrdreg $0x60  }
0xae: {  	[dreg:$0x2] =	wrdreg s24  }
0xaf: {  	[dreg:$0x3] =	wrdreg $0xA8000  }
0xb0: {  	[dreg:$0x4] =	wrdreg $0x9  }
0xb1: {  	_ =	task.clear_ibuf [dreg:s6], $0x5FFFF;
	_ =	strace $0x90000046  }
0xb2: {  	s29 =	simm.s32 $0x9;
	_ =	strace $0x80000048  }
0xb3: {  	_ =	swait.ge [sflag:s29], $0x1  }
0xb4: {  	[sflag:s29] =	ssyncadd.s32 $0xFFFFFFFF  }
0xb5: {  	_ =	strace $0x90000048  }
0xb6: {  	_ =	sfence  }
0xb7: {  	s30 =	sld [smem:$0x0];
	_ =	sdelay $0x2  }
0xb8: {  	s31 =	sshll.u32 s1, $0xD;
	s1 =	sshrl.u32 s1, $0x2  }
0xb9: {  	s3 =	sand.u32 $0x4000, s31;
	s1 =	sadd.s32 s1, s30  }
0xba: {  	s0 =	sor.u32 s3, s0;
	s1 =	sshll.u32 s1, $0x11  }
0xbb: {  	s0 =	sor.u32 s1, s0  }
0xbc: {  	s0 =	sadd.s32 $0x8F2B, s0  }
0xbd: {  	[sflag:s0] =	ssyncadd.remote.s32 $0x1  }
0xbe: {  	_ =	sfence.sel $0xFFFF  }
0xbf: {  	[dreg:$0x0] =	wrdreg $0xFFFFFFFF;
	(pc) =	sbr.abs _section_cstart, $3  }
0xc0: {  	[dreg:$0x1] =	wrdreg $0xFFFFFFFF  }
0xc1: {  	_ =	task.clear_ibuf [dreg:s6], $0x2FFFF;
	_ =	strace $0x9FFFFFFF  }
0xc2: {  	(tm) =	ssettm $0x7FFFFFFF  }
0xc3: {  	_ =	shalt  }
tec
execute0_lowered:
.L_overlay_start_1:
0x0: {  	(tag) =	ssettag $0x1  }
0x1: {  	s4 =	rddreg [dreg:$0x0]  }
0x2: {  	s2 =	rddreg [dreg:$0x1];
	s1 =	srdreg.scid  }
0x3: {  	s0 =	rddreg [dreg:$0x2];
	s3 =	simm.s32 $0x0;
	s12 =	simm.s32 $0x1  }
0x4: {  	s13 =	simm.s32 $0x6800;
	s14 =	simm.s32 $0x80;
	s15 =	simm.s32 $0x2800  }
0x5: {  	s18 =	simm.s32 $0x0;
	s5 =	sand.u32 $0x1, s1;
	s1 =	stileid.u32  }
0x6: {  	[smem:$0x7FF] =	sst s3;
	s6 =	smul.u32 $0x140000, s5;
	s7 =	sshll.u32 s5, $0x4  }
0x7: {  	s8 =	smul.u32 $0x14000, s1;
	_ =	strace $0x80000047;
	s5 =	ssub.s32 $0x2, s5  }
0x8: {  	s29 =	smul.u32 $0x50000, s1;
	s16 =	sshll.u32 s1, $0x6;
	s7 =	sor.u32 s1, s7  }
0x9: {  	s30 =	sshrl.u32 s5, $0x1;
	s16 =	sor.u32 $0x1C01, s16;
	s7 =	smul.u32 $0x500, s7  }
0xa: {  	s6 =	sadd.s32 s8, s6;
	s9 =	ssub.s32 s5, s30;
	s31 =	sshrl.u32 s29, $0x2  }
0xb: {  	s6 =	sshrl.u32 s6, $0x3;
	s5 =	sadd.s32 s31, s2;
	s7 =	sadd.s32 s7, s4  }
0xc: {  	s6 =	sadd.s32 s6, s4;
	s8 =	sadd.s32 $0x4000, s5;
	s10 =	sadd.s32 $0xC000, s5  }
0xd: {  	s11 =	sadd.s32 $0x10000, s5;
	s17 =	sshrl.u32 s5, $0x3;
	s4 =	sadd.s32 $0x4000, s7  }
0xe: {  	v0 =	vimm.f32 $0.0e+00;
	v1 =	vimm.f32 $1.000000000e+00;
	s6 =	sadd.s32 $0xE000, s6;
	s7 =	smax.u32 s9, $0x1;
	s9 =	sadd.s32 $0x8000, s5  }
.LBB2_1:
0xf: {  	[tilespmem:s3], [sflag:$0x1] =	stream.linear.gather [hbm4b:s4+s3], $0x2800, $0x38;
	[tilespmem:$0xD000] =	vst v63  }
0x10: {  	_ =	swait.ge [sflag:s12], $0x2800  }
0x11: {  	[sflag:s12] =	ssyncset.done $0x0  }
0x12: {  	s19 =	simm.s32 $0x200;
	s20 =	simm.s32 $0x0;
	[sflag:s12] =	ssyncadd.s32 $0xFFFFD800  }
.LBB2_2:
0x13: {  	p0 =	sne.s32 s19, $0xFE00;
	[tilespmem:s20+$0x6800] =	vst v0;
	s21 =	smov.u32 s19;
	s19 =	sadd.s32 $0x200, s19  }
.Ltmp0:
0x14: {  	[tilespmem:s20+$0x2800] =	vst v1;
	(pc) =	sbr.rel @p0 .LBB2_2-.Ltmp0, $2  }
0x15: {  	_ =	sdelay $0x2  }
0x16: {  	s20 =	sshra.s32 s21, $0x2  }
0x17: {  	[tilespmem:s20+$0x6800] =	vst v0  }
0x18: {  	[tilespmem:s20+$0x2800] =	vst v1  }
0x19: {  	[spmem:s5] =	stream.linear.scatter [tilespmem:s13], [sflag:$0x1], $0x4000, $0x38;
	[tilespmem:$0xD000] =	vst v63  }
0x1a: {  	_ =	swait.ge [sflag:s12], $0x4000  }
0x1b: {  	[sflag:s12] =	ssyncset.done $0x0  }
0x1c: {  	[sflag:s12] =	ssyncadd.s32 $0xFFFFC000  }
0x1d: {  	[spmem:s8] =	stream.linear.scatter [tilespmem:s13], [sflag:$0x1], $0x4000, $0x38;
	[tilespmem:$0xD000] =	vst v63  }
0x1e: {  	_ =	swait.ge [sflag:s12], $0x4000  }
0x1f: {  	[sflag:s12] =	ssyncset.done $0x0  }
0x20: {  	[sflag:s12] =	ssyncadd.s32 $0xFFFFC000  }
0x21: {  	[spmem:s9] =	stream.linear.scatter [tilespmem:s13], [sflag:$0x1], $0x4000, $0x38;
	[tilespmem:$0xD000] =	vst v63  }
0x22: {  	_ =	swait.ge [sflag:s12], $0x4000  }
0x23: {  	[sflag:s12] =	ssyncset.done $0x0  }
0x24: {  	[sflag:s12] =	ssyncadd.s32 $0xFFFFC000  }
0x25: {  	[spmem:s10] =	stream.linear.scatter [tilespmem:s13], [sflag:$0x1], $0x4000, $0x38;
	[tilespmem:$0xD000] =	vst v63  }
0x26: {  	_ =	swait.ge [sflag:s12], $0x4000  }
0x27: {  	[sflag:s12] =	ssyncset.done $0x0  }
0x28: {  	[sflag:s12] =	ssyncadd.s32 $0xFFFFC000  }
0x29: {  	[spmem:s11] =	stream.linear.scatter [tilespmem:s13], [sflag:$0x1], $0x4000, $0x38;
	[tilespmem:$0xD000] =	vst v63  }
0x2a: {  	_ =	swait.ge [sflag:s12], $0x4000  }
0x2b: {  	[sflag:s12] =	ssyncset.done $0x0  }
0x2c: {  	[sflag:s12] =	ssyncadd.s32 $0xFFFFC000  }
0x2d: {  	s19 =	simm.s32 $0x0;
	[bflag:$0x0] =	sbarrier.arrive $0xFFFF  }
0x2e: {  	[spmem:s2] =	stream.indirect.scatter.add.f32 [tilespmem:s15], [sflag:$0x1], $0x10, s19, s14, $0xb8;
	[tilespmem:$0xD000] =	vst v63  }
0x2f: {  	_ =	swait.ge [sflag:s12], $0x800  }
0x30: {  	s19 =	simm.s32 $0x200;
	[sflag:s12] =	ssyncset.done $0x0  }
.LBB2_4:
0x31: {  	s20 =	sshra.s32 s19, $0x2;
	[sflag:s12] =	ssyncadd.s32 $0xFFFFF800;
	p0 =	sne.s32 s19, $0x9E00  }
0x32: {  	[spmem:s2] =	stream.indirect.scatter.add.f32 [tilespmem:s15], [sflag:$0x1], $0x10, s20, s14, $0xb8;
	[tilespmem:$0xD000] =	vst v63  }
.Ltmp1:
0x33: {  	_ = 	snop;
	(pc) =	sbr.rel @p0 .LBB2_4-.Ltmp1, $4  }
0x34: {  	_ = 	snop  }
0x35: {  	s19 =	sadd.s32 $0x200, s19  }
0x36: {  	_ =	swait.ge [sflag:s12], $0x800  }
0x37: {  	[sflag:s12] =	ssyncset.done $0x0  }
0x38: {  	s18 =	sadd.s32 $0x1, s18  }
0x39: {  	[sflag:s12] =	ssyncadd.s32 $0xFFFFF800;
	p0 =	sne.s32 s18, s7  }
.Ltmp2:
0x3a: {  	[bflag:$0x0] =	sbarrier.arrive $0xFFFF;
	(pc) =	sbr.rel @p0 .LBB2_1-.Ltmp2, $4  }
0x3b: {  	[hbm:s6], [sflag:s16] =	dma.local [spmem:s17], $0x2800  }
0x3c: {  	_ =	swait.ge [sflag:s12], $0x2800  }
0x3d: {  	[sflag:s12] =	ssyncset.done $0x0  }
0x3e: {  	[sflag:s12] =	ssyncadd.s32 $0xFFFFD800  }
0x3f: {  	_ =	sfence.sel $0x180000  }
0x40: {  	[bflag:$0x0] =	sbarrier.arrive $0xFFFF  }
0x41: {  	p0 =	sne.s32 s1, $0x0;
	_ =	strace $0x90000047  }
0x42: {  	s0 =	sadd.s32 @!p0 $0x100000, s0;
	[bflag:$0x2] =	sbarrier.arrive $0xFFFF  }
0x43: {  	[sflag:s0] =	ssyncadd.tile.s32 @!p0 $0x1;
	_ =	shalt  }
.Lfunc_end2:
_tile_overlayer_lowered:
.L_overlay_start_2:
0x44: {  	(tag) =	ssettag $0x2  }
0x45: {  	s0 =	rddreg [dreg:$0x0];
	s2 =	stileid.u32  }
0x46: {  	s1 =	rddreg [dreg:$0x1];
	p0 =	sne.s32 s2, $0x0  }
0x47: {  	s3 =	rddreg [dreg:$0x2];
	[bflag:$0x3] =	sbarrier.arrive $0xFFFF;
	s2 =	simm.s32 @!p0 $0x1C01  }
0x48: {  	[timem:s3], [sflag:s2] =	dma.local @!p0 [hbm:s0], s1  }
0x49: {  	s0 =	simm.s32 @!p0 $0x1  }
0x4a: {  	_ =	swait.ge @!p0 [sflag:s0], s1  }
0x4b: {  	s1 =	ssub.s32 @!p0 $0x0, s1;
	[sflag:s0] =	ssyncset.done @!p0 $0x0  }
0x4c: {  	[sflag:s0] =	ssyncadd.s32 @!p0 s1  }
0x4d: {  	[bflag:$0x3] =	sbarrier.arrive $0xFFFF  }
0x4e: {  	_ =	shalt  }

</sc_bundles>
